<compile_context>
chip_gen: v7x
topology: tpu7x:2x2x1
jax: 0.10.2.dev20260603
libtpu: 0.0.44.dev20260713+nightly
codegen_flags: <defaults>
</compile_context>

<pallas_src>
import functools

import jax
import jax.numpy as jnp
from jax import lax
from jax.experimental import pallas as pl
from jax.experimental.pallas import tpu as pltpu
from jax.experimental.pallas import tpu_sc as plsc

SMOOTH = 1.0
IGNORE_INDEX = 0

_NW = 32
_LANES = 16


def _sc_bincount_body(t_hbm, out_hbm, tloc, tbl, *, chunk, C):
    cid = lax.axis_index("c")
    sid = lax.axis_index("s")
    wid = cid * 16 + sid
    base = wid * chunk

    pltpu.sync_copy(t_hbm.at[pl.ds(base, chunk)], tloc)

    zi = jnp.zeros((_LANES,), jnp.int32)
    one_i = jnp.ones((_LANES,), jnp.int32)
    unroll = 64

    def step(i, carry):
        pk = [zi, zi, zi, zi]
        cnts = list(carry)
        for u in range(unroll):
            t = tloc[pl.ds((unroll * i + u) * _LANES, _LANES)]
            hi = t >> 2
            inc = one_i << ((t & 3) << 3)
            for k in range(4):
                pk[k] = pk[k] + jnp.where(hi == k, inc, zi)
        for c in range(C):
            cnts[c] = cnts[c] + ((pk[c >> 2] >> ((c & 3) * 8)) & 255)
        return tuple(cnts)

    cnts = lax.fori_loop(0, chunk // (unroll * _LANES), step,
                         tuple(zi for _ in range(C)))
    for c in range(C):
        tbl[pl.ds(c * _LANES, _LANES)] = cnts[c].astype(jnp.float32)
    pltpu.sync_copy(tbl, out_hbm.at[wid])


def _sc_bincount(targets_flat, C):
    total = targets_flat.shape[0]
    chunk = total // _NW
    mesh = plsc.VectorSubcoreMesh(core_axis_name="c", subcore_axis_name="s")
    body = functools.partial(_sc_bincount_body, chunk=chunk, C=C)
    k = pl.kernel(
        body,
        mesh=mesh,
        out_type=jax.ShapeDtypeStruct((_NW, C * _LANES), jnp.float32),
        scratch_types=[
            pltpu.VMEM((chunk,), jnp.int32),
            pltpu.VMEM((C * _LANES,), jnp.float32),
        ],
    )
    return k(targets_flat).reshape(_NW, C, _LANES)


def _stats_body(*refs, B, C, nchunk, tnr):
    x_refs = refs[:C]
    t_ref = refs[C]
    out_ref = refs[C + 1]
    acc_ref = refs[C + 2]

    b = pl.program_id(0)
    n = pl.program_id(1)

    @pl.when((b == 0) & (n == 0))
    def _init():
        acc_ref[...] = jnp.zeros_like(acc_ref)

    rows = [r[0, 0] for r in x_refs]
    tf = t_ref[0, 0].astype(jnp.float32)

    es = [jnp.exp(jnp.minimum(rows[c], 80.0)) for c in range(C)]
    s = es[0]
    for c in range(1, C):
        s = s + es[c]
    r = 1.0 / s

    ones_row = jnp.ones((1, tnr), jnp.float32)

    def mxsum(v):
        return jax.lax.dot(ones_row, v, preferred_element_type=jnp.float32)

    zero = jnp.zeros((), jnp.float32)
    for c in range(C):
        g = es[c] * r
        mask = tf == float(c)
        acc_ref[b, 0, c] += mxsum(jnp.where(mask, g, zero))
        acc_ref[b, 1, c] += mxsum(g)

    @pl.when((b == B - 1) & (n == nchunk - 1))
    def _finish():
        out_ref[...] = jnp.sum(acc_ref[...], axis=3)


def _tc_stats(x, t, B, C, NR, TNR):
    nchunk = NR // TNR
    body = functools.partial(_stats_body, B=B, C=C, nchunk=nchunk, tnr=TNR)

    def xspec(c):
        return pl.BlockSpec((1, 1, TNR, 128), lambda b, n: (b, c, n, 0))

    return pl.pallas_call(
        body,
        grid=(B, nchunk),
        in_specs=[xspec(c) for c in range(C)] + [
            pl.BlockSpec((1, 1, TNR, 128), lambda b, n: (b, 0, n, 0)),
        ],
        out_specs=pl.BlockSpec((B, 2, C, 128), lambda b, n: (0, 0, 0, 0)),
        out_shape=jax.ShapeDtypeStruct((B, 2, C, 128), jnp.float32),
        scratch_shapes=[pltpu.VMEM((B, 2, C, 1, 128), jnp.float32)],
    )(*([x] * C + [t]))


def _combine_body(stats_ref, cnt_ref, out_ref, *, B, C, wpb):
    stats = jnp.sum(stats_ref[...], axis=3)
    cmask = (jax.lax.broadcasted_iota(jnp.int32, (1, C), 1)
             != IGNORE_INDEX).astype(jnp.float32)
    dice_sum = jnp.zeros((), jnp.float32)
    for b in range(B):
        cnt_b = jnp.sum(cnt_ref[pl.ds(b * wpb, wpb)], axis=(0, 2)).reshape(1, C)
        inter = stats[b, 0].reshape(1, C)
        union = stats[b, 1].reshape(1, C) + cnt_b
        dice = (2.0 * inter + SMOOTH) / (union + SMOOTH)
        dice_sum = dice_sum + jnp.sum(dice * cmask)
    out_ref[0] = 1.0 - dice_sum / (B * (C - 1))


def kernel(logits, targets):
    B, C = logits.shape[0], logits.shape[1]
    N = targets.shape[1] * targets.shape[2] * targets.shape[3]
    NR = N // 128
    x = logits.astype(jnp.float32).reshape(B, C, NR, 128)
    t = targets.reshape(B, 1, NR, 128)

    counts = _sc_bincount(targets.reshape(B * N), C)
    stats = _tc_stats(x, t, B, C, NR, TNR=min(1024, NR))

    wpb = _NW // B
    out = pl.pallas_call(
        functools.partial(_combine_body, B=B, C=C, wpb=wpb),
        in_specs=[
            pl.BlockSpec((B, 2, C, 128), lambda: (0, 0, 0, 0)),
            pl.BlockSpec((_NW, C, _LANES), lambda: (0, 0, 0)),
        ],
        out_specs=pl.BlockSpec(memory_space=pltpu.SMEM),
        out_shape=jax.ShapeDtypeStruct((1,), jnp.float32),
    )(stats, counts)
    return out[0]

# --- scband reference (transcript-rebuilt; emitter-appended) ---
"""Pipeline reference for scband-memory-efficient-dice-loss-15049565405353 (READ-ONLY COPY).

The authoritative reference and input builder live on the scoring server;
editing this copy changes nothing except your own understanding.
"""

import jax, jax.numpy as jnp
import numpy as np

SMOOTH = 1.0
IGNORE_INDEX = 0


def setup_inputs(seed: int = 0) -> dict:
    key = jax.random.key(seed)
    k1, k2 = jax.random.split(key)
    logits = jax.random.normal(k1, (2, 16, 64, 128, 128), dtype=jnp.float32)
    targets = jax.random.randint(k2, (2, 64, 128, 128), 0, 16, dtype=jnp.int32)
    return {"logits": logits, "targets": targets}


def reference(logits, targets):
    B, C = logits.shape[0], logits.shape[1]
    N = targets.shape[1] * targets.shape[2] * targets.shape[3]
    logits = logits.astype(jnp.float32)
    probs = jax.nn.softmax(logits, axis=1)
    probs_flat = probs.reshape(B, C, N)
    targets_flat = targets.reshape(B, N)
    # gather prob of the target class at each voxel (replaces one-hot)
    probs_at_target = jnp.take_along_axis(probs_flat, targets_flat[:, None, :], axis=1)[:, 0, :]
    offsets = jnp.arange(B, dtype=targets_flat.dtype) * C
    offset_targets = (targets_flat + offsets[:, None]).reshape(-1)
    # scatter-add probs_at_target into per-(batch, class) bins
    intersection = jax.ops.segment_sum(probs_at_target.reshape(-1), offset_targets, num_segments=B * C).reshape(B, C)
    probs_sum = probs_flat.sum(axis=2)
    targets_count = jnp.bincount(offset_targets, length=B * C).reshape(B, C).astype(logits.dtype)
    union = probs_sum + targets_count
    dice_per_class = (2.0 * intersection + SMOOTH) / (union + SMOOTH)
    mask = jnp.ones((C,), dtype=jnp.float32).at[IGNORE_INDEX].set(0.0)
    mean_dice = (dice_per_class * mask[None, :]).sum() / (B * (C - 1))
    return 1.0 - mean_dice

if __name__ == "__main__":
    import jax
    _d = setup_inputs()
    print(jax.jit(kernel)(*tuple(_d.values())))

</pallas_src>

<mosaic_0001>
#map = affine_map<(d0, d1) -> (0)>
#map1 = affine_map<(d0, d1) -> (0, 0)>
module attributes {stable_mosaic.version = 14 : i64} {
  func.func @_sc_bincount_body(%arg0: i32, %arg1: i32, %arg2: memref<2097152xi32, #tpu.memory_space<hbm>>, %arg3: memref<32x256xf32, #tpu.memory_space<hbm>>, %arg4: memref<65536xi32, #tpu.memory_space<vmem>>, %arg5: memref<256xf32, #tpu.memory_space<vmem>>) attributes {dimension_semantics = [#tpu.dimension_semantics<core_parallel>, #tpu.dimension_semantics<subcore_parallel>], iteration_bounds = array<i64: 2, 16>, scalar_prefetch = 0 : i64, scratch_operands = 2 : i64, tpu.core_type = #tpu.core_type<sc_vector_subcore>, window_params = [{transform_indices = #map}, {transform_indices = #map1}]} {
    %mul3A = arith.constant 16 : i32
    %mul3A_0 = arith.muli %arg0, %mul3A : i32
    %add3A = arith.addi %mul3A_0, %arg1 : i32
    %mul3A_1 = arith.constant 65536 : i32
    %mul3A_2 = arith.muli %add3A, %mul3A_1 : i32
    "tpu.region"() ({
      %run_scoped3A = tpu.sem_alloc : memref<!tpu.dma_semaphore, #tpu.memory_space<semaphore_mem>>
      %dma_start3A = tpu.memref_slice %arg2[%mul3A_2] : memref<2097152xi32, #tpu.memory_space<hbm>> -> memref<65536xi32, #tpu.memory_space<hbm>>
      %dma_start3A_89 = tpu.memref_slice %arg2[%mul3A_2] : memref<2097152xi32, #tpu.memory_space<hbm>> -> memref<65536xi32, #tpu.memory_space<hbm>>
      tpu.enqueue_dma source(%dma_start3A_89 : memref<65536xi32, #tpu.memory_space<hbm>>) target(%arg4 : memref<65536xi32, #tpu.memory_space<vmem>>) target_semaphore(%run_scoped3A : memref<!tpu.dma_semaphore, #tpu.memory_space<semaphore_mem>>)
      %dma_wait3A = tpu.memref_slice %arg2[%mul3A_2] : memref<2097152xi32, #tpu.memory_space<hbm>> -> memref<65536xi32, #tpu.memory_space<hbm>>
      %dma_wait3A_90 = tpu.memref_slice %arg2[%mul3A_2] : memref<2097152xi32, #tpu.memory_space<hbm>> -> memref<65536xi32, #tpu.memory_space<hbm>>
      tpu.wait_dma2 semaphore(%run_scoped3A : memref<!tpu.dma_semaphore, #tpu.memory_space<semaphore_mem>>) src(%dma_wait3A_90 : memref<65536xi32, #tpu.memory_space<hbm>>) dst(%arg4 : memref<65536xi32, #tpu.memory_space<vmem>>)
      tpu.yield
    }) : () -> ()
    %broadcast_in_dim3A = arith.constant 0 : i32
    %broadcast_in_dim3A_3 = vector.broadcast %broadcast_in_dim3A : i32 to vector<16xi32>
    %broadcast_in_dim3A_4 = arith.constant 1 : i32
    %broadcast_in_dim3A_5 = vector.broadcast %broadcast_in_dim3A_4 : i32 to vector<16xi32>
    %scan3A = arith.constant 0 : i32
    %scan3A_6 = arith.constant 64 : i32
    %scan3A_7 = arith.addi %scan3A, %scan3A_6 : i32
    %scan3A_8 = arith.constant 1 : i32
    %scan3A_9:16 = scf.for %scan3A_89 = %scan3A to %scan3A_7 step %scan3A_8 iter_args(%scan3A_90 = %broadcast_in_dim3A_3, %scan3A_91 = %broadcast_in_dim3A_3, %scan3A_92 = %broadcast_in_dim3A_3, %scan3A_93 = %broadcast_in_dim3A_3, %scan3A_94 = %broadcast_in_dim3A_3, %scan3A_95 = %broadcast_in_dim3A_3, %scan3A_96 = %broadcast_in_dim3A_3, %scan3A_97 = %broadcast_in_dim3A_3, %scan3A_98 = %broadcast_in_dim3A_3, %scan3A_99 = %broadcast_in_dim3A_3, %scan3A_100 = %broadcast_in_dim3A_3, %scan3A_101 = %broadcast_in_dim3A_3, %scan3A_102 = %broadcast_in_dim3A_3, %scan3A_103 = %broadcast_in_dim3A_3, %scan3A_104 = %broadcast_in_dim3A_3, %scan3A_105 = %broadcast_in_dim3A_3) -> (vector<16xi32>, vector<16xi32>, vector<16xi32>, vector<16xi32>, vector<16xi32>, vector<16xi32>, vector<16xi32>, vector<16xi32>, vector<16xi32>, vector<16xi32>, vector<16xi32>, vector<16xi32>, vector<16xi32>, vector<16xi32>, vector<16xi32>, vector<16xi32>)  : i32 {
      %mul3A_106 = arith.constant 64 : i32
      %mul3A_107 = arith.muli %mul3A_106, %scan3A_89 : i32
      %add3A_108 = arith.constant 0 : i32
      %add3A_109 = arith.addi %mul3A_107, %add3A_108 : i32
      %mul3A_110 = arith.constant 16 : i32
      %mul3A_111 = arith.muli %add3A_109, %mul3A_110 : i32
      %get3A = arith.index_cast %mul3A_111 : i32 to index
      %get3A_112 = tpu.vector_load %arg4[%get3A] {strides = array<i32>} : memref<65536xi32, #tpu.memory_space<vmem>>, vector<16xi32>,
      %get3A_113 = vector.shape_cast %get3A_112 : vector<16xi32> to vector<16xi32>
      %shift_right_arithmetic3A = arith.constant 2 : i32
      %shift_right_arithmetic3A_114 = vector.broadcast %shift_right_arithmetic3A : i32 to vector<16xi32>
      %shift_right_arithmetic3A_115 = arith.shrsi %get3A_113, %shift_right_arithmetic3A_114 : vector<16xi32>
      %and3A = arith.constant 3 : i32
      %and3A_116 = vector.broadcast %and3A : i32 to vector<16xi32>
      %and3A_117 = arith.andi %get3A_113, %and3A_116 : vector<16xi32>
      %shift_left3A = arith.constant 3 : i32
      %shift_left3A_118 = vector.broadcast %shift_left3A : i32 to vector<16xi32>
      %shift_left3A_119 = arith.shli %and3A_117, %shift_left3A_118 : vector<16xi32>
      %shift_left3A_120 = arith.shli %broadcast_in_dim3A_5, %shift_left3A_119 : vector<16xi32>
      %eq3A = arith.constant 0 : i32
      %eq3A_121 = vector.broadcast %eq3A : i32 to vector<16xi32>
      %eq3A_122 = arith.cmpi eq, %shift_right_arithmetic3A_115, %eq3A_121 : vector<16xi32>
      %select_n3A = arith.select %eq3A_122, %shift_left3A_120, %broadcast_in_dim3A_3 : vector<16xi1>, vector<16xi32>
      %add3A_123 = arith.addi %broadcast_in_dim3A_3, %select_n3A : vector<16xi32>
      %eq3A_124 = arith.constant 1 : i32
      %eq3A_125 = vector.broadcast %eq3A_124 : i32 to vector<16xi32>
      %eq3A_126 = arith.cmpi eq, %shift_right_arithmetic3A_115, %eq3A_125 : vector<16xi32>
      %select_n3A_127 = arith.select %eq3A_126, %shift_left3A_120, %broadcast_in_dim3A_3 : vector<16xi1>, vector<16xi32>
      %add3A_128 = arith.addi %broadcast_in_dim3A_3, %select_n3A_127 : vector<16xi32>
      %eq3A_129 = arith.constant 2 : i32
      %eq3A_130 = vector.broadcast %eq3A_129 : i32 to vector<16xi32>
      %eq3A_131 = arith.cmpi eq, %shift_right_arithmetic3A_115, %eq3A_130 : vector<16xi32>
      %select_n3A_132 = arith.select %eq3A_131, %shift_left3A_120, %broadcast_in_dim3A_3 : vector<16xi1>, vector<16xi32>
      %add3A_133 = arith.addi %broadcast_in_dim3A_3, %select_n3A_132 : vector<16xi32>
      %eq3A_134 = arith.constant 3 : i32
      %eq3A_135 = vector.broadcast %eq3A_134 : i32 to vector<16xi32>
      %eq3A_136 = arith.cmpi eq, %shift_right_arithmetic3A_115, %eq3A_135 : vector<16xi32>
      %select_n3A_137 = arith.select %eq3A_136, %shift_left3A_120, %broadcast_in_dim3A_3 : vector<16xi1>, vector<16xi32>
      %add3A_138 = arith.addi %broadcast_in_dim3A_3, %select_n3A_137 : vector<16xi32>
      %mul3A_139 = arith.constant 64 : i32
      %mul3A_140 = arith.muli %mul3A_139, %scan3A_89 : i32
      %add3A_141 = arith.constant 1 : i32
      %add3A_142 = arith.addi %mul3A_140, %add3A_141 : i32
      %mul3A_143 = arith.constant 16 : i32
      %mul3A_144 = arith.muli %add3A_142, %mul3A_143 : i32
      %get3A_145 = arith.index_cast %mul3A_144 : i32 to index
      %get3A_146 = tpu.vector_load %arg4[%get3A_145] {strides = array<i32>} : memref<65536xi32, #tpu.memory_space<vmem>>, vector<16xi32>,
      %get3A_147 = vector.shape_cast %get3A_146 : vector<16xi32> to vector<16xi32>
      %shift_right_arithmetic3A_148 = arith.constant 2 : i32
      %shift_right_arithmetic3A_149 = vector.broadcast %shift_right_arithmetic3A_148 : i32 to vector<16xi32>
      %shift_right_arithmetic3A_150 = arith.shrsi %get3A_147, %shift_right_arithmetic3A_149 : vector<16xi32>
      %and3A_151 = arith.constant 3 : i32
      %and3A_152 = vector.broadcast %and3A_151 : i32 to vector<16xi32>
      %and3A_153 = arith.andi %get3A_147, %and3A_152 : vector<16xi32>
      %shift_left3A_154 = arith.constant 3 : i32
      %shift_left3A_155 = vector.broadcast %shift_left3A_154 : i32 to vector<16xi32>
      %shift_left3A_156 = arith.shli %and3A_153, %shift_left3A_155 : vector<16xi32>
      %shift_left3A_157 = arith.shli %broadcast_in_dim3A_5, %shift_left3A_156 : vector<16xi32>
      %eq3A_158 = arith.constant 0 : i32
      %eq3A_159 = vector.broadcast %eq3A_158 : i32 to vector<16xi32>
      %eq3A_160 = arith.cmpi eq, %shift_right_arithmetic3A_150, %eq3A_159 : vector<16xi32>
      %select_n3A_161 = arith.select %eq3A_160, %shift_left3A_157, %broadcast_in_dim3A_3 : vector<16xi1>, vector<16xi32>
      %add3A_162 = arith.addi %add3A_123, %select_n3A_161 : vector<16xi32>
      %eq3A_163 = arith.constant 1 : i32
      %eq3A_164 = vector.broadcast %eq3A_163 : i32 to vector<16xi32>
      %eq3A_165 = arith.cmpi eq, %shift_right_arithmetic3A_150, %eq3A_164 : vector<16xi32>
      %select_n3A_166 = arith.select %eq3A_165, %shift_left3A_157, %broadcast_in_dim3A_3 : vector<16xi1>, vector<16xi32>
      %add3A_167 = arith.addi %add3A_128, %select_n3A_166 : vector<16xi32>
      %eq3A_168 = arith.constant 2 : i32
      %eq3A_169 = vector.broadcast %eq3A_168 : i32 to vector<16xi32>
      %eq3A_170 = arith.cmpi eq, %shift_right_arithmetic3A_150, %eq3A_169 : vector<16xi32>
      %select_n3A_171 = arith.select %eq3A_170, %shift_left3A_157, %broadcast_in_dim3A_3 : vector<16xi1>, vector<16xi32>
      %add3A_172 = arith.addi %add3A_133, %select_n3A_171 : vector<16xi32>
      %eq3A_173 = arith.constant 3 : i32
      %eq3A_174 = vector.broadcast %eq3A_173 : i32 to vector<16xi32>
      %eq3A_175 = arith.cmpi eq, %shift_right_arithmetic3A_150, %eq3A_174 : vector<16xi32>
      %select_n3A_176 = arith.select %eq3A_175, %shift_left3A_157, %broadcast_in_dim3A_3 : vector<16xi1>, vector<16xi32>
      %add3A_177 = arith.addi %add3A_138, %select_n3A_176 : vector<16xi32>
      %mul3A_178 = arith.constant 64 : i32
      %mul3A_179 = arith.muli %mul3A_178, %scan3A_89 : i32
      %add3A_180 = arith.constant 2 : i32
      %add3A_181 = arith.addi %mul3A_179, %add3A_180 : i32
      %mul3A_182 = arith.constant 16 : i32
      %mul3A_183 = arith.muli %add3A_181, %mul3A_182 : i32
      %get3A_184 = arith.index_cast %mul3A_183 : i32 to index
      %get3A_185 = tpu.vector_load %arg4[%get3A_184] {strides = array<i32>} : memref<65536xi32, #tpu.memory_space<vmem>>, vector<16xi32>,
      %get3A_186 = vector.shape_cast %get3A_185 : vector<16xi32> to vector<16xi32>
      %shift_right_arithmetic3A_187 = arith.constant 2 : i32
      %shift_right_arithmetic3A_188 = vector.broadcast %shift_right_arithmetic3A_187 : i32 to vector<16xi32>
      %shift_right_arithmetic3A_189 = arith.shrsi %get3A_186, %shift_right_arithmetic3A_188 : vector<16xi32>
      %and3A_190 = arith.constant 3 : i32
      %and3A_191 = vector.broadcast %and3A_190 : i32 to vector<16xi32>
      %and3A_192 = arith.andi %get3A_186, %and3A_191 : vector<16xi32>
      %shift_left3A_193 = arith.constant 3 : i32
      %shift_left3A_194 = vector.broadcast %shift_left3A_193 : i32 to vector<16xi32>
      %shift_left3A_195 = arith.shli %and3A_192, %shift_left3A_194 : vector<16xi32>
      %shift_left3A_196 = arith.shli %broadcast_in_dim3A_5, %shift_left3A_195 : vector<16xi32>
      %eq3A_197 = arith.constant 0 : i32
      %eq3A_198 = vector.broadcast %eq3A_197 : i32 to vector<16xi32>
      %eq3A_199 = arith.cmpi eq, %shift_right_arithmetic3A_189, %eq3A_198 : vector<16xi32>
      %select_n3A_200 = arith.select %eq3A_199, %shift_left3A_196, %broadcast_in_dim3A_3 : vector<16xi1>, vector<16xi32>
      %add3A_201 = arith.addi %add3A_162, %select_n3A_200 : vector<16xi32>
      %eq3A_202 = arith.constant 1 : i32
      %eq3A_203 = vector.broadcast %eq3A_202 : i32 to vector<16xi32>
      %eq3A_204 = arith.cmpi eq, %shift_right_arithmetic3A_189, %eq3A_203 : vector<16xi32>
      %select_n3A_205 = arith.select %eq3A_204, %shift_left3A_196, %broadcast_in_dim3A_3 : vector<16xi1>, vector<16xi32>
      %add3A_206 = arith.addi %add3A_167, %select_n3A_205 : vector<16xi32>
      %eq3A_207 = arith.constant 2 : i32
      %eq3A_208 = vector.broadcast %eq3A_207 : i32 to vector<16xi32>
      %eq3A_209 = arith.cmpi eq, %shift_right_arithmetic3A_189, %eq3A_208 : vector<16xi32>
      %select_n3A_210 = arith.select %eq3A_209, %shift_left3A_196, %broadcast_in_dim3A_3 : vector<16xi1>, vector<16xi32>
      %add3A_211 = arith.addi %add3A_172, %select_n3A_210 : vector<16xi32>
      %eq3A_212 = arith.constant 3 : i32
      %eq3A_213 = vector.broadcast %eq3A_212 : i32 to vector<16xi32>
      %eq3A_214 = arith.cmpi eq, %shift_right_arithmetic3A_189, %eq3A_213 : vector<16xi32>
      %select_n3A_215 = arith.select %eq3A_214, %shift_left3A_196, %broadcast_in_dim3A_3 : vector<16xi1>, vector<16xi32>
      %add3A_216 = arith.addi %add3A_177, %select_n3A_215 : vector<16xi32>
      %mul3A_217 = arith.constant 64 : i32
      %mul3A_218 = arith.muli %mul3A_217, %scan3A_89 : i32
      %add3A_219 = arith.constant 3 : i32
      %add3A_220 = arith.addi %mul3A_218, %add3A_219 : i32
      %mul3A_221 = arith.constant 16 : i32
      %mul3A_222 = arith.muli %add3A_220, %mul3A_221 : i32
      %get3A_223 = arith.index_cast %mul3A_222 : i32 to index
      %get3A_224 = tpu.vector_load %arg4[%get3A_223] {strides = array<i32>} : memref<65536xi32, #tpu.memory_space<vmem>>, vector<16xi32>,
      %get3A_225 = vector.shape_cast %get3A_224 : vector<16xi32> to vector<16xi32>
      %shift_right_arithmetic3A_226 = arith.constant 2 : i32
      %shift_right_arithmetic3A_227 = vector.broadcast %shift_right_arithmetic3A_226 : i32 to vector<16xi32>
      %shift_right_arithmetic3A_228 = arith.shrsi %get3A_225, %shift_right_arithmetic3A_227 : vector<16xi32>
      %and3A_229 = arith.constant 3 : i32
      %and3A_230 = vector.broadcast %and3A_229 : i32 to vector<16xi32>
      %and3A_231 = arith.andi %get3A_225, %and3A_230 : vector<16xi32>
      %shift_left3A_232 = arith.constant 3 : i32
      %shift_left3A_233 = vector.broadcast %shift_left3A_232 : i32 to vector<16xi32>
      %shift_left3A_234 = arith.shli %and3A_231, %shift_left3A_233 : vector<16xi32>
      %shift_left3A_235 = arith.shli %broadcast_in_dim3A_5, %shift_left3A_234 : vector<16xi32>
      %eq3A_236 = arith.constant 0 : i32
      %eq3A_237 = vector.broadcast %eq3A_236 : i32 to vector<16xi32>
      %eq3A_238 = arith.cmpi eq, %shift_right_arithmetic3A_228, %eq3A_237 : vector<16xi32>
      %select_n3A_239 = arith.select %eq3A_238, %shift_left3A_235, %broadcast_in_dim3A_3 : vector<16xi1>, vector<16xi32>
      %add3A_240 = arith.addi %add3A_201, %select_n3A_239 : vector<16xi32>
      %eq3A_241 = arith.constant 1 : i32
      %eq3A_242 = vector.broadcast %eq3A_241 : i32 to vector<16xi32>
      %eq3A_243 = arith.cmpi eq, %shift_right_arithmetic3A_228, %eq3A_242 : vector<16xi32>
      %select_n3A_244 = arith.select %eq3A_243, %shift_left3A_235, %broadcast_in_dim3A_3 : vector<16xi1>, vector<16xi32>
      %add3A_245 = arith.addi %add3A_206, %select_n3A_244 : vector<16xi32>
      %eq3A_246 = arith.constant 2 : i32
      %eq3A_247 = vector.broadcast %eq3A_246 : i32 to vector<16xi32>
      %eq3A_248 = arith.cmpi eq, %shift_right_arithmetic3A_228, %eq3A_247 : vector<16xi32>
      %select_n3A_249 = arith.select %eq3A_248, %shift_left3A_235, %broadcast_in_dim3A_3 : vector<16xi1>, vector<16xi32>
      %add3A_250 = arith.addi %add3A_211, %select_n3A_249 : vector<16xi32>
      %eq3A_251 = arith.constant 3 : i32
      %eq3A_252 = vector.broadcast %eq3A_251 : i32 to vector<16xi32>
      %eq3A_253 = arith.cmpi eq, %shift_right_arithmetic3A_228, %eq3A_252 : vector<16xi32>
      %select_n3A_254 = arith.select %eq3A_253, %shift_left3A_235, %broadcast_in_dim3A_3 : vector<16xi1>, vector<16xi32>
      %add3A_255 = arith.addi %add3A_216, %select_n3A_254 : vector<16xi32>
      %mul3A_256 = arith.constant 64 : i32
      %mul3A_257 = arith.muli %mul3A_256, %scan3A_89 : i32
      %add3A_258 = arith.constant 4 : i32
      %add3A_259 = arith.addi %mul3A_257, %add3A_258 : i32
      %mul3A_260 = arith.constant 16 : i32
      %mul3A_261 = arith.muli %add3A_259, %mul3A_260 : i32
      %get3A_262 = arith.index_cast %mul3A_261 : i32 to index
      %get3A_263 = tpu.vector_load %arg4[%get3A_262] {strides = array<i32>} : memref<65536xi32, #tpu.memory_space<vmem>>, vector<16xi32>,
      %get3A_264 = vector.shape_cast %get3A_263 : vector<16xi32> to vector<16xi32>
      %shift_right_arithmetic3A_265 = arith.constant 2 : i32
      %shift_right_arithmetic3A_266 = vector.broadcast %shift_right_arithmetic3A_265 : i32 to vector<16xi32>
      %shift_right_arithmetic3A_267 = arith.shrsi %get3A_264, %shift_right_arithmetic3A_266 : vector<16xi32>
      %and3A_268 = arith.constant 3 : i32
      %and3A_269 = vector.broadcast %and3A_268 : i32 to vector<16xi32>
      %and3A_270 = arith.andi %get3A_264, %and3A_269 : vector<16xi32>
      %shift_left3A_271 = arith.constant 3 : i32
      %shift_left3A_272 = vector.broadcast %shift_left3A_271 : i32 to vector<16xi32>
      %shift_left3A_273 = arith.shli %and3A_270, %shift_left3A_272 : vector<16xi32>
      %shift_left3A_274 = arith.shli %broadcast_in_dim3A_5, %shift_left3A_273 : vector<16xi32>
      %eq3A_275 = arith.constant 0 : i32
      %eq3A_276 = vector.broadcast %eq3A_275 : i32 to vector<16xi32>
      %eq3A_277 = arith.cmpi eq, %shift_right_arithmetic3A_267, %eq3A_276 : vector<16xi32>
      %select_n3A_278 = arith.select %eq3A_277, %shift_left3A_274, %broadcast_in_dim3A_3 : vector<16xi1>, vector<16xi32>
      %add3A_279 = arith.addi %add3A_240, %select_n3A_278 : vector<16xi32>
      %eq3A_280 = arith.constant 1 : i32
      %eq3A_281 = vector.broadcast %eq3A_280 : i32 to vector<16xi32>
      %eq3A_282 = arith.cmpi eq, %shift_right_arithmetic3A_267, %eq3A_281 : vector<16xi32>
      %select_n3A_283 = arith.select %eq3A_282, %shift_left3A_274, %broadcast_in_dim3A_3 : vector<16xi1>, vector<16xi32>
      %add3A_284 = arith.addi %add3A_245, %select_n3A_283 : vector<16xi32>
      %eq3A_285 = arith.constant 2 : i32
      %eq3A_286 = vector.broadcast %eq3A_285 : i32 to vector<16xi32>
      %eq3A_287 = arith.cmpi eq, %shift_right_arithmetic3A_267, %eq3A_286 : vector<16xi32>
      %select_n3A_288 = arith.select %eq3A_287, %shift_left3A_274, %broadcast_in_dim3A_3 : vector<16xi1>, vector<16xi32>
      %add3A_289 = arith.addi %add3A_250, %select_n3A_288 : vector<16xi32>
      %eq3A_290 = arith.constant 3 : i32
      %eq3A_291 = vector.broadcast %eq3A_290 : i32 to vector<16xi32>
      %eq3A_292 = arith.cmpi eq, %shift_right_arithmetic3A_267, %eq3A_291 : vector<16xi32>
      %select_n3A_293 = arith.select %eq3A_292, %shift_left3A_274, %broadcast_in_dim3A_3 : vector<16xi1>, vector<16xi32>
      %add3A_294 = arith.addi %add3A_255, %select_n3A_293 : vector<16xi32>
      %mul3A_295 = arith.constant 64 : i32
      %mul3A_296 = arith.muli %mul3A_295, %scan3A_89 : i32
      %add3A_297 = arith.constant 5 : i32
      %add3A_298 = arith.addi %mul3A_296, %add3A_297 : i32
      %mul3A_299 = arith.constant 16 : i32
      %mul3A_300 = arith.muli %add3A_298, %mul3A_299 : i32
      %get3A_301 = arith.index_cast %mul3A_300 : i32 to index
      %get3A_302 = tpu.vector_load %arg4[%get3A_301] {strides = array<i32>} : memref<65536xi32, #tpu.memory_space<vmem>>, vector<16xi32>,
      %get3A_303 = vector.shape_cast %get3A_302 : vector<16xi32> to vector<16xi32>
      %shift_right_arithmetic3A_304 = arith.constant 2 : i32
      %shift_right_arithmetic3A_305 = vector.broadcast %shift_right_arithmetic3A_304 : i32 to vector<16xi32>
      %shift_right_arithmetic3A_306 = arith.shrsi %get3A_303, %shift_right_arithmetic3A_305 : vector<16xi32>
      %and3A_307 = arith.constant 3 : i32
      %and3A_308 = vector.broadcast %and3A_307 : i32 to vector<16xi32>
      %and3A_309 = arith.andi %get3A_303, %and3A_308 : vector<16xi32>
      %shift_left3A_310 = arith.constant 3 : i32
      %shift_left3A_311 = vector.broadcast %shift_left3A_310 : i32 to vector<16xi32>
      %shift_left3A_312 = arith.shli %and3A_309, %shift_left3A_311 : vector<16xi32>
      %shift_left3A_313 = arith.shli %broadcast_in_dim3A_5, %shift_left3A_312 : vector<16xi32>
      %eq3A_314 = arith.constant 0 : i32
      %eq3A_315 = vector.broadcast %eq3A_314 : i32 to vector<16xi32>
      %eq3A_316 = arith.cmpi eq, %shift_right_arithmetic3A_306, %eq3A_315 : vector<16xi32>
      %select_n3A_317 = arith.select %eq3A_316, %shift_left3A_313, %broadcast_in_dim3A_3 : vector<16xi1>, vector<16xi32>
      %add3A_318 = arith.addi %add3A_279, %select_n3A_317 : vector<16xi32>
      %eq3A_319 = arith.constant 1 : i32
      %eq3A_320 = vector.broadcast %eq3A_319 : i32 to vector<16xi32>
      %eq3A_321 = arith.cmpi eq, %shift_right_arithmetic3A_306, %eq3A_320 : vector<16xi32>
      %select_n3A_322 = arith.select %eq3A_321, %shift_left3A_313, %broadcast_in_dim3A_3 : vector<16xi1>, vector<16xi32>
      %add3A_323 = arith.addi %add3A_284, %select_n3A_322 : vector<16xi32>
      %eq3A_324 = arith.constant 2 : i32
      %eq3A_325 = vector.broadcast %eq3A_324 : i32 to vector<16xi32>
      %eq3A_326 = arith.cmpi eq, %shift_right_arithmetic3A_306, %eq3A_325 : vector<16xi32>
      %select_n3A_327 = arith.select %eq3A_326, %shift_left3A_313, %broadcast_in_dim3A_3 : vector<16xi1>, vector<16xi32>
      %add3A_328 = arith.addi %add3A_289, %select_n3A_327 : vector<16xi32>
      %eq3A_329 = arith.constant 3 : i32
      %eq3A_330 = vector.broadcast %eq3A_329 : i32 to vector<16xi32>
      %eq3A_331 = arith.cmpi eq, %shift_right_arithmetic3A_306, %eq3A_330 : vector<16xi32>
      %select_n3A_332 = arith.select %eq3A_331, %shift_left3A_313, %broadcast_in_dim3A_3 : vector<16xi1>, vector<16xi32>
      %add3A_333 = arith.addi %add3A_294, %select_n3A_332 : vector<16xi32>
      %mul3A_334 = arith.constant 64 : i32
      %mul3A_335 = arith.muli %mul3A_334, %scan3A_89 : i32
      %add3A_336 = arith.constant 6 : i32
      %add3A_337 = arith.addi %mul3A_335, %add3A_336 : i32
      %mul3A_338 = arith.constant 16 : i32
      %mul3A_339 = arith.muli %add3A_337, %mul3A_338 : i32
      %get3A_340 = arith.index_cast %mul3A_339 : i32 to index
      %get3A_341 = tpu.vector_load %arg4[%get3A_340] {strides = array<i32>} : memref<65536xi32, #tpu.memory_space<vmem>>, vector<16xi32>,
      %get3A_342 = vector.shape_cast %get3A_341 : vector<16xi32> to vector<16xi32>
      %shift_right_arithmetic3A_343 = arith.constant 2 : i32
      %shift_right_arithmetic3A_344 = vector.broadcast %shift_right_arithmetic3A_343 : i32 to vector<16xi32>
      %shift_right_arithmetic3A_345 = arith.shrsi %get3A_342, %shift_right_arithmetic3A_344 : vector<16xi32>
      %and3A_346 = arith.constant 3 : i32
      %and3A_347 = vector.broadcast %and3A_346 : i32 to vector<16xi32>
      %and3A_348 = arith.andi %get3A_342, %and3A_347 : vector<16xi32>
      %shift_left3A_349 = arith.constant 3 : i32
      %shift_left3A_350 = vector.broadcast %shift_left3A_349 : i32 to vector<16xi32>
      %shift_left3A_351 = arith.shli %and3A_348, %shift_left3A_350 : vector<16xi32>
      %shift_left3A_352 = arith.shli %broadcast_in_dim3A_5, %shift_left3A_351 : vector<16xi32>
      %eq3A_353 = arith.constant 0 : i32
      %eq3A_354 = vector.broadcast %eq3A_353 : i32 to vector<16xi32>
      %eq3A_355 = arith.cmpi eq, %shift_right_arithmetic3A_345, %eq3A_354 : vector<16xi32>
      %select_n3A_356 = arith.select %eq3A_355, %shift_left3A_352, %broadcast_in_dim3A_3 : vector<16xi1>, vector<16xi32>
      %add3A_357 = arith.addi %add3A_318, %select_n3A_356 : vector<16xi32>
      %eq3A_358 = arith.constant 1 : i32
      %eq3A_359 = vector.broadcast %eq3A_358 : i32 to vector<16xi32>
      %eq3A_360 = arith.cmpi eq, %shift_right_arithmetic3A_345, %eq3A_359 : vector<16xi32>
      %select_n3A_361 = arith.select %eq3A_360, %shift_left3A_352, %broadcast_in_dim3A_3 : vector<16xi1>, vector<16xi32>
      %add3A_362 = arith.addi %add3A_323, %select_n3A_361 : vector<16xi32>
      %eq3A_363 = arith.constant 2 : i32
      %eq3A_364 = vector.broadcast %eq3A_363 : i32 to vector<16xi32>
      %eq3A_365 = arith.cmpi eq, %shift_right_arithmetic3A_345, %eq3A_364 : vector<16xi32>
      %select_n3A_366 = arith.select %eq3A_365, %shift_left3A_352, %broadcast_in_dim3A_3 : vector<16xi1>, vector<16xi32>
      %add3A_367 = arith.addi %add3A_328, %select_n3A_366 : vector<16xi32>
      %eq3A_368 = arith.constant 3 : i32
      %eq3A_369 = vector.broadcast %eq3A_368 : i32 to vector<16xi32>
      %eq3A_370 = arith.cmpi eq, %shift_right_arithmetic3A_345, %eq3A_369 : vector<16xi32>
      %select_n3A_371 = arith.select %eq3A_370, %shift_left3A_352, %broadcast_in_dim3A_3 : vector<16xi1>, vector<16xi32>
      %add3A_372 = arith.addi %add3A_333, %select_n3A_371 : vector<16xi32>
      %mul3A_373 = arith.constant 64 : i32
      %mul3A_374 = arith.muli %mul3A_373, %scan3A_89 : i32
      %add3A_375 = arith.constant 7 : i32
      %add3A_376 = arith.addi %mul3A_374, %add3A_375 : i32
      %mul3A_377 = arith.constant 16 : i32
      %mul3A_378 = arith.muli %add3A_376, %mul3A_377 : i32
      %get3A_379 = arith.index_cast %mul3A_378 : i32 to index
      %get3A_380 = tpu.vector_load %arg4[%get3A_379] {strides = array<i32>} : memref<65536xi32, #tpu.memory_space<vmem>>, vector<16xi32>,
      %get3A_381 = vector.shape_cast %get3A_380 : vector<16xi32> to vector<16xi32>
      %shift_right_arithmetic3A_382 = arith.constant 2 : i32
      %shift_right_arithmetic3A_383 = vector.broadcast %shift_right_arithmetic3A_382 : i32 to vector<16xi32>
      %shift_right_arithmetic3A_384 = arith.shrsi %get3A_381, %shift_right_arithmetic3A_383 : vector<16xi32>
      %and3A_385 = arith.constant 3 : i32
      %and3A_386 = vector.broadcast %and3A_385 : i32 to vector<16xi32>
      %and3A_387 = arith.andi %get3A_381, %and3A_386 : vector<16xi32>
      %shift_left3A_388 = arith.constant 3 : i32
      %shift_left3A_389 = vector.broadcast %shift_left3A_388 : i32 to vector<16xi32>
      %shift_left3A_390 = arith.shli %and3A_387, %shift_left3A_389 : vector<16xi32>
      %shift_left3A_391 = arith.shli %broadcast_in_dim3A_5, %shift_left3A_390 : vector<16xi32>
      %eq3A_392 = arith.constant 0 : i32
      %eq3A_393 = vector.broadcast %eq3A_392 : i32 to vector<16xi32>
      %eq3A_394 = arith.cmpi eq, %shift_right_arithmetic3A_384, %eq3A_393 : vector<16xi32>
      %select_n3A_395 = arith.select %eq3A_394, %shift_left3A_391, %broadcast_in_dim3A_3 : vector<16xi1>, vector<16xi32>
      %add3A_396 = arith.addi %add3A_357, %select_n3A_395 : vector<16xi32>
      %eq3A_397 = arith.constant 1 : i32
      %eq3A_398 = vector.broadcast %eq3A_397 : i32 to vector<16xi32>
      %eq3A_399 = arith.cmpi eq, %shift_right_arithmetic3A_384, %eq3A_398 : vector<16xi32>
      %select_n3A_400 = arith.select %eq3A_399, %shift_left3A_391, %broadcast_in_dim3A_3 : vector<16xi1>, vector<16xi32>
      %add3A_401 = arith.addi %add3A_362, %select_n3A_400 : vector<16xi32>
      %eq3A_402 = arith.constant 2 : i32
      %eq3A_403 = vector.broadcast %eq3A_402 : i32 to vector<16xi32>
      %eq3A_404 = arith.cmpi eq, %shift_right_arithmetic3A_384, %eq3A_403 : vector<16xi32>
      %select_n3A_405 = arith.select %eq3A_404, %shift_left3A_391, %broadcast_in_dim3A_3 : vector<16xi1>, vector<16xi32>
      %add3A_406 = arith.addi %add3A_367, %select_n3A_405 : vector<16xi32>
      %eq3A_407 = arith.constant 3 : i32
      %eq3A_408 = vector.broadcast %eq3A_407 : i32 to vector<16xi32>
      %eq3A_409 = arith.cmpi eq, %shift_right_arithmetic3A_384, %eq3A_408 : vector<16xi32>
      %select_n3A_410 = arith.select %eq3A_409, %shift_left3A_391, %broadcast_in_dim3A_3 : vector<16xi1>, vector<16xi32>
      %add3A_411 = arith.addi %add3A_372, %select_n3A_410 : vector<16xi32>
      %mul3A_412 = arith.constant 64 : i32
      %mul3A_413 = arith.muli %mul3A_412, %scan3A_89 : i32
      %add3A_414 = arith.constant 8 : i32
      %add3A_415 = arith.addi %mul3A_413, %add3A_414 : i32
      %mul3A_416 = arith.constant 16 : i32
      %mul3A_417 = arith.muli %add3A_415, %mul3A_416 : i32
      %get3A_418 = arith.index_cast %mul3A_417 : i32 to index
      %get3A_419 = tpu.vector_load %arg4[%get3A_418] {strides = array<i32>} : memref<65536xi32, #tpu.memory_space<vmem>>, vector<16xi32>,
      %get3A_420 = vector.shape_cast %get3A_419 : vector<16xi32> to vector<16xi32>
      %shift_right_arithmetic3A_421 = arith.constant 2 : i32
      %shift_right_arithmetic3A_422 = vector.broadcast %shift_right_arithmetic3A_421 : i32 to vector<16xi32>
      %shift_right_arithmetic3A_423 = arith.shrsi %get3A_420, %shift_right_arithmetic3A_422 : vector<16xi32>
      %and3A_424 = arith.constant 3 : i32
      %and3A_425 = vector.broadcast %and3A_424 : i32 to vector<16xi32>
      %and3A_426 = arith.andi %get3A_420, %and3A_425 : vector<16xi32>
      %shift_left3A_427 = arith.constant 3 : i32
      %shift_left3A_428 = vector.broadcast %shift_left3A_427 : i32 to vector<16xi32>
      %shift_left3A_429 = arith.shli %and3A_426, %shift_left3A_428 : vector<16xi32>
      %shift_left3A_430 = arith.shli %broadcast_in_dim3A_5, %shift_left3A_429 : vector<16xi32>
      %eq3A_431 = arith.constant 0 : i32
      %eq3A_432 = vector.broadcast %eq3A_431 : i32 to vector<16xi32>
      %eq3A_433 = arith.cmpi eq, %shift_right_arithmetic3A_423, %eq3A_432 : vector<16xi32>
      %select_n3A_434 = arith.select %eq3A_433, %shift_left3A_430, %broadcast_in_dim3A_3 : vector<16xi1>, vector<16xi32>
      %add3A_435 = arith.addi %add3A_396, %select_n3A_434 : vector<16xi32>
      %eq3A_436 = arith.constant 1 : i32
      %eq3A_437 = vector.broadcast %eq3A_436 : i32 to vector<16xi32>
      %eq3A_438 = arith.cmpi eq, %shift_right_arithmetic3A_423, %eq3A_437 : vector<16xi32>
      %select_n3A_439 = arith.select %eq3A_438, %shift_left3A_430, %broadcast_in_dim3A_3 : vector<16xi1>, vector<16xi32>
      %add3A_440 = arith.addi %add3A_401, %select_n3A_439 : vector<16xi32>
      %eq3A_441 = arith.constant 2 : i32
      %eq3A_442 = vector.broadcast %eq3A_441 : i32 to vector<16xi32>
      %eq3A_443 = arith.cmpi eq, %shift_right_arithmetic3A_423, %eq3A_442 : vector<16xi32>
      %select_n3A_444 = arith.select %eq3A_443, %shift_left3A_430, %broadcast_in_dim3A_3 : vector<16xi1>, vector<16xi32>
      %add3A_445 = arith.addi %add3A_406, %select_n3A_444 : vector<16xi32>
      %eq3A_446 = arith.constant 3 : i32
      %eq3A_447 = vector.broadcast %eq3A_446 : i32 to vector<16xi32>
      %eq3A_448 = arith.cmpi eq, %shift_right_arithmetic3A_423, %eq3A_447 : vector<16xi32>
      %select_n3A_449 = arith.select %eq3A_448, %shift_left3A_430, %broadcast_in_dim3A_3 : vector<16xi1>, vector<16xi32>
      %add3A_450 = arith.addi %add3A_411, %select_n3A_449 : vector<16xi32>
      %mul3A_451 = arith.constant 64 : i32
      %mul3A_452 = arith.muli %mul3A_451, %scan3A_89 : i32
      %add3A_453 = arith.constant 9 : i32
      %add3A_454 = arith.addi %mul3A_452, %add3A_453 : i32
      %mul3A_455 = arith.constant 16 : i32
      %mul3A_456 = arith.muli %add3A_454, %mul3A_455 : i32
      %get3A_457 = arith.index_cast %mul3A_456 : i32 to index
      %get3A_458 = tpu.vector_load %arg4[%get3A_457] {strides = array<i32>} : memref<65536xi32, #tpu.memory_space<vmem>>, vector<16xi32>,
      %get3A_459 = vector.shape_cast %get3A_458 : vector<16xi32> to vector<16xi32>
      %shift_right_arithmetic3A_460 = arith.constant 2 : i32
      %shift_right_arithmetic3A_461 = vector.broadcast %shift_right_arithmetic3A_460 : i32 to vector<16xi32>
      %shift_right_arithmetic3A_462 = arith.shrsi %get3A_459, %shift_right_arithmetic3A_461 : vector<16xi32>
      %and3A_463 = arith.constant 3 : i32
      %and3A_464 = vector.broadcast %and3A_463 : i32 to vector<16xi32>
      %and3A_465 = arith.andi %get3A_459, %and3A_464 : vector<16xi32>
      %shift_left3A_466 = arith.constant 3 : i32
      %shift_left3A_467 = vector.broadcast %shift_left3A_466 : i32 to vector<16xi32>
      %shift_left3A_468 = arith.shli %and3A_465, %shift_left3A_467 : vector<16xi32>
      %shift_left3A_469 = arith.shli %broadcast_in_dim3A_5, %shift_left3A_468 : vector<16xi32>
      %eq3A_470 = arith.constant 0 : i32
      %eq3A_471 = vector.broadcast %eq3A_470 : i32 to vector<16xi32>
      %eq3A_472 = arith.cmpi eq, %shift_right_arithmetic3A_462, %eq3A_471 : vector<16xi32>
      %select_n3A_473 = arith.select %eq3A_472, %shift_left3A_469, %broadcast_in_dim3A_3 : vector<16xi1>, vector<16xi32>
      %add3A_474 = arith.addi %add3A_435, %select_n3A_473 : vector<16xi32>
      %eq3A_475 = arith.constant 1 : i32
      %eq3A_476 = vector.broadcast %eq3A_475 : i32 to vector<16xi32>
      %eq3A_477 = arith.cmpi eq, %shift_right_arithmetic3A_462, %eq3A_476 : vector<16xi32>
      %select_n3A_478 = arith.select %eq3A_477, %shift_left3A_469, %broadcast_in_dim3A_3 : vector<16xi1>, vector<16xi32>
      %add3A_479 = arith.addi %add3A_440, %select_n3A_478 : vector<16xi32>
      %eq3A_480 = arith.constant 2 : i32
      %eq3A_481 = vector.broadcast %eq3A_480 : i32 to vector<16xi32>
      %eq3A_482 = arith.cmpi eq, %shift_right_arithmetic3A_462, %eq3A_481 : vector<16xi32>
      %select_n3A_483 = arith.select %eq3A_482, %shift_left3A_469, %broadcast_in_dim3A_3 : vector<16xi1>, vector<16xi32>
      %add3A_484 = arith.addi %add3A_445, %select_n3A_483 : vector<16xi32>
      %eq3A_485 = arith.constant 3 : i32
      %eq3A_486 = vector.broadcast %eq3A_485 : i32 to vector<16xi32>
      %eq3A_487 = arith.cmpi eq, %shift_right_arithmetic3A_462, %eq3A_486 : vector<16xi32>
      %select_n3A_488 = arith.select %eq3A_487, %shift_left3A_469, %broadcast_in_dim3A_3 : vector<16xi1>, vector<16xi32>
      %add3A_489 = arith.addi %add3A_450, %select_n3A_488 : vector<16xi32>
      %mul3A_490 = arith.constant 64 : i32
      %mul3A_491 = arith.muli %mul3A_490, %scan3A_89 : i32
      %add3A_492 = arith.constant 10 : i32
      %add3A_493 = arith.addi %mul3A_491, %add3A_492 : i32
      %mul3A_494 = arith.constant 16 : i32
      %mul3A_495 = arith.muli %add3A_493, %mul3A_494 : i32
      %get3A_496 = arith.index_cast %mul3A_495 : i32 to index
      %get3A_497 = tpu.vector_load %arg4[%get3A_496] {strides = array<i32>} : memref<65536xi32, #tpu.memory_space<vmem>>, vector<16xi32>,
      %get3A_498 = vector.shape_cast %get3A_497 : vector<16xi32> to vector<16xi32>
      %shift_right_arithmetic3A_499 = arith.constant 2 : i32
      %shift_right_arithmetic3A_500 = vector.broadcast %shift_right_arithmetic3A_499 : i32 to vector<16xi32>
      %shift_right_arithmetic3A_501 = arith.shrsi %get3A_498, %shift_right_arithmetic3A_500 : vector<16xi32>
      %and3A_502 = arith.constant 3 : i32
      %and3A_503 = vector.broadcast %and3A_502 : i32 to vector<16xi32>
      %and3A_504 = arith.andi %get3A_498, %and3A_503 : vector<16xi32>
      %shift_left3A_505 = arith.constant 3 : i32
      %shift_left3A_506 = vector.broadcast %shift_left3A_505 : i32 to vector<16xi32>
      %shift_left3A_507 = arith.shli %and3A_504, %shift_left3A_506 : vector<16xi32>
      %shift_left3A_508 = arith.shli %broadcast_in_dim3A_5, %shift_left3A_507 : vector<16xi32>
      %eq3A_509 = arith.constant 0 : i32
      %eq3A_510 = vector.broadcast %eq3A_509 : i32 to vector<16xi32>
      %eq3A_511 = arith.cmpi eq, %shift_right_arithmetic3A_501, %eq3A_510 : vector<16xi32>
      %select_n3A_512 = arith.select %eq3A_511, %shift_left3A_508, %broadcast_in_dim3A_3 : vector<16xi1>, vector<16xi32>
      %add3A_513 = arith.addi %add3A_474, %select_n3A_512 : vector<16xi32>
      %eq3A_514 = arith.constant 1 : i32
      %eq3A_515 = vector.broadcast %eq3A_514 : i32 to vector<16xi32>
      %eq3A_516 = arith.cmpi eq, %shift_right_arithmetic3A_501, %eq3A_515 : vector<16xi32>
      %select_n3A_517 = arith.select %eq3A_516, %shift_left3A_508, %broadcast_in_dim3A_3 : vector<16xi1>, vector<16xi32>
      %add3A_518 = arith.addi %add3A_479, %select_n3A_517 : vector<16xi32>
      %eq3A_519 = arith.constant 2 : i32
      %eq3A_520 = vector.broadcast %eq3A_519 : i32 to vector<16xi32>
      %eq3A_521 = arith.cmpi eq, %shift_right_arithmetic3A_501, %eq3A_520 : vector<16xi32>
      %select_n3A_522 = arith.select %eq3A_521, %shift_left3A_508, %broadcast_in_dim3A_3 : vector<16xi1>, vector<16xi32>
      %add3A_523 = arith.addi %add3A_484, %select_n3A_522 : vector<16xi32>
      %eq3A_524 = arith.constant 3 : i32
      %eq3A_525 = vector.broadcast %eq3A_524 : i32 to vector<16xi32>
      %eq3A_526 = arith.cmpi eq, %shift_right_arithmetic3A_501, %eq3A_525 : vector<16xi32>
      %select_n3A_527 = arith.select %eq3A_526, %shift_left3A_508, %broadcast_in_dim3A_3 : vector<16xi1>, vector<16xi32>
      %add3A_528 = arith.addi %add3A_489, %select_n3A_527 : vector<16xi32>
      %mul3A_529 = arith.constant 64 : i32
      %mul3A_530 = arith.muli %mul3A_529, %scan3A_89 : i32
      %add3A_531 = arith.constant 11 : i32
      %add3A_532 = arith.addi %mul3A_530, %add3A_531 : i32
      %mul3A_533 = arith.constant 16 : i32
      %mul3A_534 = arith.muli %add3A_532, %mul3A_533 : i32
      %get3A_535 = arith.index_cast %mul3A_534 : i32 to index
      %get3A_536 = tpu.vector_load %arg4[%get3A_535] {strides = array<i32>} : memref<65536xi32, #tpu.memory_space<vmem>>, vector<16xi32>,
      %get3A_537 = vector.shape_cast %get3A_536 : vector<16xi32> to vector<16xi32>
      %shift_right_arithmetic3A_538 = arith.constant 2 : i32
      %shift_right_arithmetic3A_539 = vector.broadcast %shift_right_arithmetic3A_538 : i32 to vector<16xi32>
      %shift_right_arithmetic3A_540 = arith.shrsi %get3A_537, %shift_right_arithmetic3A_539 : vector<16xi32>
      %and3A_541 = arith.constant 3 : i32
      %and3A_542 = vector.broadcast %and3A_541 : i32 to vector<16xi32>
      %and3A_543 = arith.andi %get3A_537, %and3A_542 : vector<16xi32>
      %shift_left3A_544 = arith.constant 3 : i32
      %shift_left3A_545 = vector.broadcast %shift_left3A_544 : i32 to vector<16xi32>
      %shift_left3A_546 = arith.shli %and3A_543, %shift_left3A_545 : vector<16xi32>
      %shift_left3A_547 = arith.shli %broadcast_in_dim3A_5, %shift_left3A_546 : vector<16xi32>
      %eq3A_548 = arith.constant 0 : i32
      %eq3A_549 = vector.broadcast %eq3A_548 : i32 to vector<16xi32>
      %eq3A_550 = arith.cmpi eq, %shift_right_arithmetic3A_540, %eq3A_549 : vector<16xi32>
      %select_n3A_551 = arith.select %eq3A_550, %shift_left3A_547, %broadcast_in_dim3A_3 : vector<16xi1>, vector<16xi32>
      %add3A_552 = arith.addi %add3A_513, %select_n3A_551 : vector<16xi32>
      %eq3A_553 = arith.constant 1 : i32
      %eq3A_554 = vector.broadcast %eq3A_553 : i32 to vector<16xi32>
      %eq3A_555 = arith.cmpi eq, %shift_right_arithmetic3A_540, %eq3A_554 : vector<16xi32>
      %select_n3A_556 = arith.select %eq3A_555, %shift_left3A_547, %broadcast_in_dim3A_3 : vector<16xi1>, vector<16xi32>
      %add3A_557 = arith.addi %add3A_518, %select_n3A_556 : vector<16xi32>
      %eq3A_558 = arith.constant 2 : i32
      %eq3A_559 = vector.broadcast %eq3A_558 : i32 to vector<16xi32>
      %eq3A_560 = arith.cmpi eq, %shift_right_arithmetic3A_540, %eq3A_559 : vector<16xi32>
      %select_n3A_561 = arith.select %eq3A_560, %shift_left3A_547, %broadcast_in_dim3A_3 : vector<16xi1>, vector<16xi32>
      %add3A_562 = arith.addi %add3A_523, %select_n3A_561 : vector<16xi32>
      %eq3A_563 = arith.constant 3 : i32
      %eq3A_564 = vector.broadcast %eq3A_563 : i32 to vector<16xi32>
      %eq3A_565 = arith.cmpi eq, %shift_right_arithmetic3A_540, %eq3A_564 : vector<16xi32>
      %select_n3A_566 = arith.select %eq3A_565, %shift_left3A_547, %broadcast_in_dim3A_3 : vector<16xi1>, vector<16xi32>
      %add3A_567 = arith.addi %add3A_528, %select_n3A_566 : vector<16xi32>
      %mul3A_568 = arith.constant 64 : i32
      %mul3A_569 = arith.muli %mul3A_568, %scan3A_89 : i32
      %add3A_570 = arith.constant 12 : i32
      %add3A_571 = arith.addi %mul3A_569, %add3A_570 : i32
      %mul3A_572 = arith.constant 16 : i32
      %mul3A_573 = arith.muli %add3A_571, %mul3A_572 : i32
      %get3A_574 = arith.index_cast %mul3A_573 : i32 to index
      %get3A_575 = tpu.vector_load %arg4[%get3A_574] {strides = array<i32>} : memref<65536xi32, #tpu.memory_space<vmem>>, vector<16xi32>,
      %get3A_576 = vector.shape_cast %get3A_575 : vector<16xi32> to vector<16xi32>
      %shift_right_arithmetic3A_577 = arith.constant 2 : i32
      %shift_right_arithmetic3A_578 = vector.broadcast %shift_right_arithmetic3A_577 : i32 to vector<16xi32>
      %shift_right_arithmetic3A_579 = arith.shrsi %get3A_576, %shift_right_arithmetic3A_578 : vector<16xi32>
      %and3A_580 = arith.constant 3 : i32
      %and3A_581 = vector.broadcast %and3A_580 : i32 to vector<16xi32>
      %and3A_582 = arith.andi %get3A_576, %and3A_581 : vector<16xi32>
      %shift_left3A_583 = arith.constant 3 : i32
      %shift_left3A_584 = vector.broadcast %shift_left3A_583 : i32 to vector<16xi32>
      %shift_left3A_585 = arith.shli %and3A_582, %shift_left3A_584 : vector<16xi32>
      %shift_left3A_586 = arith.shli %broadcast_in_dim3A_5, %shift_left3A_585 : vector<16xi32>
      %eq3A_587 = arith.constant 0 : i32
      %eq3A_588 = vector.broadcast %eq3A_587 : i32 to vector<16xi32>
      %eq3A_589 = arith.cmpi eq, %shift_right_arithmetic3A_579, %eq3A_588 : vector<16xi32>
      %select_n3A_590 = arith.select %eq3A_589, %shift_left3A_586, %broadcast_in_dim3A_3 : vector<16xi1>, vector<16xi32>
      %add3A_591 = arith.addi %add3A_552, %select_n3A_590 : vector<16xi32>
      %eq3A_592 = arith.constant 1 : i32
      %eq3A_593 = vector.broadcast %eq3A_592 : i32 to vector<16xi32>
      %eq3A_594 = arith.cmpi eq, %shift_right_arithmetic3A_579, %eq3A_593 : vector<16xi32>
      %select_n3A_595 = arith.select %eq3A_594, %shift_left3A_586, %broadcast_in_dim3A_3 : vector<16xi1>, vector<16xi32>
      %add3A_596 = arith.addi %add3A_557, %select_n3A_595 : vector<16xi32>
      %eq3A_597 = arith.constant 2 : i32
      %eq3A_598 = vector.broadcast %eq3A_597 : i32 to vector<16xi32>
      %eq3A_599 = arith.cmpi eq, %shift_right_arithmetic3A_579, %eq3A_598 : vector<16xi32>
      %select_n3A_600 = arith.select %eq3A_599, %shift_left3A_586, %broadcast_in_dim3A_3 : vector<16xi1>, vector<16xi32>
      %add3A_601 = arith.addi %add3A_562, %select_n3A_600 : vector<16xi32>
      %eq3A_602 = arith.constant 3 : i32
      %eq3A_603 = vector.broadcast %eq3A_602 : i32 to vector<16xi32>
      %eq3A_604 = arith.cmpi eq, %shift_right_arithmetic3A_579, %eq3A_603 : vector<16xi32>
      %select_n3A_605 = arith.select %eq3A_604, %shift_left3A_586, %broadcast_in_dim3A_3 : vector<16xi1>, vector<16xi32>
      %add3A_606 = arith.addi %add3A_567, %select_n3A_605 : vector<16xi32>
      %mul3A_607 = arith.constant 64 : i32
      %mul3A_608 = arith.muli %mul3A_607, %scan3A_89 : i32
      %add3A_609 = arith.constant 13 : i32
      %add3A_610 = arith.addi %mul3A_608, %add3A_609 : i32
      %mul3A_611 = arith.constant 16 : i32
      %mul3A_612 = arith.muli %add3A_610, %mul3A_611 : i32
      %get3A_613 = arith.index_cast %mul3A_612 : i32 to index
      %get3A_614 = tpu.vector_load %arg4[%get3A_613] {strides = array<i32>} : memref<65536xi32, #tpu.memory_space<vmem>>, vector<16xi32>,
      %get3A_615 = vector.shape_cast %get3A_614 : vector<16xi32> to vector<16xi32>
      %shift_right_arithmetic3A_616 = arith.constant 2 : i32
      %shift_right_arithmetic3A_617 = vector.broadcast %shift_right_arithmetic3A_616 : i32 to vector<16xi32>
      %shift_right_arithmetic3A_618 = arith.shrsi %get3A_615, %shift_right_arithmetic3A_617 : vector<16xi32>
      %and3A_619 = arith.constant 3 : i32
      %and3A_620 = vector.broadcast %and3A_619 : i32 to vector<16xi32>
      %and3A_621 = arith.andi %get3A_615, %and3A_620 : vector<16xi32>
      %shift_left3A_622 = arith.constant 3 : i32
      %shift_left3A_623 = vector.broadcast %shift_left3A_622 : i32 to vector<16xi32>
      %shift_left3A_624 = arith.shli %and3A_621, %shift_left3A_623 : vector<16xi32>
      %shift_left3A_625 = arith.shli %broadcast_in_dim3A_5, %shift_left3A_624 : vector<16xi32>
      %eq3A_626 = arith.constant 0 : i32
      %eq3A_627 = vector.broadcast %eq3A_626 : i32 to vector<16xi32>
      %eq3A_628 = arith.cmpi eq, %shift_right_arithmetic3A_618, %eq3A_627 : vector<16xi32>
      %select_n3A_629 = arith.select %eq3A_628, %shift_left3A_625, %broadcast_in_dim3A_3 : vector<16xi1>, vector<16xi32>
      %add3A_630 = arith.addi %add3A_591, %select_n3A_629 : vector<16xi32>
      %eq3A_631 = arith.constant 1 : i32
      %eq3A_632 = vector.broadcast %eq3A_631 : i32 to vector<16xi32>
      %eq3A_633 = arith.cmpi eq, %shift_right_arithmetic3A_618, %eq3A_632 : vector<16xi32>
      %select_n3A_634 = arith.select %eq3A_633, %shift_left3A_625, %broadcast_in_dim3A_3 : vector<16xi1>, vector<16xi32>
      %add3A_635 = arith.addi %add3A_596, %select_n3A_634 : vector<16xi32>
      %eq3A_636 = arith.constant 2 : i32
      %eq3A_637 = vector.broadcast %eq3A_636 : i32 to vector<16xi32>
      %eq3A_638 = arith.cmpi eq, %shift_right_arithmetic3A_618, %eq3A_637 : vector<16xi32>
      %select_n3A_639 = arith.select %eq3A_638, %shift_left3A_625, %broadcast_in_dim3A_3 : vector<16xi1>, vector<16xi32>
      %add3A_640 = arith.addi %add3A_601, %select_n3A_639 : vector<16xi32>
      %eq3A_641 = arith.constant 3 : i32
      %eq3A_642 = vector.broadcast %eq3A_641 : i32 to vector<16xi32>
      %eq3A_643 = arith.cmpi eq, %shift_right_arithmetic3A_618, %eq3A_642 : vector<16xi32>
      %select_n3A_644 = arith.select %eq3A_643, %shift_left3A_625, %broadcast_in_dim3A_3 : vector<16xi1>, vector<16xi32>
      %add3A_645 = arith.addi %add3A_606, %select_n3A_644 : vector<16xi32>
      %mul3A_646 = arith.constant 64 : i32
      %mul3A_647 = arith.muli %mul3A_646, %scan3A_89 : i32
      %add3A_648 = arith.constant 14 : i32
      %add3A_649 = arith.addi %mul3A_647, %add3A_648 : i32
      %mul3A_650 = arith.constant 16 : i32
      %mul3A_651 = arith.muli %add3A_649, %mul3A_650 : i32
      %get3A_652 = arith.index_cast %mul3A_651 : i32 to index
      %get3A_653 = tpu.vector_load %arg4[%get3A_652] {strides = array<i32>} : memref<65536xi32, #tpu.memory_space<vmem>>, vector<16xi32>,
      %get3A_654 = vector.shape_cast %get3A_653 : vector<16xi32> to vector<16xi32>
      %shift_right_arithmetic3A_655 = arith.constant 2 : i32
      %shift_right_arithmetic3A_656 = vector.broadcast %shift_right_arithmetic3A_655 : i32 to vector<16xi32>
      %shift_right_arithmetic3A_657 = arith.shrsi %get3A_654, %shift_right_arithmetic3A_656 : vector<16xi32>
      %and3A_658 = arith.constant 3 : i32
      %and3A_659 = vector.broadcast %and3A_658 : i32 to vector<16xi32>
      %and3A_660 = arith.andi %get3A_654, %and3A_659 : vector<16xi32>
      %shift_left3A_661 = arith.constant 3 : i32
      %shift_left3A_662 = vector.broadcast %shift_left3A_661 : i32 to vector<16xi32>
      %shift_left3A_663 = arith.shli %and3A_660, %shift_left3A_662 : vector<16xi32>
      %shift_left3A_664 = arith.shli %broadcast_in_dim3A_5, %shift_left3A_663 : vector<16xi32>
      %eq3A_665 = arith.constant 0 : i32
      %eq3A_666 = vector.broadcast %eq3A_665 : i32 to vector<16xi32>
      %eq3A_667 = arith.cmpi eq, %shift_right_arithmetic3A_657, %eq3A_666 : vector<16xi32>
      %select_n3A_668 = arith.select %eq3A_667, %shift_left3A_664, %broadcast_in_dim3A_3 : vector<16xi1>, vector<16xi32>
      %add3A_669 = arith.addi %add3A_630, %select_n3A_668 : vector<16xi32>
      %eq3A_670 = arith.constant 1 : i32
      %eq3A_671 = vector.broadcast %eq3A_670 : i32 to vector<16xi32>
      %eq3A_672 = arith.cmpi eq, %shift_right_arithmetic3A_657, %eq3A_671 : vector<16xi32>
      %select_n3A_673 = arith.select %eq3A_672, %shift_left3A_664, %broadcast_in_dim3A_3 : vector<16xi1>, vector<16xi32>
      %add3A_674 = arith.addi %add3A_635, %select_n3A_673 : vector<16xi32>
      %eq3A_675 = arith.constant 2 : i32
      %eq3A_676 = vector.broadcast %eq3A_675 : i32 to vector<16xi32>
      %eq3A_677 = arith.cmpi eq, %shift_right_arithmetic3A_657, %eq3A_676 : vector<16xi32>
      %select_n3A_678 = arith.select %eq3A_677, %shift_left3A_664, %broadcast_in_dim3A_3 : vector<16xi1>, vector<16xi32>
      %add3A_679 = arith.addi %add3A_640, %select_n3A_678 : vector<16xi32>
      %eq3A_680 = arith.constant 3 : i32
      %eq3A_681 = vector.broadcast %eq3A_680 : i32 to vector<16xi32>
      %eq3A_682 = arith.cmpi eq, %shift_right_arithmetic3A_657, %eq3A_681 : vector<16xi32>
      %select_n3A_683 = arith.select %eq3A_682, %shift_left3A_664, %broadcast_in_dim3A_3 : vector<16xi1>, vector<16xi32>
      %add3A_684 = arith.addi %add3A_645, %select_n3A_683 : vector<16xi32>
      %mul3A_685 = arith.constant 64 : i32
      %mul3A_686 = arith.muli %mul3A_685, %scan3A_89 : i32
      %add3A_687 = arith.constant 15 : i32
      %add3A_688 = arith.addi %mul3A_686, %add3A_687 : i32
      %mul3A_689 = arith.constant 16 : i32
      %mul3A_690 = arith.muli %add3A_688, %mul3A_689 : i32
      %get3A_691 = arith.index_cast %mul3A_690 : i32 to index
      %get3A_692 = tpu.vector_load %arg4[%get3A_691] {strides = array<i32>} : memref<65536xi32, #tpu.memory_space<vmem>>, vector<16xi32>,
      %get3A_693 = vector.shape_cast %get3A_692 : vector<16xi32> to vector<16xi32>
      %shift_right_arithmetic3A_694 = arith.constant 2 : i32
      %shift_right_arithmetic3A_695 = vector.broadcast %shift_right_arithmetic3A_694 : i32 to vector<16xi32>
      %shift_right_arithmetic3A_696 = arith.shrsi %get3A_693, %shift_right_arithmetic3A_695 : vector<16xi32>
      %and3A_697 = arith.constant 3 : i32
      %and3A_698 = vector.broadcast %and3A_697 : i32 to vector<16xi32>
      %and3A_699 = arith.andi %get3A_693, %and3A_698 : vector<16xi32>
      %shift_left3A_700 = arith.constant 3 : i32
      %shift_left3A_701 = vector.broadcast %shift_left3A_700 : i32 to vector<16xi32>
      %shift_left3A_702 = arith.shli %and3A_699, %shift_left3A_701 : vector<16xi32>
      %shift_left3A_703 = arith.shli %broadcast_in_dim3A_5, %shift_left3A_702 : vector<16xi32>
      %eq3A_704 = arith.constant 0 : i32
      %eq3A_705 = vector.broadcast %eq3A_704 : i32 to vector<16xi32>
      %eq3A_706 = arith.cmpi eq, %shift_right_arithmetic3A_696, %eq3A_705 : vector<16xi32>
      %select_n3A_707 = arith.select %eq3A_706, %shift_left3A_703, %broadcast_in_dim3A_3 : vector<16xi1>, vector<16xi32>
      %add3A_708 = arith.addi %add3A_669, %select_n3A_707 : vector<16xi32>
      %eq3A_709 = arith.constant 1 : i32
      %eq3A_710 = vector.broadcast %eq3A_709 : i32 to vector<16xi32>
      %eq3A_711 = arith.cmpi eq, %shift_right_arithmetic3A_696, %eq3A_710 : vector<16xi32>
      %select_n3A_712 = arith.select %eq3A_711, %shift_left3A_703, %broadcast_in_dim3A_3 : vector<16xi1>, vector<16xi32>
      %add3A_713 = arith.addi %add3A_674, %select_n3A_712 : vector<16xi32>
      %eq3A_714 = arith.constant 2 : i32
      %eq3A_715 = vector.broadcast %eq3A_714 : i32 to vector<16xi32>
      %eq3A_716 = arith.cmpi eq, %shift_right_arithmetic3A_696, %eq3A_715 : vector<16xi32>
      %select_n3A_717 = arith.select %eq3A_716, %shift_left3A_703, %broadcast_in_dim3A_3 : vector<16xi1>, vector<16xi32>
      %add3A_718 = arith.addi %add3A_679, %select_n3A_717 : vector<16xi32>
      %eq3A_719 = arith.constant 3 : i32
      %eq3A_720 = vector.broadcast %eq3A_719 : i32 to vector<16xi32>
      %eq3A_721 = arith.cmpi eq, %shift_right_arithmetic3A_696, %eq3A_720 : vector<16xi32>
      %select_n3A_722 = arith.select %eq3A_721, %shift_left3A_703, %broadcast_in_dim3A_3 : vector<16xi1>, vector<16xi32>
      %add3A_723 = arith.addi %add3A_684, %select_n3A_722 : vector<16xi32>
      %mul3A_724 = arith.constant 64 : i32
      %mul3A_725 = arith.muli %mul3A_724, %scan3A_89 : i32
      %add3A_726 = arith.constant 16 : i32
      %add3A_727 = arith.addi %mul3A_725, %add3A_726 : i32
      %mul3A_728 = arith.constant 16 : i32
      %mul3A_729 = arith.muli %add3A_727, %mul3A_728 : i32
      %get3A_730 = arith.index_cast %mul3A_729 : i32 to index
      %get3A_731 = tpu.vector_load %arg4[%get3A_730] {strides = array<i32>} : memref<65536xi32, #tpu.memory_space<vmem>>, vector<16xi32>,
      %get3A_732 = vector.shape_cast %get3A_731 : vector<16xi32> to vector<16xi32>
      %shift_right_arithmetic3A_733 = arith.constant 2 : i32
      %shift_right_arithmetic3A_734 = vector.broadcast %shift_right_arithmetic3A_733 : i32 to vector<16xi32>
      %shift_right_arithmetic3A_735 = arith.shrsi %get3A_732, %shift_right_arithmetic3A_734 : vector<16xi32>
      %and3A_736 = arith.constant 3 : i32
      %and3A_737 = vector.broadcast %and3A_736 : i32 to vector<16xi32>
      %and3A_738 = arith.andi %get3A_732, %and3A_737 : vector<16xi32>
      %shift_left3A_739 = arith.constant 3 : i32
      %shift_left3A_740 = vector.broadcast %shift_left3A_739 : i32 to vector<16xi32>
      %shift_left3A_741 = arith.shli %and3A_738, %shift_left3A_740 : vector<16xi32>
      %shift_left3A_742 = arith.shli %broadcast_in_dim3A_5, %shift_left3A_741 : vector<16xi32>
      %eq3A_743 = arith.constant 0 : i32
      %eq3A_744 = vector.broadcast %eq3A_743 : i32 to vector<16xi32>
      %eq3A_745 = arith.cmpi eq, %shift_right_arithmetic3A_735, %eq3A_744 : vector<16xi32>
      %select_n3A_746 = arith.select %eq3A_745, %shift_left3A_742, %broadcast_in_dim3A_3 : vector<16xi1>, vector<16xi32>
      %add3A_747 = arith.addi %add3A_708, %select_n3A_746 : vector<16xi32>
      %eq3A_748 = arith.constant 1 : i32
      %eq3A_749 = vector.broadcast %eq3A_748 : i32 to vector<16xi32>
      %eq3A_750 = arith.cmpi eq, %shift_right_arithmetic3A_735, %eq3A_749 : vector<16xi32>
      %select_n3A_751 = arith.select %eq3A_750, %shift_left3A_742, %broadcast_in_dim3A_3 : vector<16xi1>, vector<16xi32>
      %add3A_752 = arith.addi %add3A_713, %select_n3A_751 : vector<16xi32>
      %eq3A_753 = arith.constant 2 : i32
      %eq3A_754 = vector.broadcast %eq3A_753 : i32 to vector<16xi32>
      %eq3A_755 = arith.cmpi eq, %shift_right_arithmetic3A_735, %eq3A_754 : vector<16xi32>
      %select_n3A_756 = arith.select %eq3A_755, %shift_left3A_742, %broadcast_in_dim3A_3 : vector<16xi1>, vector<16xi32>
      %add3A_757 = arith.addi %add3A_718, %select_n3A_756 : vector<16xi32>
      %eq3A_758 = arith.constant 3 : i32
      %eq3A_759 = vector.broadcast %eq3A_758 : i32 to vector<16xi32>
      %eq3A_760 = arith.cmpi eq, %shift_right_arithmetic3A_735, %eq3A_759 : vector<16xi32>
      %select_n3A_761 = arith.select %eq3A_760, %shift_left3A_742, %broadcast_in_dim3A_3 : vector<16xi1>, vector<16xi32>
      %add3A_762 = arith.addi %add3A_723, %select_n3A_761 : vector<16xi32>
      %mul3A_763 = arith.constant 64 : i32
      %mul3A_764 = arith.muli %mul3A_763, %scan3A_89 : i32
      %add3A_765 = arith.constant 17 : i32
      %add3A_766 = arith.addi %mul3A_764, %add3A_765 : i32
      %mul3A_767 = arith.constant 16 : i32
      %mul3A_768 = arith.muli %add3A_766, %mul3A_767 : i32
      %get3A_769 = arith.index_cast %mul3A_768 : i32 to index
      %get3A_770 = tpu.vector_load %arg4[%get3A_769] {strides = array<i32>} : memref<65536xi32, #tpu.memory_space<vmem>>, vector<16xi32>,
      %get3A_771 = vector.shape_cast %get3A_770 : vector<16xi32> to vector<16xi32>
      %shift_right_arithmetic3A_772 = arith.constant 2 : i32
      %shift_right_arithmetic3A_773 = vector.broadcast %shift_right_arithmetic3A_772 : i32 to vector<16xi32>
      %shift_right_arithmetic3A_774 = arith.shrsi %get3A_771, %shift_right_arithmetic3A_773 : vector<16xi32>
      %and3A_775 = arith.constant 3 : i32
      %and3A_776 = vector.broadcast %and3A_775 : i32 to vector<16xi32>
      %and3A_777 = arith.andi %get3A_771, %and3A_776 : vector<16xi32>
      %shift_left3A_778 = arith.constant 3 : i32
      %shift_left3A_779 = vector.broadcast %shift_left3A_778 : i32 to vector<16xi32>
      %shift_left3A_780 = arith.shli %and3A_777, %shift_left3A_779 : vector<16xi32>
      %shift_left3A_781 = arith.shli %broadcast_in_dim3A_5, %shift_left3A_780 : vector<16xi32>
      %eq3A_782 = arith.constant 0 : i32
      %eq3A_783 = vector.broadcast %eq3A_782 : i32 to vector<16xi32>
      %eq3A_784 = arith.cmpi eq, %shift_right_arithmetic3A_774, %eq3A_783 : vector<16xi32>
      %select_n3A_785 = arith.select %eq3A_784, %shift_left3A_781, %broadcast_in_dim3A_3 : vector<16xi1>, vector<16xi32>
      %add3A_786 = arith.addi %add3A_747, %select_n3A_785 : vector<16xi32>
      %eq3A_787 = arith.constant 1 : i32
      %eq3A_788 = vector.broadcast %eq3A_787 : i32 to vector<16xi32>
      %eq3A_789 = arith.cmpi eq, %shift_right_arithmetic3A_774, %eq3A_788 : vector<16xi32>
      %select_n3A_790 = arith.select %eq3A_789, %shift_left3A_781, %broadcast_in_dim3A_3 : vector<16xi1>, vector<16xi32>
      %add3A_791 = arith.addi %add3A_752, %select_n3A_790 : vector<16xi32>
      %eq3A_792 = arith.constant 2 : i32
      %eq3A_793 = vector.broadcast %eq3A_792 : i32 to vector<16xi32>
      %eq3A_794 = arith.cmpi eq, %shift_right_arithmetic3A_774, %eq3A_793 : vector<16xi32>
      %select_n3A_795 = arith.select %eq3A_794, %shift_left3A_781, %broadcast_in_dim3A_3 : vector<16xi1>, vector<16xi32>
      %add3A_796 = arith.addi %add3A_757, %select_n3A_795 : vector<16xi32>
      %eq3A_797 = arith.constant 3 : i32
      %eq3A_798 = vector.broadcast %eq3A_797 : i32 to vector<16xi32>
      %eq3A_799 = arith.cmpi eq, %shift_right_arithmetic3A_774, %eq3A_798 : vector<16xi32>
      %select_n3A_800 = arith.select %eq3A_799, %shift_left3A_781, %broadcast_in_dim3A_3 : vector<16xi1>, vector<16xi32>
      %add3A_801 = arith.addi %add3A_762, %select_n3A_800 : vector<16xi32>
      %mul3A_802 = arith.constant 64 : i32
      %mul3A_803 = arith.muli %mul3A_802, %scan3A_89 : i32
      %add3A_804 = arith.constant 18 : i32
      %add3A_805 = arith.addi %mul3A_803, %add3A_804 : i32
      %mul3A_806 = arith.constant 16 : i32
      %mul3A_807 = arith.muli %add3A_805, %mul3A_806 : i32
      %get3A_808 = arith.index_cast %mul3A_807 : i32 to index
      %get3A_809 = tpu.vector_load %arg4[%get3A_808] {strides = array<i32>} : memref<65536xi32, #tpu.memory_space<vmem>>, vector<16xi32>,
      %get3A_810 = vector.shape_cast %get3A_809 : vector<16xi32> to vector<16xi32>
      %shift_right_arithmetic3A_811 = arith.constant 2 : i32
      %shift_right_arithmetic3A_812 = vector.broadcast %shift_right_arithmetic3A_811 : i32 to vector<16xi32>
      %shift_right_arithmetic3A_813 = arith.shrsi %get3A_810, %shift_right_arithmetic3A_812 : vector<16xi32>
      %and3A_814 = arith.constant 3 : i32
      %and3A_815 = vector.broadcast %and3A_814 : i32 to vector<16xi32>
      %and3A_816 = arith.andi %get3A_810, %and3A_815 : vector<16xi32>
      %shift_left3A_817 = arith.constant 3 : i32
      %shift_left3A_818 = vector.broadcast %shift_left3A_817 : i32 to vector<16xi32>
      %shift_left3A_819 = arith.shli %and3A_816, %shift_left3A_818 : vector<16xi32>
      %shift_left3A_820 = arith.shli %broadcast_in_dim3A_5, %shift_left3A_819 : vector<16xi32>
      %eq3A_821 = arith.constant 0 : i32
      %eq3A_822 = vector.broadcast %eq3A_821 : i32 to vector<16xi32>
      %eq3A_823 = arith.cmpi eq, %shift_right_arithmetic3A_813, %eq3A_822 : vector<16xi32>
      %select_n3A_824 = arith.select %eq3A_823, %shift_left3A_820, %broadcast_in_dim3A_3 : vector<16xi1>, vector<16xi32>
      %add3A_825 = arith.addi %add3A_786, %select_n3A_824 : vector<16xi32>
      %eq3A_826 = arith.constant 1 : i32
      %eq3A_827 = vector.broadcast %eq3A_826 : i32 to vector<16xi32>
      %eq3A_828 = arith.cmpi eq, %shift_right_arithmetic3A_813, %eq3A_827 : vector<16xi32>
      %select_n3A_829 = arith.select %eq3A_828, %shift_left3A_820, %broadcast_in_dim3A_3 : vector<16xi1>, vector<16xi32>
      %add3A_830 = arith.addi %add3A_791, %select_n3A_829 : vector<16xi32>
      %eq3A_831 = arith.constant 2 : i32
      %eq3A_832 = vector.broadcast %eq3A_831 : i32 to vector<16xi32>
      %eq3A_833 = arith.cmpi eq, %shift_right_arithmetic3A_813, %eq3A_832 : vector<16xi32>
      %select_n3A_834 = arith.select %eq3A_833, %shift_left3A_820, %broadcast_in_dim3A_3 : vector<16xi1>, vector<16xi32>
      %add3A_835 = arith.addi %add3A_796, %select_n3A_834 : vector<16xi32>
      %eq3A_836 = arith.constant 3 : i32
      %eq3A_837 = vector.broadcast %eq3A_836 : i32 to vector<16xi32>
      %eq3A_838 = arith.cmpi eq, %shift_right_arithmetic3A_813, %eq3A_837 : vector<16xi32>
      %select_n3A_839 = arith.select %eq3A_838, %shift_left3A_820, %broadcast_in_dim3A_3 : vector<16xi1>, vector<16xi32>
      %add3A_840 = arith.addi %add3A_801, %select_n3A_839 : vector<16xi32>
      %mul3A_841 = arith.constant 64 : i32
      %mul3A_842 = arith.muli %mul3A_841, %scan3A_89 : i32
      %add3A_843 = arith.constant 19 : i32
      %add3A_844 = arith.addi %mul3A_842, %add3A_843 : i32
      %mul3A_845 = arith.constant 16 : i32
      %mul3A_846 = arith.muli %add3A_844, %mul3A_845 : i32
      %get3A_847 = arith.index_cast %mul3A_846 : i32 to index
      %get3A_848 = tpu.vector_load %arg4[%get3A_847] {strides = array<i32>} : memref<65536xi32, #tpu.memory_space<vmem>>, vector<16xi32>,
      %get3A_849 = vector.shape_cast %get3A_848 : vector<16xi32> to vector<16xi32>
      %shift_right_arithmetic3A_850 = arith.constant 2 : i32
      %shift_right_arithmetic3A_851 = vector.broadcast %shift_right_arithmetic3A_850 : i32 to vector<16xi32>
      %shift_right_arithmetic3A_852 = arith.shrsi %get3A_849, %shift_right_arithmetic3A_851 : vector<16xi32>
      %and3A_853 = arith.constant 3 : i32
      %and3A_854 = vector.broadcast %and3A_853 : i32 to vector<16xi32>
      %and3A_855 = arith.andi %get3A_849, %and3A_854 : vector<16xi32>
      %shift_left3A_856 = arith.constant 3 : i32
      %shift_left3A_857 = vector.broadcast %shift_left3A_856 : i32 to vector<16xi32>
      %shift_left3A_858 = arith.shli %and3A_855, %shift_left3A_857 : vector<16xi32>
      %shift_left3A_859 = arith.shli %broadcast_in_dim3A_5, %shift_left3A_858 : vector<16xi32>
      %eq3A_860 = arith.constant 0 : i32
      %eq3A_861 = vector.broadcast %eq3A_860 : i32 to vector<16xi32>
      %eq3A_862 = arith.cmpi eq, %shift_right_arithmetic3A_852, %eq3A_861 : vector<16xi32>
      %select_n3A_863 = arith.select %eq3A_862, %shift_left3A_859, %broadcast_in_dim3A_3 : vector<16xi1>, vector<16xi32>
      %add3A_864 = arith.addi %add3A_825, %select_n3A_863 : vector<16xi32>
      %eq3A_865 = arith.constant 1 : i32
      %eq3A_866 = vector.broadcast %eq3A_865 : i32 to vector<16xi32>
      %eq3A_867 = arith.cmpi eq, %shift_right_arithmetic3A_852, %eq3A_866 : vector<16xi32>
      %select_n3A_868 = arith.select %eq3A_867, %shift_left3A_859, %broadcast_in_dim3A_3 : vector<16xi1>, vector<16xi32>
      %add3A_869 = arith.addi %add3A_830, %select_n3A_868 : vector<16xi32>
      %eq3A_870 = arith.constant 2 : i32
      %eq3A_871 = vector.broadcast %eq3A_870 : i32 to vector<16xi32>
      %eq3A_872 = arith.cmpi eq, %shift_right_arithmetic3A_852, %eq3A_871 : vector<16xi32>
      %select_n3A_873 = arith.select %eq3A_872, %shift_left3A_859, %broadcast_in_dim3A_3 : vector<16xi1>, vector<16xi32>
      %add3A_874 = arith.addi %add3A_835, %select_n3A_873 : vector<16xi32>
      %eq3A_875 = arith.constant 3 : i32
      %eq3A_876 = vector.broadcast %eq3A_875 : i32 to vector<16xi32>
      %eq3A_877 = arith.cmpi eq, %shift_right_arithmetic3A_852, %eq3A_876 : vector<16xi32>
      %select_n3A_878 = arith.select %eq3A_877, %shift_left3A_859, %broadcast_in_dim3A_3 : vector<16xi1>, vector<16xi32>
      %add3A_879 = arith.addi %add3A_840, %select_n3A_878 : vector<16xi32>
      %mul3A_880 = arith.constant 64 : i32
      %mul3A_881 = arith.muli %mul3A_880, %scan3A_89 : i32
      %add3A_882 = arith.constant 20 : i32
      %add3A_883 = arith.addi %mul3A_881, %add3A_882 : i32
      %mul3A_884 = arith.constant 16 : i32
      %mul3A_885 = arith.muli %add3A_883, %mul3A_884 : i32
      %get3A_886 = arith.index_cast %mul3A_885 : i32 to index
      %get3A_887 = tpu.vector_load %arg4[%get3A_886] {strides = array<i32>} : memref<65536xi32, #tpu.memory_space<vmem>>, vector<16xi32>,
      %get3A_888 = vector.shape_cast %get3A_887 : vector<16xi32> to vector<16xi32>
      %shift_right_arithmetic3A_889 = arith.constant 2 : i32
      %shift_right_arithmetic3A_890 = vector.broadcast %shift_right_arithmetic3A_889 : i32 to vector<16xi32>
      %shift_right_arithmetic3A_891 = arith.shrsi %get3A_888, %shift_right_arithmetic3A_890 : vector<16xi32>
      %and3A_892 = arith.constant 3 : i32
      %and3A_893 = vector.broadcast %and3A_892 : i32 to vector<16xi32>
      %and3A_894 = arith.andi %get3A_888, %and3A_893 : vector<16xi32>
      %shift_left3A_895 = arith.constant 3 : i32
      %shift_left3A_896 = vector.broadcast %shift_left3A_895 : i32 to vector<16xi32>
      %shift_left3A_897 = arith.shli %and3A_894, %shift_left3A_896 : vector<16xi32>
      %shift_left3A_898 = arith.shli %broadcast_in_dim3A_5, %shift_left3A_897 : vector<16xi32>
      %eq3A_899 = arith.constant 0 : i32
      %eq3A_900 = vector.broadcast %eq3A_899 : i32 to vector<16xi32>
      %eq3A_901 = arith.cmpi eq, %shift_right_arithmetic3A_891, %eq3A_900 : vector<16xi32>
      %select_n3A_902 = arith.select %eq3A_901, %shift_left3A_898, %broadcast_in_dim3A_3 : vector<16xi1>, vector<16xi32>
      %add3A_903 = arith.addi %add3A_864, %select_n3A_902 : vector<16xi32>
      %eq3A_904 = arith.constant 1 : i32
      %eq3A_905 = vector.broadcast %eq3A_904 : i32 to vector<16xi32>
      %eq3A_906 = arith.cmpi eq, %shift_right_arithmetic3A_891, %eq3A_905 : vector<16xi32>
      %select_n3A_907 = arith.select %eq3A_906, %shift_left3A_898, %broadcast_in_dim3A_3 : vector<16xi1>, vector<16xi32>
      %add3A_908 = arith.addi %add3A_869, %select_n3A_907 : vector<16xi32>
      %eq3A_909 = arith.constant 2 : i32
      %eq3A_910 = vector.broadcast %eq3A_909 : i32 to vector<16xi32>
      %eq3A_911 = arith.cmpi eq, %shift_right_arithmetic3A_891, %eq3A_910 : vector<16xi32>
      %select_n3A_912 = arith.select %eq3A_911, %shift_left3A_898, %broadcast_in_dim3A_3 : vector<16xi1>, vector<16xi32>
      %add3A_913 = arith.addi %add3A_874, %select_n3A_912 : vector<16xi32>
      %eq3A_914 = arith.constant 3 : i32
      %eq3A_915 = vector.broadcast %eq3A_914 : i32 to vector<16xi32>
      %eq3A_916 = arith.cmpi eq, %shift_right_arithmetic3A_891, %eq3A_915 : vector<16xi32>
      %select_n3A_917 = arith.select %eq3A_916, %shift_left3A_898, %broadcast_in_dim3A_3 : vector<16xi1>, vector<16xi32>
      %add3A_918 = arith.addi %add3A_879, %select_n3A_917 : vector<16xi32>
      %mul3A_919 = arith.constant 64 : i32
      %mul3A_920 = arith.muli %mul3A_919, %scan3A_89 : i32
      %add3A_921 = arith.constant 21 : i32
      %add3A_922 = arith.addi %mul3A_920, %add3A_921 : i32
      %mul3A_923 = arith.constant 16 : i32
      %mul3A_924 = arith.muli %add3A_922, %mul3A_923 : i32
      %get3A_925 = arith.index_cast %mul3A_924 : i32 to index
      %get3A_926 = tpu.vector_load %arg4[%get3A_925] {strides = array<i32>} : memref<65536xi32, #tpu.memory_space<vmem>>, vector<16xi32>,
      %get3A_927 = vector.shape_cast %get3A_926 : vector<16xi32> to vector<16xi32>
      %shift_right_arithmetic3A_928 = arith.constant 2 : i32
      %shift_right_arithmetic3A_929 = vector.broadcast %shift_right_arithmetic3A_928 : i32 to vector<16xi32>
      %shift_right_arithmetic3A_930 = arith.shrsi %get3A_927, %shift_right_arithmetic3A_929 : vector<16xi32>
      %and3A_931 = arith.constant 3 : i32
      %and3A_932 = vector.broadcast %and3A_931 : i32 to vector<16xi32>
      %and3A_933 = arith.andi %get3A_927, %and3A_932 : vector<16xi32>
      %shift_left3A_934 = arith.constant 3 : i32
      %shift_left3A_935 = vector.broadcast %shift_left3A_934 : i32 to vector<16xi32>
      %shift_left3A_936 = arith.shli %and3A_933, %shift_left3A_935 : vector<16xi32>
      %shift_left3A_937 = arith.shli %broadcast_in_dim3A_5, %shift_left3A_936 : vector<16xi32>
      %eq3A_938 = arith.constant 0 : i32
      %eq3A_939 = vector.broadcast %eq3A_938 : i32 to vector<16xi32>
      %eq3A_940 = arith.cmpi eq, %shift_right_arithmetic3A_930, %eq3A_939 : vector<16xi32>
      %select_n3A_941 = arith.select %eq3A_940, %shift_left3A_937, %broadcast_in_dim3A_3 : vector<16xi1>, vector<16xi32>
      %add3A_942 = arith.addi %add3A_903, %select_n3A_941 : vector<16xi32>
      %eq3A_943 = arith.constant 1 : i32
      %eq3A_944 = vector.broadcast %eq3A_943 : i32 to vector<16xi32>
      %eq3A_945 = arith.cmpi eq, %shift_right_arithmetic3A_930, %eq3A_944 : vector<16xi32>
      %select_n3A_946 = arith.select %eq3A_945, %shift_left3A_937, %broadcast_in_dim3A_3 : vector<16xi1>, vector<16xi32>
      %add3A_947 = arith.addi %add3A_908, %select_n3A_946 : vector<16xi32>
      %eq3A_948 = arith.constant 2 : i32
      %eq3A_949 = vector.broadcast %eq3A_948 : i32 to vector<16xi32>
      %eq3A_950 = arith.cmpi eq, %shift_right_arithmetic3A_930, %eq3A_949 : vector<16xi32>
      %select_n3A_951 = arith.select %eq3A_950, %shift_left3A_937, %broadcast_in_dim3A_3 : vector<16xi1>, vector<16xi32>
      %add3A_952 = arith.addi %add3A_913, %select_n3A_951 : vector<16xi32>
      %eq3A_953 = arith.constant 3 : i32
      %eq3A_954 = vector.broadcast %eq3A_953 : i32 to vector<16xi32>
      %eq3A_955 = arith.cmpi eq, %shift_right_arithmetic3A_930, %eq3A_954 : vector<16xi32>
      %select_n3A_956 = arith.select %eq3A_955, %shift_left3A_937, %broadcast_in_dim3A_3 : vector<16xi1>, vector<16xi32>
      %add3A_957 = arith.addi %add3A_918, %select_n3A_956 : vector<16xi32>
      %mul3A_958 = arith.constant 64 : i32
      %mul3A_959 = arith.muli %mul3A_958, %scan3A_89 : i32
      %add3A_960 = arith.constant 22 : i32
      %add3A_961 = arith.addi %mul3A_959, %add3A_960 : i32
      %mul3A_962 = arith.constant 16 : i32
      %mul3A_963 = arith.muli %add3A_961, %mul3A_962 : i32
      %get3A_964 = arith.index_cast %mul3A_963 : i32 to index
      %get3A_965 = tpu.vector_load %arg4[%get3A_964] {strides = array<i32>} : memref<65536xi32, #tpu.memory_space<vmem>>, vector<16xi32>,
      %get3A_966 = vector.shape_cast %get3A_965 : vector<16xi32> to vector<16xi32>
      %shift_right_arithmetic3A_967 = arith.constant 2 : i32
      %shift_right_arithmetic3A_968 = vector.broadcast %shift_right_arithmetic3A_967 : i32 to vector<16xi32>
      %shift_right_arithmetic3A_969 = arith.shrsi %get3A_966, %shift_right_arithmetic3A_968 : vector<16xi32>
      %and3A_970 = arith.constant 3 : i32
      %and3A_971 = vector.broadcast %and3A_970 : i32 to vector<16xi32>
      %and3A_972 = arith.andi %get3A_966, %and3A_971 : vector<16xi32>
      %shift_left3A_973 = arith.constant 3 : i32
      %shift_left3A_974 = vector.broadcast %shift_left3A_973 : i32 to vector<16xi32>
      %shift_left3A_975 = arith.shli %and3A_972, %shift_left3A_974 : vector<16xi32>
      %shift_left3A_976 = arith.shli %broadcast_in_dim3A_5, %shift_left3A_975 : vector<16xi32>
      %eq3A_977 = arith.constant 0 : i32
      %eq3A_978 = vector.broadcast %eq3A_977 : i32 to vector<16xi32>
      %eq3A_979 = arith.cmpi eq, %shift_right_arithmetic3A_969, %eq3A_978 : vector<16xi32>
      %select_n3A_980 = arith.select %eq3A_979, %shift_left3A_976, %broadcast_in_dim3A_3 : vector<16xi1>, vector<16xi32>
      %add3A_981 = arith.addi %add3A_942, %select_n3A_980 : vector<16xi32>
      %eq3A_982 = arith.constant 1 : i32
      %eq3A_983 = vector.broadcast %eq3A_982 : i32 to vector<16xi32>
      %eq3A_984 = arith.cmpi eq, %shift_right_arithmetic3A_969, %eq3A_983 : vector<16xi32>
      %select_n3A_985 = arith.select %eq3A_984, %shift_left3A_976, %broadcast_in_dim3A_3 : vector<16xi1>, vector<16xi32>
      %add3A_986 = arith.addi %add3A_947, %select_n3A_985 : vector<16xi32>
      %eq3A_987 = arith.constant 2 : i32
      %eq3A_988 = vector.broadcast %eq3A_987 : i32 to vector<16xi32>
      %eq3A_989 = arith.cmpi eq, %shift_right_arithmetic3A_969, %eq3A_988 : vector<16xi32>
      %select_n3A_990 = arith.select %eq3A_989, %shift_left3A_976, %broadcast_in_dim3A_3 : vector<16xi1>, vector<16xi32>
      %add3A_991 = arith.addi %add3A_952, %select_n3A_990 : vector<16xi32>
      %eq3A_992 = arith.constant 3 : i32
      %eq3A_993 = vector.broadcast %eq3A_992 : i32 to vector<16xi32>
      %eq3A_994 = arith.cmpi eq, %shift_right_arithmetic3A_969, %eq3A_993 : vector<16xi32>
      %select_n3A_995 = arith.select %eq3A_994, %shift_left3A_976, %broadcast_in_dim3A_3 : vector<16xi1>, vector<16xi32>
      %add3A_996 = arith.addi %add3A_957, %select_n3A_995 : vector<16xi32>
      %mul3A_997 = arith.constant 64 : i32
      %mul3A_998 = arith.muli %mul3A_997, %scan3A_89 : i32
      %add3A_999 = arith.constant 23 : i32
      %add3A_1000 = arith.addi %mul3A_998, %add3A_999 : i32
      %mul3A_1001 = arith.constant 16 : i32
      %mul3A_1002 = arith.muli %add3A_1000, %mul3A_1001 : i32
      %get3A_1003 = arith.index_cast %mul3A_1002 : i32 to index
      %get3A_1004 = tpu.vector_load %arg4[%get3A_1003] {strides = array<i32>} : memref<65536xi32, #tpu.memory_space<vmem>>, vector<16xi32>,
      %get3A_1005 = vector.shape_cast %get3A_1004 : vector<16xi32> to vector<16xi32>
      %shift_right_arithmetic3A_1006 = arith.constant 2 : i32
      %shift_right_arithmetic3A_1007 = vector.broadcast %shift_right_arithmetic3A_1006 : i32 to vector<16xi32>
      %shift_right_arithmetic3A_1008 = arith.shrsi %get3A_1005, %shift_right_arithmetic3A_1007 : vector<16xi32>
      %and3A_1009 = arith.constant 3 : i32
      %and3A_1010 = vector.broadcast %and3A_1009 : i32 to vector<16xi32>
      %and3A_1011 = arith.andi %get3A_1005, %and3A_1010 : vector<16xi32>
      %shift_left3A_1012 = arith.constant 3 : i32
      %shift_left3A_1013 = vector.broadcast %shift_left3A_1012 : i32 to vector<16xi32>
      %shift_left3A_1014 = arith.shli %and3A_1011, %shift_left3A_1013 : vector<16xi32>
      %shift_left3A_1015 = arith.shli %broadcast_in_dim3A_5, %shift_left3A_1014 : vector<16xi32>
      %eq3A_1016 = arith.constant 0 : i32
      %eq3A_1017 = vector.broadcast %eq3A_1016 : i32 to vector<16xi32>
      %eq3A_1018 = arith.cmpi eq, %shift_right_arithmetic3A_1008, %eq3A_1017 : vector<16xi32>
      %select_n3A_1019 = arith.select %eq3A_1018, %shift_left3A_1015, %broadcast_in_dim3A_3 : vector<16xi1>, vector<16xi32>
      %add3A_1020 = arith.addi %add3A_981, %select_n3A_1019 : vector<16xi32>
      %eq3A_1021 = arith.constant 1 : i32
      %eq3A_1022 = vector.broadcast %eq3A_1021 : i32 to vector<16xi32>
      %eq3A_1023 = arith.cmpi eq, %shift_right_arithmetic3A_1008, %eq3A_1022 : vector<16xi32>
      %select_n3A_1024 = arith.select %eq3A_1023, %shift_left3A_1015, %broadcast_in_dim3A_3 : vector<16xi1>, vector<16xi32>
      %add3A_1025 = arith.addi %add3A_986, %select_n3A_1024 : vector<16xi32>
      %eq3A_1026 = arith.constant 2 : i32
      %eq3A_1027 = vector.broadcast %eq3A_1026 : i32 to vector<16xi32>
      %eq3A_1028 = arith.cmpi eq, %shift_right_arithmetic3A_1008, %eq3A_1027 : vector<16xi32>
      %select_n3A_1029 = arith.select %eq3A_1028, %shift_left3A_1015, %broadcast_in_dim3A_3 : vector<16xi1>, vector<16xi32>
      %add3A_1030 = arith.addi %add3A_991, %select_n3A_1029 : vector<16xi32>
      %eq3A_1031 = arith.constant 3 : i32
      %eq3A_1032 = vector.broadcast %eq3A_1031 : i32 to vector<16xi32>
      %eq3A_1033 = arith.cmpi eq, %shift_right_arithmetic3A_1008, %eq3A_1032 : vector<16xi32>
      %select_n3A_1034 = arith.select %eq3A_1033, %shift_left3A_1015, %broadcast_in_dim3A_3 : vector<16xi1>, vector<16xi32>
      %add3A_1035 = arith.addi %add3A_996, %select_n3A_1034 : vector<16xi32>
      %mul3A_1036 = arith.constant 64 : i32
      %mul3A_1037 = arith.muli %mul3A_1036, %scan3A_89 : i32
      %add3A_1038 = arith.constant 24 : i32
      %add3A_1039 = arith.addi %mul3A_1037, %add3A_1038 : i32
      %mul3A_1040 = arith.constant 16 : i32
      %mul3A_1041 = arith.muli %add3A_1039, %mul3A_1040 : i32
      %get3A_1042 = arith.index_cast %mul3A_1041 : i32 to index
      %get3A_1043 = tpu.vector_load %arg4[%get3A_1042] {strides = array<i32>} : memref<65536xi32, #tpu.memory_space<vmem>>, vector<16xi32>,
      %get3A_1044 = vector.shape_cast %get3A_1043 : vector<16xi32> to vector<16xi32>
      %shift_right_arithmetic3A_1045 = arith.constant 2 : i32
      %shift_right_arithmetic3A_1046 = vector.broadcast %shift_right_arithmetic3A_1045 : i32 to vector<16xi32>
      %shift_right_arithmetic3A_1047 = arith.shrsi %get3A_1044, %shift_right_arithmetic3A_1046 : vector<16xi32>
      %and3A_1048 = arith.constant 3 : i32
      %and3A_1049 = vector.broadcast %and3A_1048 : i32 to vector<16xi32>
      %and3A_1050 = arith.andi %get3A_1044, %and3A_1049 : vector<16xi32>
      %shift_left3A_1051 = arith.constant 3 : i32
      %shift_left3A_1052 = vector.broadcast %shift_left3A_1051 : i32 to vector<16xi32>
      %shift_left3A_1053 = arith.shli %and3A_1050, %shift_left3A_1052 : vector<16xi32>
      %shift_left3A_1054 = arith.shli %broadcast_in_dim3A_5, %shift_left3A_1053 : vector<16xi32>
      %eq3A_1055 = arith.constant 0 : i32
      %eq3A_1056 = vector.broadcast %eq3A_1055 : i32 to vector<16xi32>
      %eq3A_1057 = arith.cmpi eq, %shift_right_arithmetic3A_1047, %eq3A_1056 : vector<16xi32>
      %select_n3A_1058 = arith.select %eq3A_1057, %shift_left3A_1054, %broadcast_in_dim3A_3 : vector<16xi1>, vector<16xi32>
      %add3A_1059 = arith.addi %add3A_1020, %select_n3A_1058 : vector<16xi32>
      %eq3A_1060 = arith.constant 1 : i32
      %eq3A_1061 = vector.broadcast %eq3A_1060 : i32 to vector<16xi32>
      %eq3A_1062 = arith.cmpi eq, %shift_right_arithmetic3A_1047, %eq3A_1061 : vector<16xi32>
      %select_n3A_1063 = arith.select %eq3A_1062, %shift_left3A_1054, %broadcast_in_dim3A_3 : vector<16xi1>, vector<16xi32>
      %add3A_1064 = arith.addi %add3A_1025, %select_n3A_1063 : vector<16xi32>
      %eq3A_1065 = arith.constant 2 : i32
      %eq3A_1066 = vector.broadcast %eq3A_1065 : i32 to vector<16xi32>
      %eq3A_1067 = arith.cmpi eq, %shift_right_arithmetic3A_1047, %eq3A_1066 : vector<16xi32>
      %select_n3A_1068 = arith.select %eq3A_1067, %shift_left3A_1054, %broadcast_in_dim3A_3 : vector<16xi1>, vector<16xi32>
      %add3A_1069 = arith.addi %add3A_1030, %select_n3A_1068 : vector<16xi32>
      %eq3A_1070 = arith.constant 3 : i32
      %eq3A_1071 = vector.broadcast %eq3A_1070 : i32 to vector<16xi32>
      %eq3A_1072 = arith.cmpi eq, %shift_right_arithmetic3A_1047, %eq3A_1071 : vector<16xi32>
      %select_n3A_1073 = arith.select %eq3A_1072, %shift_left3A_1054, %broadcast_in_dim3A_3 : vector<16xi1>, vector<16xi32>
      %add3A_1074 = arith.addi %add3A_1035, %select_n3A_1073 : vector<16xi32>
      %mul3A_1075 = arith.constant 64 : i32
      %mul3A_1076 = arith.muli %mul3A_1075, %scan3A_89 : i32
      %add3A_1077 = arith.constant 25 : i32
      %add3A_1078 = arith.addi %mul3A_1076, %add3A_1077 : i32
      %mul3A_1079 = arith.constant 16 : i32
      %mul3A_1080 = arith.muli %add3A_1078, %mul3A_1079 : i32
      %get3A_1081 = arith.index_cast %mul3A_1080 : i32 to index
      %get3A_1082 = tpu.vector_load %arg4[%get3A_1081] {strides = array<i32>} : memref<65536xi32, #tpu.memory_space<vmem>>, vector<16xi32>,
      %get3A_1083 = vector.shape_cast %get3A_1082 : vector<16xi32> to vector<16xi32>
      %shift_right_arithmetic3A_1084 = arith.constant 2 : i32
      %shift_right_arithmetic3A_1085 = vector.broadcast %shift_right_arithmetic3A_1084 : i32 to vector<16xi32>
      %shift_right_arithmetic3A_1086 = arith.shrsi %get3A_1083, %shift_right_arithmetic3A_1085 : vector<16xi32>
      %and3A_1087 = arith.constant 3 : i32
      %and3A_1088 = vector.broadcast %and3A_1087 : i32 to vector<16xi32>
      %and3A_1089 = arith.andi %get3A_1083, %and3A_1088 : vector<16xi32>
      %shift_left3A_1090 = arith.constant 3 : i32
      %shift_left3A_1091 = vector.broadcast %shift_left3A_1090 : i32 to vector<16xi32>
      %shift_left3A_1092 = arith.shli %and3A_1089, %shift_left3A_1091 : vector<16xi32>
      %shift_left3A_1093 = arith.shli %broadcast_in_dim3A_5, %shift_left3A_1092 : vector<16xi32>
      %eq3A_1094 = arith.constant 0 : i32
      %eq3A_1095 = vector.broadcast %eq3A_1094 : i32 to vector<16xi32>
      %eq3A_1096 = arith.cmpi eq, %shift_right_arithmetic3A_1086, %eq3A_1095 : vector<16xi32>
      %select_n3A_1097 = arith.select %eq3A_1096, %shift_left3A_1093, %broadcast_in_dim3A_3 : vector<16xi1>, vector<16xi32>
      %add3A_1098 = arith.addi %add3A_1059, %select_n3A_1097 : vector<16xi32>
      %eq3A_1099 = arith.constant 1 : i32
      %eq3A_1100 = vector.broadcast %eq3A_1099 : i32 to vector<16xi32>
      %eq3A_1101 = arith.cmpi eq, %shift_right_arithmetic3A_1086, %eq3A_1100 : vector<16xi32>
      %select_n3A_1102 = arith.select %eq3A_1101, %shift_left3A_1093, %broadcast_in_dim3A_3 : vector<16xi1>, vector<16xi32>
      %add3A_1103 = arith.addi %add3A_1064, %select_n3A_1102 : vector<16xi32>
      %eq3A_1104 = arith.constant 2 : i32
      %eq3A_1105 = vector.broadcast %eq3A_1104 : i32 to vector<16xi32>
      %eq3A_1106 = arith.cmpi eq, %shift_right_arithmetic3A_1086, %eq3A_1105 : vector<16xi32>
      %select_n3A_1107 = arith.select %eq3A_1106, %shift_left3A_1093, %broadcast_in_dim3A_3 : vector<16xi1>, vector<16xi32>
      %add3A_1108 = arith.addi %add3A_1069, %select_n3A_1107 : vector<16xi32>
      %eq3A_1109 = arith.constant 3 : i32
      %eq3A_1110 = vector.broadcast %eq3A_1109 : i32 to vector<16xi32>
      %eq3A_1111 = arith.cmpi eq, %shift_right_arithmetic3A_1086, %eq3A_1110 : vector<16xi32>
      %select_n3A_1112 = arith.select %eq3A_1111, %shift_left3A_1093, %broadcast_in_dim3A_3 : vector<16xi1>, vector<16xi32>
      %add3A_1113 = arith.addi %add3A_1074, %select_n3A_1112 : vector<16xi32>
      %mul3A_1114 = arith.constant 64 : i32
      %mul3A_1115 = arith.muli %mul3A_1114, %scan3A_89 : i32
      %add3A_1116 = arith.constant 26 : i32
      %add3A_1117 = arith.addi %mul3A_1115, %add3A_1116 : i32
      %mul3A_1118 = arith.constant 16 : i32
      %mul3A_1119 = arith.muli %add3A_1117, %mul3A_1118 : i32
      %get3A_1120 = arith.index_cast %mul3A_1119 : i32 to index
      %get3A_1121 = tpu.vector_load %arg4[%get3A_1120] {strides = array<i32>} : memref<65536xi32, #tpu.memory_space<vmem>>, vector<16xi32>,
      %get3A_1122 = vector.shape_cast %get3A_1121 : vector<16xi32> to vector<16xi32>
      %shift_right_arithmetic3A_1123 = arith.constant 2 : i32
      %shift_right_arithmetic3A_1124 = vector.broadcast %shift_right_arithmetic3A_1123 : i32 to vector<16xi32>
      %shift_right_arithmetic3A_1125 = arith.shrsi %get3A_1122, %shift_right_arithmetic3A_1124 : vector<16xi32>
      %and3A_1126 = arith.constant 3 : i32
      %and3A_1127 = vector.broadcast %and3A_1126 : i32 to vector<16xi32>
      %and3A_1128 = arith.andi %get3A_1122, %and3A_1127 : vector<16xi32>
      %shift_left3A_1129 = arith.constant 3 : i32
      %shift_left3A_1130 = vector.broadcast %shift_left3A_1129 : i32 to vector<16xi32>
      %shift_left3A_1131 = arith.shli %and3A_1128, %shift_left3A_1130 : vector<16xi32>
      %shift_left3A_1132 = arith.shli %broadcast_in_dim3A_5, %shift_left3A_1131 : vector<16xi32>
      %eq3A_1133 = arith.constant 0 : i32
      %eq3A_1134 = vector.broadcast %eq3A_1133 : i32 to vector<16xi32>
      %eq3A_1135 = arith.cmpi eq, %shift_right_arithmetic3A_1125, %eq3A_1134 : vector<16xi32>
      %select_n3A_1136 = arith.select %eq3A_1135, %shift_left3A_1132, %broadcast_in_dim3A_3 : vector<16xi1>, vector<16xi32>
      %add3A_1137 = arith.addi %add3A_1098, %select_n3A_1136 : vector<16xi32>
      %eq3A_1138 = arith.constant 1 : i32
      %eq3A_1139 = vector.broadcast %eq3A_1138 : i32 to vector<16xi32>
      %eq3A_1140 = arith.cmpi eq, %shift_right_arithmetic3A_1125, %eq3A_1139 : vector<16xi32>
      %select_n3A_1141 = arith.select %eq3A_1140, %shift_left3A_1132, %broadcast_in_dim3A_3 : vector<16xi1>, vector<16xi32>
      %add3A_1142 = arith.addi %add3A_1103, %select_n3A_1141 : vector<16xi32>
      %eq3A_1143 = arith.constant 2 : i32
      %eq3A_1144 = vector.broadcast %eq3A_1143 : i32 to vector<16xi32>
      %eq3A_1145 = arith.cmpi eq, %shift_right_arithmetic3A_1125, %eq3A_1144 : vector<16xi32>
      %select_n3A_1146 = arith.select %eq3A_1145, %shift_left3A_1132, %broadcast_in_dim3A_3 : vector<16xi1>, vector<16xi32>
      %add3A_1147 = arith.addi %add3A_1108, %select_n3A_1146 : vector<16xi32>
      %eq3A_1148 = arith.constant 3 : i32
      %eq3A_1149 = vector.broadcast %eq3A_1148 : i32 to vector<16xi32>
      %eq3A_1150 = arith.cmpi eq, %shift_right_arithmetic3A_1125, %eq3A_1149 : vector<16xi32>
      %select_n3A_1151 = arith.select %eq3A_1150, %shift_left3A_1132, %broadcast_in_dim3A_3 : vector<16xi1>, vector<16xi32>
      %add3A_1152 = arith.addi %add3A_1113, %select_n3A_1151 : vector<16xi32>
      %mul3A_1153 = arith.constant 64 : i32
      %mul3A_1154 = arith.muli %mul3A_1153, %scan3A_89 : i32
      %add3A_1155 = arith.constant 27 : i32
      %add3A_1156 = arith.addi %mul3A_1154, %add3A_1155 : i32
      %mul3A_1157 = arith.constant 16 : i32
      %mul3A_1158 = arith.muli %add3A_1156, %mul3A_1157 : i32
      %get3A_1159 = arith.index_cast %mul3A_1158 : i32 to index
      %get3A_1160 = tpu.vector_load %arg4[%get3A_1159] {strides = array<i32>} : memref<65536xi32, #tpu.memory_space<vmem>>, vector<16xi32>,
      %get3A_1161 = vector.shape_cast %get3A_1160 : vector<16xi32> to vector<16xi32>
      %shift_right_arithmetic3A_1162 = arith.constant 2 : i32
      %shift_right_arithmetic3A_1163 = vector.broadcast %shift_right_arithmetic3A_1162 : i32 to vector<16xi32>
      %shift_right_arithmetic3A_1164 = arith.shrsi %get3A_1161, %shift_right_arithmetic3A_1163 : vector<16xi32>
      %and3A_1165 = arith.constant 3 : i32
      %and3A_1166 = vector.broadcast %and3A_1165 : i32 to vector<16xi32>
      %and3A_1167 = arith.andi %get3A_1161, %and3A_1166 : vector<16xi32>
      %shift_left3A_1168 = arith.constant 3 : i32
      %shift_left3A_1169 = vector.broadcast %shift_left3A_1168 : i32 to vector<16xi32>
      %shift_left3A_1170 = arith.shli %and3A_1167, %shift_left3A_1169 : vector<16xi32>
      %shift_left3A_1171 = arith.shli %broadcast_in_dim3A_5, %shift_left3A_1170 : vector<16xi32>
      %eq3A_1172 = arith.constant 0 : i32
      %eq3A_1173 = vector.broadcast %eq3A_1172 : i32 to vector<16xi32>
      %eq3A_1174 = arith.cmpi eq, %shift_right_arithmetic3A_1164, %eq3A_1173 : vector<16xi32>
      %select_n3A_1175 = arith.select %eq3A_1174, %shift_left3A_1171, %broadcast_in_dim3A_3 : vector<16xi1>, vector<16xi32>
      %add3A_1176 = arith.addi %add3A_1137, %select_n3A_1175 : vector<16xi32>
      %eq3A_1177 = arith.constant 1 : i32
      %eq3A_1178 = vector.broadcast %eq3A_1177 : i32 to vector<16xi32>
      %eq3A_1179 = arith.cmpi eq, %shift_right_arithmetic3A_1164, %eq3A_1178 : vector<16xi32>
      %select_n3A_1180 = arith.select %eq3A_1179, %shift_left3A_1171, %broadcast_in_dim3A_3 : vector<16xi1>, vector<16xi32>
      %add3A_1181 = arith.addi %add3A_1142, %select_n3A_1180 : vector<16xi32>
      %eq3A_1182 = arith.constant 2 : i32
      %eq3A_1183 = vector.broadcast %eq3A_1182 : i32 to vector<16xi32>
      %eq3A_1184 = arith.cmpi eq, %shift_right_arithmetic3A_1164, %eq3A_1183 : vector<16xi32>
      %select_n3A_1185 = arith.select %eq3A_1184, %shift_left3A_1171, %broadcast_in_dim3A_3 : vector<16xi1>, vector<16xi32>
      %add3A_1186 = arith.addi %add3A_1147, %select_n3A_1185 : vector<16xi32>
      %eq3A_1187 = arith.constant 3 : i32
      %eq3A_1188 = vector.broadcast %eq3A_1187 : i32 to vector<16xi32>
      %eq3A_1189 = arith.cmpi eq, %shift_right_arithmetic3A_1164, %eq3A_1188 : vector<16xi32>
      %select_n3A_1190 = arith.select %eq3A_1189, %shift_left3A_1171, %broadcast_in_dim3A_3 : vector<16xi1>, vector<16xi32>
      %add3A_1191 = arith.addi %add3A_1152, %select_n3A_1190 : vector<16xi32>
      %mul3A_1192 = arith.constant 64 : i32
      %mul3A_1193 = arith.muli %mul3A_1192, %scan3A_89 : i32
      %add3A_1194 = arith.constant 28 : i32
      %add3A_1195 = arith.addi %mul3A_1193, %add3A_1194 : i32
      %mul3A_1196 = arith.constant 16 : i32
      %mul3A_1197 = arith.muli %add3A_1195, %mul3A_1196 : i32
      %get3A_1198 = arith.index_cast %mul3A_1197 : i32 to index
      %get3A_1199 = tpu.vector_load %arg4[%get3A_1198] {strides = array<i32>} : memref<65536xi32, #tpu.memory_space<vmem>>, vector<16xi32>,
      %get3A_1200 = vector.shape_cast %get3A_1199 : vector<16xi32> to vector<16xi32>
      %shift_right_arithmetic3A_1201 = arith.constant 2 : i32
      %shift_right_arithmetic3A_1202 = vector.broadcast %shift_right_arithmetic3A_1201 : i32 to vector<16xi32>
      %shift_right_arithmetic3A_1203 = arith.shrsi %get3A_1200, %shift_right_arithmetic3A_1202 : vector<16xi32>
      %and3A_1204 = arith.constant 3 : i32
      %and3A_1205 = vector.broadcast %and3A_1204 : i32 to vector<16xi32>
      %and3A_1206 = arith.andi %get3A_1200, %and3A_1205 : vector<16xi32>
      %shift_left3A_1207 = arith.constant 3 : i32
      %shift_left3A_1208 = vector.broadcast %shift_left3A_1207 : i32 to vector<16xi32>
      %shift_left3A_1209 = arith.shli %and3A_1206, %shift_left3A_1208 : vector<16xi32>
      %shift_left3A_1210 = arith.shli %broadcast_in_dim3A_5, %shift_left3A_1209 : vector<16xi32>
      %eq3A_1211 = arith.constant 0 : i32
      %eq3A_1212 = vector.broadcast %eq3A_1211 : i32 to vector<16xi32>
      %eq3A_1213 = arith.cmpi eq, %shift_right_arithmetic3A_1203, %eq3A_1212 : vector<16xi32>
      %select_n3A_1214 = arith.select %eq3A_1213, %shift_left3A_1210, %broadcast_in_dim3A_3 : vector<16xi1>, vector<16xi32>
      %add3A_1215 = arith.addi %add3A_1176, %select_n3A_1214 : vector<16xi32>
      %eq3A_1216 = arith.constant 1 : i32
      %eq3A_1217 = vector.broadcast %eq3A_1216 : i32 to vector<16xi32>
      %eq3A_1218 = arith.cmpi eq, %shift_right_arithmetic3A_1203, %eq3A_1217 : vector<16xi32>
      %select_n3A_1219 = arith.select %eq3A_1218, %shift_left3A_1210, %broadcast_in_dim3A_3 : vector<16xi1>, vector<16xi32>
      %add3A_1220 = arith.addi %add3A_1181, %select_n3A_1219 : vector<16xi32>
      %eq3A_1221 = arith.constant 2 : i32
      %eq3A_1222 = vector.broadcast %eq3A_1221 : i32 to vector<16xi32>
      %eq3A_1223 = arith.cmpi eq, %shift_right_arithmetic3A_1203, %eq3A_1222 : vector<16xi32>
      %select_n3A_1224 = arith.select %eq3A_1223, %shift_left3A_1210, %broadcast_in_dim3A_3 : vector<16xi1>, vector<16xi32>
      %add3A_1225 = arith.addi %add3A_1186, %select_n3A_1224 : vector<16xi32>
      %eq3A_1226 = arith.constant 3 : i32
      %eq3A_1227 = vector.broadcast %eq3A_1226 : i32 to vector<16xi32>
      %eq3A_1228 = arith.cmpi eq, %shift_right_arithmetic3A_1203, %eq3A_1227 : vector<16xi32>
      %select_n3A_1229 = arith.select %eq3A_1228, %shift_left3A_1210, %broadcast_in_dim3A_3 : vector<16xi1>, vector<16xi32>
      %add3A_1230 = arith.addi %add3A_1191, %select_n3A_1229 : vector<16xi32>
      %mul3A_1231 = arith.constant 64 : i32
      %mul3A_1232 = arith.muli %mul3A_1231, %scan3A_89 : i32
      %add3A_1233 = arith.constant 29 : i32
      %add3A_1234 = arith.addi %mul3A_1232, %add3A_1233 : i32
      %mul3A_1235 = arith.constant 16 : i32
      %mul3A_1236 = arith.muli %add3A_1234, %mul3A_1235 : i32
      %get3A_1237 = arith.index_cast %mul3A_1236 : i32 to index
      %get3A_1238 = tpu.vector_load %arg4[%get3A_1237] {strides = array<i32>} : memref<65536xi32, #tpu.memory_space<vmem>>, vector<16xi32>,
      %get3A_1239 = vector.shape_cast %get3A_1238 : vector<16xi32> to vector<16xi32>
      %shift_right_arithmetic3A_1240 = arith.constant 2 : i32
      %shift_right_arithmetic3A_1241 = vector.broadcast %shift_right_arithmetic3A_1240 : i32 to vector<16xi32>
      %shift_right_arithmetic3A_1242 = arith.shrsi %get3A_1239, %shift_right_arithmetic3A_1241 : vector<16xi32>
      %and3A_1243 = arith.constant 3 : i32
      %and3A_1244 = vector.broadcast %and3A_1243 : i32 to vector<16xi32>
      %and3A_1245 = arith.andi %get3A_1239, %and3A_1244 : vector<16xi32>
      %shift_left3A_1246 = arith.constant 3 : i32
      %shift_left3A_1247 = vector.broadcast %shift_left3A_1246 : i32 to vector<16xi32>
      %shift_left3A_1248 = arith.shli %and3A_1245, %shift_left3A_1247 : vector<16xi32>
      %shift_left3A_1249 = arith.shli %broadcast_in_dim3A_5, %shift_left3A_1248 : vector<16xi32>
      %eq3A_1250 = arith.constant 0 : i32
      %eq3A_1251 = vector.broadcast %eq3A_1250 : i32 to vector<16xi32>
      %eq3A_1252 = arith.cmpi eq, %shift_right_arithmetic3A_1242, %eq3A_1251 : vector<16xi32>
      %select_n3A_1253 = arith.select %eq3A_1252, %shift_left3A_1249, %broadcast_in_dim3A_3 : vector<16xi1>, vector<16xi32>
      %add3A_1254 = arith.addi %add3A_1215, %select_n3A_1253 : vector<16xi32>
      %eq3A_1255 = arith.constant 1 : i32
      %eq3A_1256 = vector.broadcast %eq3A_1255 : i32 to vector<16xi32>
      %eq3A_1257 = arith.cmpi eq, %shift_right_arithmetic3A_1242, %eq3A_1256 : vector<16xi32>
      %select_n3A_1258 = arith.select %eq3A_1257, %shift_left3A_1249, %broadcast_in_dim3A_3 : vector<16xi1>, vector<16xi32>
      %add3A_1259 = arith.addi %add3A_1220, %select_n3A_1258 : vector<16xi32>
      %eq3A_1260 = arith.constant 2 : i32
      %eq3A_1261 = vector.broadcast %eq3A_1260 : i32 to vector<16xi32>
      %eq3A_1262 = arith.cmpi eq, %shift_right_arithmetic3A_1242, %eq3A_1261 : vector<16xi32>
      %select_n3A_1263 = arith.select %eq3A_1262, %shift_left3A_1249, %broadcast_in_dim3A_3 : vector<16xi1>, vector<16xi32>
      %add3A_1264 = arith.addi %add3A_1225, %select_n3A_1263 : vector<16xi32>
      %eq3A_1265 = arith.constant 3 : i32
      %eq3A_1266 = vector.broadcast %eq3A_1265 : i32 to vector<16xi32>
      %eq3A_1267 = arith.cmpi eq, %shift_right_arithmetic3A_1242, %eq3A_1266 : vector<16xi32>
      %select_n3A_1268 = arith.select %eq3A_1267, %shift_left3A_1249, %broadcast_in_dim3A_3 : vector<16xi1>, vector<16xi32>
      %add3A_1269 = arith.addi %add3A_1230, %select_n3A_1268 : vector<16xi32>
      %mul3A_1270 = arith.constant 64 : i32
      %mul3A_1271 = arith.muli %mul3A_1270, %scan3A_89 : i32
      %add3A_1272 = arith.constant 30 : i32
      %add3A_1273 = arith.addi %mul3A_1271, %add3A_1272 : i32
      %mul3A_1274 = arith.constant 16 : i32
      %mul3A_1275 = arith.muli %add3A_1273, %mul3A_1274 : i32
      %get3A_1276 = arith.index_cast %mul3A_1275 : i32 to index
      %get3A_1277 = tpu.vector_load %arg4[%get3A_1276] {strides = array<i32>} : memref<65536xi32, #tpu.memory_space<vmem>>, vector<16xi32>,
      %get3A_1278 = vector.shape_cast %get3A_1277 : vector<16xi32> to vector<16xi32>
      %shift_right_arithmetic3A_1279 = arith.constant 2 : i32
      %shift_right_arithmetic3A_1280 = vector.broadcast %shift_right_arithmetic3A_1279 : i32 to vector<16xi32>
      %shift_right_arithmetic3A_1281 = arith.shrsi %get3A_1278, %shift_right_arithmetic3A_1280 : vector<16xi32>
      %and3A_1282 = arith.constant 3 : i32
      %and3A_1283 = vector.broadcast %and3A_1282 : i32 to vector<16xi32>
      %and3A_1284 = arith.andi %get3A_1278, %and3A_1283 : vector<16xi32>
      %shift_left3A_1285 = arith.constant 3 : i32
      %shift_left3A_1286 = vector.broadcast %shift_left3A_1285 : i32 to vector<16xi32>
      %shift_left3A_1287 = arith.shli %and3A_1284, %shift_left3A_1286 : vector<16xi32>
      %shift_left3A_1288 = arith.shli %broadcast_in_dim3A_5, %shift_left3A_1287 : vector<16xi32>
      %eq3A_1289 = arith.constant 0 : i32
      %eq3A_1290 = vector.broadcast %eq3A_1289 : i32 to vector<16xi32>
      %eq3A_1291 = arith.cmpi eq, %shift_right_arithmetic3A_1281, %eq3A_1290 : vector<16xi32>
      %select_n3A_1292 = arith.select %eq3A_1291, %shift_left3A_1288, %broadcast_in_dim3A_3 : vector<16xi1>, vector<16xi32>
      %add3A_1293 = arith.addi %add3A_1254, %select_n3A_1292 : vector<16xi32>
      %eq3A_1294 = arith.constant 1 : i32
      %eq3A_1295 = vector.broadcast %eq3A_1294 : i32 to vector<16xi32>
      %eq3A_1296 = arith.cmpi eq, %shift_right_arithmetic3A_1281, %eq3A_1295 : vector<16xi32>
      %select_n3A_1297 = arith.select %eq3A_1296, %shift_left3A_1288, %broadcast_in_dim3A_3 : vector<16xi1>, vector<16xi32>
      %add3A_1298 = arith.addi %add3A_1259, %select_n3A_1297 : vector<16xi32>
      %eq3A_1299 = arith.constant 2 : i32
      %eq3A_1300 = vector.broadcast %eq3A_1299 : i32 to vector<16xi32>
      %eq3A_1301 = arith.cmpi eq, %shift_right_arithmetic3A_1281, %eq3A_1300 : vector<16xi32>
      %select_n3A_1302 = arith.select %eq3A_1301, %shift_left3A_1288, %broadcast_in_dim3A_3 : vector<16xi1>, vector<16xi32>
      %add3A_1303 = arith.addi %add3A_1264, %select_n3A_1302 : vector<16xi32>
      %eq3A_1304 = arith.constant 3 : i32
      %eq3A_1305 = vector.broadcast %eq3A_1304 : i32 to vector<16xi32>
      %eq3A_1306 = arith.cmpi eq, %shift_right_arithmetic3A_1281, %eq3A_1305 : vector<16xi32>
      %select_n3A_1307 = arith.select %eq3A_1306, %shift_left3A_1288, %broadcast_in_dim3A_3 : vector<16xi1>, vector<16xi32>
      %add3A_1308 = arith.addi %add3A_1269, %select_n3A_1307 : vector<16xi32>
      %mul3A_1309 = arith.constant 64 : i32
      %mul3A_1310 = arith.muli %mul3A_1309, %scan3A_89 : i32
      %add3A_1311 = arith.constant 31 : i32
      %add3A_1312 = arith.addi %mul3A_1310, %add3A_1311 : i32
      %mul3A_1313 = arith.constant 16 : i32
      %mul3A_1314 = arith.muli %add3A_1312, %mul3A_1313 : i32
      %get3A_1315 = arith.index_cast %mul3A_1314 : i32 to index
      %get3A_1316 = tpu.vector_load %arg4[%get3A_1315] {strides = array<i32>} : memref<65536xi32, #tpu.memory_space<vmem>>, vector<16xi32>,
      %get3A_1317 = vector.shape_cast %get3A_1316 : vector<16xi32> to vector<16xi32>
      %shift_right_arithmetic3A_1318 = arith.constant 2 : i32
      %shift_right_arithmetic3A_1319 = vector.broadcast %shift_right_arithmetic3A_1318 : i32 to vector<16xi32>
      %shift_right_arithmetic3A_1320 = arith.shrsi %get3A_1317, %shift_right_arithmetic3A_1319 : vector<16xi32>
      %and3A_1321 = arith.constant 3 : i32
      %and3A_1322 = vector.broadcast %and3A_1321 : i32 to vector<16xi32>
      %and3A_1323 = arith.andi %get3A_1317, %and3A_1322 : vector<16xi32>
      %shift_left3A_1324 = arith.constant 3 : i32
      %shift_left3A_1325 = vector.broadcast %shift_left3A_1324 : i32 to vector<16xi32>
      %shift_left3A_1326 = arith.shli %and3A_1323, %shift_left3A_1325 : vector<16xi32>
      %shift_left3A_1327 = arith.shli %broadcast_in_dim3A_5, %shift_left3A_1326 : vector<16xi32>
      %eq3A_1328 = arith.constant 0 : i32
      %eq3A_1329 = vector.broadcast %eq3A_1328 : i32 to vector<16xi32>
      %eq3A_1330 = arith.cmpi eq, %shift_right_arithmetic3A_1320, %eq3A_1329 : vector<16xi32>
      %select_n3A_1331 = arith.select %eq3A_1330, %shift_left3A_1327, %broadcast_in_dim3A_3 : vector<16xi1>, vector<16xi32>
      %add3A_1332 = arith.addi %add3A_1293, %select_n3A_1331 : vector<16xi32>
      %eq3A_1333 = arith.constant 1 : i32
      %eq3A_1334 = vector.broadcast %eq3A_1333 : i32 to vector<16xi32>
      %eq3A_1335 = arith.cmpi eq, %shift_right_arithmetic3A_1320, %eq3A_1334 : vector<16xi32>
      %select_n3A_1336 = arith.select %eq3A_1335, %shift_left3A_1327, %broadcast_in_dim3A_3 : vector<16xi1>, vector<16xi32>
      %add3A_1337 = arith.addi %add3A_1298, %select_n3A_1336 : vector<16xi32>
      %eq3A_1338 = arith.constant 2 : i32
      %eq3A_1339 = vector.broadcast %eq3A_1338 : i32 to vector<16xi32>
      %eq3A_1340 = arith.cmpi eq, %shift_right_arithmetic3A_1320, %eq3A_1339 : vector<16xi32>
      %select_n3A_1341 = arith.select %eq3A_1340, %shift_left3A_1327, %broadcast_in_dim3A_3 : vector<16xi1>, vector<16xi32>
      %add3A_1342 = arith.addi %add3A_1303, %select_n3A_1341 : vector<16xi32>
      %eq3A_1343 = arith.constant 3 : i32
      %eq3A_1344 = vector.broadcast %eq3A_1343 : i32 to vector<16xi32>
      %eq3A_1345 = arith.cmpi eq, %shift_right_arithmetic3A_1320, %eq3A_1344 : vector<16xi32>
      %select_n3A_1346 = arith.select %eq3A_1345, %shift_left3A_1327, %broadcast_in_dim3A_3 : vector<16xi1>, vector<16xi32>
      %add3A_1347 = arith.addi %add3A_1308, %select_n3A_1346 : vector<16xi32>
      %mul3A_1348 = arith.constant 64 : i32
      %mul3A_1349 = arith.muli %mul3A_1348, %scan3A_89 : i32
      %add3A_1350 = arith.constant 32 : i32
      %add3A_1351 = arith.addi %mul3A_1349, %add3A_1350 : i32
      %mul3A_1352 = arith.constant 16 : i32
      %mul3A_1353 = arith.muli %add3A_1351, %mul3A_1352 : i32
      %get3A_1354 = arith.index_cast %mul3A_1353 : i32 to index
      %get3A_1355 = tpu.vector_load %arg4[%get3A_1354] {strides = array<i32>} : memref<65536xi32, #tpu.memory_space<vmem>>, vector<16xi32>,
      %get3A_1356 = vector.shape_cast %get3A_1355 : vector<16xi32> to vector<16xi32>
      %shift_right_arithmetic3A_1357 = arith.constant 2 : i32
      %shift_right_arithmetic3A_1358 = vector.broadcast %shift_right_arithmetic3A_1357 : i32 to vector<16xi32>
      %shift_right_arithmetic3A_1359 = arith.shrsi %get3A_1356, %shift_right_arithmetic3A_1358 : vector<16xi32>
      %and3A_1360 = arith.constant 3 : i32
      %and3A_1361 = vector.broadcast %and3A_1360 : i32 to vector<16xi32>
      %and3A_1362 = arith.andi %get3A_1356, %and3A_1361 : vector<16xi32>
      %shift_left3A_1363 = arith.constant 3 : i32
      %shift_left3A_1364 = vector.broadcast %shift_left3A_1363 : i32 to vector<16xi32>
      %shift_left3A_1365 = arith.shli %and3A_1362, %shift_left3A_1364 : vector<16xi32>
      %shift_left3A_1366 = arith.shli %broadcast_in_dim3A_5, %shift_left3A_1365 : vector<16xi32>
      %eq3A_1367 = arith.constant 0 : i32
      %eq3A_1368 = vector.broadcast %eq3A_1367 : i32 to vector<16xi32>
      %eq3A_1369 = arith.cmpi eq, %shift_right_arithmetic3A_1359, %eq3A_1368 : vector<16xi32>
      %select_n3A_1370 = arith.select %eq3A_1369, %shift_left3A_1366, %broadcast_in_dim3A_3 : vector<16xi1>, vector<16xi32>
      %add3A_1371 = arith.addi %add3A_1332, %select_n3A_1370 : vector<16xi32>
      %eq3A_1372 = arith.constant 1 : i32
      %eq3A_1373 = vector.broadcast %eq3A_1372 : i32 to vector<16xi32>
      %eq3A_1374 = arith.cmpi eq, %shift_right_arithmetic3A_1359, %eq3A_1373 : vector<16xi32>
      %select_n3A_1375 = arith.select %eq3A_1374, %shift_left3A_1366, %broadcast_in_dim3A_3 : vector<16xi1>, vector<16xi32>
      %add3A_1376 = arith.addi %add3A_1337, %select_n3A_1375 : vector<16xi32>
      %eq3A_1377 = arith.constant 2 : i32
      %eq3A_1378 = vector.broadcast %eq3A_1377 : i32 to vector<16xi32>
      %eq3A_1379 = arith.cmpi eq, %shift_right_arithmetic3A_1359, %eq3A_1378 : vector<16xi32>
      %select_n3A_1380 = arith.select %eq3A_1379, %shift_left3A_1366, %broadcast_in_dim3A_3 : vector<16xi1>, vector<16xi32>
      %add3A_1381 = arith.addi %add3A_1342, %select_n3A_1380 : vector<16xi32>
      %eq3A_1382 = arith.constant 3 : i32
      %eq3A_1383 = vector.broadcast %eq3A_1382 : i32 to vector<16xi32>
      %eq3A_1384 = arith.cmpi eq, %shift_right_arithmetic3A_1359, %eq3A_1383 : vector<16xi32>
      %select_n3A_1385 = arith.select %eq3A_1384, %shift_left3A_1366, %broadcast_in_dim3A_3 : vector<16xi1>, vector<16xi32>
      %add3A_1386 = arith.addi %add3A_1347, %select_n3A_1385 : vector<16xi32>
      %mul3A_1387 = arith.constant 64 : i32
      %mul3A_1388 = arith.muli %mul3A_1387, %scan3A_89 : i32
      %add3A_1389 = arith.constant 33 : i32
      %add3A_1390 = arith.addi %mul3A_1388, %add3A_1389 : i32
      %mul3A_1391 = arith.constant 16 : i32
      %mul3A_1392 = arith.muli %add3A_1390, %mul3A_1391 : i32
      %get3A_1393 = arith.index_cast %mul3A_1392 : i32 to index
      %get3A_1394 = tpu.vector_load %arg4[%get3A_1393] {strides = array<i32>} : memref<65536xi32, #tpu.memory_space<vmem>>, vector<16xi32>,
      %get3A_1395 = vector.shape_cast %get3A_1394 : vector<16xi32> to vector<16xi32>
      %shift_right_arithmetic3A_1396 = arith.constant 2 : i32
      %shift_right_arithmetic3A_1397 = vector.broadcast %shift_right_arithmetic3A_1396 : i32 to vector<16xi32>
      %shift_right_arithmetic3A_1398 = arith.shrsi %get3A_1395, %shift_right_arithmetic3A_1397 : vector<16xi32>
      %and3A_1399 = arith.constant 3 : i32
      %and3A_1400 = vector.broadcast %and3A_1399 : i32 to vector<16xi32>
      %and3A_1401 = arith.andi %get3A_1395, %and3A_1400 : vector<16xi32>
      %shift_left3A_1402 = arith.constant 3 : i32
      %shift_left3A_1403 = vector.broadcast %shift_left3A_1402 : i32 to vector<16xi32>
      %shift_left3A_1404 = arith.shli %and3A_1401, %shift_left3A_1403 : vector<16xi32>
      %shift_left3A_1405 = arith.shli %broadcast_in_dim3A_5, %shift_left3A_1404 : vector<16xi32>
      %eq3A_1406 = arith.constant 0 : i32
      %eq3A_1407 = vector.broadcast %eq3A_1406 : i32 to vector<16xi32>
      %eq3A_1408 = arith.cmpi eq, %shift_right_arithmetic3A_1398, %eq3A_1407 : vector<16xi32>
      %select_n3A_1409 = arith.select %eq3A_1408, %shift_left3A_1405, %broadcast_in_dim3A_3 : vector<16xi1>, vector<16xi32>
      %add3A_1410 = arith.addi %add3A_1371, %select_n3A_1409 : vector<16xi32>
      %eq3A_1411 = arith.constant 1 : i32
      %eq3A_1412 = vector.broadcast %eq3A_1411 : i32 to vector<16xi32>
      %eq3A_1413 = arith.cmpi eq, %shift_right_arithmetic3A_1398, %eq3A_1412 : vector<16xi32>
      %select_n3A_1414 = arith.select %eq3A_1413, %shift_left3A_1405, %broadcast_in_dim3A_3 : vector<16xi1>, vector<16xi32>
      %add3A_1415 = arith.addi %add3A_1376, %select_n3A_1414 : vector<16xi32>
      %eq3A_1416 = arith.constant 2 : i32
      %eq3A_1417 = vector.broadcast %eq3A_1416 : i32 to vector<16xi32>
      %eq3A_1418 = arith.cmpi eq, %shift_right_arithmetic3A_1398, %eq3A_1417 : vector<16xi32>
      %select_n3A_1419 = arith.select %eq3A_1418, %shift_left3A_1405, %broadcast_in_dim3A_3 : vector<16xi1>, vector<16xi32>
      %add3A_1420 = arith.addi %add3A_1381, %select_n3A_1419 : vector<16xi32>
      %eq3A_1421 = arith.constant 3 : i32
      %eq3A_1422 = vector.broadcast %eq3A_1421 : i32 to vector<16xi32>
      %eq3A_1423 = arith.cmpi eq, %shift_right_arithmetic3A_1398, %eq3A_1422 : vector<16xi32>
      %select_n3A_1424 = arith.select %eq3A_1423, %shift_left3A_1405, %broadcast_in_dim3A_3 : vector<16xi1>, vector<16xi32>
      %add3A_1425 = arith.addi %add3A_1386, %select_n3A_1424 : vector<16xi32>
      %mul3A_1426 = arith.constant 64 : i32
      %mul3A_1427 = arith.muli %mul3A_1426, %scan3A_89 : i32
      %add3A_1428 = arith.constant 34 : i32
      %add3A_1429 = arith.addi %mul3A_1427, %add3A_1428 : i32
      %mul3A_1430 = arith.constant 16 : i32
      %mul3A_1431 = arith.muli %add3A_1429, %mul3A_1430 : i32
      %get3A_1432 = arith.index_cast %mul3A_1431 : i32 to index
      %get3A_1433 = tpu.vector_load %arg4[%get3A_1432] {strides = array<i32>} : memref<65536xi32, #tpu.memory_space<vmem>>, vector<16xi32>,
      %get3A_1434 = vector.shape_cast %get3A_1433 : vector<16xi32> to vector<16xi32>
      %shift_right_arithmetic3A_1435 = arith.constant 2 : i32
      %shift_right_arithmetic3A_1436 = vector.broadcast %shift_right_arithmetic3A_1435 : i32 to vector<16xi32>
      %shift_right_arithmetic3A_1437 = arith.shrsi %get3A_1434, %shift_right_arithmetic3A_1436 : vector<16xi32>
      %and3A_1438 = arith.constant 3 : i32
      %and3A_1439 = vector.broadcast %and3A_1438 : i32 to vector<16xi32>
      %and3A_1440 = arith.andi %get3A_1434, %and3A_1439 : vector<16xi32>
      %shift_left3A_1441 = arith.constant 3 : i32
      %shift_left3A_1442 = vector.broadcast %shift_left3A_1441 : i32 to vector<16xi32>
      %shift_left3A_1443 = arith.shli %and3A_1440, %shift_left3A_1442 : vector<16xi32>
      %shift_left3A_1444 = arith.shli %broadcast_in_dim3A_5, %shift_left3A_1443 : vector<16xi32>
      %eq3A_1445 = arith.constant 0 : i32
      %eq3A_1446 = vector.broadcast %eq3A_1445 : i32 to vector<16xi32>
      %eq3A_1447 = arith.cmpi eq, %shift_right_arithmetic3A_1437, %eq3A_1446 : vector<16xi32>
      %select_n3A_1448 = arith.select %eq3A_1447, %shift_left3A_1444, %broadcast_in_dim3A_3 : vector<16xi1>, vector<16xi32>
      %add3A_1449 = arith.addi %add3A_1410, %select_n3A_1448 : vector<16xi32>
      %eq3A_1450 = arith.constant 1 : i32
      %eq3A_1451 = vector.broadcast %eq3A_1450 : i32 to vector<16xi32>
      %eq3A_1452 = arith.cmpi eq, %shift_right_arithmetic3A_1437, %eq3A_1451 : vector<16xi32>
      %select_n3A_1453 = arith.select %eq3A_1452, %shift_left3A_1444, %broadcast_in_dim3A_3 : vector<16xi1>, vector<16xi32>
      %add3A_1454 = arith.addi %add3A_1415, %select_n3A_1453 : vector<16xi32>
      %eq3A_1455 = arith.constant 2 : i32
      %eq3A_1456 = vector.broadcast %eq3A_1455 : i32 to vector<16xi32>
      %eq3A_1457 = arith.cmpi eq, %shift_right_arithmetic3A_1437, %eq3A_1456 : vector<16xi32>
      %select_n3A_1458 = arith.select %eq3A_1457, %shift_left3A_1444, %broadcast_in_dim3A_3 : vector<16xi1>, vector<16xi32>
      %add3A_1459 = arith.addi %add3A_1420, %select_n3A_1458 : vector<16xi32>
      %eq3A_1460 = arith.constant 3 : i32
      %eq3A_1461 = vector.broadcast %eq3A_1460 : i32 to vector<16xi32>
      %eq3A_1462 = arith.cmpi eq, %shift_right_arithmetic3A_1437, %eq3A_1461 : vector<16xi32>
      %select_n3A_1463 = arith.select %eq3A_1462, %shift_left3A_1444, %broadcast_in_dim3A_3 : vector<16xi1>, vector<16xi32>
      %add3A_1464 = arith.addi %add3A_1425, %select_n3A_1463 : vector<16xi32>
      %mul3A_1465 = arith.constant 64 : i32
      %mul3A_1466 = arith.muli %mul3A_1465, %scan3A_89 : i32
      %add3A_1467 = arith.constant 35 : i32
      %add3A_1468 = arith.addi %mul3A_1466, %add3A_1467 : i32
      %mul3A_1469 = arith.constant 16 : i32
      %mul3A_1470 = arith.muli %add3A_1468, %mul3A_1469 : i32
      %get3A_1471 = arith.index_cast %mul3A_1470 : i32 to index
      %get3A_1472 = tpu.vector_load %arg4[%get3A_1471] {strides = array<i32>} : memref<65536xi32, #tpu.memory_space<vmem>>, vector<16xi32>,
      %get3A_1473 = vector.shape_cast %get3A_1472 : vector<16xi32> to vector<16xi32>
      %shift_right_arithmetic3A_1474 = arith.constant 2 : i32
      %shift_right_arithmetic3A_1475 = vector.broadcast %shift_right_arithmetic3A_1474 : i32 to vector<16xi32>
      %shift_right_arithmetic3A_1476 = arith.shrsi %get3A_1473, %shift_right_arithmetic3A_1475 : vector<16xi32>
      %and3A_1477 = arith.constant 3 : i32
      %and3A_1478 = vector.broadcast %and3A_1477 : i32 to vector<16xi32>
      %and3A_1479 = arith.andi %get3A_1473, %and3A_1478 : vector<16xi32>
      %shift_left3A_1480 = arith.constant 3 : i32
      %shift_left3A_1481 = vector.broadcast %shift_left3A_1480 : i32 to vector<16xi32>
      %shift_left3A_1482 = arith.shli %and3A_1479, %shift_left3A_1481 : vector<16xi32>
      %shift_left3A_1483 = arith.shli %broadcast_in_dim3A_5, %shift_left3A_1482 : vector<16xi32>
      %eq3A_1484 = arith.constant 0 : i32
      %eq3A_1485 = vector.broadcast %eq3A_1484 : i32 to vector<16xi32>
      %eq3A_1486 = arith.cmpi eq, %shift_right_arithmetic3A_1476, %eq3A_1485 : vector<16xi32>
      %select_n3A_1487 = arith.select %eq3A_1486, %shift_left3A_1483, %broadcast_in_dim3A_3 : vector<16xi1>, vector<16xi32>
      %add3A_1488 = arith.addi %add3A_1449, %select_n3A_1487 : vector<16xi32>
      %eq3A_1489 = arith.constant 1 : i32
      %eq3A_1490 = vector.broadcast %eq3A_1489 : i32 to vector<16xi32>
      %eq3A_1491 = arith.cmpi eq, %shift_right_arithmetic3A_1476, %eq3A_1490 : vector<16xi32>
      %select_n3A_1492 = arith.select %eq3A_1491, %shift_left3A_1483, %broadcast_in_dim3A_3 : vector<16xi1>, vector<16xi32>
      %add3A_1493 = arith.addi %add3A_1454, %select_n3A_1492 : vector<16xi32>
      %eq3A_1494 = arith.constant 2 : i32
      %eq3A_1495 = vector.broadcast %eq3A_1494 : i32 to vector<16xi32>
      %eq3A_1496 = arith.cmpi eq, %shift_right_arithmetic3A_1476, %eq3A_1495 : vector<16xi32>
      %select_n3A_1497 = arith.select %eq3A_1496, %shift_left3A_1483, %broadcast_in_dim3A_3 : vector<16xi1>, vector<16xi32>
      %add3A_1498 = arith.addi %add3A_1459, %select_n3A_1497 : vector<16xi32>
      %eq3A_1499 = arith.constant 3 : i32
      %eq3A_1500 = vector.broadcast %eq3A_1499 : i32 to vector<16xi32>
      %eq3A_1501 = arith.cmpi eq, %shift_right_arithmetic3A_1476, %eq3A_1500 : vector<16xi32>
      %select_n3A_1502 = arith.select %eq3A_1501, %shift_left3A_1483, %broadcast_in_dim3A_3 : vector<16xi1>, vector<16xi32>
      %add3A_1503 = arith.addi %add3A_1464, %select_n3A_1502 : vector<16xi32>
      %mul3A_1504 = arith.constant 64 : i32
      %mul3A_1505 = arith.muli %mul3A_1504, %scan3A_89 : i32
      %add3A_1506 = arith.constant 36 : i32
      %add3A_1507 = arith.addi %mul3A_1505, %add3A_1506 : i32
      %mul3A_1508 = arith.constant 16 : i32
      %mul3A_1509 = arith.muli %add3A_1507, %mul3A_1508 : i32
      %get3A_1510 = arith.index_cast %mul3A_1509 : i32 to index
      %get3A_1511 = tpu.vector_load %arg4[%get3A_1510] {strides = array<i32>} : memref<65536xi32, #tpu.memory_space<vmem>>, vector<16xi32>,
      %get3A_1512 = vector.shape_cast %get3A_1511 : vector<16xi32> to vector<16xi32>
      %shift_right_arithmetic3A_1513 = arith.constant 2 : i32
      %shift_right_arithmetic3A_1514 = vector.broadcast %shift_right_arithmetic3A_1513 : i32 to vector<16xi32>
      %shift_right_arithmetic3A_1515 = arith.shrsi %get3A_1512, %shift_right_arithmetic3A_1514 : vector<16xi32>
      %and3A_1516 = arith.constant 3 : i32
      %and3A_1517 = vector.broadcast %and3A_1516 : i32 to vector<16xi32>
      %and3A_1518 = arith.andi %get3A_1512, %and3A_1517 : vector<16xi32>
      %shift_left3A_1519 = arith.constant 3 : i32
      %shift_left3A_1520 = vector.broadcast %shift_left3A_1519 : i32 to vector<16xi32>
      %shift_left3A_1521 = arith.shli %and3A_1518, %shift_left3A_1520 : vector<16xi32>
      %shift_left3A_1522 = arith.shli %broadcast_in_dim3A_5, %shift_left3A_1521 : vector<16xi32>
      %eq3A_1523 = arith.constant 0 : i32
      %eq3A_1524 = vector.broadcast %eq3A_1523 : i32 to vector<16xi32>
      %eq3A_1525 = arith.cmpi eq, %shift_right_arithmetic3A_1515, %eq3A_1524 : vector<16xi32>
      %select_n3A_1526 = arith.select %eq3A_1525, %shift_left3A_1522, %broadcast_in_dim3A_3 : vector<16xi1>, vector<16xi32>
      %add3A_1527 = arith.addi %add3A_1488, %select_n3A_1526 : vector<16xi32>
      %eq3A_1528 = arith.constant 1 : i32
      %eq3A_1529 = vector.broadcast %eq3A_1528 : i32 to vector<16xi32>
      %eq3A_1530 = arith.cmpi eq, %shift_right_arithmetic3A_1515, %eq3A_1529 : vector<16xi32>
      %select_n3A_1531 = arith.select %eq3A_1530, %shift_left3A_1522, %broadcast_in_dim3A_3 : vector<16xi1>, vector<16xi32>
      %add3A_1532 = arith.addi %add3A_1493, %select_n3A_1531 : vector<16xi32>
      %eq3A_1533 = arith.constant 2 : i32
      %eq3A_1534 = vector.broadcast %eq3A_1533 : i32 to vector<16xi32>
      %eq3A_1535 = arith.cmpi eq, %shift_right_arithmetic3A_1515, %eq3A_1534 : vector<16xi32>
      %select_n3A_1536 = arith.select %eq3A_1535, %shift_left3A_1522, %broadcast_in_dim3A_3 : vector<16xi1>, vector<16xi32>
      %add3A_1537 = arith.addi %add3A_1498, %select_n3A_1536 : vector<16xi32>
      %eq3A_1538 = arith.constant 3 : i32
      %eq3A_1539 = vector.broadcast %eq3A_1538 : i32 to vector<16xi32>
      %eq3A_1540 = arith.cmpi eq, %shift_right_arithmetic3A_1515, %eq3A_1539 : vector<16xi32>
      %select_n3A_1541 = arith.select %eq3A_1540, %shift_left3A_1522, %broadcast_in_dim3A_3 : vector<16xi1>, vector<16xi32>
      %add3A_1542 = arith.addi %add3A_1503, %select_n3A_1541 : vector<16xi32>
      %mul3A_1543 = arith.constant 64 : i32
      %mul3A_1544 = arith.muli %mul3A_1543, %scan3A_89 : i32
      %add3A_1545 = arith.constant 37 : i32
      %add3A_1546 = arith.addi %mul3A_1544, %add3A_1545 : i32
      %mul3A_1547 = arith.constant 16 : i32
      %mul3A_1548 = arith.muli %add3A_1546, %mul3A_1547 : i32
      %get3A_1549 = arith.index_cast %mul3A_1548 : i32 to index
      %get3A_1550 = tpu.vector_load %arg4[%get3A_1549] {strides = array<i32>} : memref<65536xi32, #tpu.memory_space<vmem>>, vector<16xi32>,
      %get3A_1551 = vector.shape_cast %get3A_1550 : vector<16xi32> to vector<16xi32>
      %shift_right_arithmetic3A_1552 = arith.constant 2 : i32
      %shift_right_arithmetic3A_1553 = vector.broadcast %shift_right_arithmetic3A_1552 : i32 to vector<16xi32>
      %shift_right_arithmetic3A_1554 = arith.shrsi %get3A_1551, %shift_right_arithmetic3A_1553 : vector<16xi32>
      %and3A_1555 = arith.constant 3 : i32
      %and3A_1556 = vector.broadcast %and3A_1555 : i32 to vector<16xi32>
      %and3A_1557 = arith.andi %get3A_1551, %and3A_1556 : vector<16xi32>
      %shift_left3A_1558 = arith.constant 3 : i32
      %shift_left3A_1559 = vector.broadcast %shift_left3A_1558 : i32 to vector<16xi32>
      %shift_left3A_1560 = arith.shli %and3A_1557, %shift_left3A_1559 : vector<16xi32>
      %shift_left3A_1561 = arith.shli %broadcast_in_dim3A_5, %shift_left3A_1560 : vector<16xi32>
      %eq3A_1562 = arith.constant 0 : i32
      %eq3A_1563 = vector.broadcast %eq3A_1562 : i32 to vector<16xi32>
      %eq3A_1564 = arith.cmpi eq, %shift_right_arithmetic3A_1554, %eq3A_1563 : vector<16xi32>
      %select_n3A_1565 = arith.select %eq3A_1564, %shift_left3A_1561, %broadcast_in_dim3A_3 : vector<16xi1>, vector<16xi32>
      %add3A_1566 = arith.addi %add3A_1527, %select_n3A_1565 : vector<16xi32>
      %eq3A_1567 = arith.constant 1 : i32
      %eq3A_1568 = vector.broadcast %eq3A_1567 : i32 to vector<16xi32>
      %eq3A_1569 = arith.cmpi eq, %shift_right_arithmetic3A_1554, %eq3A_1568 : vector<16xi32>
      %select_n3A_1570 = arith.select %eq3A_1569, %shift_left3A_1561, %broadcast_in_dim3A_3 : vector<16xi1>, vector<16xi32>
      %add3A_1571 = arith.addi %add3A_1532, %select_n3A_1570 : vector<16xi32>
      %eq3A_1572 = arith.constant 2 : i32
      %eq3A_1573 = vector.broadcast %eq3A_1572 : i32 to vector<16xi32>
      %eq3A_1574 = arith.cmpi eq, %shift_right_arithmetic3A_1554, %eq3A_1573 : vector<16xi32>
      %select_n3A_1575 = arith.select %eq3A_1574, %shift_left3A_1561, %broadcast_in_dim3A_3 : vector<16xi1>, vector<16xi32>
      %add3A_1576 = arith.addi %add3A_1537, %select_n3A_1575 : vector<16xi32>
      %eq3A_1577 = arith.constant 3 : i32
      %eq3A_1578 = vector.broadcast %eq3A_1577 : i32 to vector<16xi32>
      %eq3A_1579 = arith.cmpi eq, %shift_right_arithmetic3A_1554, %eq3A_1578 : vector<16xi32>
      %select_n3A_1580 = arith.select %eq3A_1579, %shift_left3A_1561, %broadcast_in_dim3A_3 : vector<16xi1>, vector<16xi32>
      %add3A_1581 = arith.addi %add3A_1542, %select_n3A_1580 : vector<16xi32>
      %mul3A_1582 = arith.constant 64 : i32
      %mul3A_1583 = arith.muli %mul3A_1582, %scan3A_89 : i32
      %add3A_1584 = arith.constant 38 : i32
      %add3A_1585 = arith.addi %mul3A_1583, %add3A_1584 : i32
      %mul3A_1586 = arith.constant 16 : i32
      %mul3A_1587 = arith.muli %add3A_1585, %mul3A_1586 : i32
      %get3A_1588 = arith.index_cast %mul3A_1587 : i32 to index
      %get3A_1589 = tpu.vector_load %arg4[%get3A_1588] {strides = array<i32>} : memref<65536xi32, #tpu.memory_space<vmem>>, vector<16xi32>,
      %get3A_1590 = vector.shape_cast %get3A_1589 : vector<16xi32> to vector<16xi32>
      %shift_right_arithmetic3A_1591 = arith.constant 2 : i32
      %shift_right_arithmetic3A_1592 = vector.broadcast %shift_right_arithmetic3A_1591 : i32 to vector<16xi32>
      %shift_right_arithmetic3A_1593 = arith.shrsi %get3A_1590, %shift_right_arithmetic3A_1592 : vector<16xi32>
      %and3A_1594 = arith.constant 3 : i32
      %and3A_1595 = vector.broadcast %and3A_1594 : i32 to vector<16xi32>
      %and3A_1596 = arith.andi %get3A_1590, %and3A_1595 : vector<16xi32>
      %shift_left3A_1597 = arith.constant 3 : i32
      %shift_left3A_1598 = vector.broadcast %shift_left3A_1597 : i32 to vector<16xi32>
      %shift_left3A_1599 = arith.shli %and3A_1596, %shift_left3A_1598 : vector<16xi32>
      %shift_left3A_1600 = arith.shli %broadcast_in_dim3A_5, %shift_left3A_1599 : vector<16xi32>
      %eq3A_1601 = arith.constant 0 : i32
      %eq3A_1602 = vector.broadcast %eq3A_1601 : i32 to vector<16xi32>
      %eq3A_1603 = arith.cmpi eq, %shift_right_arithmetic3A_1593, %eq3A_1602 : vector<16xi32>
      %select_n3A_1604 = arith.select %eq3A_1603, %shift_left3A_1600, %broadcast_in_dim3A_3 : vector<16xi1>, vector<16xi32>
      %add3A_1605 = arith.addi %add3A_1566, %select_n3A_1604 : vector<16xi32>
      %eq3A_1606 = arith.constant 1 : i32
      %eq3A_1607 = vector.broadcast %eq3A_1606 : i32 to vector<16xi32>
      %eq3A_1608 = arith.cmpi eq, %shift_right_arithmetic3A_1593, %eq3A_1607 : vector<16xi32>
      %select_n3A_1609 = arith.select %eq3A_1608, %shift_left3A_1600, %broadcast_in_dim3A_3 : vector<16xi1>, vector<16xi32>
      %add3A_1610 = arith.addi %add3A_1571, %select_n3A_1609 : vector<16xi32>
      %eq3A_1611 = arith.constant 2 : i32
      %eq3A_1612 = vector.broadcast %eq3A_1611 : i32 to vector<16xi32>
      %eq3A_1613 = arith.cmpi eq, %shift_right_arithmetic3A_1593, %eq3A_1612 : vector<16xi32>
      %select_n3A_1614 = arith.select %eq3A_1613, %shift_left3A_1600, %broadcast_in_dim3A_3 : vector<16xi1>, vector<16xi32>
      %add3A_1615 = arith.addi %add3A_1576, %select_n3A_1614 : vector<16xi32>
      %eq3A_1616 = arith.constant 3 : i32
      %eq3A_1617 = vector.broadcast %eq3A_1616 : i32 to vector<16xi32>
      %eq3A_1618 = arith.cmpi eq, %shift_right_arithmetic3A_1593, %eq3A_1617 : vector<16xi32>
      %select_n3A_1619 = arith.select %eq3A_1618, %shift_left3A_1600, %broadcast_in_dim3A_3 : vector<16xi1>, vector<16xi32>
      %add3A_1620 = arith.addi %add3A_1581, %select_n3A_1619 : vector<16xi32>
      %mul3A_1621 = arith.constant 64 : i32
      %mul3A_1622 = arith.muli %mul3A_1621, %scan3A_89 : i32
      %add3A_1623 = arith.constant 39 : i32
      %add3A_1624 = arith.addi %mul3A_1622, %add3A_1623 : i32
      %mul3A_1625 = arith.constant 16 : i32
      %mul3A_1626 = arith.muli %add3A_1624, %mul3A_1625 : i32
      %get3A_1627 = arith.index_cast %mul3A_1626 : i32 to index
      %get3A_1628 = tpu.vector_load %arg4[%get3A_1627] {strides = array<i32>} : memref<65536xi32, #tpu.memory_space<vmem>>, vector<16xi32>,
      %get3A_1629 = vector.shape_cast %get3A_1628 : vector<16xi32> to vector<16xi32>
      %shift_right_arithmetic3A_1630 = arith.constant 2 : i32
      %shift_right_arithmetic3A_1631 = vector.broadcast %shift_right_arithmetic3A_1630 : i32 to vector<16xi32>
      %shift_right_arithmetic3A_1632 = arith.shrsi %get3A_1629, %shift_right_arithmetic3A_1631 : vector<16xi32>
      %and3A_1633 = arith.constant 3 : i32
      %and3A_1634 = vector.broadcast %and3A_1633 : i32 to vector<16xi32>
      %and3A_1635 = arith.andi %get3A_1629, %and3A_1634 : vector<16xi32>
      %shift_left3A_1636 = arith.constant 3 : i32
      %shift_left3A_1637 = vector.broadcast %shift_left3A_1636 : i32 to vector<16xi32>
      %shift_left3A_1638 = arith.shli %and3A_1635, %shift_left3A_1637 : vector<16xi32>
      %shift_left3A_1639 = arith.shli %broadcast_in_dim3A_5, %shift_left3A_1638 : vector<16xi32>
      %eq3A_1640 = arith.constant 0 : i32
      %eq3A_1641 = vector.broadcast %eq3A_1640 : i32 to vector<16xi32>
      %eq3A_1642 = arith.cmpi eq, %shift_right_arithmetic3A_1632, %eq3A_1641 : vector<16xi32>
      %select_n3A_1643 = arith.select %eq3A_1642, %shift_left3A_1639, %broadcast_in_dim3A_3 : vector<16xi1>, vector<16xi32>
      %add3A_1644 = arith.addi %add3A_1605, %select_n3A_1643 : vector<16xi32>
      %eq3A_1645 = arith.constant 1 : i32
      %eq3A_1646 = vector.broadcast %eq3A_1645 : i32 to vector<16xi32>
      %eq3A_1647 = arith.cmpi eq, %shift_right_arithmetic3A_1632, %eq3A_1646 : vector<16xi32>
      %select_n3A_1648 = arith.select %eq3A_1647, %shift_left3A_1639, %broadcast_in_dim3A_3 : vector<16xi1>, vector<16xi32>
      %add3A_1649 = arith.addi %add3A_1610, %select_n3A_1648 : vector<16xi32>
      %eq3A_1650 = arith.constant 2 : i32
      %eq3A_1651 = vector.broadcast %eq3A_1650 : i32 to vector<16xi32>
      %eq3A_1652 = arith.cmpi eq, %shift_right_arithmetic3A_1632, %eq3A_1651 : vector<16xi32>
      %select_n3A_1653 = arith.select %eq3A_1652, %shift_left3A_1639, %broadcast_in_dim3A_3 : vector<16xi1>, vector<16xi32>
      %add3A_1654 = arith.addi %add3A_1615, %select_n3A_1653 : vector<16xi32>
      %eq3A_1655 = arith.constant 3 : i32
      %eq3A_1656 = vector.broadcast %eq3A_1655 : i32 to vector<16xi32>
      %eq3A_1657 = arith.cmpi eq, %shift_right_arithmetic3A_1632, %eq3A_1656 : vector<16xi32>
      %select_n3A_1658 = arith.select %eq3A_1657, %shift_left3A_1639, %broadcast_in_dim3A_3 : vector<16xi1>, vector<16xi32>
      %add3A_1659 = arith.addi %add3A_1620, %select_n3A_1658 : vector<16xi32>
      %mul3A_1660 = arith.constant 64 : i32
      %mul3A_1661 = arith.muli %mul3A_1660, %scan3A_89 : i32
      %add3A_1662 = arith.constant 40 : i32
      %add3A_1663 = arith.addi %mul3A_1661, %add3A_1662 : i32
      %mul3A_1664 = arith.constant 16 : i32
      %mul3A_1665 = arith.muli %add3A_1663, %mul3A_1664 : i32
      %get3A_1666 = arith.index_cast %mul3A_1665 : i32 to index
      %get3A_1667 = tpu.vector_load %arg4[%get3A_1666] {strides = array<i32>} : memref<65536xi32, #tpu.memory_space<vmem>>, vector<16xi32>,
      %get3A_1668 = vector.shape_cast %get3A_1667 : vector<16xi32> to vector<16xi32>
      %shift_right_arithmetic3A_1669 = arith.constant 2 : i32
      %shift_right_arithmetic3A_1670 = vector.broadcast %shift_right_arithmetic3A_1669 : i32 to vector<16xi32>
      %shift_right_arithmetic3A_1671 = arith.shrsi %get3A_1668, %shift_right_arithmetic3A_1670 : vector<16xi32>
      %and3A_1672 = arith.constant 3 : i32
      %and3A_1673 = vector.broadcast %and3A_1672 : i32 to vector<16xi32>
      %and3A_1674 = arith.andi %get3A_1668, %and3A_1673 : vector<16xi32>
      %shift_left3A_1675 = arith.constant 3 : i32
      %shift_left3A_1676 = vector.broadcast %shift_left3A_1675 : i32 to vector<16xi32>
      %shift_left3A_1677 = arith.shli %and3A_1674, %shift_left3A_1676 : vector<16xi32>
      %shift_left3A_1678 = arith.shli %broadcast_in_dim3A_5, %shift_left3A_1677 : vector<16xi32>
      %eq3A_1679 = arith.constant 0 : i32
      %eq3A_1680 = vector.broadcast %eq3A_1679 : i32 to vector<16xi32>
      %eq3A_1681 = arith.cmpi eq, %shift_right_arithmetic3A_1671, %eq3A_1680 : vector<16xi32>
      %select_n3A_1682 = arith.select %eq3A_1681, %shift_left3A_1678, %broadcast_in_dim3A_3 : vector<16xi1>, vector<16xi32>
      %add3A_1683 = arith.addi %add3A_1644, %select_n3A_1682 : vector<16xi32>
      %eq3A_1684 = arith.constant 1 : i32
      %eq3A_1685 = vector.broadcast %eq3A_1684 : i32 to vector<16xi32>
      %eq3A_1686 = arith.cmpi eq, %shift_right_arithmetic3A_1671, %eq3A_1685 : vector<16xi32>
      %select_n3A_1687 = arith.select %eq3A_1686, %shift_left3A_1678, %broadcast_in_dim3A_3 : vector<16xi1>, vector<16xi32>
      %add3A_1688 = arith.addi %add3A_1649, %select_n3A_1687 : vector<16xi32>
      %eq3A_1689 = arith.constant 2 : i32
      %eq3A_1690 = vector.broadcast %eq3A_1689 : i32 to vector<16xi32>
      %eq3A_1691 = arith.cmpi eq, %shift_right_arithmetic3A_1671, %eq3A_1690 : vector<16xi32>
      %select_n3A_1692 = arith.select %eq3A_1691, %shift_left3A_1678, %broadcast_in_dim3A_3 : vector<16xi1>, vector<16xi32>
      %add3A_1693 = arith.addi %add3A_1654, %select_n3A_1692 : vector<16xi32>
      %eq3A_1694 = arith.constant 3 : i32
      %eq3A_1695 = vector.broadcast %eq3A_1694 : i32 to vector<16xi32>
      %eq3A_1696 = arith.cmpi eq, %shift_right_arithmetic3A_1671, %eq3A_1695 : vector<16xi32>
      %select_n3A_1697 = arith.select %eq3A_1696, %shift_left3A_1678, %broadcast_in_dim3A_3 : vector<16xi1>, vector<16xi32>
      %add3A_1698 = arith.addi %add3A_1659, %select_n3A_1697 : vector<16xi32>
      %mul3A_1699 = arith.constant 64 : i32
      %mul3A_1700 = arith.muli %mul3A_1699, %scan3A_89 : i32
      %add3A_1701 = arith.constant 41 : i32
      %add3A_1702 = arith.addi %mul3A_1700, %add3A_1701 : i32
      %mul3A_1703 = arith.constant 16 : i32
      %mul3A_1704 = arith.muli %add3A_1702, %mul3A_1703 : i32
      %get3A_1705 = arith.index_cast %mul3A_1704 : i32 to index
      %get3A_1706 = tpu.vector_load %arg4[%get3A_1705] {strides = array<i32>} : memref<65536xi32, #tpu.memory_space<vmem>>, vector<16xi32>,
      %get3A_1707 = vector.shape_cast %get3A_1706 : vector<16xi32> to vector<16xi32>
      %shift_right_arithmetic3A_1708 = arith.constant 2 : i32
      %shift_right_arithmetic3A_1709 = vector.broadcast %shift_right_arithmetic3A_1708 : i32 to vector<16xi32>
      %shift_right_arithmetic3A_1710 = arith.shrsi %get3A_1707, %shift_right_arithmetic3A_1709 : vector<16xi32>
      %and3A_1711 = arith.constant 3 : i32
      %and3A_1712 = vector.broadcast %and3A_1711 : i32 to vector<16xi32>
      %and3A_1713 = arith.andi %get3A_1707, %and3A_1712 : vector<16xi32>
      %shift_left3A_1714 = arith.constant 3 : i32
      %shift_left3A_1715 = vector.broadcast %shift_left3A_1714 : i32 to vector<16xi32>
      %shift_left3A_1716 = arith.shli %and3A_1713, %shift_left3A_1715 : vector<16xi32>
      %shift_left3A_1717 = arith.shli %broadcast_in_dim3A_5, %shift_left3A_1716 : vector<16xi32>
      %eq3A_1718 = arith.constant 0 : i32
      %eq3A_1719 = vector.broadcast %eq3A_1718 : i32 to vector<16xi32>
      %eq3A_1720 = arith.cmpi eq, %shift_right_arithmetic3A_1710, %eq3A_1719 : vector<16xi32>
      %select_n3A_1721 = arith.select %eq3A_1720, %shift_left3A_1717, %broadcast_in_dim3A_3 : vector<16xi1>, vector<16xi32>
      %add3A_1722 = arith.addi %add3A_1683, %select_n3A_1721 : vector<16xi32>
      %eq3A_1723 = arith.constant 1 : i32
      %eq3A_1724 = vector.broadcast %eq3A_1723 : i32 to vector<16xi32>
      %eq3A_1725 = arith.cmpi eq, %shift_right_arithmetic3A_1710, %eq3A_1724 : vector<16xi32>
      %select_n3A_1726 = arith.select %eq3A_1725, %shift_left3A_1717, %broadcast_in_dim3A_3 : vector<16xi1>, vector<16xi32>
      %add3A_1727 = arith.addi %add3A_1688, %select_n3A_1726 : vector<16xi32>
      %eq3A_1728 = arith.constant 2 : i32
      %eq3A_1729 = vector.broadcast %eq3A_1728 : i32 to vector<16xi32>
      %eq3A_1730 = arith.cmpi eq, %shift_right_arithmetic3A_1710, %eq3A_1729 : vector<16xi32>
      %select_n3A_1731 = arith.select %eq3A_1730, %shift_left3A_1717, %broadcast_in_dim3A_3 : vector<16xi1>, vector<16xi32>
      %add3A_1732 = arith.addi %add3A_1693, %select_n3A_1731 : vector<16xi32>
      %eq3A_1733 = arith.constant 3 : i32
      %eq3A_1734 = vector.broadcast %eq3A_1733 : i32 to vector<16xi32>
      %eq3A_1735 = arith.cmpi eq, %shift_right_arithmetic3A_1710, %eq3A_1734 : vector<16xi32>
      %select_n3A_1736 = arith.select %eq3A_1735, %shift_left3A_1717, %broadcast_in_dim3A_3 : vector<16xi1>, vector<16xi32>
      %add3A_1737 = arith.addi %add3A_1698, %select_n3A_1736 : vector<16xi32>
      %mul3A_1738 = arith.constant 64 : i32
      %mul3A_1739 = arith.muli %mul3A_1738, %scan3A_89 : i32
      %add3A_1740 = arith.constant 42 : i32
      %add3A_1741 = arith.addi %mul3A_1739, %add3A_1740 : i32
      %mul3A_1742 = arith.constant 16 : i32
      %mul3A_1743 = arith.muli %add3A_1741, %mul3A_1742 : i32
      %get3A_1744 = arith.index_cast %mul3A_1743 : i32 to index
      %get3A_1745 = tpu.vector_load %arg4[%get3A_1744] {strides = array<i32>} : memref<65536xi32, #tpu.memory_space<vmem>>, vector<16xi32>,
      %get3A_1746 = vector.shape_cast %get3A_1745 : vector<16xi32> to vector<16xi32>
      %shift_right_arithmetic3A_1747 = arith.constant 2 : i32
      %shift_right_arithmetic3A_1748 = vector.broadcast %shift_right_arithmetic3A_1747 : i32 to vector<16xi32>
      %shift_right_arithmetic3A_1749 = arith.shrsi %get3A_1746, %shift_right_arithmetic3A_1748 : vector<16xi32>
      %and3A_1750 = arith.constant 3 : i32
      %and3A_1751 = vector.broadcast %and3A_1750 : i32 to vector<16xi32>
      %and3A_1752 = arith.andi %get3A_1746, %and3A_1751 : vector<16xi32>
      %shift_left3A_1753 = arith.constant 3 : i32
      %shift_left3A_1754 = vector.broadcast %shift_left3A_1753 : i32 to vector<16xi32>
      %shift_left3A_1755 = arith.shli %and3A_1752, %shift_left3A_1754 : vector<16xi32>
      %shift_left3A_1756 = arith.shli %broadcast_in_dim3A_5, %shift_left3A_1755 : vector<16xi32>
      %eq3A_1757 = arith.constant 0 : i32
      %eq3A_1758 = vector.broadcast %eq3A_1757 : i32 to vector<16xi32>
      %eq3A_1759 = arith.cmpi eq, %shift_right_arithmetic3A_1749, %eq3A_1758 : vector<16xi32>
      %select_n3A_1760 = arith.select %eq3A_1759, %shift_left3A_1756, %broadcast_in_dim3A_3 : vector<16xi1>, vector<16xi32>
      %add3A_1761 = arith.addi %add3A_1722, %select_n3A_1760 : vector<16xi32>
      %eq3A_1762 = arith.constant 1 : i32
      %eq3A_1763 = vector.broadcast %eq3A_1762 : i32 to vector<16xi32>
      %eq3A_1764 = arith.cmpi eq, %shift_right_arithmetic3A_1749, %eq3A_1763 : vector<16xi32>
      %select_n3A_1765 = arith.select %eq3A_1764, %shift_left3A_1756, %broadcast_in_dim3A_3 : vector<16xi1>, vector<16xi32>
      %add3A_1766 = arith.addi %add3A_1727, %select_n3A_1765 : vector<16xi32>
      %eq3A_1767 = arith.constant 2 : i32
      %eq3A_1768 = vector.broadcast %eq3A_1767 : i32 to vector<16xi32>
      %eq3A_1769 = arith.cmpi eq, %shift_right_arithmetic3A_1749, %eq3A_1768 : vector<16xi32>
      %select_n3A_1770 = arith.select %eq3A_1769, %shift_left3A_1756, %broadcast_in_dim3A_3 : vector<16xi1>, vector<16xi32>
      %add3A_1771 = arith.addi %add3A_1732, %select_n3A_1770 : vector<16xi32>
      %eq3A_1772 = arith.constant 3 : i32
      %eq3A_1773 = vector.broadcast %eq3A_1772 : i32 to vector<16xi32>
      %eq3A_1774 = arith.cmpi eq, %shift_right_arithmetic3A_1749, %eq3A_1773 : vector<16xi32>
      %select_n3A_1775 = arith.select %eq3A_1774, %shift_left3A_1756, %broadcast_in_dim3A_3 : vector<16xi1>, vector<16xi32>
      %add3A_1776 = arith.addi %add3A_1737, %select_n3A_1775 : vector<16xi32>
      %mul3A_1777 = arith.constant 64 : i32
      %mul3A_1778 = arith.muli %mul3A_1777, %scan3A_89 : i32
      %add3A_1779 = arith.constant 43 : i32
      %add3A_1780 = arith.addi %mul3A_1778, %add3A_1779 : i32
      %mul3A_1781 = arith.constant 16 : i32
      %mul3A_1782 = arith.muli %add3A_1780, %mul3A_1781 : i32
      %get3A_1783 = arith.index_cast %mul3A_1782 : i32 to index
      %get3A_1784 = tpu.vector_load %arg4[%get3A_1783] {strides = array<i32>} : memref<65536xi32, #tpu.memory_space<vmem>>, vector<16xi32>,
      %get3A_1785 = vector.shape_cast %get3A_1784 : vector<16xi32> to vector<16xi32>
      %shift_right_arithmetic3A_1786 = arith.constant 2 : i32
      %shift_right_arithmetic3A_1787 = vector.broadcast %shift_right_arithmetic3A_1786 : i32 to vector<16xi32>
      %shift_right_arithmetic3A_1788 = arith.shrsi %get3A_1785, %shift_right_arithmetic3A_1787 : vector<16xi32>
      %and3A_1789 = arith.constant 3 : i32
      %and3A_1790 = vector.broadcast %and3A_1789 : i32 to vector<16xi32>
      %and3A_1791 = arith.andi %get3A_1785, %and3A_1790 : vector<16xi32>
      %shift_left3A_1792 = arith.constant 3 : i32
      %shift_left3A_1793 = vector.broadcast %shift_left3A_1792 : i32 to vector<16xi32>
      %shift_left3A_1794 = arith.shli %and3A_1791, %shift_left3A_1793 : vector<16xi32>
      %shift_left3A_1795 = arith.shli %broadcast_in_dim3A_5, %shift_left3A_1794 : vector<16xi32>
      %eq3A_1796 = arith.constant 0 : i32
      %eq3A_1797 = vector.broadcast %eq3A_1796 : i32 to vector<16xi32>
      %eq3A_1798 = arith.cmpi eq, %shift_right_arithmetic3A_1788, %eq3A_1797 : vector<16xi32>
      %select_n3A_1799 = arith.select %eq3A_1798, %shift_left3A_1795, %broadcast_in_dim3A_3 : vector<16xi1>, vector<16xi32>
      %add3A_1800 = arith.addi %add3A_1761, %select_n3A_1799 : vector<16xi32>
      %eq3A_1801 = arith.constant 1 : i32
      %eq3A_1802 = vector.broadcast %eq3A_1801 : i32 to vector<16xi32>
      %eq3A_1803 = arith.cmpi eq, %shift_right_arithmetic3A_1788, %eq3A_1802 : vector<16xi32>
      %select_n3A_1804 = arith.select %eq3A_1803, %shift_left3A_1795, %broadcast_in_dim3A_3 : vector<16xi1>, vector<16xi32>
      %add3A_1805 = arith.addi %add3A_1766, %select_n3A_1804 : vector<16xi32>
      %eq3A_1806 = arith.constant 2 : i32
      %eq3A_1807 = vector.broadcast %eq3A_1806 : i32 to vector<16xi32>
      %eq3A_1808 = arith.cmpi eq, %shift_right_arithmetic3A_1788, %eq3A_1807 : vector<16xi32>
      %select_n3A_1809 = arith.select %eq3A_1808, %shift_left3A_1795, %broadcast_in_dim3A_3 : vector<16xi1>, vector<16xi32>
      %add3A_1810 = arith.addi %add3A_1771, %select_n3A_1809 : vector<16xi32>
      %eq3A_1811 = arith.constant 3 : i32
      %eq3A_1812 = vector.broadcast %eq3A_1811 : i32 to vector<16xi32>
      %eq3A_1813 = arith.cmpi eq, %shift_right_arithmetic3A_1788, %eq3A_1812 : vector<16xi32>
      %select_n3A_1814 = arith.select %eq3A_1813, %shift_left3A_1795, %broadcast_in_dim3A_3 : vector<16xi1>, vector<16xi32>
      %add3A_1815 = arith.addi %add3A_1776, %select_n3A_1814 : vector<16xi32>
      %mul3A_1816 = arith.constant 64 : i32
      %mul3A_1817 = arith.muli %mul3A_1816, %scan3A_89 : i32
      %add3A_1818 = arith.constant 44 : i32
      %add3A_1819 = arith.addi %mul3A_1817, %add3A_1818 : i32
      %mul3A_1820 = arith.constant 16 : i32
      %mul3A_1821 = arith.muli %add3A_1819, %mul3A_1820 : i32
      %get3A_1822 = arith.index_cast %mul3A_1821 : i32 to index
      %get3A_1823 = tpu.vector_load %arg4[%get3A_1822] {strides = array<i32>} : memref<65536xi32, #tpu.memory_space<vmem>>, vector<16xi32>,
      %get3A_1824 = vector.shape_cast %get3A_1823 : vector<16xi32> to vector<16xi32>
      %shift_right_arithmetic3A_1825 = arith.constant 2 : i32
      %shift_right_arithmetic3A_1826 = vector.broadcast %shift_right_arithmetic3A_1825 : i32 to vector<16xi32>
      %shift_right_arithmetic3A_1827 = arith.shrsi %get3A_1824, %shift_right_arithmetic3A_1826 : vector<16xi32>
      %and3A_1828 = arith.constant 3 : i32
      %and3A_1829 = vector.broadcast %and3A_1828 : i32 to vector<16xi32>
      %and3A_1830 = arith.andi %get3A_1824, %and3A_1829 : vector<16xi32>
      %shift_left3A_1831 = arith.constant 3 : i32
      %shift_left3A_1832 = vector.broadcast %shift_left3A_1831 : i32 to vector<16xi32>
      %shift_left3A_1833 = arith.shli %and3A_1830, %shift_left3A_1832 : vector<16xi32>
      %shift_left3A_1834 = arith.shli %broadcast_in_dim3A_5, %shift_left3A_1833 : vector<16xi32>
      %eq3A_1835 = arith.constant 0 : i32
      %eq3A_1836 = vector.broadcast %eq3A_1835 : i32 to vector<16xi32>
      %eq3A_1837 = arith.cmpi eq, %shift_right_arithmetic3A_1827, %eq3A_1836 : vector<16xi32>
      %select_n3A_1838 = arith.select %eq3A_1837, %shift_left3A_1834, %broadcast_in_dim3A_3 : vector<16xi1>, vector<16xi32>
      %add3A_1839 = arith.addi %add3A_1800, %select_n3A_1838 : vector<16xi32>
      %eq3A_1840 = arith.constant 1 : i32
      %eq3A_1841 = vector.broadcast %eq3A_1840 : i32 to vector<16xi32>
      %eq3A_1842 = arith.cmpi eq, %shift_right_arithmetic3A_1827, %eq3A_1841 : vector<16xi32>
      %select_n3A_1843 = arith.select %eq3A_1842, %shift_left3A_1834, %broadcast_in_dim3A_3 : vector<16xi1>, vector<16xi32>
      %add3A_1844 = arith.addi %add3A_1805, %select_n3A_1843 : vector<16xi32>
      %eq3A_1845 = arith.constant 2 : i32
      %eq3A_1846 = vector.broadcast %eq3A_1845 : i32 to vector<16xi32>
      %eq3A_1847 = arith.cmpi eq, %shift_right_arithmetic3A_1827, %eq3A_1846 : vector<16xi32>
      %select_n3A_1848 = arith.select %eq3A_1847, %shift_left3A_1834, %broadcast_in_dim3A_3 : vector<16xi1>, vector<16xi32>
      %add3A_1849 = arith.addi %add3A_1810, %select_n3A_1848 : vector<16xi32>
      %eq3A_1850 = arith.constant 3 : i32
      %eq3A_1851 = vector.broadcast %eq3A_1850 : i32 to vector<16xi32>
      %eq3A_1852 = arith.cmpi eq, %shift_right_arithmetic3A_1827, %eq3A_1851 : vector<16xi32>
      %select_n3A_1853 = arith.select %eq3A_1852, %shift_left3A_1834, %broadcast_in_dim3A_3 : vector<16xi1>, vector<16xi32>
      %add3A_1854 = arith.addi %add3A_1815, %select_n3A_1853 : vector<16xi32>
      %mul3A_1855 = arith.constant 64 : i32
      %mul3A_1856 = arith.muli %mul3A_1855, %scan3A_89 : i32
      %add3A_1857 = arith.constant 45 : i32
      %add3A_1858 = arith.addi %mul3A_1856, %add3A_1857 : i32
      %mul3A_1859 = arith.constant 16 : i32
      %mul3A_1860 = arith.muli %add3A_1858, %mul3A_1859 : i32
      %get3A_1861 = arith.index_cast %mul3A_1860 : i32 to index
      %get3A_1862 = tpu.vector_load %arg4[%get3A_1861] {strides = array<i32>} : memref<65536xi32, #tpu.memory_space<vmem>>, vector<16xi32>,
      %get3A_1863 = vector.shape_cast %get3A_1862 : vector<16xi32> to vector<16xi32>
      %shift_right_arithmetic3A_1864 = arith.constant 2 : i32
      %shift_right_arithmetic3A_1865 = vector.broadcast %shift_right_arithmetic3A_1864 : i32 to vector<16xi32>
      %shift_right_arithmetic3A_1866 = arith.shrsi %get3A_1863, %shift_right_arithmetic3A_1865 : vector<16xi32>
      %and3A_1867 = arith.constant 3 : i32
      %and3A_1868 = vector.broadcast %and3A_1867 : i32 to vector<16xi32>
      %and3A_1869 = arith.andi %get3A_1863, %and3A_1868 : vector<16xi32>
      %shift_left3A_1870 = arith.constant 3 : i32
      %shift_left3A_1871 = vector.broadcast %shift_left3A_1870 : i32 to vector<16xi32>
      %shift_left3A_1872 = arith.shli %and3A_1869, %shift_left3A_1871 : vector<16xi32>
      %shift_left3A_1873 = arith.shli %broadcast_in_dim3A_5, %shift_left3A_1872 : vector<16xi32>
      %eq3A_1874 = arith.constant 0 : i32
      %eq3A_1875 = vector.broadcast %eq3A_1874 : i32 to vector<16xi32>
      %eq3A_1876 = arith.cmpi eq, %shift_right_arithmetic3A_1866, %eq3A_1875 : vector<16xi32>
      %select_n3A_1877 = arith.select %eq3A_1876, %shift_left3A_1873, %broadcast_in_dim3A_3 : vector<16xi1>, vector<16xi32>
      %add3A_1878 = arith.addi %add3A_1839, %select_n3A_1877 : vector<16xi32>
      %eq3A_1879 = arith.constant 1 : i32
      %eq3A_1880 = vector.broadcast %eq3A_1879 : i32 to vector<16xi32>
      %eq3A_1881 = arith.cmpi eq, %shift_right_arithmetic3A_1866, %eq3A_1880 : vector<16xi32>
      %select_n3A_1882 = arith.select %eq3A_1881, %shift_left3A_1873, %broadcast_in_dim3A_3 : vector<16xi1>, vector<16xi32>
      %add3A_1883 = arith.addi %add3A_1844, %select_n3A_1882 : vector<16xi32>
      %eq3A_1884 = arith.constant 2 : i32
      %eq3A_1885 = vector.broadcast %eq3A_1884 : i32 to vector<16xi32>
      %eq3A_1886 = arith.cmpi eq, %shift_right_arithmetic3A_1866, %eq3A_1885 : vector<16xi32>
      %select_n3A_1887 = arith.select %eq3A_1886, %shift_left3A_1873, %broadcast_in_dim3A_3 : vector<16xi1>, vector<16xi32>
      %add3A_1888 = arith.addi %add3A_1849, %select_n3A_1887 : vector<16xi32>
      %eq3A_1889 = arith.constant 3 : i32
      %eq3A_1890 = vector.broadcast %eq3A_1889 : i32 to vector<16xi32>
      %eq3A_1891 = arith.cmpi eq, %shift_right_arithmetic3A_1866, %eq3A_1890 : vector<16xi32>
      %select_n3A_1892 = arith.select %eq3A_1891, %shift_left3A_1873, %broadcast_in_dim3A_3 : vector<16xi1>, vector<16xi32>
      %add3A_1893 = arith.addi %add3A_1854, %select_n3A_1892 : vector<16xi32>
      %mul3A_1894 = arith.constant 64 : i32
      %mul3A_1895 = arith.muli %mul3A_1894, %scan3A_89 : i32
      %add3A_1896 = arith.constant 46 : i32
      %add3A_1897 = arith.addi %mul3A_1895, %add3A_1896 : i32
      %mul3A_1898 = arith.constant 16 : i32
      %mul3A_1899 = arith.muli %add3A_1897, %mul3A_1898 : i32
      %get3A_1900 = arith.index_cast %mul3A_1899 : i32 to index
      %get3A_1901 = tpu.vector_load %arg4[%get3A_1900] {strides = array<i32>} : memref<65536xi32, #tpu.memory_space<vmem>>, vector<16xi32>,
      %get3A_1902 = vector.shape_cast %get3A_1901 : vector<16xi32> to vector<16xi32>
      %shift_right_arithmetic3A_1903 = arith.constant 2 : i32
      %shift_right_arithmetic3A_1904 = vector.broadcast %shift_right_arithmetic3A_1903 : i32 to vector<16xi32>
      %shift_right_arithmetic3A_1905 = arith.shrsi %get3A_1902, %shift_right_arithmetic3A_1904 : vector<16xi32>
      %and3A_1906 = arith.constant 3 : i32
      %and3A_1907 = vector.broadcast %and3A_1906 : i32 to vector<16xi32>
      %and3A_1908 = arith.andi %get3A_1902, %and3A_1907 : vector<16xi32>
      %shift_left3A_1909 = arith.constant 3 : i32
      %shift_left3A_1910 = vector.broadcast %shift_left3A_1909 : i32 to vector<16xi32>
      %shift_left3A_1911 = arith.shli %and3A_1908, %shift_left3A_1910 : vector<16xi32>
      %shift_left3A_1912 = arith.shli %broadcast_in_dim3A_5, %shift_left3A_1911 : vector<16xi32>
      %eq3A_1913 = arith.constant 0 : i32
      %eq3A_1914 = vector.broadcast %eq3A_1913 : i32 to vector<16xi32>
      %eq3A_1915 = arith.cmpi eq, %shift_right_arithmetic3A_1905, %eq3A_1914 : vector<16xi32>
      %select_n3A_1916 = arith.select %eq3A_1915, %shift_left3A_1912, %broadcast_in_dim3A_3 : vector<16xi1>, vector<16xi32>
      %add3A_1917 = arith.addi %add3A_1878, %select_n3A_1916 : vector<16xi32>
      %eq3A_1918 = arith.constant 1 : i32
      %eq3A_1919 = vector.broadcast %eq3A_1918 : i32 to vector<16xi32>
      %eq3A_1920 = arith.cmpi eq, %shift_right_arithmetic3A_1905, %eq3A_1919 : vector<16xi32>
      %select_n3A_1921 = arith.select %eq3A_1920, %shift_left3A_1912, %broadcast_in_dim3A_3 : vector<16xi1>, vector<16xi32>
      %add3A_1922 = arith.addi %add3A_1883, %select_n3A_1921 : vector<16xi32>
      %eq3A_1923 = arith.constant 2 : i32
      %eq3A_1924 = vector.broadcast %eq3A_1923 : i32 to vector<16xi32>
      %eq3A_1925 = arith.cmpi eq, %shift_right_arithmetic3A_1905, %eq3A_1924 : vector<16xi32>
      %select_n3A_1926 = arith.select %eq3A_1925, %shift_left3A_1912, %broadcast_in_dim3A_3 : vector<16xi1>, vector<16xi32>
      %add3A_1927 = arith.addi %add3A_1888, %select_n3A_1926 : vector<16xi32>
      %eq3A_1928 = arith.constant 3 : i32
      %eq3A_1929 = vector.broadcast %eq3A_1928 : i32 to vector<16xi32>
      %eq3A_1930 = arith.cmpi eq, %shift_right_arithmetic3A_1905, %eq3A_1929 : vector<16xi32>
      %select_n3A_1931 = arith.select %eq3A_1930, %shift_left3A_1912, %broadcast_in_dim3A_3 : vector<16xi1>, vector<16xi32>
      %add3A_1932 = arith.addi %add3A_1893, %select_n3A_1931 : vector<16xi32>
      %mul3A_1933 = arith.constant 64 : i32
      %mul3A_1934 = arith.muli %mul3A_1933, %scan3A_89 : i32
      %add3A_1935 = arith.constant 47 : i32
      %add3A_1936 = arith.addi %mul3A_1934, %add3A_1935 : i32
      %mul3A_1937 = arith.constant 16 : i32
      %mul3A_1938 = arith.muli %add3A_1936, %mul3A_1937 : i32
      %get3A_1939 = arith.index_cast %mul3A_1938 : i32 to index
      %get3A_1940 = tpu.vector_load %arg4[%get3A_1939] {strides = array<i32>} : memref<65536xi32, #tpu.memory_space<vmem>>, vector<16xi32>,
      %get3A_1941 = vector.shape_cast %get3A_1940 : vector<16xi32> to vector<16xi32>
      %shift_right_arithmetic3A_1942 = arith.constant 2 : i32
      %shift_right_arithmetic3A_1943 = vector.broadcast %shift_right_arithmetic3A_1942 : i32 to vector<16xi32>
      %shift_right_arithmetic3A_1944 = arith.shrsi %get3A_1941, %shift_right_arithmetic3A_1943 : vector<16xi32>
      %and3A_1945 = arith.constant 3 : i32
      %and3A_1946 = vector.broadcast %and3A_1945 : i32 to vector<16xi32>
      %and3A_1947 = arith.andi %get3A_1941, %and3A_1946 : vector<16xi32>
      %shift_left3A_1948 = arith.constant 3 : i32
      %shift_left3A_1949 = vector.broadcast %shift_left3A_1948 : i32 to vector<16xi32>
      %shift_left3A_1950 = arith.shli %and3A_1947, %shift_left3A_1949 : vector<16xi32>
      %shift_left3A_1951 = arith.shli %broadcast_in_dim3A_5, %shift_left3A_1950 : vector<16xi32>
      %eq3A_1952 = arith.constant 0 : i32
      %eq3A_1953 = vector.broadcast %eq3A_1952 : i32 to vector<16xi32>
      %eq3A_1954 = arith.cmpi eq, %shift_right_arithmetic3A_1944, %eq3A_1953 : vector<16xi32>
      %select_n3A_1955 = arith.select %eq3A_1954, %shift_left3A_1951, %broadcast_in_dim3A_3 : vector<16xi1>, vector<16xi32>
      %add3A_1956 = arith.addi %add3A_1917, %select_n3A_1955 : vector<16xi32>
      %eq3A_1957 = arith.constant 1 : i32
      %eq3A_1958 = vector.broadcast %eq3A_1957 : i32 to vector<16xi32>
      %eq3A_1959 = arith.cmpi eq, %shift_right_arithmetic3A_1944, %eq3A_1958 : vector<16xi32>
      %select_n3A_1960 = arith.select %eq3A_1959, %shift_left3A_1951, %broadcast_in_dim3A_3 : vector<16xi1>, vector<16xi32>
      %add3A_1961 = arith.addi %add3A_1922, %select_n3A_1960 : vector<16xi32>
      %eq3A_1962 = arith.constant 2 : i32
      %eq3A_1963 = vector.broadcast %eq3A_1962 : i32 to vector<16xi32>
      %eq3A_1964 = arith.cmpi eq, %shift_right_arithmetic3A_1944, %eq3A_1963 : vector<16xi32>
      %select_n3A_1965 = arith.select %eq3A_1964, %shift_left3A_1951, %broadcast_in_dim3A_3 : vector<16xi1>, vector<16xi32>
      %add3A_1966 = arith.addi %add3A_1927, %select_n3A_1965 : vector<16xi32>
      %eq3A_1967 = arith.constant 3 : i32
      %eq3A_1968 = vector.broadcast %eq3A_1967 : i32 to vector<16xi32>
      %eq3A_1969 = arith.cmpi eq, %shift_right_arithmetic3A_1944, %eq3A_1968 : vector<16xi32>
      %select_n3A_1970 = arith.select %eq3A_1969, %shift_left3A_1951, %broadcast_in_dim3A_3 : vector<16xi1>, vector<16xi32>
      %add3A_1971 = arith.addi %add3A_1932, %select_n3A_1970 : vector<16xi32>
      %mul3A_1972 = arith.constant 64 : i32
      %mul3A_1973 = arith.muli %mul3A_1972, %scan3A_89 : i32
      %add3A_1974 = arith.constant 48 : i32
      %add3A_1975 = arith.addi %mul3A_1973, %add3A_1974 : i32
      %mul3A_1976 = arith.constant 16 : i32
      %mul3A_1977 = arith.muli %add3A_1975, %mul3A_1976 : i32
      %get3A_1978 = arith.index_cast %mul3A_1977 : i32 to index
      %get3A_1979 = tpu.vector_load %arg4[%get3A_1978] {strides = array<i32>} : memref<65536xi32, #tpu.memory_space<vmem>>, vector<16xi32>,
      %get3A_1980 = vector.shape_cast %get3A_1979 : vector<16xi32> to vector<16xi32>
      %shift_right_arithmetic3A_1981 = arith.constant 2 : i32
      %shift_right_arithmetic3A_1982 = vector.broadcast %shift_right_arithmetic3A_1981 : i32 to vector<16xi32>
      %shift_right_arithmetic3A_1983 = arith.shrsi %get3A_1980, %shift_right_arithmetic3A_1982 : vector<16xi32>
      %and3A_1984 = arith.constant 3 : i32
      %and3A_1985 = vector.broadcast %and3A_1984 : i32 to vector<16xi32>
      %and3A_1986 = arith.andi %get3A_1980, %and3A_1985 : vector<16xi32>
      %shift_left3A_1987 = arith.constant 3 : i32
      %shift_left3A_1988 = vector.broadcast %shift_left3A_1987 : i32 to vector<16xi32>
      %shift_left3A_1989 = arith.shli %and3A_1986, %shift_left3A_1988 : vector<16xi32>
      %shift_left3A_1990 = arith.shli %broadcast_in_dim3A_5, %shift_left3A_1989 : vector<16xi32>
      %eq3A_1991 = arith.constant 0 : i32
      %eq3A_1992 = vector.broadcast %eq3A_1991 : i32 to vector<16xi32>
      %eq3A_1993 = arith.cmpi eq, %shift_right_arithmetic3A_1983, %eq3A_1992 : vector<16xi32>
      %select_n3A_1994 = arith.select %eq3A_1993, %shift_left3A_1990, %broadcast_in_dim3A_3 : vector<16xi1>, vector<16xi32>
      %add3A_1995 = arith.addi %add3A_1956, %select_n3A_1994 : vector<16xi32>
      %eq3A_1996 = arith.constant 1 : i32
      %eq3A_1997 = vector.broadcast %eq3A_1996 : i32 to vector<16xi32>
      %eq3A_1998 = arith.cmpi eq, %shift_right_arithmetic3A_1983, %eq3A_1997 : vector<16xi32>
      %select_n3A_1999 = arith.select %eq3A_1998, %shift_left3A_1990, %broadcast_in_dim3A_3 : vector<16xi1>, vector<16xi32>
      %add3A_2000 = arith.addi %add3A_1961, %select_n3A_1999 : vector<16xi32>
      %eq3A_2001 = arith.constant 2 : i32
      %eq3A_2002 = vector.broadcast %eq3A_2001 : i32 to vector<16xi32>
      %eq3A_2003 = arith.cmpi eq, %shift_right_arithmetic3A_1983, %eq3A_2002 : vector<16xi32>
      %select_n3A_2004 = arith.select %eq3A_2003, %shift_left3A_1990, %broadcast_in_dim3A_3 : vector<16xi1>, vector<16xi32>
      %add3A_2005 = arith.addi %add3A_1966, %select_n3A_2004 : vector<16xi32>
      %eq3A_2006 = arith.constant 3 : i32
      %eq3A_2007 = vector.broadcast %eq3A_2006 : i32 to vector<16xi32>
      %eq3A_2008 = arith.cmpi eq, %shift_right_arithmetic3A_1983, %eq3A_2007 : vector<16xi32>
      %select_n3A_2009 = arith.select %eq3A_2008, %shift_left3A_1990, %broadcast_in_dim3A_3 : vector<16xi1>, vector<16xi32>
      %add3A_2010 = arith.addi %add3A_1971, %select_n3A_2009 : vector<16xi32>
      %mul3A_2011 = arith.constant 64 : i32
      %mul3A_2012 = arith.muli %mul3A_2011, %scan3A_89 : i32
      %add3A_2013 = arith.constant 49 : i32
      %add3A_2014 = arith.addi %mul3A_2012, %add3A_2013 : i32
      %mul3A_2015 = arith.constant 16 : i32
      %mul3A_2016 = arith.muli %add3A_2014, %mul3A_2015 : i32
      %get3A_2017 = arith.index_cast %mul3A_2016 : i32 to index
      %get3A_2018 = tpu.vector_load %arg4[%get3A_2017] {strides = array<i32>} : memref<65536xi32, #tpu.memory_space<vmem>>, vector<16xi32>,
      %get3A_2019 = vector.shape_cast %get3A_2018 : vector<16xi32> to vector<16xi32>
      %shift_right_arithmetic3A_2020 = arith.constant 2 : i32
      %shift_right_arithmetic3A_2021 = vector.broadcast %shift_right_arithmetic3A_2020 : i32 to vector<16xi32>
      %shift_right_arithmetic3A_2022 = arith.shrsi %get3A_2019, %shift_right_arithmetic3A_2021 : vector<16xi32>
      %and3A_2023 = arith.constant 3 : i32
      %and3A_2024 = vector.broadcast %and3A_2023 : i32 to vector<16xi32>
      %and3A_2025 = arith.andi %get3A_2019, %and3A_2024 : vector<16xi32>
      %shift_left3A_2026 = arith.constant 3 : i32
      %shift_left3A_2027 = vector.broadcast %shift_left3A_2026 : i32 to vector<16xi32>
      %shift_left3A_2028 = arith.shli %and3A_2025, %shift_left3A_2027 : vector<16xi32>
      %shift_left3A_2029 = arith.shli %broadcast_in_dim3A_5, %shift_left3A_2028 : vector<16xi32>
      %eq3A_2030 = arith.constant 0 : i32
      %eq3A_2031 = vector.broadcast %eq3A_2030 : i32 to vector<16xi32>
      %eq3A_2032 = arith.cmpi eq, %shift_right_arithmetic3A_2022, %eq3A_2031 : vector<16xi32>
      %select_n3A_2033 = arith.select %eq3A_2032, %shift_left3A_2029, %broadcast_in_dim3A_3 : vector<16xi1>, vector<16xi32>
      %add3A_2034 = arith.addi %add3A_1995, %select_n3A_2033 : vector<16xi32>
      %eq3A_2035 = arith.constant 1 : i32
      %eq3A_2036 = vector.broadcast %eq3A_2035 : i32 to vector<16xi32>
      %eq3A_2037 = arith.cmpi eq, %shift_right_arithmetic3A_2022, %eq3A_2036 : vector<16xi32>
      %select_n3A_2038 = arith.select %eq3A_2037, %shift_left3A_2029, %broadcast_in_dim3A_3 : vector<16xi1>, vector<16xi32>
      %add3A_2039 = arith.addi %add3A_2000, %select_n3A_2038 : vector<16xi32>
      %eq3A_2040 = arith.constant 2 : i32
      %eq3A_2041 = vector.broadcast %eq3A_2040 : i32 to vector<16xi32>
      %eq3A_2042 = arith.cmpi eq, %shift_right_arithmetic3A_2022, %eq3A_2041 : vector<16xi32>
      %select_n3A_2043 = arith.select %eq3A_2042, %shift_left3A_2029, %broadcast_in_dim3A_3 : vector<16xi1>, vector<16xi32>
      %add3A_2044 = arith.addi %add3A_2005, %select_n3A_2043 : vector<16xi32>
      %eq3A_2045 = arith.constant 3 : i32
      %eq3A_2046 = vector.broadcast %eq3A_2045 : i32 to vector<16xi32>
      %eq3A_2047 = arith.cmpi eq, %shift_right_arithmetic3A_2022, %eq3A_2046 : vector<16xi32>
      %select_n3A_2048 = arith.select %eq3A_2047, %shift_left3A_2029, %broadcast_in_dim3A_3 : vector<16xi1>, vector<16xi32>
      %add3A_2049 = arith.addi %add3A_2010, %select_n3A_2048 : vector<16xi32>
      %mul3A_2050 = arith.constant 64 : i32
      %mul3A_2051 = arith.muli %mul3A_2050, %scan3A_89 : i32
      %add3A_2052 = arith.constant 50 : i32
      %add3A_2053 = arith.addi %mul3A_2051, %add3A_2052 : i32
      %mul3A_2054 = arith.constant 16 : i32
      %mul3A_2055 = arith.muli %add3A_2053, %mul3A_2054 : i32
      %get3A_2056 = arith.index_cast %mul3A_2055 : i32 to index
      %get3A_2057 = tpu.vector_load %arg4[%get3A_2056] {strides = array<i32>} : memref<65536xi32, #tpu.memory_space<vmem>>, vector<16xi32>,
      %get3A_2058 = vector.shape_cast %get3A_2057 : vector<16xi32> to vector<16xi32>
      %shift_right_arithmetic3A_2059 = arith.constant 2 : i32
      %shift_right_arithmetic3A_2060 = vector.broadcast %shift_right_arithmetic3A_2059 : i32 to vector<16xi32>
      %shift_right_arithmetic3A_2061 = arith.shrsi %get3A_2058, %shift_right_arithmetic3A_2060 : vector<16xi32>
      %and3A_2062 = arith.constant 3 : i32
      %and3A_2063 = vector.broadcast %and3A_2062 : i32 to vector<16xi32>
      %and3A_2064 = arith.andi %get3A_2058, %and3A_2063 : vector<16xi32>
      %shift_left3A_2065 = arith.constant 3 : i32
      %shift_left3A_2066 = vector.broadcast %shift_left3A_2065 : i32 to vector<16xi32>
      %shift_left3A_2067 = arith.shli %and3A_2064, %shift_left3A_2066 : vector<16xi32>
      %shift_left3A_2068 = arith.shli %broadcast_in_dim3A_5, %shift_left3A_2067 : vector<16xi32>
      %eq3A_2069 = arith.constant 0 : i32
      %eq3A_2070 = vector.broadcast %eq3A_2069 : i32 to vector<16xi32>
      %eq3A_2071 = arith.cmpi eq, %shift_right_arithmetic3A_2061, %eq3A_2070 : vector<16xi32>
      %select_n3A_2072 = arith.select %eq3A_2071, %shift_left3A_2068, %broadcast_in_dim3A_3 : vector<16xi1>, vector<16xi32>
      %add3A_2073 = arith.addi %add3A_2034, %select_n3A_2072 : vector<16xi32>
      %eq3A_2074 = arith.constant 1 : i32
      %eq3A_2075 = vector.broadcast %eq3A_2074 : i32 to vector<16xi32>
      %eq3A_2076 = arith.cmpi eq, %shift_right_arithmetic3A_2061, %eq3A_2075 : vector<16xi32>
      %select_n3A_2077 = arith.select %eq3A_2076, %shift_left3A_2068, %broadcast_in_dim3A_3 : vector<16xi1>, vector<16xi32>
      %add3A_2078 = arith.addi %add3A_2039, %select_n3A_2077 : vector<16xi32>
      %eq3A_2079 = arith.constant 2 : i32
      %eq3A_2080 = vector.broadcast %eq3A_2079 : i32 to vector<16xi32>
      %eq3A_2081 = arith.cmpi eq, %shift_right_arithmetic3A_2061, %eq3A_2080 : vector<16xi32>
      %select_n3A_2082 = arith.select %eq3A_2081, %shift_left3A_2068, %broadcast_in_dim3A_3 : vector<16xi1>, vector<16xi32>
      %add3A_2083 = arith.addi %add3A_2044, %select_n3A_2082 : vector<16xi32>
      %eq3A_2084 = arith.constant 3 : i32
      %eq3A_2085 = vector.broadcast %eq3A_2084 : i32 to vector<16xi32>
      %eq3A_2086 = arith.cmpi eq, %shift_right_arithmetic3A_2061, %eq3A_2085 : vector<16xi32>
      %select_n3A_2087 = arith.select %eq3A_2086, %shift_left3A_2068, %broadcast_in_dim3A_3 : vector<16xi1>, vector<16xi32>
      %add3A_2088 = arith.addi %add3A_2049, %select_n3A_2087 : vector<16xi32>
      %mul3A_2089 = arith.constant 64 : i32
      %mul3A_2090 = arith.muli %mul3A_2089, %scan3A_89 : i32
      %add3A_2091 = arith.constant 51 : i32
      %add3A_2092 = arith.addi %mul3A_2090, %add3A_2091 : i32
      %mul3A_2093 = arith.constant 16 : i32
      %mul3A_2094 = arith.muli %add3A_2092, %mul3A_2093 : i32
      %get3A_2095 = arith.index_cast %mul3A_2094 : i32 to index
      %get3A_2096 = tpu.vector_load %arg4[%get3A_2095] {strides = array<i32>} : memref<65536xi32, #tpu.memory_space<vmem>>, vector<16xi32>,
      %get3A_2097 = vector.shape_cast %get3A_2096 : vector<16xi32> to vector<16xi32>
      %shift_right_arithmetic3A_2098 = arith.constant 2 : i32
      %shift_right_arithmetic3A_2099 = vector.broadcast %shift_right_arithmetic3A_2098 : i32 to vector<16xi32>
      %shift_right_arithmetic3A_2100 = arith.shrsi %get3A_2097, %shift_right_arithmetic3A_2099 : vector<16xi32>
      %and3A_2101 = arith.constant 3 : i32
      %and3A_2102 = vector.broadcast %and3A_2101 : i32 to vector<16xi32>
      %and3A_2103 = arith.andi %get3A_2097, %and3A_2102 : vector<16xi32>
      %shift_left3A_2104 = arith.constant 3 : i32
      %shift_left3A_2105 = vector.broadcast %shift_left3A_2104 : i32 to vector<16xi32>
      %shift_left3A_2106 = arith.shli %and3A_2103, %shift_left3A_2105 : vector<16xi32>
      %shift_left3A_2107 = arith.shli %broadcast_in_dim3A_5, %shift_left3A_2106 : vector<16xi32>
      %eq3A_2108 = arith.constant 0 : i32
      %eq3A_2109 = vector.broadcast %eq3A_2108 : i32 to vector<16xi32>
      %eq3A_2110 = arith.cmpi eq, %shift_right_arithmetic3A_2100, %eq3A_2109 : vector<16xi32>
      %select_n3A_2111 = arith.select %eq3A_2110, %shift_left3A_2107, %broadcast_in_dim3A_3 : vector<16xi1>, vector<16xi32>
      %add3A_2112 = arith.addi %add3A_2073, %select_n3A_2111 : vector<16xi32>
      %eq3A_2113 = arith.constant 1 : i32
      %eq3A_2114 = vector.broadcast %eq3A_2113 : i32 to vector<16xi32>
      %eq3A_2115 = arith.cmpi eq, %shift_right_arithmetic3A_2100, %eq3A_2114 : vector<16xi32>
      %select_n3A_2116 = arith.select %eq3A_2115, %shift_left3A_2107, %broadcast_in_dim3A_3 : vector<16xi1>, vector<16xi32>
      %add3A_2117 = arith.addi %add3A_2078, %select_n3A_2116 : vector<16xi32>
      %eq3A_2118 = arith.constant 2 : i32
      %eq3A_2119 = vector.broadcast %eq3A_2118 : i32 to vector<16xi32>
      %eq3A_2120 = arith.cmpi eq, %shift_right_arithmetic3A_2100, %eq3A_2119 : vector<16xi32>
      %select_n3A_2121 = arith.select %eq3A_2120, %shift_left3A_2107, %broadcast_in_dim3A_3 : vector<16xi1>, vector<16xi32>
      %add3A_2122 = arith.addi %add3A_2083, %select_n3A_2121 : vector<16xi32>
      %eq3A_2123 = arith.constant 3 : i32
      %eq3A_2124 = vector.broadcast %eq3A_2123 : i32 to vector<16xi32>
      %eq3A_2125 = arith.cmpi eq, %shift_right_arithmetic3A_2100, %eq3A_2124 : vector<16xi32>
      %select_n3A_2126 = arith.select %eq3A_2125, %shift_left3A_2107, %broadcast_in_dim3A_3 : vector<16xi1>, vector<16xi32>
      %add3A_2127 = arith.addi %add3A_2088, %select_n3A_2126 : vector<16xi32>
      %mul3A_2128 = arith.constant 64 : i32
      %mul3A_2129 = arith.muli %mul3A_2128, %scan3A_89 : i32
      %add3A_2130 = arith.constant 52 : i32
      %add3A_2131 = arith.addi %mul3A_2129, %add3A_2130 : i32
      %mul3A_2132 = arith.constant 16 : i32
      %mul3A_2133 = arith.muli %add3A_2131, %mul3A_2132 : i32
      %get3A_2134 = arith.index_cast %mul3A_2133 : i32 to index
      %get3A_2135 = tpu.vector_load %arg4[%get3A_2134] {strides = array<i32>} : memref<65536xi32, #tpu.memory_space<vmem>>, vector<16xi32>,
      %get3A_2136 = vector.shape_cast %get3A_2135 : vector<16xi32> to vector<16xi32>
      %shift_right_arithmetic3A_2137 = arith.constant 2 : i32
      %shift_right_arithmetic3A_2138 = vector.broadcast %shift_right_arithmetic3A_2137 : i32 to vector<16xi32>
      %shift_right_arithmetic3A_2139 = arith.shrsi %get3A_2136, %shift_right_arithmetic3A_2138 : vector<16xi32>
      %and3A_2140 = arith.constant 3 : i32
      %and3A_2141 = vector.broadcast %and3A_2140 : i32 to vector<16xi32>
      %and3A_2142 = arith.andi %get3A_2136, %and3A_2141 : vector<16xi32>
      %shift_left3A_2143 = arith.constant 3 : i32
      %shift_left3A_2144 = vector.broadcast %shift_left3A_2143 : i32 to vector<16xi32>
      %shift_left3A_2145 = arith.shli %and3A_2142, %shift_left3A_2144 : vector<16xi32>
      %shift_left3A_2146 = arith.shli %broadcast_in_dim3A_5, %shift_left3A_2145 : vector<16xi32>
      %eq3A_2147 = arith.constant 0 : i32
      %eq3A_2148 = vector.broadcast %eq3A_2147 : i32 to vector<16xi32>
      %eq3A_2149 = arith.cmpi eq, %shift_right_arithmetic3A_2139, %eq3A_2148 : vector<16xi32>
      %select_n3A_2150 = arith.select %eq3A_2149, %shift_left3A_2146, %broadcast_in_dim3A_3 : vector<16xi1>, vector<16xi32>
      %add3A_2151 = arith.addi %add3A_2112, %select_n3A_2150 : vector<16xi32>
      %eq3A_2152 = arith.constant 1 : i32
      %eq3A_2153 = vector.broadcast %eq3A_2152 : i32 to vector<16xi32>
      %eq3A_2154 = arith.cmpi eq, %shift_right_arithmetic3A_2139, %eq3A_2153 : vector<16xi32>
      %select_n3A_2155 = arith.select %eq3A_2154, %shift_left3A_2146, %broadcast_in_dim3A_3 : vector<16xi1>, vector<16xi32>
      %add3A_2156 = arith.addi %add3A_2117, %select_n3A_2155 : vector<16xi32>
      %eq3A_2157 = arith.constant 2 : i32
      %eq3A_2158 = vector.broadcast %eq3A_2157 : i32 to vector<16xi32>
      %eq3A_2159 = arith.cmpi eq, %shift_right_arithmetic3A_2139, %eq3A_2158 : vector<16xi32>
      %select_n3A_2160 = arith.select %eq3A_2159, %shift_left3A_2146, %broadcast_in_dim3A_3 : vector<16xi1>, vector<16xi32>
      %add3A_2161 = arith.addi %add3A_2122, %select_n3A_2160 : vector<16xi32>
      %eq3A_2162 = arith.constant 3 : i32
      %eq3A_2163 = vector.broadcast %eq3A_2162 : i32 to vector<16xi32>
      %eq3A_2164 = arith.cmpi eq, %shift_right_arithmetic3A_2139, %eq3A_2163 : vector<16xi32>
      %select_n3A_2165 = arith.select %eq3A_2164, %shift_left3A_2146, %broadcast_in_dim3A_3 : vector<16xi1>, vector<16xi32>
      %add3A_2166 = arith.addi %add3A_2127, %select_n3A_2165 : vector<16xi32>
      %mul3A_2167 = arith.constant 64 : i32
      %mul3A_2168 = arith.muli %mul3A_2167, %scan3A_89 : i32
      %add3A_2169 = arith.constant 53 : i32
      %add3A_2170 = arith.addi %mul3A_2168, %add3A_2169 : i32
      %mul3A_2171 = arith.constant 16 : i32
      %mul3A_2172 = arith.muli %add3A_2170, %mul3A_2171 : i32
      %get3A_2173 = arith.index_cast %mul3A_2172 : i32 to index
      %get3A_2174 = tpu.vector_load %arg4[%get3A_2173] {strides = array<i32>} : memref<65536xi32, #tpu.memory_space<vmem>>, vector<16xi32>,
      %get3A_2175 = vector.shape_cast %get3A_2174 : vector<16xi32> to vector<16xi32>
      %shift_right_arithmetic3A_2176 = arith.constant 2 : i32
      %shift_right_arithmetic3A_2177 = vector.broadcast %shift_right_arithmetic3A_2176 : i32 to vector<16xi32>
      %shift_right_arithmetic3A_2178 = arith.shrsi %get3A_2175, %shift_right_arithmetic3A_2177 : vector<16xi32>
      %and3A_2179 = arith.constant 3 : i32
      %and3A_2180 = vector.broadcast %and3A_2179 : i32 to vector<16xi32>
      %and3A_2181 = arith.andi %get3A_2175, %and3A_2180 : vector<16xi32>
      %shift_left3A_2182 = arith.constant 3 : i32
      %shift_left3A_2183 = vector.broadcast %shift_left3A_2182 : i32 to vector<16xi32>
      %shift_left3A_2184 = arith.shli %and3A_2181, %shift_left3A_2183 : vector<16xi32>
      %shift_left3A_2185 = arith.shli %broadcast_in_dim3A_5, %shift_left3A_2184 : vector<16xi32>
      %eq3A_2186 = arith.constant 0 : i32
      %eq3A_2187 = vector.broadcast %eq3A_2186 : i32 to vector<16xi32>
      %eq3A_2188 = arith.cmpi eq, %shift_right_arithmetic3A_2178, %eq3A_2187 : vector<16xi32>
      %select_n3A_2189 = arith.select %eq3A_2188, %shift_left3A_2185, %broadcast_in_dim3A_3 : vector<16xi1>, vector<16xi32>
      %add3A_2190 = arith.addi %add3A_2151, %select_n3A_2189 : vector<16xi32>
      %eq3A_2191 = arith.constant 1 : i32
      %eq3A_2192 = vector.broadcast %eq3A_2191 : i32 to vector<16xi32>
      %eq3A_2193 = arith.cmpi eq, %shift_right_arithmetic3A_2178, %eq3A_2192 : vector<16xi32>
      %select_n3A_2194 = arith.select %eq3A_2193, %shift_left3A_2185, %broadcast_in_dim3A_3 : vector<16xi1>, vector<16xi32>
      %add3A_2195 = arith.addi %add3A_2156, %select_n3A_2194 : vector<16xi32>
      %eq3A_2196 = arith.constant 2 : i32
      %eq3A_2197 = vector.broadcast %eq3A_2196 : i32 to vector<16xi32>
      %eq3A_2198 = arith.cmpi eq, %shift_right_arithmetic3A_2178, %eq3A_2197 : vector<16xi32>
      %select_n3A_2199 = arith.select %eq3A_2198, %shift_left3A_2185, %broadcast_in_dim3A_3 : vector<16xi1>, vector<16xi32>
      %add3A_2200 = arith.addi %add3A_2161, %select_n3A_2199 : vector<16xi32>
      %eq3A_2201 = arith.constant 3 : i32
      %eq3A_2202 = vector.broadcast %eq3A_2201 : i32 to vector<16xi32>
      %eq3A_2203 = arith.cmpi eq, %shift_right_arithmetic3A_2178, %eq3A_2202 : vector<16xi32>
      %select_n3A_2204 = arith.select %eq3A_2203, %shift_left3A_2185, %broadcast_in_dim3A_3 : vector<16xi1>, vector<16xi32>
      %add3A_2205 = arith.addi %add3A_2166, %select_n3A_2204 : vector<16xi32>
      %mul3A_2206 = arith.constant 64 : i32
      %mul3A_2207 = arith.muli %mul3A_2206, %scan3A_89 : i32
      %add3A_2208 = arith.constant 54 : i32
      %add3A_2209 = arith.addi %mul3A_2207, %add3A_2208 : i32
      %mul3A_2210 = arith.constant 16 : i32
      %mul3A_2211 = arith.muli %add3A_2209, %mul3A_2210 : i32
      %get3A_2212 = arith.index_cast %mul3A_2211 : i32 to index
      %get3A_2213 = tpu.vector_load %arg4[%get3A_2212] {strides = array<i32>} : memref<65536xi32, #tpu.memory_space<vmem>>, vector<16xi32>,
      %get3A_2214 = vector.shape_cast %get3A_2213 : vector<16xi32> to vector<16xi32>
      %shift_right_arithmetic3A_2215 = arith.constant 2 : i32
      %shift_right_arithmetic3A_2216 = vector.broadcast %shift_right_arithmetic3A_2215 : i32 to vector<16xi32>
      %shift_right_arithmetic3A_2217 = arith.shrsi %get3A_2214, %shift_right_arithmetic3A_2216 : vector<16xi32>
      %and3A_2218 = arith.constant 3 : i32
      %and3A_2219 = vector.broadcast %and3A_2218 : i32 to vector<16xi32>
      %and3A_2220 = arith.andi %get3A_2214, %and3A_2219 : vector<16xi32>
      %shift_left3A_2221 = arith.constant 3 : i32
      %shift_left3A_2222 = vector.broadcast %shift_left3A_2221 : i32 to vector<16xi32>
      %shift_left3A_2223 = arith.shli %and3A_2220, %shift_left3A_2222 : vector<16xi32>
      %shift_left3A_2224 = arith.shli %broadcast_in_dim3A_5, %shift_left3A_2223 : vector<16xi32>
      %eq3A_2225 = arith.constant 0 : i32
      %eq3A_2226 = vector.broadcast %eq3A_2225 : i32 to vector<16xi32>
      %eq3A_2227 = arith.cmpi eq, %shift_right_arithmetic3A_2217, %eq3A_2226 : vector<16xi32>
      %select_n3A_2228 = arith.select %eq3A_2227, %shift_left3A_2224, %broadcast_in_dim3A_3 : vector<16xi1>, vector<16xi32>
      %add3A_2229 = arith.addi %add3A_2190, %select_n3A_2228 : vector<16xi32>
      %eq3A_2230 = arith.constant 1 : i32
      %eq3A_2231 = vector.broadcast %eq3A_2230 : i32 to vector<16xi32>
      %eq3A_2232 = arith.cmpi eq, %shift_right_arithmetic3A_2217, %eq3A_2231 : vector<16xi32>
      %select_n3A_2233 = arith.select %eq3A_2232, %shift_left3A_2224, %broadcast_in_dim3A_3 : vector<16xi1>, vector<16xi32>
      %add3A_2234 = arith.addi %add3A_2195, %select_n3A_2233 : vector<16xi32>
      %eq3A_2235 = arith.constant 2 : i32
      %eq3A_2236 = vector.broadcast %eq3A_2235 : i32 to vector<16xi32>
      %eq3A_2237 = arith.cmpi eq, %shift_right_arithmetic3A_2217, %eq3A_2236 : vector<16xi32>
      %select_n3A_2238 = arith.select %eq3A_2237, %shift_left3A_2224, %broadcast_in_dim3A_3 : vector<16xi1>, vector<16xi32>
      %add3A_2239 = arith.addi %add3A_2200, %select_n3A_2238 : vector<16xi32>
      %eq3A_2240 = arith.constant 3 : i32
      %eq3A_2241 = vector.broadcast %eq3A_2240 : i32 to vector<16xi32>
      %eq3A_2242 = arith.cmpi eq, %shift_right_arithmetic3A_2217, %eq3A_2241 : vector<16xi32>
      %select_n3A_2243 = arith.select %eq3A_2242, %shift_left3A_2224, %broadcast_in_dim3A_3 : vector<16xi1>, vector<16xi32>
      %add3A_2244 = arith.addi %add3A_2205, %select_n3A_2243 : vector<16xi32>
      %mul3A_2245 = arith.constant 64 : i32
      %mul3A_2246 = arith.muli %mul3A_2245, %scan3A_89 : i32
      %add3A_2247 = arith.constant 55 : i32
      %add3A_2248 = arith.addi %mul3A_2246, %add3A_2247 : i32
      %mul3A_2249 = arith.constant 16 : i32
      %mul3A_2250 = arith.muli %add3A_2248, %mul3A_2249 : i32
      %get3A_2251 = arith.index_cast %mul3A_2250 : i32 to index
      %get3A_2252 = tpu.vector_load %arg4[%get3A_2251] {strides = array<i32>} : memref<65536xi32, #tpu.memory_space<vmem>>, vector<16xi32>,
      %get3A_2253 = vector.shape_cast %get3A_2252 : vector<16xi32> to vector<16xi32>
      %shift_right_arithmetic3A_2254 = arith.constant 2 : i32
      %shift_right_arithmetic3A_2255 = vector.broadcast %shift_right_arithmetic3A_2254 : i32 to vector<16xi32>
      %shift_right_arithmetic3A_2256 = arith.shrsi %get3A_2253, %shift_right_arithmetic3A_2255 : vector<16xi32>
      %and3A_2257 = arith.constant 3 : i32
      %and3A_2258 = vector.broadcast %and3A_2257 : i32 to vector<16xi32>
      %and3A_2259 = arith.andi %get3A_2253, %and3A_2258 : vector<16xi32>
      %shift_left3A_2260 = arith.constant 3 : i32
      %shift_left3A_2261 = vector.broadcast %shift_left3A_2260 : i32 to vector<16xi32>
      %shift_left3A_2262 = arith.shli %and3A_2259, %shift_left3A_2261 : vector<16xi32>
      %shift_left3A_2263 = arith.shli %broadcast_in_dim3A_5, %shift_left3A_2262 : vector<16xi32>
      %eq3A_2264 = arith.constant 0 : i32
      %eq3A_2265 = vector.broadcast %eq3A_2264 : i32 to vector<16xi32>
      %eq3A_2266 = arith.cmpi eq, %shift_right_arithmetic3A_2256, %eq3A_2265 : vector<16xi32>
      %select_n3A_2267 = arith.select %eq3A_2266, %shift_left3A_2263, %broadcast_in_dim3A_3 : vector<16xi1>, vector<16xi32>
      %add3A_2268 = arith.addi %add3A_2229, %select_n3A_2267 : vector<16xi32>
      %eq3A_2269 = arith.constant 1 : i32
      %eq3A_2270 = vector.broadcast %eq3A_2269 : i32 to vector<16xi32>
      %eq3A_2271 = arith.cmpi eq, %shift_right_arithmetic3A_2256, %eq3A_2270 : vector<16xi32>
      %select_n3A_2272 = arith.select %eq3A_2271, %shift_left3A_2263, %broadcast_in_dim3A_3 : vector<16xi1>, vector<16xi32>
      %add3A_2273 = arith.addi %add3A_2234, %select_n3A_2272 : vector<16xi32>
      %eq3A_2274 = arith.constant 2 : i32
      %eq3A_2275 = vector.broadcast %eq3A_2274 : i32 to vector<16xi32>
      %eq3A_2276 = arith.cmpi eq, %shift_right_arithmetic3A_2256, %eq3A_2275 : vector<16xi32>
      %select_n3A_2277 = arith.select %eq3A_2276, %shift_left3A_2263, %broadcast_in_dim3A_3 : vector<16xi1>, vector<16xi32>
      %add3A_2278 = arith.addi %add3A_2239, %select_n3A_2277 : vector<16xi32>
      %eq3A_2279 = arith.constant 3 : i32
      %eq3A_2280 = vector.broadcast %eq3A_2279 : i32 to vector<16xi32>
      %eq3A_2281 = arith.cmpi eq, %shift_right_arithmetic3A_2256, %eq3A_2280 : vector<16xi32>
      %select_n3A_2282 = arith.select %eq3A_2281, %shift_left3A_2263, %broadcast_in_dim3A_3 : vector<16xi1>, vector<16xi32>
      %add3A_2283 = arith.addi %add3A_2244, %select_n3A_2282 : vector<16xi32>
      %mul3A_2284 = arith.constant 64 : i32
      %mul3A_2285 = arith.muli %mul3A_2284, %scan3A_89 : i32
      %add3A_2286 = arith.constant 56 : i32
      %add3A_2287 = arith.addi %mul3A_2285, %add3A_2286 : i32
      %mul3A_2288 = arith.constant 16 : i32
      %mul3A_2289 = arith.muli %add3A_2287, %mul3A_2288 : i32
      %get3A_2290 = arith.index_cast %mul3A_2289 : i32 to index
      %get3A_2291 = tpu.vector_load %arg4[%get3A_2290] {strides = array<i32>} : memref<65536xi32, #tpu.memory_space<vmem>>, vector<16xi32>,
      %get3A_2292 = vector.shape_cast %get3A_2291 : vector<16xi32> to vector<16xi32>
      %shift_right_arithmetic3A_2293 = arith.constant 2 : i32
      %shift_right_arithmetic3A_2294 = vector.broadcast %shift_right_arithmetic3A_2293 : i32 to vector<16xi32>
      %shift_right_arithmetic3A_2295 = arith.shrsi %get3A_2292, %shift_right_arithmetic3A_2294 : vector<16xi32>
      %and3A_2296 = arith.constant 3 : i32
      %and3A_2297 = vector.broadcast %and3A_2296 : i32 to vector<16xi32>
      %and3A_2298 = arith.andi %get3A_2292, %and3A_2297 : vector<16xi32>
      %shift_left3A_2299 = arith.constant 3 : i32
      %shift_left3A_2300 = vector.broadcast %shift_left3A_2299 : i32 to vector<16xi32>
      %shift_left3A_2301 = arith.shli %and3A_2298, %shift_left3A_2300 : vector<16xi32>
      %shift_left3A_2302 = arith.shli %broadcast_in_dim3A_5, %shift_left3A_2301 : vector<16xi32>
      %eq3A_2303 = arith.constant 0 : i32
      %eq3A_2304 = vector.broadcast %eq3A_2303 : i32 to vector<16xi32>
      %eq3A_2305 = arith.cmpi eq, %shift_right_arithmetic3A_2295, %eq3A_2304 : vector<16xi32>
      %select_n3A_2306 = arith.select %eq3A_2305, %shift_left3A_2302, %broadcast_in_dim3A_3 : vector<16xi1>, vector<16xi32>
      %add3A_2307 = arith.addi %add3A_2268, %select_n3A_2306 : vector<16xi32>
      %eq3A_2308 = arith.constant 1 : i32
      %eq3A_2309 = vector.broadcast %eq3A_2308 : i32 to vector<16xi32>
      %eq3A_2310 = arith.cmpi eq, %shift_right_arithmetic3A_2295, %eq3A_2309 : vector<16xi32>
      %select_n3A_2311 = arith.select %eq3A_2310, %shift_left3A_2302, %broadcast_in_dim3A_3 : vector<16xi1>, vector<16xi32>
      %add3A_2312 = arith.addi %add3A_2273, %select_n3A_2311 : vector<16xi32>
      %eq3A_2313 = arith.constant 2 : i32
      %eq3A_2314 = vector.broadcast %eq3A_2313 : i32 to vector<16xi32>
      %eq3A_2315 = arith.cmpi eq, %shift_right_arithmetic3A_2295, %eq3A_2314 : vector<16xi32>
      %select_n3A_2316 = arith.select %eq3A_2315, %shift_left3A_2302, %broadcast_in_dim3A_3 : vector<16xi1>, vector<16xi32>
      %add3A_2317 = arith.addi %add3A_2278, %select_n3A_2316 : vector<16xi32>
      %eq3A_2318 = arith.constant 3 : i32
      %eq3A_2319 = vector.broadcast %eq3A_2318 : i32 to vector<16xi32>
      %eq3A_2320 = arith.cmpi eq, %shift_right_arithmetic3A_2295, %eq3A_2319 : vector<16xi32>
      %select_n3A_2321 = arith.select %eq3A_2320, %shift_left3A_2302, %broadcast_in_dim3A_3 : vector<16xi1>, vector<16xi32>
      %add3A_2322 = arith.addi %add3A_2283, %select_n3A_2321 : vector<16xi32>
      %mul3A_2323 = arith.constant 64 : i32
      %mul3A_2324 = arith.muli %mul3A_2323, %scan3A_89 : i32
      %add3A_2325 = arith.constant 57 : i32
      %add3A_2326 = arith.addi %mul3A_2324, %add3A_2325 : i32
      %mul3A_2327 = arith.constant 16 : i32
      %mul3A_2328 = arith.muli %add3A_2326, %mul3A_2327 : i32
      %get3A_2329 = arith.index_cast %mul3A_2328 : i32 to index
      %get3A_2330 = tpu.vector_load %arg4[%get3A_2329] {strides = array<i32>} : memref<65536xi32, #tpu.memory_space<vmem>>, vector<16xi32>,
      %get3A_2331 = vector.shape_cast %get3A_2330 : vector<16xi32> to vector<16xi32>
      %shift_right_arithmetic3A_2332 = arith.constant 2 : i32
      %shift_right_arithmetic3A_2333 = vector.broadcast %shift_right_arithmetic3A_2332 : i32 to vector<16xi32>
      %shift_right_arithmetic3A_2334 = arith.shrsi %get3A_2331, %shift_right_arithmetic3A_2333 : vector<16xi32>
      %and3A_2335 = arith.constant 3 : i32
      %and3A_2336 = vector.broadcast %and3A_2335 : i32 to vector<16xi32>
      %and3A_2337 = arith.andi %get3A_2331, %and3A_2336 : vector<16xi32>
      %shift_left3A_2338 = arith.constant 3 : i32
      %shift_left3A_2339 = vector.broadcast %shift_left3A_2338 : i32 to vector<16xi32>
      %shift_left3A_2340 = arith.shli %and3A_2337, %shift_left3A_2339 : vector<16xi32>
      %shift_left3A_2341 = arith.shli %broadcast_in_dim3A_5, %shift_left3A_2340 : vector<16xi32>
      %eq3A_2342 = arith.constant 0 : i32
      %eq3A_2343 = vector.broadcast %eq3A_2342 : i32 to vector<16xi32>
      %eq3A_2344 = arith.cmpi eq, %shift_right_arithmetic3A_2334, %eq3A_2343 : vector<16xi32>
      %select_n3A_2345 = arith.select %eq3A_2344, %shift_left3A_2341, %broadcast_in_dim3A_3 : vector<16xi1>, vector<16xi32>
      %add3A_2346 = arith.addi %add3A_2307, %select_n3A_2345 : vector<16xi32>
      %eq3A_2347 = arith.constant 1 : i32
      %eq3A_2348 = vector.broadcast %eq3A_2347 : i32 to vector<16xi32>
      %eq3A_2349 = arith.cmpi eq, %shift_right_arithmetic3A_2334, %eq3A_2348 : vector<16xi32>
      %select_n3A_2350 = arith.select %eq3A_2349, %shift_left3A_2341, %broadcast_in_dim3A_3 : vector<16xi1>, vector<16xi32>
      %add3A_2351 = arith.addi %add3A_2312, %select_n3A_2350 : vector<16xi32>
      %eq3A_2352 = arith.constant 2 : i32
      %eq3A_2353 = vector.broadcast %eq3A_2352 : i32 to vector<16xi32>
      %eq3A_2354 = arith.cmpi eq, %shift_right_arithmetic3A_2334, %eq3A_2353 : vector<16xi32>
      %select_n3A_2355 = arith.select %eq3A_2354, %shift_left3A_2341, %broadcast_in_dim3A_3 : vector<16xi1>, vector<16xi32>
      %add3A_2356 = arith.addi %add3A_2317, %select_n3A_2355 : vector<16xi32>
      %eq3A_2357 = arith.constant 3 : i32
      %eq3A_2358 = vector.broadcast %eq3A_2357 : i32 to vector<16xi32>
      %eq3A_2359 = arith.cmpi eq, %shift_right_arithmetic3A_2334, %eq3A_2358 : vector<16xi32>
      %select_n3A_2360 = arith.select %eq3A_2359, %shift_left3A_2341, %broadcast_in_dim3A_3 : vector<16xi1>, vector<16xi32>
      %add3A_2361 = arith.addi %add3A_2322, %select_n3A_2360 : vector<16xi32>
      %mul3A_2362 = arith.constant 64 : i32
      %mul3A_2363 = arith.muli %mul3A_2362, %scan3A_89 : i32
      %add3A_2364 = arith.constant 58 : i32
      %add3A_2365 = arith.addi %mul3A_2363, %add3A_2364 : i32
      %mul3A_2366 = arith.constant 16 : i32
      %mul3A_2367 = arith.muli %add3A_2365, %mul3A_2366 : i32
      %get3A_2368 = arith.index_cast %mul3A_2367 : i32 to index
      %get3A_2369 = tpu.vector_load %arg4[%get3A_2368] {strides = array<i32>} : memref<65536xi32, #tpu.memory_space<vmem>>, vector<16xi32>,
      %get3A_2370 = vector.shape_cast %get3A_2369 : vector<16xi32> to vector<16xi32>
      %shift_right_arithmetic3A_2371 = arith.constant 2 : i32
      %shift_right_arithmetic3A_2372 = vector.broadcast %shift_right_arithmetic3A_2371 : i32 to vector<16xi32>
      %shift_right_arithmetic3A_2373 = arith.shrsi %get3A_2370, %shift_right_arithmetic3A_2372 : vector<16xi32>
      %and3A_2374 = arith.constant 3 : i32
      %and3A_2375 = vector.broadcast %and3A_2374 : i32 to vector<16xi32>
      %and3A_2376 = arith.andi %get3A_2370, %and3A_2375 : vector<16xi32>
      %shift_left3A_2377 = arith.constant 3 : i32
      %shift_left3A_2378 = vector.broadcast %shift_left3A_2377 : i32 to vector<16xi32>
      %shift_left3A_2379 = arith.shli %and3A_2376, %shift_left3A_2378 : vector<16xi32>
      %shift_left3A_2380 = arith.shli %broadcast_in_dim3A_5, %shift_left3A_2379 : vector<16xi32>
      %eq3A_2381 = arith.constant 0 : i32
      %eq3A_2382 = vector.broadcast %eq3A_2381 : i32 to vector<16xi32>
      %eq3A_2383 = arith.cmpi eq, %shift_right_arithmetic3A_2373, %eq3A_2382 : vector<16xi32>
      %select_n3A_2384 = arith.select %eq3A_2383, %shift_left3A_2380, %broadcast_in_dim3A_3 : vector<16xi1>, vector<16xi32>
      %add3A_2385 = arith.addi %add3A_2346, %select_n3A_2384 : vector<16xi32>
      %eq3A_2386 = arith.constant 1 : i32
      %eq3A_2387 = vector.broadcast %eq3A_2386 : i32 to vector<16xi32>
      %eq3A_2388 = arith.cmpi eq, %shift_right_arithmetic3A_2373, %eq3A_2387 : vector<16xi32>
      %select_n3A_2389 = arith.select %eq3A_2388, %shift_left3A_2380, %broadcast_in_dim3A_3 : vector<16xi1>, vector<16xi32>
      %add3A_2390 = arith.addi %add3A_2351, %select_n3A_2389 : vector<16xi32>
      %eq3A_2391 = arith.constant 2 : i32
      %eq3A_2392 = vector.broadcast %eq3A_2391 : i32 to vector<16xi32>
      %eq3A_2393 = arith.cmpi eq, %shift_right_arithmetic3A_2373, %eq3A_2392 : vector<16xi32>
      %select_n3A_2394 = arith.select %eq3A_2393, %shift_left3A_2380, %broadcast_in_dim3A_3 : vector<16xi1>, vector<16xi32>
      %add3A_2395 = arith.addi %add3A_2356, %select_n3A_2394 : vector<16xi32>
      %eq3A_2396 = arith.constant 3 : i32
      %eq3A_2397 = vector.broadcast %eq3A_2396 : i32 to vector<16xi32>
      %eq3A_2398 = arith.cmpi eq, %shift_right_arithmetic3A_2373, %eq3A_2397 : vector<16xi32>
      %select_n3A_2399 = arith.select %eq3A_2398, %shift_left3A_2380, %broadcast_in_dim3A_3 : vector<16xi1>, vector<16xi32>
      %add3A_2400 = arith.addi %add3A_2361, %select_n3A_2399 : vector<16xi32>
      %mul3A_2401 = arith.constant 64 : i32
      %mul3A_2402 = arith.muli %mul3A_2401, %scan3A_89 : i32
      %add3A_2403 = arith.constant 59 : i32
      %add3A_2404 = arith.addi %mul3A_2402, %add3A_2403 : i32
      %mul3A_2405 = arith.constant 16 : i32
      %mul3A_2406 = arith.muli %add3A_2404, %mul3A_2405 : i32
      %get3A_2407 = arith.index_cast %mul3A_2406 : i32 to index
      %get3A_2408 = tpu.vector_load %arg4[%get3A_2407] {strides = array<i32>} : memref<65536xi32, #tpu.memory_space<vmem>>, vector<16xi32>,
      %get3A_2409 = vector.shape_cast %get3A_2408 : vector<16xi32> to vector<16xi32>
      %shift_right_arithmetic3A_2410 = arith.constant 2 : i32
      %shift_right_arithmetic3A_2411 = vector.broadcast %shift_right_arithmetic3A_2410 : i32 to vector<16xi32>
      %shift_right_arithmetic3A_2412 = arith.shrsi %get3A_2409, %shift_right_arithmetic3A_2411 : vector<16xi32>
      %and3A_2413 = arith.constant 3 : i32
      %and3A_2414 = vector.broadcast %and3A_2413 : i32 to vector<16xi32>
      %and3A_2415 = arith.andi %get3A_2409, %and3A_2414 : vector<16xi32>
      %shift_left3A_2416 = arith.constant 3 : i32
      %shift_left3A_2417 = vector.broadcast %shift_left3A_2416 : i32 to vector<16xi32>
      %shift_left3A_2418 = arith.shli %and3A_2415, %shift_left3A_2417 : vector<16xi32>
      %shift_left3A_2419 = arith.shli %broadcast_in_dim3A_5, %shift_left3A_2418 : vector<16xi32>
      %eq3A_2420 = arith.constant 0 : i32
      %eq3A_2421 = vector.broadcast %eq3A_2420 : i32 to vector<16xi32>
      %eq3A_2422 = arith.cmpi eq, %shift_right_arithmetic3A_2412, %eq3A_2421 : vector<16xi32>
      %select_n3A_2423 = arith.select %eq3A_2422, %shift_left3A_2419, %broadcast_in_dim3A_3 : vector<16xi1>, vector<16xi32>
      %add3A_2424 = arith.addi %add3A_2385, %select_n3A_2423 : vector<16xi32>
      %eq3A_2425 = arith.constant 1 : i32
      %eq3A_2426 = vector.broadcast %eq3A_2425 : i32 to vector<16xi32>
      %eq3A_2427 = arith.cmpi eq, %shift_right_arithmetic3A_2412, %eq3A_2426 : vector<16xi32>
      %select_n3A_2428 = arith.select %eq3A_2427, %shift_left3A_2419, %broadcast_in_dim3A_3 : vector<16xi1>, vector<16xi32>
      %add3A_2429 = arith.addi %add3A_2390, %select_n3A_2428 : vector<16xi32>
      %eq3A_2430 = arith.constant 2 : i32
      %eq3A_2431 = vector.broadcast %eq3A_2430 : i32 to vector<16xi32>
      %eq3A_2432 = arith.cmpi eq, %shift_right_arithmetic3A_2412, %eq3A_2431 : vector<16xi32>
      %select_n3A_2433 = arith.select %eq3A_2432, %shift_left3A_2419, %broadcast_in_dim3A_3 : vector<16xi1>, vector<16xi32>
      %add3A_2434 = arith.addi %add3A_2395, %select_n3A_2433 : vector<16xi32>
      %eq3A_2435 = arith.constant 3 : i32
      %eq3A_2436 = vector.broadcast %eq3A_2435 : i32 to vector<16xi32>
      %eq3A_2437 = arith.cmpi eq, %shift_right_arithmetic3A_2412, %eq3A_2436 : vector<16xi32>
      %select_n3A_2438 = arith.select %eq3A_2437, %shift_left3A_2419, %broadcast_in_dim3A_3 : vector<16xi1>, vector<16xi32>
      %add3A_2439 = arith.addi %add3A_2400, %select_n3A_2438 : vector<16xi32>
      %mul3A_2440 = arith.constant 64 : i32
      %mul3A_2441 = arith.muli %mul3A_2440, %scan3A_89 : i32
      %add3A_2442 = arith.constant 60 : i32
      %add3A_2443 = arith.addi %mul3A_2441, %add3A_2442 : i32
      %mul3A_2444 = arith.constant 16 : i32
      %mul3A_2445 = arith.muli %add3A_2443, %mul3A_2444 : i32
      %get3A_2446 = arith.index_cast %mul3A_2445 : i32 to index
      %get3A_2447 = tpu.vector_load %arg4[%get3A_2446] {strides = array<i32>} : memref<65536xi32, #tpu.memory_space<vmem>>, vector<16xi32>,
      %get3A_2448 = vector.shape_cast %get3A_2447 : vector<16xi32> to vector<16xi32>
      %shift_right_arithmetic3A_2449 = arith.constant 2 : i32
      %shift_right_arithmetic3A_2450 = vector.broadcast %shift_right_arithmetic3A_2449 : i32 to vector<16xi32>
      %shift_right_arithmetic3A_2451 = arith.shrsi %get3A_2448, %shift_right_arithmetic3A_2450 : vector<16xi32>
      %and3A_2452 = arith.constant 3 : i32
      %and3A_2453 = vector.broadcast %and3A_2452 : i32 to vector<16xi32>
      %and3A_2454 = arith.andi %get3A_2448, %and3A_2453 : vector<16xi32>
      %shift_left3A_2455 = arith.constant 3 : i32
      %shift_left3A_2456 = vector.broadcast %shift_left3A_2455 : i32 to vector<16xi32>
      %shift_left3A_2457 = arith.shli %and3A_2454, %shift_left3A_2456 : vector<16xi32>
      %shift_left3A_2458 = arith.shli %broadcast_in_dim3A_5, %shift_left3A_2457 : vector<16xi32>
      %eq3A_2459 = arith.constant 0 : i32
      %eq3A_2460 = vector.broadcast %eq3A_2459 : i32 to vector<16xi32>
      %eq3A_2461 = arith.cmpi eq, %shift_right_arithmetic3A_2451, %eq3A_2460 : vector<16xi32>
      %select_n3A_2462 = arith.select %eq3A_2461, %shift_left3A_2458, %broadcast_in_dim3A_3 : vector<16xi1>, vector<16xi32>
      %add3A_2463 = arith.addi %add3A_2424, %select_n3A_2462 : vector<16xi32>
      %eq3A_2464 = arith.constant 1 : i32
      %eq3A_2465 = vector.broadcast %eq3A_2464 : i32 to vector<16xi32>
      %eq3A_2466 = arith.cmpi eq, %shift_right_arithmetic3A_2451, %eq3A_2465 : vector<16xi32>
      %select_n3A_2467 = arith.select %eq3A_2466, %shift_left3A_2458, %broadcast_in_dim3A_3 : vector<16xi1>, vector<16xi32>
      %add3A_2468 = arith.addi %add3A_2429, %select_n3A_2467 : vector<16xi32>
      %eq3A_2469 = arith.constant 2 : i32
      %eq3A_2470 = vector.broadcast %eq3A_2469 : i32 to vector<16xi32>
      %eq3A_2471 = arith.cmpi eq, %shift_right_arithmetic3A_2451, %eq3A_2470 : vector<16xi32>
      %select_n3A_2472 = arith.select %eq3A_2471, %shift_left3A_2458, %broadcast_in_dim3A_3 : vector<16xi1>, vector<16xi32>
      %add3A_2473 = arith.addi %add3A_2434, %select_n3A_2472 : vector<16xi32>
      %eq3A_2474 = arith.constant 3 : i32
      %eq3A_2475 = vector.broadcast %eq3A_2474 : i32 to vector<16xi32>
      %eq3A_2476 = arith.cmpi eq, %shift_right_arithmetic3A_2451, %eq3A_2475 : vector<16xi32>
      %select_n3A_2477 = arith.select %eq3A_2476, %shift_left3A_2458, %broadcast_in_dim3A_3 : vector<16xi1>, vector<16xi32>
      %add3A_2478 = arith.addi %add3A_2439, %select_n3A_2477 : vector<16xi32>
      %mul3A_2479 = arith.constant 64 : i32
      %mul3A_2480 = arith.muli %mul3A_2479, %scan3A_89 : i32
      %add3A_2481 = arith.constant 61 : i32
      %add3A_2482 = arith.addi %mul3A_2480, %add3A_2481 : i32
      %mul3A_2483 = arith.constant 16 : i32
      %mul3A_2484 = arith.muli %add3A_2482, %mul3A_2483 : i32
      %get3A_2485 = arith.index_cast %mul3A_2484 : i32 to index
      %get3A_2486 = tpu.vector_load %arg4[%get3A_2485] {strides = array<i32>} : memref<65536xi32, #tpu.memory_space<vmem>>, vector<16xi32>,
      %get3A_2487 = vector.shape_cast %get3A_2486 : vector<16xi32> to vector<16xi32>
      %shift_right_arithmetic3A_2488 = arith.constant 2 : i32
      %shift_right_arithmetic3A_2489 = vector.broadcast %shift_right_arithmetic3A_2488 : i32 to vector<16xi32>
      %shift_right_arithmetic3A_2490 = arith.shrsi %get3A_2487, %shift_right_arithmetic3A_2489 : vector<16xi32>
      %and3A_2491 = arith.constant 3 : i32
      %and3A_2492 = vector.broadcast %and3A_2491 : i32 to vector<16xi32>
      %and3A_2493 = arith.andi %get3A_2487, %and3A_2492 : vector<16xi32>
      %shift_left3A_2494 = arith.constant 3 : i32
      %shift_left3A_2495 = vector.broadcast %shift_left3A_2494 : i32 to vector<16xi32>
      %shift_left3A_2496 = arith.shli %and3A_2493, %shift_left3A_2495 : vector<16xi32>
      %shift_left3A_2497 = arith.shli %broadcast_in_dim3A_5, %shift_left3A_2496 : vector<16xi32>
      %eq3A_2498 = arith.constant 0 : i32
      %eq3A_2499 = vector.broadcast %eq3A_2498 : i32 to vector<16xi32>
      %eq3A_2500 = arith.cmpi eq, %shift_right_arithmetic3A_2490, %eq3A_2499 : vector<16xi32>
      %select_n3A_2501 = arith.select %eq3A_2500, %shift_left3A_2497, %broadcast_in_dim3A_3 : vector<16xi1>, vector<16xi32>
      %add3A_2502 = arith.addi %add3A_2463, %select_n3A_2501 : vector<16xi32>
      %eq3A_2503 = arith.constant 1 : i32
      %eq3A_2504 = vector.broadcast %eq3A_2503 : i32 to vector<16xi32>
      %eq3A_2505 = arith.cmpi eq, %shift_right_arithmetic3A_2490, %eq3A_2504 : vector<16xi32>
      %select_n3A_2506 = arith.select %eq3A_2505, %shift_left3A_2497, %broadcast_in_dim3A_3 : vector<16xi1>, vector<16xi32>
      %add3A_2507 = arith.addi %add3A_2468, %select_n3A_2506 : vector<16xi32>
      %eq3A_2508 = arith.constant 2 : i32
      %eq3A_2509 = vector.broadcast %eq3A_2508 : i32 to vector<16xi32>
      %eq3A_2510 = arith.cmpi eq, %shift_right_arithmetic3A_2490, %eq3A_2509 : vector<16xi32>
      %select_n3A_2511 = arith.select %eq3A_2510, %shift_left3A_2497, %broadcast_in_dim3A_3 : vector<16xi1>, vector<16xi32>
      %add3A_2512 = arith.addi %add3A_2473, %select_n3A_2511 : vector<16xi32>
      %eq3A_2513 = arith.constant 3 : i32
      %eq3A_2514 = vector.broadcast %eq3A_2513 : i32 to vector<16xi32>
      %eq3A_2515 = arith.cmpi eq, %shift_right_arithmetic3A_2490, %eq3A_2514 : vector<16xi32>
      %select_n3A_2516 = arith.select %eq3A_2515, %shift_left3A_2497, %broadcast_in_dim3A_3 : vector<16xi1>, vector<16xi32>
      %add3A_2517 = arith.addi %add3A_2478, %select_n3A_2516 : vector<16xi32>
      %mul3A_2518 = arith.constant 64 : i32
      %mul3A_2519 = arith.muli %mul3A_2518, %scan3A_89 : i32
      %add3A_2520 = arith.constant 62 : i32
      %add3A_2521 = arith.addi %mul3A_2519, %add3A_2520 : i32
      %mul3A_2522 = arith.constant 16 : i32
      %mul3A_2523 = arith.muli %add3A_2521, %mul3A_2522 : i32
      %get3A_2524 = arith.index_cast %mul3A_2523 : i32 to index
      %get3A_2525 = tpu.vector_load %arg4[%get3A_2524] {strides = array<i32>} : memref<65536xi32, #tpu.memory_space<vmem>>, vector<16xi32>,
      %get3A_2526 = vector.shape_cast %get3A_2525 : vector<16xi32> to vector<16xi32>
      %shift_right_arithmetic3A_2527 = arith.constant 2 : i32
      %shift_right_arithmetic3A_2528 = vector.broadcast %shift_right_arithmetic3A_2527 : i32 to vector<16xi32>
      %shift_right_arithmetic3A_2529 = arith.shrsi %get3A_2526, %shift_right_arithmetic3A_2528 : vector<16xi32>
      %and3A_2530 = arith.constant 3 : i32
      %and3A_2531 = vector.broadcast %and3A_2530 : i32 to vector<16xi32>
      %and3A_2532 = arith.andi %get3A_2526, %and3A_2531 : vector<16xi32>
      %shift_left3A_2533 = arith.constant 3 : i32
      %shift_left3A_2534 = vector.broadcast %shift_left3A_2533 : i32 to vector<16xi32>
      %shift_left3A_2535 = arith.shli %and3A_2532, %shift_left3A_2534 : vector<16xi32>
      %shift_left3A_2536 = arith.shli %broadcast_in_dim3A_5, %shift_left3A_2535 : vector<16xi32>
      %eq3A_2537 = arith.constant 0 : i32
      %eq3A_2538 = vector.broadcast %eq3A_2537 : i32 to vector<16xi32>
      %eq3A_2539 = arith.cmpi eq, %shift_right_arithmetic3A_2529, %eq3A_2538 : vector<16xi32>
      %select_n3A_2540 = arith.select %eq3A_2539, %shift_left3A_2536, %broadcast_in_dim3A_3 : vector<16xi1>, vector<16xi32>
      %add3A_2541 = arith.addi %add3A_2502, %select_n3A_2540 : vector<16xi32>
      %eq3A_2542 = arith.constant 1 : i32
      %eq3A_2543 = vector.broadcast %eq3A_2542 : i32 to vector<16xi32>
      %eq3A_2544 = arith.cmpi eq, %shift_right_arithmetic3A_2529, %eq3A_2543 : vector<16xi32>
      %select_n3A_2545 = arith.select %eq3A_2544, %shift_left3A_2536, %broadcast_in_dim3A_3 : vector<16xi1>, vector<16xi32>
      %add3A_2546 = arith.addi %add3A_2507, %select_n3A_2545 : vector<16xi32>
      %eq3A_2547 = arith.constant 2 : i32
      %eq3A_2548 = vector.broadcast %eq3A_2547 : i32 to vector<16xi32>
      %eq3A_2549 = arith.cmpi eq, %shift_right_arithmetic3A_2529, %eq3A_2548 : vector<16xi32>
      %select_n3A_2550 = arith.select %eq3A_2549, %shift_left3A_2536, %broadcast_in_dim3A_3 : vector<16xi1>, vector<16xi32>
      %add3A_2551 = arith.addi %add3A_2512, %select_n3A_2550 : vector<16xi32>
      %eq3A_2552 = arith.constant 3 : i32
      %eq3A_2553 = vector.broadcast %eq3A_2552 : i32 to vector<16xi32>
      %eq3A_2554 = arith.cmpi eq, %shift_right_arithmetic3A_2529, %eq3A_2553 : vector<16xi32>
      %select_n3A_2555 = arith.select %eq3A_2554, %shift_left3A_2536, %broadcast_in_dim3A_3 : vector<16xi1>, vector<16xi32>
      %add3A_2556 = arith.addi %add3A_2517, %select_n3A_2555 : vector<16xi32>
      %mul3A_2557 = arith.constant 64 : i32
      %mul3A_2558 = arith.muli %mul3A_2557, %scan3A_89 : i32
      %add3A_2559 = arith.constant 63 : i32
      %add3A_2560 = arith.addi %mul3A_2558, %add3A_2559 : i32
      %mul3A_2561 = arith.constant 16 : i32
      %mul3A_2562 = arith.muli %add3A_2560, %mul3A_2561 : i32
      %get3A_2563 = arith.index_cast %mul3A_2562 : i32 to index
      %get3A_2564 = tpu.vector_load %arg4[%get3A_2563] {strides = array<i32>} : memref<65536xi32, #tpu.memory_space<vmem>>, vector<16xi32>,
      %get3A_2565 = vector.shape_cast %get3A_2564 : vector<16xi32> to vector<16xi32>
      %shift_right_arithmetic3A_2566 = arith.constant 2 : i32
      %shift_right_arithmetic3A_2567 = vector.broadcast %shift_right_arithmetic3A_2566 : i32 to vector<16xi32>
      %shift_right_arithmetic3A_2568 = arith.shrsi %get3A_2565, %shift_right_arithmetic3A_2567 : vector<16xi32>
      %and3A_2569 = arith.constant 3 : i32
      %and3A_2570 = vector.broadcast %and3A_2569 : i32 to vector<16xi32>
      %and3A_2571 = arith.andi %get3A_2565, %and3A_2570 : vector<16xi32>
      %shift_left3A_2572 = arith.constant 3 : i32
      %shift_left3A_2573 = vector.broadcast %shift_left3A_2572 : i32 to vector<16xi32>
      %shift_left3A_2574 = arith.shli %and3A_2571, %shift_left3A_2573 : vector<16xi32>
      %shift_left3A_2575 = arith.shli %broadcast_in_dim3A_5, %shift_left3A_2574 : vector<16xi32>
      %eq3A_2576 = arith.constant 0 : i32
      %eq3A_2577 = vector.broadcast %eq3A_2576 : i32 to vector<16xi32>
      %eq3A_2578 = arith.cmpi eq, %shift_right_arithmetic3A_2568, %eq3A_2577 : vector<16xi32>
      %select_n3A_2579 = arith.select %eq3A_2578, %shift_left3A_2575, %broadcast_in_dim3A_3 : vector<16xi1>, vector<16xi32>
      %add3A_2580 = arith.addi %add3A_2541, %select_n3A_2579 : vector<16xi32>
      %eq3A_2581 = arith.constant 1 : i32
      %eq3A_2582 = vector.broadcast %eq3A_2581 : i32 to vector<16xi32>
      %eq3A_2583 = arith.cmpi eq, %shift_right_arithmetic3A_2568, %eq3A_2582 : vector<16xi32>
      %select_n3A_2584 = arith.select %eq3A_2583, %shift_left3A_2575, %broadcast_in_dim3A_3 : vector<16xi1>, vector<16xi32>
      %add3A_2585 = arith.addi %add3A_2546, %select_n3A_2584 : vector<16xi32>
      %eq3A_2586 = arith.constant 2 : i32
      %eq3A_2587 = vector.broadcast %eq3A_2586 : i32 to vector<16xi32>
      %eq3A_2588 = arith.cmpi eq, %shift_right_arithmetic3A_2568, %eq3A_2587 : vector<16xi32>
      %select_n3A_2589 = arith.select %eq3A_2588, %shift_left3A_2575, %broadcast_in_dim3A_3 : vector<16xi1>, vector<16xi32>
      %add3A_2590 = arith.addi %add3A_2551, %select_n3A_2589 : vector<16xi32>
      %eq3A_2591 = arith.constant 3 : i32
      %eq3A_2592 = vector.broadcast %eq3A_2591 : i32 to vector<16xi32>
      %eq3A_2593 = arith.cmpi eq, %shift_right_arithmetic3A_2568, %eq3A_2592 : vector<16xi32>
      %select_n3A_2594 = arith.select %eq3A_2593, %shift_left3A_2575, %broadcast_in_dim3A_3 : vector<16xi1>, vector<16xi32>
      %add3A_2595 = arith.addi %add3A_2556, %select_n3A_2594 : vector<16xi32>
      %shift_right_arithmetic3A_2596 = arith.constant 0 : i32
      %shift_right_arithmetic3A_2597 = vector.broadcast %shift_right_arithmetic3A_2596 : i32 to vector<16xi32>
      %shift_right_arithmetic3A_2598 = arith.shrsi %add3A_2580, %shift_right_arithmetic3A_2597 : vector<16xi32>
      %and3A_2599 = arith.constant 255 : i32
      %and3A_2600 = vector.broadcast %and3A_2599 : i32 to vector<16xi32>
      %and3A_2601 = arith.andi %shift_right_arithmetic3A_2598, %and3A_2600 : vector<16xi32>
      %add3A_2602 = arith.addi %scan3A_90, %and3A_2601 : vector<16xi32>
      %shift_right_arithmetic3A_2603 = arith.constant 8 : i32
      %shift_right_arithmetic3A_2604 = vector.broadcast %shift_right_arithmetic3A_2603 : i32 to vector<16xi32>
      %shift_right_arithmetic3A_2605 = arith.shrsi %add3A_2580, %shift_right_arithmetic3A_2604 : vector<16xi32>
      %and3A_2606 = arith.constant 255 : i32
      %and3A_2607 = vector.broadcast %and3A_2606 : i32 to vector<16xi32>
      %and3A_2608 = arith.andi %shift_right_arithmetic3A_2605, %and3A_2607 : vector<16xi32>
      %add3A_2609 = arith.addi %scan3A_91, %and3A_2608 : vector<16xi32>
      %shift_right_arithmetic3A_2610 = arith.constant 16 : i32
      %shift_right_arithmetic3A_2611 = vector.broadcast %shift_right_arithmetic3A_2610 : i32 to vector<16xi32>
      %shift_right_arithmetic3A_2612 = arith.shrsi %add3A_2580, %shift_right_arithmetic3A_2611 : vector<16xi32>
      %and3A_2613 = arith.constant 255 : i32
      %and3A_2614 = vector.broadcast %and3A_2613 : i32 to vector<16xi32>
      %and3A_2615 = arith.andi %shift_right_arithmetic3A_2612, %and3A_2614 : vector<16xi32>
      %add3A_2616 = arith.addi %scan3A_92, %and3A_2615 : vector<16xi32>
      %shift_right_arithmetic3A_2617 = arith.constant 24 : i32
      %shift_right_arithmetic3A_2618 = vector.broadcast %shift_right_arithmetic3A_2617 : i32 to vector<16xi32>
      %shift_right_arithmetic3A_2619 = arith.shrsi %add3A_2580, %shift_right_arithmetic3A_2618 : vector<16xi32>
      %and3A_2620 = arith.constant 255 : i32
      %and3A_2621 = vector.broadcast %and3A_2620 : i32 to vector<16xi32>
      %and3A_2622 = arith.andi %shift_right_arithmetic3A_2619, %and3A_2621 : vector<16xi32>
      %add3A_2623 = arith.addi %scan3A_93, %and3A_2622 : vector<16xi32>
      %shift_right_arithmetic3A_2624 = arith.constant 0 : i32
      %shift_right_arithmetic3A_2625 = vector.broadcast %shift_right_arithmetic3A_2624 : i32 to vector<16xi32>
      %shift_right_arithmetic3A_2626 = arith.shrsi %add3A_2585, %shift_right_arithmetic3A_2625 : vector<16xi32>
      %and3A_2627 = arith.constant 255 : i32
      %and3A_2628 = vector.broadcast %and3A_2627 : i32 to vector<16xi32>
      %and3A_2629 = arith.andi %shift_right_arithmetic3A_2626, %and3A_2628 : vector<16xi32>
      %add3A_2630 = arith.addi %scan3A_94, %and3A_2629 : vector<16xi32>
      %shift_right_arithmetic3A_2631 = arith.constant 8 : i32
      %shift_right_arithmetic3A_2632 = vector.broadcast %shift_right_arithmetic3A_2631 : i32 to vector<16xi32>
      %shift_right_arithmetic3A_2633 = arith.shrsi %add3A_2585, %shift_right_arithmetic3A_2632 : vector<16xi32>
      %and3A_2634 = arith.constant 255 : i32
      %and3A_2635 = vector.broadcast %and3A_2634 : i32 to vector<16xi32>
      %and3A_2636 = arith.andi %shift_right_arithmetic3A_2633, %and3A_2635 : vector<16xi32>
      %add3A_2637 = arith.addi %scan3A_95, %and3A_2636 : vector<16xi32>
      %shift_right_arithmetic3A_2638 = arith.constant 16 : i32
      %shift_right_arithmetic3A_2639 = vector.broadcast %shift_right_arithmetic3A_2638 : i32 to vector<16xi32>
      %shift_right_arithmetic3A_2640 = arith.shrsi %add3A_2585, %shift_right_arithmetic3A_2639 : vector<16xi32>
      %and3A_2641 = arith.constant 255 : i32
      %and3A_2642 = vector.broadcast %and3A_2641 : i32 to vector<16xi32>
      %and3A_2643 = arith.andi %shift_right_arithmetic3A_2640, %and3A_2642 : vector<16xi32>
      %add3A_2644 = arith.addi %scan3A_96, %and3A_2643 : vector<16xi32>
      %shift_right_arithmetic3A_2645 = arith.constant 24 : i32
      %shift_right_arithmetic3A_2646 = vector.broadcast %shift_right_arithmetic3A_2645 : i32 to vector<16xi32>
      %shift_right_arithmetic3A_2647 = arith.shrsi %add3A_2585, %shift_right_arithmetic3A_2646 : vector<16xi32>
      %and3A_2648 = arith.constant 255 : i32
      %and3A_2649 = vector.broadcast %and3A_2648 : i32 to vector<16xi32>
      %and3A_2650 = arith.andi %shift_right_arithmetic3A_2647, %and3A_2649 : vector<16xi32>
      %add3A_2651 = arith.addi %scan3A_97, %and3A_2650 : vector<16xi32>
      %shift_right_arithmetic3A_2652 = arith.constant 0 : i32
      %shift_right_arithmetic3A_2653 = vector.broadcast %shift_right_arithmetic3A_2652 : i32 to vector<16xi32>
      %shift_right_arithmetic3A_2654 = arith.shrsi %add3A_2590, %shift_right_arithmetic3A_2653 : vector<16xi32>
      %and3A_2655 = arith.constant 255 : i32
      %and3A_2656 = vector.broadcast %and3A_2655 : i32 to vector<16xi32>
      %and3A_2657 = arith.andi %shift_right_arithmetic3A_2654, %and3A_2656 : vector<16xi32>
      %add3A_2658 = arith.addi %scan3A_98, %and3A_2657 : vector<16xi32>
      %shift_right_arithmetic3A_2659 = arith.constant 8 : i32
      %shift_right_arithmetic3A_2660 = vector.broadcast %shift_right_arithmetic3A_2659 : i32 to vector<16xi32>
      %shift_right_arithmetic3A_2661 = arith.shrsi %add3A_2590, %shift_right_arithmetic3A_2660 : vector<16xi32>
      %and3A_2662 = arith.constant 255 : i32
      %and3A_2663 = vector.broadcast %and3A_2662 : i32 to vector<16xi32>
      %and3A_2664 = arith.andi %shift_right_arithmetic3A_2661, %and3A_2663 : vector<16xi32>
      %add3A_2665 = arith.addi %scan3A_99, %and3A_2664 : vector<16xi32>
      %shift_right_arithmetic3A_2666 = arith.constant 16 : i32
      %shift_right_arithmetic3A_2667 = vector.broadcast %shift_right_arithmetic3A_2666 : i32 to vector<16xi32>
      %shift_right_arithmetic3A_2668 = arith.shrsi %add3A_2590, %shift_right_arithmetic3A_2667 : vector<16xi32>
      %and3A_2669 = arith.constant 255 : i32
      %and3A_2670 = vector.broadcast %and3A_2669 : i32 to vector<16xi32>
      %and3A_2671 = arith.andi %shift_right_arithmetic3A_2668, %and3A_2670 : vector<16xi32>
      %add3A_2672 = arith.addi %scan3A_100, %and3A_2671 : vector<16xi32>
      %shift_right_arithmetic3A_2673 = arith.constant 24 : i32
      %shift_right_arithmetic3A_2674 = vector.broadcast %shift_right_arithmetic3A_2673 : i32 to vector<16xi32>
      %shift_right_arithmetic3A_2675 = arith.shrsi %add3A_2590, %shift_right_arithmetic3A_2674 : vector<16xi32>
      %and3A_2676 = arith.constant 255 : i32
      %and3A_2677 = vector.broadcast %and3A_2676 : i32 to vector<16xi32>
      %and3A_2678 = arith.andi %shift_right_arithmetic3A_2675, %and3A_2677 : vector<16xi32>
      %add3A_2679 = arith.addi %scan3A_101, %and3A_2678 : vector<16xi32>
      %shift_right_arithmetic3A_2680 = arith.constant 0 : i32
      %shift_right_arithmetic3A_2681 = vector.broadcast %shift_right_arithmetic3A_2680 : i32 to vector<16xi32>
      %shift_right_arithmetic3A_2682 = arith.shrsi %add3A_2595, %shift_right_arithmetic3A_2681 : vector<16xi32>
      %and3A_2683 = arith.constant 255 : i32
      %and3A_2684 = vector.broadcast %and3A_2683 : i32 to vector<16xi32>
      %and3A_2685 = arith.andi %shift_right_arithmetic3A_2682, %and3A_2684 : vector<16xi32>
      %add3A_2686 = arith.addi %scan3A_102, %and3A_2685 : vector<16xi32>
      %shift_right_arithmetic3A_2687 = arith.constant 8 : i32
      %shift_right_arithmetic3A_2688 = vector.broadcast %shift_right_arithmetic3A_2687 : i32 to vector<16xi32>
      %shift_right_arithmetic3A_2689 = arith.shrsi %add3A_2595, %shift_right_arithmetic3A_2688 : vector<16xi32>
      %and3A_2690 = arith.constant 255 : i32
      %and3A_2691 = vector.broadcast %and3A_2690 : i32 to vector<16xi32>
      %and3A_2692 = arith.andi %shift_right_arithmetic3A_2689, %and3A_2691 : vector<16xi32>
      %add3A_2693 = arith.addi %scan3A_103, %and3A_2692 : vector<16xi32>
      %shift_right_arithmetic3A_2694 = arith.constant 16 : i32
      %shift_right_arithmetic3A_2695 = vector.broadcast %shift_right_arithmetic3A_2694 : i32 to vector<16xi32>
      %shift_right_arithmetic3A_2696 = arith.shrsi %add3A_2595, %shift_right_arithmetic3A_2695 : vector<16xi32>
      %and3A_2697 = arith.constant 255 : i32
      %and3A_2698 = vector.broadcast %and3A_2697 : i32 to vector<16xi32>
      %and3A_2699 = arith.andi %shift_right_arithmetic3A_2696, %and3A_2698 : vector<16xi32>
      %add3A_2700 = arith.addi %scan3A_104, %and3A_2699 : vector<16xi32>
      %shift_right_arithmetic3A_2701 = arith.constant 24 : i32
      %shift_right_arithmetic3A_2702 = vector.broadcast %shift_right_arithmetic3A_2701 : i32 to vector<16xi32>
      %shift_right_arithmetic3A_2703 = arith.shrsi %add3A_2595, %shift_right_arithmetic3A_2702 : vector<16xi32>
      %and3A_2704 = arith.constant 255 : i32
      %and3A_2705 = vector.broadcast %and3A_2704 : i32 to vector<16xi32>
      %and3A_2706 = arith.andi %shift_right_arithmetic3A_2703, %and3A_2705 : vector<16xi32>
      %add3A_2707 = arith.addi %scan3A_105, %and3A_2706 : vector<16xi32>
      scf.yield %add3A_2602, %add3A_2609, %add3A_2616, %add3A_2623, %add3A_2630, %add3A_2637, %add3A_2644, %add3A_2651, %add3A_2658, %add3A_2665, %add3A_2672, %add3A_2679, %add3A_2686, %add3A_2693, %add3A_2700, %add3A_2707 : vector<16xi32>, vector<16xi32>, vector<16xi32>, vector<16xi32>, vector<16xi32>, vector<16xi32>, vector<16xi32>, vector<16xi32>, vector<16xi32>, vector<16xi32>, vector<16xi32>, vector<16xi32>, vector<16xi32>, vector<16xi32>, vector<16xi32>, vector<16xi32>
    }
    %scan3A_10 = arith.constant 64 : i32
    %convert_element_type3A = arith.sitofp %scan3A_9#0 : vector<16xi32> to vector<16xf32>
    %swap3A = arith.constant 0 : index
    %swap3A_11 = tpu.vector_load %arg5[%swap3A] {strides = array<i32>} : memref<256xf32, #tpu.memory_space<vmem>>, vector<16xf32>,
    %swap3A_12 = vector.shape_cast %swap3A_11 : vector<16xf32> to vector<16xf32>
    %swap3A_13 = vector.shape_cast %convert_element_type3A : vector<16xf32> to vector<16xf32>
    tpu.vector_store %arg5[%swap3A], %swap3A_13 {strides = array<i32>} : memref<256xf32, #tpu.memory_space<vmem>>, vector<16xf32>,
    %convert_element_type3A_14 = arith.sitofp %scan3A_9#1 : vector<16xi32> to vector<16xf32>
    %swap3A_15 = arith.constant 16 : index
    %swap3A_16 = tpu.vector_load %arg5[%swap3A_15] {strides = array<i32>} : memref<256xf32, #tpu.memory_space<vmem>>, vector<16xf32>,
    %swap3A_17 = vector.shape_cast %swap3A_16 : vector<16xf32> to vector<16xf32>
    %swap3A_18 = vector.shape_cast %convert_element_type3A_14 : vector<16xf32> to vector<16xf32>
    tpu.vector_store %arg5[%swap3A_15], %swap3A_18 {strides = array<i32>} : memref<256xf32, #tpu.memory_space<vmem>>, vector<16xf32>,
    %convert_element_type3A_19 = arith.sitofp %scan3A_9#2 : vector<16xi32> to vector<16xf32>
    %swap3A_20 = arith.constant 32 : index
    %swap3A_21 = tpu.vector_load %arg5[%swap3A_20] {strides = array<i32>} : memref<256xf32, #tpu.memory_space<vmem>>, vector<16xf32>,
    %swap3A_22 = vector.shape_cast %swap3A_21 : vector<16xf32> to vector<16xf32>
    %swap3A_23 = vector.shape_cast %convert_element_type3A_19 : vector<16xf32> to vector<16xf32>
    tpu.vector_store %arg5[%swap3A_20], %swap3A_23 {strides = array<i32>} : memref<256xf32, #tpu.memory_space<vmem>>, vector<16xf32>,
    %convert_element_type3A_24 = arith.sitofp %scan3A_9#3 : vector<16xi32> to vector<16xf32>
    %swap3A_25 = arith.constant 48 : index
    %swap3A_26 = tpu.vector_load %arg5[%swap3A_25] {strides = array<i32>} : memref<256xf32, #tpu.memory_space<vmem>>, vector<16xf32>,
    %swap3A_27 = vector.shape_cast %swap3A_26 : vector<16xf32> to vector<16xf32>
    %swap3A_28 = vector.shape_cast %convert_element_type3A_24 : vector<16xf32> to vector<16xf32>
    tpu.vector_store %arg5[%swap3A_25], %swap3A_28 {strides = array<i32>} : memref<256xf32, #tpu.memory_space<vmem>>, vector<16xf32>,
    %convert_element_type3A_29 = arith.sitofp %scan3A_9#4 : vector<16xi32> to vector<16xf32>
    %swap3A_30 = arith.constant 64 : index
    %swap3A_31 = tpu.vector_load %arg5[%swap3A_30] {strides = array<i32>} : memref<256xf32, #tpu.memory_space<vmem>>, vector<16xf32>,
    %swap3A_32 = vector.shape_cast %swap3A_31 : vector<16xf32> to vector<16xf32>
    %swap3A_33 = vector.shape_cast %convert_element_type3A_29 : vector<16xf32> to vector<16xf32>
    tpu.vector_store %arg5[%swap3A_30], %swap3A_33 {strides = array<i32>} : memref<256xf32, #tpu.memory_space<vmem>>, vector<16xf32>,
    %convert_element_type3A_34 = arith.sitofp %scan3A_9#5 : vector<16xi32> to vector<16xf32>
    %swap3A_35 = arith.constant 80 : index
    %swap3A_36 = tpu.vector_load %arg5[%swap3A_35] {strides = array<i32>} : memref<256xf32, #tpu.memory_space<vmem>>, vector<16xf32>,
    %swap3A_37 = vector.shape_cast %swap3A_36 : vector<16xf32> to vector<16xf32>
    %swap3A_38 = vector.shape_cast %convert_element_type3A_34 : vector<16xf32> to vector<16xf32>
    tpu.vector_store %arg5[%swap3A_35], %swap3A_38 {strides = array<i32>} : memref<256xf32, #tpu.memory_space<vmem>>, vector<16xf32>,
    %convert_element_type3A_39 = arith.sitofp %scan3A_9#6 : vector<16xi32> to vector<16xf32>
    %swap3A_40 = arith.constant 96 : index
    %swap3A_41 = tpu.vector_load %arg5[%swap3A_40] {strides = array<i32>} : memref<256xf32, #tpu.memory_space<vmem>>, vector<16xf32>,
    %swap3A_42 = vector.shape_cast %swap3A_41 : vector<16xf32> to vector<16xf32>
    %swap3A_43 = vector.shape_cast %convert_element_type3A_39 : vector<16xf32> to vector<16xf32>
    tpu.vector_store %arg5[%swap3A_40], %swap3A_43 {strides = array<i32>} : memref<256xf32, #tpu.memory_space<vmem>>, vector<16xf32>,
    %convert_element_type3A_44 = arith.sitofp %scan3A_9#7 : vector<16xi32> to vector<16xf32>
    %swap3A_45 = arith.constant 112 : index
    %swap3A_46 = tpu.vector_load %arg5[%swap3A_45] {strides = array<i32>} : memref<256xf32, #tpu.memory_space<vmem>>, vector<16xf32>,
    %swap3A_47 = vector.shape_cast %swap3A_46 : vector<16xf32> to vector<16xf32>
    %swap3A_48 = vector.shape_cast %convert_element_type3A_44 : vector<16xf32> to vector<16xf32>
    tpu.vector_store %arg5[%swap3A_45], %swap3A_48 {strides = array<i32>} : memref<256xf32, #tpu.memory_space<vmem>>, vector<16xf32>,
    %convert_element_type3A_49 = arith.sitofp %scan3A_9#8 : vector<16xi32> to vector<16xf32>
    %swap3A_50 = arith.constant 128 : index
    %swap3A_51 = tpu.vector_load %arg5[%swap3A_50] {strides = array<i32>} : memref<256xf32, #tpu.memory_space<vmem>>, vector<16xf32>,
    %swap3A_52 = vector.shape_cast %swap3A_51 : vector<16xf32> to vector<16xf32>
    %swap3A_53 = vector.shape_cast %convert_element_type3A_49 : vector<16xf32> to vector<16xf32>
    tpu.vector_store %arg5[%swap3A_50], %swap3A_53 {strides = array<i32>} : memref<256xf32, #tpu.memory_space<vmem>>, vector<16xf32>,
    %convert_element_type3A_54 = arith.sitofp %scan3A_9#9 : vector<16xi32> to vector<16xf32>
    %swap3A_55 = arith.constant 144 : index
    %swap3A_56 = tpu.vector_load %arg5[%swap3A_55] {strides = array<i32>} : memref<256xf32, #tpu.memory_space<vmem>>, vector<16xf32>,
    %swap3A_57 = vector.shape_cast %swap3A_56 : vector<16xf32> to vector<16xf32>
    %swap3A_58 = vector.shape_cast %convert_element_type3A_54 : vector<16xf32> to vector<16xf32>
    tpu.vector_store %arg5[%swap3A_55], %swap3A_58 {strides = array<i32>} : memref<256xf32, #tpu.memory_space<vmem>>, vector<16xf32>,
    %convert_element_type3A_59 = arith.sitofp %scan3A_9#10 : vector<16xi32> to vector<16xf32>
    %swap3A_60 = arith.constant 160 : index
    %swap3A_61 = tpu.vector_load %arg5[%swap3A_60] {strides = array<i32>} : memref<256xf32, #tpu.memory_space<vmem>>, vector<16xf32>,
    %swap3A_62 = vector.shape_cast %swap3A_61 : vector<16xf32> to vector<16xf32>
    %swap3A_63 = vector.shape_cast %convert_element_type3A_59 : vector<16xf32> to vector<16xf32>
    tpu.vector_store %arg5[%swap3A_60], %swap3A_63 {strides = array<i32>} : memref<256xf32, #tpu.memory_space<vmem>>, vector<16xf32>,
    %convert_element_type3A_64 = arith.sitofp %scan3A_9#11 : vector<16xi32> to vector<16xf32>
    %swap3A_65 = arith.constant 176 : index
    %swap3A_66 = tpu.vector_load %arg5[%swap3A_65] {strides = array<i32>} : memref<256xf32, #tpu.memory_space<vmem>>, vector<16xf32>,
    %swap3A_67 = vector.shape_cast %swap3A_66 : vector<16xf32> to vector<16xf32>
    %swap3A_68 = vector.shape_cast %convert_element_type3A_64 : vector<16xf32> to vector<16xf32>
    tpu.vector_store %arg5[%swap3A_65], %swap3A_68 {strides = array<i32>} : memref<256xf32, #tpu.memory_space<vmem>>, vector<16xf32>,
    %convert_element_type3A_69 = arith.sitofp %scan3A_9#12 : vector<16xi32> to vector<16xf32>
    %swap3A_70 = arith.constant 192 : index
    %swap3A_71 = tpu.vector_load %arg5[%swap3A_70] {strides = array<i32>} : memref<256xf32, #tpu.memory_space<vmem>>, vector<16xf32>,
    %swap3A_72 = vector.shape_cast %swap3A_71 : vector<16xf32> to vector<16xf32>
    %swap3A_73 = vector.shape_cast %convert_element_type3A_69 : vector<16xf32> to vector<16xf32>
    tpu.vector_store %arg5[%swap3A_70], %swap3A_73 {strides = array<i32>} : memref<256xf32, #tpu.memory_space<vmem>>, vector<16xf32>,
    %convert_element_type3A_74 = arith.sitofp %scan3A_9#13 : vector<16xi32> to vector<16xf32>
    %swap3A_75 = arith.constant 208 : index
    %swap3A_76 = tpu.vector_load %arg5[%swap3A_75] {strides = array<i32>} : memref<256xf32, #tpu.memory_space<vmem>>, vector<16xf32>,
    %swap3A_77 = vector.shape_cast %swap3A_76 : vector<16xf32> to vector<16xf32>
    %swap3A_78 = vector.shape_cast %convert_element_type3A_74 : vector<16xf32> to vector<16xf32>
    tpu.vector_store %arg5[%swap3A_75], %swap3A_78 {strides = array<i32>} : memref<256xf32, #tpu.memory_space<vmem>>, vector<16xf32>,
    %convert_element_type3A_79 = arith.sitofp %scan3A_9#14 : vector<16xi32> to vector<16xf32>
    %swap3A_80 = arith.constant 224 : index
    %swap3A_81 = tpu.vector_load %arg5[%swap3A_80] {strides = array<i32>} : memref<256xf32, #tpu.memory_space<vmem>>, vector<16xf32>,
    %swap3A_82 = vector.shape_cast %swap3A_81 : vector<16xf32> to vector<16xf32>
    %swap3A_83 = vector.shape_cast %convert_element_type3A_79 : vector<16xf32> to vector<16xf32>
    tpu.vector_store %arg5[%swap3A_80], %swap3A_83 {strides = array<i32>} : memref<256xf32, #tpu.memory_space<vmem>>, vector<16xf32>,
    %convert_element_type3A_84 = arith.sitofp %scan3A_9#15 : vector<16xi32> to vector<16xf32>
    %swap3A_85 = arith.constant 240 : index
    %swap3A_86 = tpu.vector_load %arg5[%swap3A_85] {strides = array<i32>} : memref<256xf32, #tpu.memory_space<vmem>>, vector<16xf32>,
    %swap3A_87 = vector.shape_cast %swap3A_86 : vector<16xf32> to vector<16xf32>
    %swap3A_88 = vector.shape_cast %convert_element_type3A_84 : vector<16xf32> to vector<16xf32>
    tpu.vector_store %arg5[%swap3A_85], %swap3A_88 {strides = array<i32>} : memref<256xf32, #tpu.memory_space<vmem>>, vector<16xf32>,
    "tpu.region"() ({
      %run_scoped3A = tpu.sem_alloc : memref<!tpu.dma_semaphore, #tpu.memory_space<semaphore_mem>>
      %dma_start3A = arith.constant 0 : i32
      %dma_start3A_89 = tpu.memref_slice %arg3[%add3A, %dma_start3A] : memref<32x256xf32, #tpu.memory_space<hbm>> -> memref<1x256xf32, #tpu.memory_space<hbm>>
      %dma_start3A_90 = tpu.memref_squeeze %dma_start3A_89 : memref<1x256xf32, #tpu.memory_space<hbm>> -> memref<256xf32, #tpu.memory_space<hbm>>
      %dma_start3A_91 = arith.constant 0 : i32
      %dma_start3A_92 = tpu.memref_slice %arg3[%add3A, %dma_start3A_91] : memref<32x256xf32, #tpu.memory_space<hbm>> -> memref<1x256xf32, #tpu.memory_space<hbm>>
      %dma_start3A_93 = tpu.memref_squeeze %dma_start3A_92 : memref<1x256xf32, #tpu.memory_space<hbm>> -> memref<256xf32, #tpu.memory_space<hbm>>
      tpu.enqueue_dma source(%arg5 : memref<256xf32, #tpu.memory_space<vmem>>) target(%dma_start3A_93 : memref<256xf32, #tpu.memory_space<hbm>>) target_semaphore(%run_scoped3A : memref<!tpu.dma_semaphore, #tpu.memory_space<semaphore_mem>>)
      %dma_wait3A = arith.constant 0 : i32
      %dma_wait3A_94 = tpu.memref_slice %arg3[%add3A, %dma_wait3A] : memref<32x256xf32, #tpu.memory_space<hbm>> -> memref<1x256xf32, #tpu.memory_space<hbm>>
      %dma_wait3A_95 = tpu.memref_squeeze %dma_wait3A_94 : memref<1x256xf32, #tpu.memory_space<hbm>> -> memref<256xf32, #tpu.memory_space<hbm>>
      %dma_wait3A_96 = arith.constant 0 : i32
      %dma_wait3A_97 = tpu.memref_slice %arg3[%add3A, %dma_wait3A_96] : memref<32x256xf32, #tpu.memory_space<hbm>> -> memref<1x256xf32, #tpu.memory_space<hbm>>
      %dma_wait3A_98 = tpu.memref_squeeze %dma_wait3A_97 : memref<1x256xf32, #tpu.memory_space<hbm>> -> memref<256xf32, #tpu.memory_space<hbm>>
      tpu.wait_dma2 semaphore(%run_scoped3A : memref<!tpu.dma_semaphore, #tpu.memory_space<semaphore_mem>>) src(%arg5 : memref<256xf32, #tpu.memory_space<vmem>>) dst(%dma_wait3A_98 : memref<256xf32, #tpu.memory_space<hbm>>)
      tpu.yield
    }) : () -> ()
    return
  }
}

module attributes {stable_mosaic.version = 14 : i64} {
  func.func @_combine_body(%arg0: memref<2x2x16x128xf32, #tpu.memory_space<vmem>>, %arg1: memref<32x16x16xf32, #tpu.memory_space<vmem>>, %arg2: memref<1xf32, #tpu.memory_space<smem>>) attributes {dimension_semantics = [], scalar_prefetch = 0 : i64, scratch_operands = 0 : i64, tpu.core_type = #tpu.core_type<tc>} {
    %get3A = arith.constant 0 : index
    %get3A_0 = arith.constant 0 : index
    %get3A_1 = arith.constant 0 : index
    %get3A_2 = arith.constant 0 : index
    %get3A_3 = vector.load %arg0[%get3A, %get3A_0, %get3A_1, %get3A_2] : memref<2x2x16x128xf32, #tpu.memory_space<vmem>>, vector<2x2x16x128xf32>
    %reduce_sum3A = arith.constant dense<0.000000e+00> : vector<2x2x16xf32>
    %reduce_sum3A_4 = vector.multi_reduction <add>, %get3A_3, %reduce_sum3A [3] : vector<2x2x16x128xf32> to vector<2x2x16xf32>
    %iota3A = tpu.iota {dimensions = array<i32: 1>} : vector<1x16xi32>
    %ne3A = arith.constant 0 : i32
    %ne3A_5 = vector.broadcast %ne3A : i32 to vector<1x16xi32>
    %ne3A_6 = arith.cmpi ne, %iota3A, %ne3A_5 : vector<1x16xi32>
    %convert_element_type3A = arith.extui %ne3A_6 : vector<1x16xi1> to vector<1x16xi32>
    %convert_element_type3A_7 = arith.sitofp %convert_element_type3A : vector<1x16xi32> to vector<1x16xf32>
    %get3A_8 = arith.constant 0 : index
    %get3A_9 = arith.constant 0 : index
    %get3A_10 = arith.constant 0 : index
    %get3A_11 = vector.load %arg1[%get3A_8, %get3A_9, %get3A_10] : memref<32x16x16xf32, #tpu.memory_space<vmem>>, vector<16x16x16xf32>
    %reduce_sum3A_12 = arith.constant dense<0.000000e+00> : vector<16xf32>
    %reduce_sum3A_13 = vector.multi_reduction <add>, %get3A_11, %reduce_sum3A_12 [0, 2] : vector<16x16x16xf32> to vector<16xf32>
    %reshape3A = vector.shape_cast %reduce_sum3A_13 : vector<16xf32> to vector<1x16xf32>
    %slice3A = vector.extract_strided_slice %reduce_sum3A_4 {offsets = [0, 0, 0], sizes = [1, 1, 16], strides = [1, 1, 1]} : vector<2x2x16xf32> to vector<1x1x16xf32>
    %squeeze3A = vector.shape_cast %slice3A : vector<1x1x16xf32> to vector<16xf32>
    %reshape3A_14 = vector.shape_cast %squeeze3A : vector<16xf32> to vector<1x16xf32>
    %slice3A_15 = vector.extract_strided_slice %reduce_sum3A_4 {offsets = [0, 1, 0], sizes = [1, 1, 16], strides = [1, 1, 1]} : vector<2x2x16xf32> to vector<1x1x16xf32>
    %squeeze3A_16 = vector.shape_cast %slice3A_15 : vector<1x1x16xf32> to vector<16xf32>
    %reshape3A_17 = vector.shape_cast %squeeze3A_16 : vector<16xf32> to vector<1x16xf32>
    %add3A = arith.addf %reshape3A_17, %reshape3A : vector<1x16xf32>
    %mul3A = arith.constant 2.000000e+00 : f32
    %mul3A_18 = vector.broadcast %mul3A : f32 to vector<1x16xf32>
    %mul3A_19 = arith.mulf %mul3A_18, %reshape3A_14 : vector<1x16xf32>
    %add3A_20 = arith.constant 1.000000e+00 : f32
    %add3A_21 = vector.broadcast %add3A_20 : f32 to vector<1x16xf32>
    %add3A_22 = arith.addf %mul3A_19, %add3A_21 : vector<1x16xf32>
    %add3A_23 = arith.constant 1.000000e+00 : f32
    %add3A_24 = vector.broadcast %add3A_23 : f32 to vector<1x16xf32>
    %add3A_25 = arith.addf %add3A, %add3A_24 : vector<1x16xf32>
    %div3A = arith.divf %add3A_22, %add3A_25 : vector<1x16xf32>
    %mul3A_26 = arith.mulf %div3A, %convert_element_type3A_7 : vector<1x16xf32>
    %reduce_sum3A_27 = vector.shape_cast %mul3A_26 : vector<1x16xf32> to vector<1x1x16xf32>
    %reduce_sum3A_28 = arith.constant dense<0.000000e+00> : vector<1xf32>
    %reduce_sum3A_29 = vector.multi_reduction <add>, %reduce_sum3A_27, %reduce_sum3A_28 [1, 2] : vector<1x1x16xf32> to vector<1xf32>
    %reduce_sum3A_30 = vector.shape_cast %reduce_sum3A_29 : vector<1xf32> to vector<1x1x1xf32>
    %reduce_sum3A_31 = vector.extract %reduce_sum3A_30[0, 0, 0] : f32 from vector<1x1x1xf32>
    %add3A_32 = arith.constant 0.000000e+00 : f32
    %add3A_33 = arith.addf %add3A_32, %reduce_sum3A_31 : f32
    %get3A_34 = arith.constant 16 : index
    %get3A_35 = arith.constant 0 : index
    %get3A_36 = arith.constant 0 : index
    %get3A_37 = vector.load %arg1[%get3A_34, %get3A_35, %get3A_36] : memref<32x16x16xf32, #tpu.memory_space<vmem>>, vector<16x16x16xf32>
    %reduce_sum3A_38 = arith.constant dense<0.000000e+00> : vector<16xf32>
    %reduce_sum3A_39 = vector.multi_reduction <add>, %get3A_37, %reduce_sum3A_38 [0, 2] : vector<16x16x16xf32> to vector<16xf32>
    %reshape3A_40 = vector.shape_cast %reduce_sum3A_39 : vector<16xf32> to vector<1x16xf32>
    %slice3A_41 = vector.extract_strided_slice %reduce_sum3A_4 {offsets = [1, 0, 0], sizes = [1, 1, 16], strides = [1, 1, 1]} : vector<2x2x16xf32> to vector<1x1x16xf32>
    %squeeze3A_42 = vector.shape_cast %slice3A_41 : vector<1x1x16xf32> to vector<16xf32>
    %reshape3A_43 = vector.shape_cast %squeeze3A_42 : vector<16xf32> to vector<1x16xf32>
    %slice3A_44 = vector.extract_strided_slice %reduce_sum3A_4 {offsets = [1, 1, 0], sizes = [1, 1, 16], strides = [1, 1, 1]} : vector<2x2x16xf32> to vector<1x1x16xf32>
    %squeeze3A_45 = vector.shape_cast %slice3A_44 : vector<1x1x16xf32> to vector<16xf32>
    %reshape3A_46 = vector.shape_cast %squeeze3A_45 : vector<16xf32> to vector<1x16xf32>
    %add3A_47 = arith.addf %reshape3A_46, %reshape3A_40 : vector<1x16xf32>
    %mul3A_48 = arith.constant 2.000000e+00 : f32
    %mul3A_49 = vector.broadcast %mul3A_48 : f32 to vector<1x16xf32>
    %mul3A_50 = arith.mulf %mul3A_49, %reshape3A_43 : vector<1x16xf32>
    %add3A_51 = arith.constant 1.000000e+00 : f32
    %add3A_52 = vector.broadcast %add3A_51 : f32 to vector<1x16xf32>
    %add3A_53 = arith.addf %mul3A_50, %add3A_52 : vector<1x16xf32>
    %add3A_54 = arith.constant 1.000000e+00 : f32
    %add3A_55 = vector.broadcast %add3A_54 : f32 to vector<1x16xf32>
    %add3A_56 = arith.addf %add3A_47, %add3A_55 : vector<1x16xf32>
    %div3A_57 = arith.divf %add3A_53, %add3A_56 : vector<1x16xf32>
    %mul3A_58 = arith.mulf %div3A_57, %convert_element_type3A_7 : vector<1x16xf32>
    %reduce_sum3A_59 = vector.shape_cast %mul3A_58 : vector<1x16xf32> to vector<1x1x16xf32>
    %reduce_sum3A_60 = arith.constant dense<0.000000e+00> : vector<1xf32>
    %reduce_sum3A_61 = vector.multi_reduction <add>, %reduce_sum3A_59, %reduce_sum3A_60 [1, 2] : vector<1x1x16xf32> to vector<1xf32>
    %reduce_sum3A_62 = vector.shape_cast %reduce_sum3A_61 : vector<1xf32> to vector<1x1x1xf32>
    %reduce_sum3A_63 = vector.extract %reduce_sum3A_62[0, 0, 0] : f32 from vector<1x1x1xf32>
    %add3A_64 = arith.addf %add3A_33, %reduce_sum3A_63 : f32
    %div3A_65 = arith.constant 3.000000e+01 : f32
    %div3A_66 = arith.divf %add3A_64, %div3A_65 : f32
    %sub3A = arith.constant 1.000000e+00 : f32
    %sub3A_67 = arith.subf %sub3A, %div3A_66 : f32
    %swap3A = arith.constant 0 : index
    %swap3A_68 = memref.load %arg2[%swap3A] : memref<1xf32, #tpu.memory_space<smem>>
    memref.store %sub3A_67, %arg2[%swap3A] : memref<1xf32, #tpu.memory_space<smem>>
    return
  }
}

module attributes {stable_mosaic.version = 14 : i64} {
  func.func @_stats_body(%arg0: i32, %arg1: i32, %arg2: memref<1x1x1024x128xf32, #tpu.memory_space<vmem>>, %arg3: memref<1x1x1024x128xf32, #tpu.memory_space<vmem>>, %arg4: memref<1x1x1024x128xf32, #tpu.memory_space<vmem>>, %arg5: memref<1x1x1024x128xf32, #tpu.memory_space<vmem>>, %arg6: memref<1x1x1024x128xf32, #tpu.memory_space<vmem>>, %arg7: memref<1x1x1024x128xf32, #tpu.memory_space<vmem>>, %arg8: memref<1x1x1024x128xf32, #tpu.memory_space<vmem>>, %arg9: memref<1x1x1024x128xf32, #tpu.memory_space<vmem>>, %arg10: memref<1x1x1024x128xf32, #tpu.memory_space<vmem>>, %arg11: memref<1x1x1024x128xf32, #tpu.memory_space<vmem>>, %arg12: memref<1x1x1024x128xf32, #tpu.memory_space<vmem>>, %arg13: memref<1x1x1024x128xf32, #tpu.memory_space<vmem>>, %arg14: memref<1x1x1024x128xf32, #tpu.memory_space<vmem>>, %arg15: memref<1x1x1024x128xf32, #tpu.memory_space<vmem>>, %arg16: memref<1x1x1024x128xf32, #tpu.memory_space<vmem>>, %arg17: memref<1x1x1024x128xf32, #tpu.memory_space<vmem>>, %arg18: memref<1x1x1024x128xi32, #tpu.memory_space<vmem>>, %arg19: memref<2x2x16x128xf32, #tpu.memory_space<vmem>>, %arg20: memref<2x2x16x1x128xf32, #tpu.memory_space<vmem>>) attributes {dimension_semantics = [#tpu.dimension_semantics<arbitrary>, #tpu.dimension_semantics<arbitrary>], iteration_bounds = array<i64: 2, 8>, scalar_prefetch = 0 : i64, scratch_operands = 1 : i64, tpu.core_type = #tpu.core_type<tc>, window_params = [{transform_indices = @transform_0, window_bounds = array<i64: 1, 1, 1024, 128>}, {transform_indices = @transform_1, window_bounds = array<i64: 1, 1, 1024, 128>}, {transform_indices = @transform_2, window_bounds = array<i64: 1, 1, 1024, 128>}, {transform_indices = @transform_3, window_bounds = array<i64: 1, 1, 1024, 128>}, {transform_indices = @transform_4, window_bounds = array<i64: 1, 1, 1024, 128>}, {transform_indices = @transform_5, window_bounds = array<i64: 1, 1, 1024, 128>}, {transform_indices = @transform_6, window_bounds = array<i64: 1, 1, 1024, 128>}, {transform_indices = @transform_7, window_bounds = array<i64: 1, 1, 1024, 128>}, {transform_indices = @transform_8, window_bounds = array<i64: 1, 1, 1024, 128>}, {transform_indices = @transform_9, window_bounds = array<i64: 1, 1, 1024, 128>}, {transform_indices = @transform_10, window_bounds = array<i64: 1, 1, 1024, 128>}, {transform_indices = @transform_11, window_bounds = array<i64: 1, 1, 1024, 128>}, {transform_indices = @transform_12, window_bounds = array<i64: 1, 1, 1024, 128>}, {transform_indices = @transform_13, window_bounds = array<i64: 1, 1, 1024, 128>}, {transform_indices = @transform_14, window_bounds = array<i64: 1, 1, 1024, 128>}, {transform_indices = @transform_15, window_bounds = array<i64: 1, 1, 1024, 128>}, {transform_indices = @transform_16, window_bounds = array<i64: 1, 1, 1024, 128>}, {pipeline_mode = #tpu.pipeline_mode<synchronous>, transform_indices = @transform_17, window_bounds = array<i64: 2, 2, 16, 128>}]} {
    %eq3A = arith.constant 0 : i32
    %eq3A_0 = arith.cmpi eq, %arg0, %eq3A : i32
    %eq3A_1 = arith.constant 0 : i32
    %eq3A_2 = arith.cmpi eq, %arg1, %eq3A_1 : i32
    %and3A = arith.andi %eq3A_0, %eq3A_2 : i1
    %convert_element_type3A = arith.extui %and3A : i1 to i32
    %cond3A = arith.constant 0 : i32
    %cond3A_3 = arith.cmpi ne, %convert_element_type3A, %cond3A : i32
    scf.if %cond3A_3 {
      %broadcast_in_dim3A_876 = arith.constant 0.000000e+00 : f32
      %broadcast_in_dim3A_877 = vector.broadcast %broadcast_in_dim3A_876 : f32 to vector<2x2x16x1x128xf32>
      %swap3A_878 = arith.constant 0 : index
      %swap3A_879 = arith.constant 0 : index
      %swap3A_880 = arith.constant 0 : index
      %swap3A_881 = arith.constant 0 : index
      %swap3A_882 = arith.constant 0 : index
      %swap3A_883 = vector.load %arg20[%swap3A_878, %swap3A_879, %swap3A_880, %swap3A_881, %swap3A_882] : memref<2x2x16x1x128xf32, #tpu.memory_space<vmem>>, vector<2x2x16x1x128xf32>
      tpu.vector_store %arg20[%swap3A_878, %swap3A_879, %swap3A_880, %swap3A_881, %swap3A_882], %broadcast_in_dim3A_877 {strides = array<i32>} : memref<2x2x16x1x128xf32, #tpu.memory_space<vmem>>, vector<2x2x16x1x128xf32>,
    } else {
    }
    %get3A = arith.constant 0 : index
    %get3A_4 = arith.constant 0 : index
    %get3A_5 = arith.constant 0 : index
    %get3A_6 = arith.constant 0 : index
    %get3A_7 = vector.load %arg2[%get3A, %get3A_4, %get3A_5, %get3A_6] : memref<1x1x1024x128xf32, #tpu.memory_space<vmem>>, vector<1x1x1024x128xf32>
    %get3A_8 = vector.shape_cast %get3A_7 : vector<1x1x1024x128xf32> to vector<1024x128xf32>
    %get3A_9 = arith.constant 0 : index
    %get3A_10 = arith.constant 0 : index
    %get3A_11 = arith.constant 0 : index
    %get3A_12 = arith.constant 0 : index
    %get3A_13 = vector.load %arg3[%get3A_9, %get3A_10, %get3A_11, %get3A_12] : memref<1x1x1024x128xf32, #tpu.memory_space<vmem>>, vector<1x1x1024x128xf32>
    %get3A_14 = vector.shape_cast %get3A_13 : vector<1x1x1024x128xf32> to vector<1024x128xf32>
    %get3A_15 = arith.constant 0 : index
    %get3A_16 = arith.constant 0 : index
    %get3A_17 = arith.constant 0 : index
    %get3A_18 = arith.constant 0 : index
    %get3A_19 = vector.load %arg4[%get3A_15, %get3A_16, %get3A_17, %get3A_18] : memref<1x1x1024x128xf32, #tpu.memory_space<vmem>>, vector<1x1x1024x128xf32>
    %get3A_20 = vector.shape_cast %get3A_19 : vector<1x1x1024x128xf32> to vector<1024x128xf32>
    %get3A_21 = arith.constant 0 : index
    %get3A_22 = arith.constant 0 : index
    %get3A_23 = arith.constant 0 : index
    %get3A_24 = arith.constant 0 : index
    %get3A_25 = vector.load %arg5[%get3A_21, %get3A_22, %get3A_23, %get3A_24] : memref<1x1x1024x128xf32, #tpu.memory_space<vmem>>, vector<1x1x1024x128xf32>
    %get3A_26 = vector.shape_cast %get3A_25 : vector<1x1x1024x128xf32> to vector<1024x128xf32>
    %get3A_27 = arith.constant 0 : index
    %get3A_28 = arith.constant 0 : index
    %get3A_29 = arith.constant 0 : index
    %get3A_30 = arith.constant 0 : index
    %get3A_31 = vector.load %arg6[%get3A_27, %get3A_28, %get3A_29, %get3A_30] : memref<1x1x1024x128xf32, #tpu.memory_space<vmem>>, vector<1x1x1024x128xf32>
    %get3A_32 = vector.shape_cast %get3A_31 : vector<1x1x1024x128xf32> to vector<1024x128xf32>
    %get3A_33 = arith.constant 0 : index
    %get3A_34 = arith.constant 0 : index
    %get3A_35 = arith.constant 0 : index
    %get3A_36 = arith.constant 0 : index
    %get3A_37 = vector.load %arg7[%get3A_33, %get3A_34, %get3A_35, %get3A_36] : memref<1x1x1024x128xf32, #tpu.memory_space<vmem>>, vector<1x1x1024x128xf32>
    %get3A_38 = vector.shape_cast %get3A_37 : vector<1x1x1024x128xf32> to vector<1024x128xf32>
    %get3A_39 = arith.constant 0 : index
    %get3A_40 = arith.constant 0 : index
    %get3A_41 = arith.constant 0 : index
    %get3A_42 = arith.constant 0 : index
    %get3A_43 = vector.load %arg8[%get3A_39, %get3A_40, %get3A_41, %get3A_42] : memref<1x1x1024x128xf32, #tpu.memory_space<vmem>>, vector<1x1x1024x128xf32>
    %get3A_44 = vector.shape_cast %get3A_43 : vector<1x1x1024x128xf32> to vector<1024x128xf32>
    %get3A_45 = arith.constant 0 : index
    %get3A_46 = arith.constant 0 : index
    %get3A_47 = arith.constant 0 : index
    %get3A_48 = arith.constant 0 : index
    %get3A_49 = vector.load %arg9[%get3A_45, %get3A_46, %get3A_47, %get3A_48] : memref<1x1x1024x128xf32, #tpu.memory_space<vmem>>, vector<1x1x1024x128xf32>
    %get3A_50 = vector.shape_cast %get3A_49 : vector<1x1x1024x128xf32> to vector<1024x128xf32>
    %get3A_51 = arith.constant 0 : index
    %get3A_52 = arith.constant 0 : index
    %get3A_53 = arith.constant 0 : index
    %get3A_54 = arith.constant 0 : index
    %get3A_55 = vector.load %arg10[%get3A_51, %get3A_52, %get3A_53, %get3A_54] : memref<1x1x1024x128xf32, #tpu.memory_space<vmem>>, vector<1x1x1024x128xf32>
    %get3A_56 = vector.shape_cast %get3A_55 : vector<1x1x1024x128xf32> to vector<1024x128xf32>
    %get3A_57 = arith.constant 0 : index
    %get3A_58 = arith.constant 0 : index
    %get3A_59 = arith.constant 0 : index
    %get3A_60 = arith.constant 0 : index
    %get3A_61 = vector.load %arg11[%get3A_57, %get3A_58, %get3A_59, %get3A_60] : memref<1x1x1024x128xf32, #tpu.memory_space<vmem>>, vector<1x1x1024x128xf32>
    %get3A_62 = vector.shape_cast %get3A_61 : vector<1x1x1024x128xf32> to vector<1024x128xf32>
    %get3A_63 = arith.constant 0 : index
    %get3A_64 = arith.constant 0 : index
    %get3A_65 = arith.constant 0 : index
    %get3A_66 = arith.constant 0 : index
    %get3A_67 = vector.load %arg12[%get3A_63, %get3A_64, %get3A_65, %get3A_66] : memref<1x1x1024x128xf32, #tpu.memory_space<vmem>>, vector<1x1x1024x128xf32>
    %get3A_68 = vector.shape_cast %get3A_67 : vector<1x1x1024x128xf32> to vector<1024x128xf32>
    %get3A_69 = arith.constant 0 : index
    %get3A_70 = arith.constant 0 : index
    %get3A_71 = arith.constant 0 : index
    %get3A_72 = arith.constant 0 : index
    %get3A_73 = vector.load %arg13[%get3A_69, %get3A_70, %get3A_71, %get3A_72] : memref<1x1x1024x128xf32, #tpu.memory_space<vmem>>, vector<1x1x1024x128xf32>
    %get3A_74 = vector.shape_cast %get3A_73 : vector<1x1x1024x128xf32> to vector<1024x128xf32>
    %get3A_75 = arith.constant 0 : index
    %get3A_76 = arith.constant 0 : index
    %get3A_77 = arith.constant 0 : index
    %get3A_78 = arith.constant 0 : index
    %get3A_79 = vector.load %arg14[%get3A_75, %get3A_76, %get3A_77, %get3A_78] : memref<1x1x1024x128xf32, #tpu.memory_space<vmem>>, vector<1x1x1024x128xf32>
    %get3A_80 = vector.shape_cast %get3A_79 : vector<1x1x1024x128xf32> to vector<1024x128xf32>
    %get3A_81 = arith.constant 0 : index
    %get3A_82 = arith.constant 0 : index
    %get3A_83 = arith.constant 0 : index
    %get3A_84 = arith.constant 0 : index
    %get3A_85 = vector.load %arg15[%get3A_81, %get3A_82, %get3A_83, %get3A_84] : memref<1x1x1024x128xf32, #tpu.memory_space<vmem>>, vector<1x1x1024x128xf32>
    %get3A_86 = vector.shape_cast %get3A_85 : vector<1x1x1024x128xf32> to vector<1024x128xf32>
    %get3A_87 = arith.constant 0 : index
    %get3A_88 = arith.constant 0 : index
    %get3A_89 = arith.constant 0 : index
    %get3A_90 = arith.constant 0 : index
    %get3A_91 = vector.load %arg16[%get3A_87, %get3A_88, %get3A_89, %get3A_90] : memref<1x1x1024x128xf32, #tpu.memory_space<vmem>>, vector<1x1x1024x128xf32>
    %get3A_92 = vector.shape_cast %get3A_91 : vector<1x1x1024x128xf32> to vector<1024x128xf32>
    %get3A_93 = arith.constant 0 : index
    %get3A_94 = arith.constant 0 : index
    %get3A_95 = arith.constant 0 : index
    %get3A_96 = arith.constant 0 : index
    %get3A_97 = vector.load %arg17[%get3A_93, %get3A_94, %get3A_95, %get3A_96] : memref<1x1x1024x128xf32, #tpu.memory_space<vmem>>, vector<1x1x1024x128xf32>
    %get3A_98 = vector.shape_cast %get3A_97 : vector<1x1x1024x128xf32> to vector<1024x128xf32>
    %get3A_99 = arith.constant 0 : index
    %get3A_100 = arith.constant 0 : index
    %get3A_101 = arith.constant 0 : index
    %get3A_102 = arith.constant 0 : index
    %get3A_103 = vector.load %arg18[%get3A_99, %get3A_100, %get3A_101, %get3A_102] : memref<1x1x1024x128xi32, #tpu.memory_space<vmem>>, vector<1x1x1024x128xi32>
    %get3A_104 = vector.shape_cast %get3A_103 : vector<1x1x1024x128xi32> to vector<1024x128xi32>
    %convert_element_type3A_105 = arith.sitofp %get3A_104 : vector<1024x128xi32> to vector<1024x128xf32>
    %min3A = arith.constant 8.000000e+01 : f32
    %min3A_106 = vector.broadcast %min3A : f32 to vector<1024x128xf32>
    %min3A_107 = arith.minimumf %get3A_8, %min3A_106 : vector<1024x128xf32>
    %exp3A = math.exp %min3A_107 : vector<1024x128xf32>
    %min3A_108 = arith.constant 8.000000e+01 : f32
    %min3A_109 = vector.broadcast %min3A_108 : f32 to vector<1024x128xf32>
    %min3A_110 = arith.minimumf %get3A_14, %min3A_109 : vector<1024x128xf32>
    %exp3A_111 = math.exp %min3A_110 : vector<1024x128xf32>
    %min3A_112 = arith.constant 8.000000e+01 : f32
    %min3A_113 = vector.broadcast %min3A_112 : f32 to vector<1024x128xf32>
    %min3A_114 = arith.minimumf %get3A_20, %min3A_113 : vector<1024x128xf32>
    %exp3A_115 = math.exp %min3A_114 : vector<1024x128xf32>
    %min3A_116 = arith.constant 8.000000e+01 : f32
    %min3A_117 = vector.broadcast %min3A_116 : f32 to vector<1024x128xf32>
    %min3A_118 = arith.minimumf %get3A_26, %min3A_117 : vector<1024x128xf32>
    %exp3A_119 = math.exp %min3A_118 : vector<1024x128xf32>
    %min3A_120 = arith.constant 8.000000e+01 : f32
    %min3A_121 = vector.broadcast %min3A_120 : f32 to vector<1024x128xf32>
    %min3A_122 = arith.minimumf %get3A_32, %min3A_121 : vector<1024x128xf32>
    %exp3A_123 = math.exp %min3A_122 : vector<1024x128xf32>
    %min3A_124 = arith.constant 8.000000e+01 : f32
    %min3A_125 = vector.broadcast %min3A_124 : f32 to vector<1024x128xf32>
    %min3A_126 = arith.minimumf %get3A_38, %min3A_125 : vector<1024x128xf32>
    %exp3A_127 = math.exp %min3A_126 : vector<1024x128xf32>
    %min3A_128 = arith.constant 8.000000e+01 : f32
    %min3A_129 = vector.broadcast %min3A_128 : f32 to vector<1024x128xf32>
    %min3A_130 = arith.minimumf %get3A_44, %min3A_129 : vector<1024x128xf32>
    %exp3A_131 = math.exp %min3A_130 : vector<1024x128xf32>
    %min3A_132 = arith.constant 8.000000e+01 : f32
    %min3A_133 = vector.broadcast %min3A_132 : f32 to vector<1024x128xf32>
    %min3A_134 = arith.minimumf %get3A_50, %min3A_133 : vector<1024x128xf32>
    %exp3A_135 = math.exp %min3A_134 : vector<1024x128xf32>
    %min3A_136 = arith.constant 8.000000e+01 : f32
    %min3A_137 = vector.broadcast %min3A_136 : f32 to vector<1024x128xf32>
    %min3A_138 = arith.minimumf %get3A_56, %min3A_137 : vector<1024x128xf32>
    %exp3A_139 = math.exp %min3A_138 : vector<1024x128xf32>
    %min3A_140 = arith.constant 8.000000e+01 : f32
    %min3A_141 = vector.broadcast %min3A_140 : f32 to vector<1024x128xf32>
    %min3A_142 = arith.minimumf %get3A_62, %min3A_141 : vector<1024x128xf32>
    %exp3A_143 = math.exp %min3A_142 : vector<1024x128xf32>
    %min3A_144 = arith.constant 8.000000e+01 : f32
    %min3A_145 = vector.broadcast %min3A_144 : f32 to vector<1024x128xf32>
    %min3A_146 = arith.minimumf %get3A_68, %min3A_145 : vector<1024x128xf32>
    %exp3A_147 = math.exp %min3A_146 : vector<1024x128xf32>
    %min3A_148 = arith.constant 8.000000e+01 : f32
    %min3A_149 = vector.broadcast %min3A_148 : f32 to vector<1024x128xf32>
    %min3A_150 = arith.minimumf %get3A_74, %min3A_149 : vector<1024x128xf32>
    %exp3A_151 = math.exp %min3A_150 : vector<1024x128xf32>
    %min3A_152 = arith.constant 8.000000e+01 : f32
    %min3A_153 = vector.broadcast %min3A_152 : f32 to vector<1024x128xf32>
    %min3A_154 = arith.minimumf %get3A_80, %min3A_153 : vector<1024x128xf32>
    %exp3A_155 = math.exp %min3A_154 : vector<1024x128xf32>
    %min3A_156 = arith.constant 8.000000e+01 : f32
    %min3A_157 = vector.broadcast %min3A_156 : f32 to vector<1024x128xf32>
    %min3A_158 = arith.minimumf %get3A_86, %min3A_157 : vector<1024x128xf32>
    %exp3A_159 = math.exp %min3A_158 : vector<1024x128xf32>
    %min3A_160 = arith.constant 8.000000e+01 : f32
    %min3A_161 = vector.broadcast %min3A_160 : f32 to vector<1024x128xf32>
    %min3A_162 = arith.minimumf %get3A_92, %min3A_161 : vector<1024x128xf32>
    %exp3A_163 = math.exp %min3A_162 : vector<1024x128xf32>
    %min3A_164 = arith.constant 8.000000e+01 : f32
    %min3A_165 = vector.broadcast %min3A_164 : f32 to vector<1024x128xf32>
    %min3A_166 = arith.minimumf %get3A_98, %min3A_165 : vector<1024x128xf32>
    %exp3A_167 = math.exp %min3A_166 : vector<1024x128xf32>
    %add3A = arith.addf %exp3A, %exp3A_111 : vector<1024x128xf32>
    %add3A_168 = arith.addf %add3A, %exp3A_115 : vector<1024x128xf32>
    %add3A_169 = arith.addf %add3A_168, %exp3A_119 : vector<1024x128xf32>
    %add3A_170 = arith.addf %add3A_169, %exp3A_123 : vector<1024x128xf32>
    %add3A_171 = arith.addf %add3A_170, %exp3A_127 : vector<1024x128xf32>
    %add3A_172 = arith.addf %add3A_171, %exp3A_131 : vector<1024x128xf32>
    %add3A_173 = arith.addf %add3A_172, %exp3A_135 : vector<1024x128xf32>
    %add3A_174 = arith.addf %add3A_173, %exp3A_139 : vector<1024x128xf32>
    %add3A_175 = arith.addf %add3A_174, %exp3A_143 : vector<1024x128xf32>
    %add3A_176 = arith.addf %add3A_175, %exp3A_147 : vector<1024x128xf32>
    %add3A_177 = arith.addf %add3A_176, %exp3A_151 : vector<1024x128xf32>
    %add3A_178 = arith.addf %add3A_177, %exp3A_155 : vector<1024x128xf32>
    %add3A_179 = arith.addf %add3A_178, %exp3A_159 : vector<1024x128xf32>
    %add3A_180 = arith.addf %add3A_179, %exp3A_163 : vector<1024x128xf32>
    %add3A_181 = arith.addf %add3A_180, %exp3A_167 : vector<1024x128xf32>
    %div3A = arith.constant 1.000000e+00 : f32
    %div3A_182 = vector.broadcast %div3A : f32 to vector<1024x128xf32>
    %div3A_183 = arith.divf %div3A_182, %add3A_181 : vector<1024x128xf32>
    %broadcast_in_dim3A = arith.constant 1.000000e+00 : f32
    %broadcast_in_dim3A_184 = vector.broadcast %broadcast_in_dim3A : f32 to vector<1x1024xf32>
    %mul3A = arith.mulf %exp3A, %div3A_183 : vector<1024x128xf32>
    %eq3A_185 = arith.constant 0.000000e+00 : f32
    %eq3A_186 = vector.broadcast %eq3A_185 : f32 to vector<1024x128xf32>
    %eq3A_187 = arith.cmpf oeq, %convert_element_type3A_105, %eq3A_186 : vector<1024x128xf32>
    %get3A_188 = arith.index_cast %arg0 : i32 to index
    %get3A_189 = arith.constant 0 : index
    %get3A_190 = arith.constant 0 : index
    %get3A_191 = arith.constant 0 : index
    %get3A_192 = arith.constant 0 : index
    %get3A_193 = vector.load %arg20[%get3A_188, %get3A_189, %get3A_190, %get3A_191, %get3A_192] : memref<2x2x16x1x128xf32, #tpu.memory_space<vmem>>, vector<1x1x1x1x128xf32>
    %get3A_194 = vector.shape_cast %get3A_193 : vector<1x1x1x1x128xf32> to vector<1x128xf32>
    %jit3A = arith.constant 0.000000e+00 : f32
    %broadcast_in_dim3A_195 = vector.broadcast %jit3A : f32 to vector<1024x128xf32>
    %select_n3A = arith.select %eq3A_187, %mul3A, %broadcast_in_dim3A_195 : vector<1024x128xi1>, vector<1024x128xf32>
    %dot_general3A = arith.constant dense<0.000000e+00> : vector<1x128xf32>
    %dot_general3A_196 = tpu.matmul %broadcast_in_dim3A_184, %select_n3A, %dot_general3A {dimension_numbers = #tpu.dot_dimension_numbers<[1], [0], [0], [1], [0, 0, 1, 1], [], []>, transpose_lhs_hint = false} : vector<1x1024xf32>, vector<1024x128xf32>, vector<1x128xf32> -> vector<1x128xf32>
    %add3A_197 = arith.addf %get3A_194, %dot_general3A_196 : vector<1x128xf32>
    %swap3A = arith.index_cast %arg0 : i32 to index
    %swap3A_198 = arith.constant 0 : index
    %swap3A_199 = arith.constant 0 : index
    %swap3A_200 = arith.constant 0 : index
    %swap3A_201 = arith.constant 0 : index
    %swap3A_202 = vector.load %arg20[%swap3A, %swap3A_198, %swap3A_199, %swap3A_200, %swap3A_201] : memref<2x2x16x1x128xf32, #tpu.memory_space<vmem>>, vector<1x1x1x1x128xf32>
    %swap3A_203 = vector.shape_cast %swap3A_202 : vector<1x1x1x1x128xf32> to vector<1x128xf32>
    %swap3A_204 = vector.shape_cast %add3A_197 : vector<1x128xf32> to vector<1x1x1x1x128xf32>
    tpu.vector_store %arg20[%swap3A, %swap3A_198, %swap3A_199, %swap3A_200, %swap3A_201], %swap3A_204 {strides = array<i32>} : memref<2x2x16x1x128xf32, #tpu.memory_space<vmem>>, vector<1x1x1x1x128xf32>,
    %get3A_205 = arith.index_cast %arg0 : i32 to index
    %get3A_206 = arith.constant 1 : index
    %get3A_207 = arith.constant 0 : index
    %get3A_208 = arith.constant 0 : index
    %get3A_209 = arith.constant 0 : index
    %get3A_210 = vector.load %arg20[%get3A_205, %get3A_206, %get3A_207, %get3A_208, %get3A_209] : memref<2x2x16x1x128xf32, #tpu.memory_space<vmem>>, vector<1x1x1x1x128xf32>
    %get3A_211 = vector.shape_cast %get3A_210 : vector<1x1x1x1x128xf32> to vector<1x128xf32>
    %dot_general3A_212 = arith.constant dense<0.000000e+00> : vector<1x128xf32>
    %dot_general3A_213 = tpu.matmul %broadcast_in_dim3A_184, %mul3A, %dot_general3A_212 {dimension_numbers = #tpu.dot_dimension_numbers<[1], [0], [0], [1], [0, 0, 1, 1], [], []>, transpose_lhs_hint = false} : vector<1x1024xf32>, vector<1024x128xf32>, vector<1x128xf32> -> vector<1x128xf32>
    %add3A_214 = arith.addf %get3A_211, %dot_general3A_213 : vector<1x128xf32>
    %swap3A_215 = arith.index_cast %arg0 : i32 to index
    %swap3A_216 = arith.constant 1 : index
    %swap3A_217 = arith.constant 0 : index
    %swap3A_218 = arith.constant 0 : index
    %swap3A_219 = arith.constant 0 : index
    %swap3A_220 = vector.load %arg20[%swap3A_215, %swap3A_216, %swap3A_217, %swap3A_218, %swap3A_219] : memref<2x2x16x1x128xf32, #tpu.memory_space<vmem>>, vector<1x1x1x1x128xf32>
    %swap3A_221 = vector.shape_cast %swap3A_220 : vector<1x1x1x1x128xf32> to vector<1x128xf32>
    %swap3A_222 = vector.shape_cast %add3A_214 : vector<1x128xf32> to vector<1x1x1x1x128xf32>
    tpu.vector_store %arg20[%swap3A_215, %swap3A_216, %swap3A_217, %swap3A_218, %swap3A_219], %swap3A_222 {strides = array<i32>} : memref<2x2x16x1x128xf32, #tpu.memory_space<vmem>>, vector<1x1x1x1x128xf32>,
    %mul3A_223 = arith.mulf %exp3A_111, %div3A_183 : vector<1024x128xf32>
    %eq3A_224 = arith.constant 1.000000e+00 : f32
    %eq3A_225 = vector.broadcast %eq3A_224 : f32 to vector<1024x128xf32>
    %eq3A_226 = arith.cmpf oeq, %convert_element_type3A_105, %eq3A_225 : vector<1024x128xf32>
    %get3A_227 = arith.index_cast %arg0 : i32 to index
    %get3A_228 = arith.constant 0 : index
    %get3A_229 = arith.constant 1 : index
    %get3A_230 = arith.constant 0 : index
    %get3A_231 = arith.constant 0 : index
    %get3A_232 = vector.load %arg20[%get3A_227, %get3A_228, %get3A_229, %get3A_230, %get3A_231] : memref<2x2x16x1x128xf32, #tpu.memory_space<vmem>>, vector<1x1x1x1x128xf32>
    %get3A_233 = vector.shape_cast %get3A_232 : vector<1x1x1x1x128xf32> to vector<1x128xf32>
    %jit3A_234 = arith.constant 0.000000e+00 : f32
    %broadcast_in_dim3A_235 = vector.broadcast %jit3A_234 : f32 to vector<1024x128xf32>
    %select_n3A_236 = arith.select %eq3A_226, %mul3A_223, %broadcast_in_dim3A_235 : vector<1024x128xi1>, vector<1024x128xf32>
    %dot_general3A_237 = arith.constant dense<0.000000e+00> : vector<1x128xf32>
    %dot_general3A_238 = tpu.matmul %broadcast_in_dim3A_184, %select_n3A_236, %dot_general3A_237 {dimension_numbers = #tpu.dot_dimension_numbers<[1], [0], [0], [1], [0, 0, 1, 1], [], []>, transpose_lhs_hint = false} : vector<1x1024xf32>, vector<1024x128xf32>, vector<1x128xf32> -> vector<1x128xf32>
    %add3A_239 = arith.addf %get3A_233, %dot_general3A_238 : vector<1x128xf32>
    %swap3A_240 = arith.index_cast %arg0 : i32 to index
    %swap3A_241 = arith.constant 0 : index
    %swap3A_242 = arith.constant 1 : index
    %swap3A_243 = arith.constant 0 : index
    %swap3A_244 = arith.constant 0 : index
    %swap3A_245 = vector.load %arg20[%swap3A_240, %swap3A_241, %swap3A_242, %swap3A_243, %swap3A_244] : memref<2x2x16x1x128xf32, #tpu.memory_space<vmem>>, vector<1x1x1x1x128xf32>
    %swap3A_246 = vector.shape_cast %swap3A_245 : vector<1x1x1x1x128xf32> to vector<1x128xf32>
    %swap3A_247 = vector.shape_cast %add3A_239 : vector<1x128xf32> to vector<1x1x1x1x128xf32>
    tpu.vector_store %arg20[%swap3A_240, %swap3A_241, %swap3A_242, %swap3A_243, %swap3A_244], %swap3A_247 {strides = array<i32>} : memref<2x2x16x1x128xf32, #tpu.memory_space<vmem>>, vector<1x1x1x1x128xf32>,
    %get3A_248 = arith.index_cast %arg0 : i32 to index
    %get3A_249 = arith.constant 1 : index
    %get3A_250 = arith.constant 1 : index
    %get3A_251 = arith.constant 0 : index
    %get3A_252 = arith.constant 0 : index
    %get3A_253 = vector.load %arg20[%get3A_248, %get3A_249, %get3A_250, %get3A_251, %get3A_252] : memref<2x2x16x1x128xf32, #tpu.memory_space<vmem>>, vector<1x1x1x1x128xf32>
    %get3A_254 = vector.shape_cast %get3A_253 : vector<1x1x1x1x128xf32> to vector<1x128xf32>
    %dot_general3A_255 = arith.constant dense<0.000000e+00> : vector<1x128xf32>
    %dot_general3A_256 = tpu.matmul %broadcast_in_dim3A_184, %mul3A_223, %dot_general3A_255 {dimension_numbers = #tpu.dot_dimension_numbers<[1], [0], [0], [1], [0, 0, 1, 1], [], []>, transpose_lhs_hint = false} : vector<1x1024xf32>, vector<1024x128xf32>, vector<1x128xf32> -> vector<1x128xf32>
    %add3A_257 = arith.addf %get3A_254, %dot_general3A_256 : vector<1x128xf32>
    %swap3A_258 = arith.index_cast %arg0 : i32 to index
    %swap3A_259 = arith.constant 1 : index
    %swap3A_260 = arith.constant 1 : index
    %swap3A_261 = arith.constant 0 : index
    %swap3A_262 = arith.constant 0 : index
    %swap3A_263 = vector.load %arg20[%swap3A_258, %swap3A_259, %swap3A_260, %swap3A_261, %swap3A_262] : memref<2x2x16x1x128xf32, #tpu.memory_space<vmem>>, vector<1x1x1x1x128xf32>
    %swap3A_264 = vector.shape_cast %swap3A_263 : vector<1x1x1x1x128xf32> to vector<1x128xf32>
    %swap3A_265 = vector.shape_cast %add3A_257 : vector<1x128xf32> to vector<1x1x1x1x128xf32>
    tpu.vector_store %arg20[%swap3A_258, %swap3A_259, %swap3A_260, %swap3A_261, %swap3A_262], %swap3A_265 {strides = array<i32>} : memref<2x2x16x1x128xf32, #tpu.memory_space<vmem>>, vector<1x1x1x1x128xf32>,
    %mul3A_266 = arith.mulf %exp3A_115, %div3A_183 : vector<1024x128xf32>
    %eq3A_267 = arith.constant 2.000000e+00 : f32
    %eq3A_268 = vector.broadcast %eq3A_267 : f32 to vector<1024x128xf32>
    %eq3A_269 = arith.cmpf oeq, %convert_element_type3A_105, %eq3A_268 : vector<1024x128xf32>
    %get3A_270 = arith.index_cast %arg0 : i32 to index
    %get3A_271 = arith.constant 0 : index
    %get3A_272 = arith.constant 2 : index
    %get3A_273 = arith.constant 0 : index
    %get3A_274 = arith.constant 0 : index
    %get3A_275 = vector.load %arg20[%get3A_270, %get3A_271, %get3A_272, %get3A_273, %get3A_274] : memref<2x2x16x1x128xf32, #tpu.memory_space<vmem>>, vector<1x1x1x1x128xf32>
    %get3A_276 = vector.shape_cast %get3A_275 : vector<1x1x1x1x128xf32> to vector<1x128xf32>
    %jit3A_277 = arith.constant 0.000000e+00 : f32
    %broadcast_in_dim3A_278 = vector.broadcast %jit3A_277 : f32 to vector<1024x128xf32>
    %select_n3A_279 = arith.select %eq3A_269, %mul3A_266, %broadcast_in_dim3A_278 : vector<1024x128xi1>, vector<1024x128xf32>
    %dot_general3A_280 = arith.constant dense<0.000000e+00> : vector<1x128xf32>
    %dot_general3A_281 = tpu.matmul %broadcast_in_dim3A_184, %select_n3A_279, %dot_general3A_280 {dimension_numbers = #tpu.dot_dimension_numbers<[1], [0], [0], [1], [0, 0, 1, 1], [], []>, transpose_lhs_hint = false} : vector<1x1024xf32>, vector<1024x128xf32>, vector<1x128xf32> -> vector<1x128xf32>
    %add3A_282 = arith.addf %get3A_276, %dot_general3A_281 : vector<1x128xf32>
    %swap3A_283 = arith.index_cast %arg0 : i32 to index
    %swap3A_284 = arith.constant 0 : index
    %swap3A_285 = arith.constant 2 : index
    %swap3A_286 = arith.constant 0 : index
    %swap3A_287 = arith.constant 0 : index
    %swap3A_288 = vector.load %arg20[%swap3A_283, %swap3A_284, %swap3A_285, %swap3A_286, %swap3A_287] : memref<2x2x16x1x128xf32, #tpu.memory_space<vmem>>, vector<1x1x1x1x128xf32>
    %swap3A_289 = vector.shape_cast %swap3A_288 : vector<1x1x1x1x128xf32> to vector<1x128xf32>
    %swap3A_290 = vector.shape_cast %add3A_282 : vector<1x128xf32> to vector<1x1x1x1x128xf32>
    tpu.vector_store %arg20[%swap3A_283, %swap3A_284, %swap3A_285, %swap3A_286, %swap3A_287], %swap3A_290 {strides = array<i32>} : memref<2x2x16x1x128xf32, #tpu.memory_space<vmem>>, vector<1x1x1x1x128xf32>,
    %get3A_291 = arith.index_cast %arg0 : i32 to index
    %get3A_292 = arith.constant 1 : index
    %get3A_293 = arith.constant 2 : index
    %get3A_294 = arith.constant 0 : index
    %get3A_295 = arith.constant 0 : index
    %get3A_296 = vector.load %arg20[%get3A_291, %get3A_292, %get3A_293, %get3A_294, %get3A_295] : memref<2x2x16x1x128xf32, #tpu.memory_space<vmem>>, vector<1x1x1x1x128xf32>
    %get3A_297 = vector.shape_cast %get3A_296 : vector<1x1x1x1x128xf32> to vector<1x128xf32>
    %dot_general3A_298 = arith.constant dense<0.000000e+00> : vector<1x128xf32>
    %dot_general3A_299 = tpu.matmul %broadcast_in_dim3A_184, %mul3A_266, %dot_general3A_298 {dimension_numbers = #tpu.dot_dimension_numbers<[1], [0], [0], [1], [0, 0, 1, 1], [], []>, transpose_lhs_hint = false} : vector<1x1024xf32>, vector<1024x128xf32>, vector<1x128xf32> -> vector<1x128xf32>
    %add3A_300 = arith.addf %get3A_297, %dot_general3A_299 : vector<1x128xf32>
    %swap3A_301 = arith.index_cast %arg0 : i32 to index
    %swap3A_302 = arith.constant 1 : index
    %swap3A_303 = arith.constant 2 : index
    %swap3A_304 = arith.constant 0 : index
    %swap3A_305 = arith.constant 0 : index
    %swap3A_306 = vector.load %arg20[%swap3A_301, %swap3A_302, %swap3A_303, %swap3A_304, %swap3A_305] : memref<2x2x16x1x128xf32, #tpu.memory_space<vmem>>, vector<1x1x1x1x128xf32>
    %swap3A_307 = vector.shape_cast %swap3A_306 : vector<1x1x1x1x128xf32> to vector<1x128xf32>
    %swap3A_308 = vector.shape_cast %add3A_300 : vector<1x128xf32> to vector<1x1x1x1x128xf32>
    tpu.vector_store %arg20[%swap3A_301, %swap3A_302, %swap3A_303, %swap3A_304, %swap3A_305], %swap3A_308 {strides = array<i32>} : memref<2x2x16x1x128xf32, #tpu.memory_space<vmem>>, vector<1x1x1x1x128xf32>,
    %mul3A_309 = arith.mulf %exp3A_119, %div3A_183 : vector<1024x128xf32>
    %eq3A_310 = arith.constant 3.000000e+00 : f32
    %eq3A_311 = vector.broadcast %eq3A_310 : f32 to vector<1024x128xf32>
    %eq3A_312 = arith.cmpf oeq, %convert_element_type3A_105, %eq3A_311 : vector<1024x128xf32>
    %get3A_313 = arith.index_cast %arg0 : i32 to index
    %get3A_314 = arith.constant 0 : index
    %get3A_315 = arith.constant 3 : index
    %get3A_316 = arith.constant 0 : index
    %get3A_317 = arith.constant 0 : index
    %get3A_318 = vector.load %arg20[%get3A_313, %get3A_314, %get3A_315, %get3A_316, %get3A_317] : memref<2x2x16x1x128xf32, #tpu.memory_space<vmem>>, vector<1x1x1x1x128xf32>
    %get3A_319 = vector.shape_cast %get3A_318 : vector<1x1x1x1x128xf32> to vector<1x128xf32>
    %jit3A_320 = arith.constant 0.000000e+00 : f32
    %broadcast_in_dim3A_321 = vector.broadcast %jit3A_320 : f32 to vector<1024x128xf32>
    %select_n3A_322 = arith.select %eq3A_312, %mul3A_309, %broadcast_in_dim3A_321 : vector<1024x128xi1>, vector<1024x128xf32>
    %dot_general3A_323 = arith.constant dense<0.000000e+00> : vector<1x128xf32>
    %dot_general3A_324 = tpu.matmul %broadcast_in_dim3A_184, %select_n3A_322, %dot_general3A_323 {dimension_numbers = #tpu.dot_dimension_numbers<[1], [0], [0], [1], [0, 0, 1, 1], [], []>, transpose_lhs_hint = false} : vector<1x1024xf32>, vector<1024x128xf32>, vector<1x128xf32> -> vector<1x128xf32>
    %add3A_325 = arith.addf %get3A_319, %dot_general3A_324 : vector<1x128xf32>
    %swap3A_326 = arith.index_cast %arg0 : i32 to index
    %swap3A_327 = arith.constant 0 : index
    %swap3A_328 = arith.constant 3 : index
    %swap3A_329 = arith.constant 0 : index
    %swap3A_330 = arith.constant 0 : index
    %swap3A_331 = vector.load %arg20[%swap3A_326, %swap3A_327, %swap3A_328, %swap3A_329, %swap3A_330] : memref<2x2x16x1x128xf32, #tpu.memory_space<vmem>>, vector<1x1x1x1x128xf32>
    %swap3A_332 = vector.shape_cast %swap3A_331 : vector<1x1x1x1x128xf32> to vector<1x128xf32>
    %swap3A_333 = vector.shape_cast %add3A_325 : vector<1x128xf32> to vector<1x1x1x1x128xf32>
    tpu.vector_store %arg20[%swap3A_326, %swap3A_327, %swap3A_328, %swap3A_329, %swap3A_330], %swap3A_333 {strides = array<i32>} : memref<2x2x16x1x128xf32, #tpu.memory_space<vmem>>, vector<1x1x1x1x128xf32>,
    %get3A_334 = arith.index_cast %arg0 : i32 to index
    %get3A_335 = arith.constant 1 : index
    %get3A_336 = arith.constant 3 : index
    %get3A_337 = arith.constant 0 : index
    %get3A_338 = arith.constant 0 : index
    %get3A_339 = vector.load %arg20[%get3A_334, %get3A_335, %get3A_336, %get3A_337, %get3A_338] : memref<2x2x16x1x128xf32, #tpu.memory_space<vmem>>, vector<1x1x1x1x128xf32>
    %get3A_340 = vector.shape_cast %get3A_339 : vector<1x1x1x1x128xf32> to vector<1x128xf32>
    %dot_general3A_341 = arith.constant dense<0.000000e+00> : vector<1x128xf32>
    %dot_general3A_342 = tpu.matmul %broadcast_in_dim3A_184, %mul3A_309, %dot_general3A_341 {dimension_numbers = #tpu.dot_dimension_numbers<[1], [0], [0], [1], [0, 0, 1, 1], [], []>, transpose_lhs_hint = false} : vector<1x1024xf32>, vector<1024x128xf32>, vector<1x128xf32> -> vector<1x128xf32>
    %add3A_343 = arith.addf %get3A_340, %dot_general3A_342 : vector<1x128xf32>
    %swap3A_344 = arith.index_cast %arg0 : i32 to index
    %swap3A_345 = arith.constant 1 : index
    %swap3A_346 = arith.constant 3 : index
    %swap3A_347 = arith.constant 0 : index
    %swap3A_348 = arith.constant 0 : index
    %swap3A_349 = vector.load %arg20[%swap3A_344, %swap3A_345, %swap3A_346, %swap3A_347, %swap3A_348] : memref<2x2x16x1x128xf32, #tpu.memory_space<vmem>>, vector<1x1x1x1x128xf32>
    %swap3A_350 = vector.shape_cast %swap3A_349 : vector<1x1x1x1x128xf32> to vector<1x128xf32>
    %swap3A_351 = vector.shape_cast %add3A_343 : vector<1x128xf32> to vector<1x1x1x1x128xf32>
    tpu.vector_store %arg20[%swap3A_344, %swap3A_345, %swap3A_346, %swap3A_347, %swap3A_348], %swap3A_351 {strides = array<i32>} : memref<2x2x16x1x128xf32, #tpu.memory_space<vmem>>, vector<1x1x1x1x128xf32>,
    %mul3A_352 = arith.mulf %exp3A_123, %div3A_183 : vector<1024x128xf32>
    %eq3A_353 = arith.constant 4.000000e+00 : f32
    %eq3A_354 = vector.broadcast %eq3A_353 : f32 to vector<1024x128xf32>
    %eq3A_355 = arith.cmpf oeq, %convert_element_type3A_105, %eq3A_354 : vector<1024x128xf32>
    %get3A_356 = arith.index_cast %arg0 : i32 to index
    %get3A_357 = arith.constant 0 : index
    %get3A_358 = arith.constant 4 : index
    %get3A_359 = arith.constant 0 : index
    %get3A_360 = arith.constant 0 : index
    %get3A_361 = vector.load %arg20[%get3A_356, %get3A_357, %get3A_358, %get3A_359, %get3A_360] : memref<2x2x16x1x128xf32, #tpu.memory_space<vmem>>, vector<1x1x1x1x128xf32>
    %get3A_362 = vector.shape_cast %get3A_361 : vector<1x1x1x1x128xf32> to vector<1x128xf32>
    %jit3A_363 = arith.constant 0.000000e+00 : f32
    %broadcast_in_dim3A_364 = vector.broadcast %jit3A_363 : f32 to vector<1024x128xf32>
    %select_n3A_365 = arith.select %eq3A_355, %mul3A_352, %broadcast_in_dim3A_364 : vector<1024x128xi1>, vector<1024x128xf32>
    %dot_general3A_366 = arith.constant dense<0.000000e+00> : vector<1x128xf32>
    %dot_general3A_367 = tpu.matmul %broadcast_in_dim3A_184, %select_n3A_365, %dot_general3A_366 {dimension_numbers = #tpu.dot_dimension_numbers<[1], [0], [0], [1], [0, 0, 1, 1], [], []>, transpose_lhs_hint = false} : vector<1x1024xf32>, vector<1024x128xf32>, vector<1x128xf32> -> vector<1x128xf32>
    %add3A_368 = arith.addf %get3A_362, %dot_general3A_367 : vector<1x128xf32>
    %swap3A_369 = arith.index_cast %arg0 : i32 to index
    %swap3A_370 = arith.constant 0 : index
    %swap3A_371 = arith.constant 4 : index
    %swap3A_372 = arith.constant 0 : index
    %swap3A_373 = arith.constant 0 : index
    %swap3A_374 = vector.load %arg20[%swap3A_369, %swap3A_370, %swap3A_371, %swap3A_372, %swap3A_373] : memref<2x2x16x1x128xf32, #tpu.memory_space<vmem>>, vector<1x1x1x1x128xf32>
    %swap3A_375 = vector.shape_cast %swap3A_374 : vector<1x1x1x1x128xf32> to vector<1x128xf32>
    %swap3A_376 = vector.shape_cast %add3A_368 : vector<1x128xf32> to vector<1x1x1x1x128xf32>
    tpu.vector_store %arg20[%swap3A_369, %swap3A_370, %swap3A_371, %swap3A_372, %swap3A_373], %swap3A_376 {strides = array<i32>} : memref<2x2x16x1x128xf32, #tpu.memory_space<vmem>>, vector<1x1x1x1x128xf32>,
    %get3A_377 = arith.index_cast %arg0 : i32 to index
    %get3A_378 = arith.constant 1 : index
    %get3A_379 = arith.constant 4 : index
    %get3A_380 = arith.constant 0 : index
    %get3A_381 = arith.constant 0 : index
    %get3A_382 = vector.load %arg20[%get3A_377, %get3A_378, %get3A_379, %get3A_380, %get3A_381] : memref<2x2x16x1x128xf32, #tpu.memory_space<vmem>>, vector<1x1x1x1x128xf32>
    %get3A_383 = vector.shape_cast %get3A_382 : vector<1x1x1x1x128xf32> to vector<1x128xf32>
    %dot_general3A_384 = arith.constant dense<0.000000e+00> : vector<1x128xf32>
    %dot_general3A_385 = tpu.matmul %broadcast_in_dim3A_184, %mul3A_352, %dot_general3A_384 {dimension_numbers = #tpu.dot_dimension_numbers<[1], [0], [0], [1], [0, 0, 1, 1], [], []>, transpose_lhs_hint = false} : vector<1x1024xf32>, vector<1024x128xf32>, vector<1x128xf32> -> vector<1x128xf32>
    %add3A_386 = arith.addf %get3A_383, %dot_general3A_385 : vector<1x128xf32>
    %swap3A_387 = arith.index_cast %arg0 : i32 to index
    %swap3A_388 = arith.constant 1 : index
    %swap3A_389 = arith.constant 4 : index
    %swap3A_390 = arith.constant 0 : index
    %swap3A_391 = arith.constant 0 : index
    %swap3A_392 = vector.load %arg20[%swap3A_387, %swap3A_388, %swap3A_389, %swap3A_390, %swap3A_391] : memref<2x2x16x1x128xf32, #tpu.memory_space<vmem>>, vector<1x1x1x1x128xf32>
    %swap3A_393 = vector.shape_cast %swap3A_392 : vector<1x1x1x1x128xf32> to vector<1x128xf32>
    %swap3A_394 = vector.shape_cast %add3A_386 : vector<1x128xf32> to vector<1x1x1x1x128xf32>
    tpu.vector_store %arg20[%swap3A_387, %swap3A_388, %swap3A_389, %swap3A_390, %swap3A_391], %swap3A_394 {strides = array<i32>} : memref<2x2x16x1x128xf32, #tpu.memory_space<vmem>>, vector<1x1x1x1x128xf32>,
    %mul3A_395 = arith.mulf %exp3A_127, %div3A_183 : vector<1024x128xf32>
    %eq3A_396 = arith.constant 5.000000e+00 : f32
    %eq3A_397 = vector.broadcast %eq3A_396 : f32 to vector<1024x128xf32>
    %eq3A_398 = arith.cmpf oeq, %convert_element_type3A_105, %eq3A_397 : vector<1024x128xf32>
    %get3A_399 = arith.index_cast %arg0 : i32 to index
    %get3A_400 = arith.constant 0 : index
    %get3A_401 = arith.constant 5 : index
    %get3A_402 = arith.constant 0 : index
    %get3A_403 = arith.constant 0 : index
    %get3A_404 = vector.load %arg20[%get3A_399, %get3A_400, %get3A_401, %get3A_402, %get3A_403] : memref<2x2x16x1x128xf32, #tpu.memory_space<vmem>>, vector<1x1x1x1x128xf32>
    %get3A_405 = vector.shape_cast %get3A_404 : vector<1x1x1x1x128xf32> to vector<1x128xf32>
    %jit3A_406 = arith.constant 0.000000e+00 : f32
    %broadcast_in_dim3A_407 = vector.broadcast %jit3A_406 : f32 to vector<1024x128xf32>
    %select_n3A_408 = arith.select %eq3A_398, %mul3A_395, %broadcast_in_dim3A_407 : vector<1024x128xi1>, vector<1024x128xf32>
    %dot_general3A_409 = arith.constant dense<0.000000e+00> : vector<1x128xf32>
    %dot_general3A_410 = tpu.matmul %broadcast_in_dim3A_184, %select_n3A_408, %dot_general3A_409 {dimension_numbers = #tpu.dot_dimension_numbers<[1], [0], [0], [1], [0, 0, 1, 1], [], []>, transpose_lhs_hint = false} : vector<1x1024xf32>, vector<1024x128xf32>, vector<1x128xf32> -> vector<1x128xf32>
    %add3A_411 = arith.addf %get3A_405, %dot_general3A_410 : vector<1x128xf32>
    %swap3A_412 = arith.index_cast %arg0 : i32 to index
    %swap3A_413 = arith.constant 0 : index
    %swap3A_414 = arith.constant 5 : index
    %swap3A_415 = arith.constant 0 : index
    %swap3A_416 = arith.constant 0 : index
    %swap3A_417 = vector.load %arg20[%swap3A_412, %swap3A_413, %swap3A_414, %swap3A_415, %swap3A_416] : memref<2x2x16x1x128xf32, #tpu.memory_space<vmem>>, vector<1x1x1x1x128xf32>
    %swap3A_418 = vector.shape_cast %swap3A_417 : vector<1x1x1x1x128xf32> to vector<1x128xf32>
    %swap3A_419 = vector.shape_cast %add3A_411 : vector<1x128xf32> to vector<1x1x1x1x128xf32>
    tpu.vector_store %arg20[%swap3A_412, %swap3A_413, %swap3A_414, %swap3A_415, %swap3A_416], %swap3A_419 {strides = array<i32>} : memref<2x2x16x1x128xf32, #tpu.memory_space<vmem>>, vector<1x1x1x1x128xf32>,
    %get3A_420 = arith.index_cast %arg0 : i32 to index
    %get3A_421 = arith.constant 1 : index
    %get3A_422 = arith.constant 5 : index
    %get3A_423 = arith.constant 0 : index
    %get3A_424 = arith.constant 0 : index
    %get3A_425 = vector.load %arg20[%get3A_420, %get3A_421, %get3A_422, %get3A_423, %get3A_424] : memref<2x2x16x1x128xf32, #tpu.memory_space<vmem>>, vector<1x1x1x1x128xf32>
    %get3A_426 = vector.shape_cast %get3A_425 : vector<1x1x1x1x128xf32> to vector<1x128xf32>
    %dot_general3A_427 = arith.constant dense<0.000000e+00> : vector<1x128xf32>
    %dot_general3A_428 = tpu.matmul %broadcast_in_dim3A_184, %mul3A_395, %dot_general3A_427 {dimension_numbers = #tpu.dot_dimension_numbers<[1], [0], [0], [1], [0, 0, 1, 1], [], []>, transpose_lhs_hint = false} : vector<1x1024xf32>, vector<1024x128xf32>, vector<1x128xf32> -> vector<1x128xf32>
    %add3A_429 = arith.addf %get3A_426, %dot_general3A_428 : vector<1x128xf32>
    %swap3A_430 = arith.index_cast %arg0 : i32 to index
    %swap3A_431 = arith.constant 1 : index
    %swap3A_432 = arith.constant 5 : index
    %swap3A_433 = arith.constant 0 : index
    %swap3A_434 = arith.constant 0 : index
    %swap3A_435 = vector.load %arg20[%swap3A_430, %swap3A_431, %swap3A_432, %swap3A_433, %swap3A_434] : memref<2x2x16x1x128xf32, #tpu.memory_space<vmem>>, vector<1x1x1x1x128xf32>
    %swap3A_436 = vector.shape_cast %swap3A_435 : vector<1x1x1x1x128xf32> to vector<1x128xf32>
    %swap3A_437 = vector.shape_cast %add3A_429 : vector<1x128xf32> to vector<1x1x1x1x128xf32>
    tpu.vector_store %arg20[%swap3A_430, %swap3A_431, %swap3A_432, %swap3A_433, %swap3A_434], %swap3A_437 {strides = array<i32>} : memref<2x2x16x1x128xf32, #tpu.memory_space<vmem>>, vector<1x1x1x1x128xf32>,
    %mul3A_438 = arith.mulf %exp3A_131, %div3A_183 : vector<1024x128xf32>
    %eq3A_439 = arith.constant 6.000000e+00 : f32
    %eq3A_440 = vector.broadcast %eq3A_439 : f32 to vector<1024x128xf32>
    %eq3A_441 = arith.cmpf oeq, %convert_element_type3A_105, %eq3A_440 : vector<1024x128xf32>
    %get3A_442 = arith.index_cast %arg0 : i32 to index
    %get3A_443 = arith.constant 0 : index
    %get3A_444 = arith.constant 6 : index
    %get3A_445 = arith.constant 0 : index
    %get3A_446 = arith.constant 0 : index
    %get3A_447 = vector.load %arg20[%get3A_442, %get3A_443, %get3A_444, %get3A_445, %get3A_446] : memref<2x2x16x1x128xf32, #tpu.memory_space<vmem>>, vector<1x1x1x1x128xf32>
    %get3A_448 = vector.shape_cast %get3A_447 : vector<1x1x1x1x128xf32> to vector<1x128xf32>
    %jit3A_449 = arith.constant 0.000000e+00 : f32
    %broadcast_in_dim3A_450 = vector.broadcast %jit3A_449 : f32 to vector<1024x128xf32>
    %select_n3A_451 = arith.select %eq3A_441, %mul3A_438, %broadcast_in_dim3A_450 : vector<1024x128xi1>, vector<1024x128xf32>
    %dot_general3A_452 = arith.constant dense<0.000000e+00> : vector<1x128xf32>
    %dot_general3A_453 = tpu.matmul %broadcast_in_dim3A_184, %select_n3A_451, %dot_general3A_452 {dimension_numbers = #tpu.dot_dimension_numbers<[1], [0], [0], [1], [0, 0, 1, 1], [], []>, transpose_lhs_hint = false} : vector<1x1024xf32>, vector<1024x128xf32>, vector<1x128xf32> -> vector<1x128xf32>
    %add3A_454 = arith.addf %get3A_448, %dot_general3A_453 : vector<1x128xf32>
    %swap3A_455 = arith.index_cast %arg0 : i32 to index
    %swap3A_456 = arith.constant 0 : index
    %swap3A_457 = arith.constant 6 : index
    %swap3A_458 = arith.constant 0 : index
    %swap3A_459 = arith.constant 0 : index
    %swap3A_460 = vector.load %arg20[%swap3A_455, %swap3A_456, %swap3A_457, %swap3A_458, %swap3A_459] : memref<2x2x16x1x128xf32, #tpu.memory_space<vmem>>, vector<1x1x1x1x128xf32>
    %swap3A_461 = vector.shape_cast %swap3A_460 : vector<1x1x1x1x128xf32> to vector<1x128xf32>
    %swap3A_462 = vector.shape_cast %add3A_454 : vector<1x128xf32> to vector<1x1x1x1x128xf32>
    tpu.vector_store %arg20[%swap3A_455, %swap3A_456, %swap3A_457, %swap3A_458, %swap3A_459], %swap3A_462 {strides = array<i32>} : memref<2x2x16x1x128xf32, #tpu.memory_space<vmem>>, vector<1x1x1x1x128xf32>,
    %get3A_463 = arith.index_cast %arg0 : i32 to index
    %get3A_464 = arith.constant 1 : index
    %get3A_465 = arith.constant 6 : index
    %get3A_466 = arith.constant 0 : index
    %get3A_467 = arith.constant 0 : index
    %get3A_468 = vector.load %arg20[%get3A_463, %get3A_464, %get3A_465, %get3A_466, %get3A_467] : memref<2x2x16x1x128xf32, #tpu.memory_space<vmem>>, vector<1x1x1x1x128xf32>
    %get3A_469 = vector.shape_cast %get3A_468 : vector<1x1x1x1x128xf32> to vector<1x128xf32>
    %dot_general3A_470 = arith.constant dense<0.000000e+00> : vector<1x128xf32>
    %dot_general3A_471 = tpu.matmul %broadcast_in_dim3A_184, %mul3A_438, %dot_general3A_470 {dimension_numbers = #tpu.dot_dimension_numbers<[1], [0], [0], [1], [0, 0, 1, 1], [], []>, transpose_lhs_hint = false} : vector<1x1024xf32>, vector<1024x128xf32>, vector<1x128xf32> -> vector<1x128xf32>
    %add3A_472 = arith.addf %get3A_469, %dot_general3A_471 : vector<1x128xf32>
    %swap3A_473 = arith.index_cast %arg0 : i32 to index
    %swap3A_474 = arith.constant 1 : index
    %swap3A_475 = arith.constant 6 : index
    %swap3A_476 = arith.constant 0 : index
    %swap3A_477 = arith.constant 0 : index
    %swap3A_478 = vector.load %arg20[%swap3A_473, %swap3A_474, %swap3A_475, %swap3A_476, %swap3A_477] : memref<2x2x16x1x128xf32, #tpu.memory_space<vmem>>, vector<1x1x1x1x128xf32>
    %swap3A_479 = vector.shape_cast %swap3A_478 : vector<1x1x1x1x128xf32> to vector<1x128xf32>
    %swap3A_480 = vector.shape_cast %add3A_472 : vector<1x128xf32> to vector<1x1x1x1x128xf32>
    tpu.vector_store %arg20[%swap3A_473, %swap3A_474, %swap3A_475, %swap3A_476, %swap3A_477], %swap3A_480 {strides = array<i32>} : memref<2x2x16x1x128xf32, #tpu.memory_space<vmem>>, vector<1x1x1x1x128xf32>,
    %mul3A_481 = arith.mulf %exp3A_135, %div3A_183 : vector<1024x128xf32>
    %eq3A_482 = arith.constant 7.000000e+00 : f32
    %eq3A_483 = vector.broadcast %eq3A_482 : f32 to vector<1024x128xf32>
    %eq3A_484 = arith.cmpf oeq, %convert_element_type3A_105, %eq3A_483 : vector<1024x128xf32>
    %get3A_485 = arith.index_cast %arg0 : i32 to index
    %get3A_486 = arith.constant 0 : index
    %get3A_487 = arith.constant 7 : index
    %get3A_488 = arith.constant 0 : index
    %get3A_489 = arith.constant 0 : index
    %get3A_490 = vector.load %arg20[%get3A_485, %get3A_486, %get3A_487, %get3A_488, %get3A_489] : memref<2x2x16x1x128xf32, #tpu.memory_space<vmem>>, vector<1x1x1x1x128xf32>
    %get3A_491 = vector.shape_cast %get3A_490 : vector<1x1x1x1x128xf32> to vector<1x128xf32>
    %jit3A_492 = arith.constant 0.000000e+00 : f32
    %broadcast_in_dim3A_493 = vector.broadcast %jit3A_492 : f32 to vector<1024x128xf32>
    %select_n3A_494 = arith.select %eq3A_484, %mul3A_481, %broadcast_in_dim3A_493 : vector<1024x128xi1>, vector<1024x128xf32>
    %dot_general3A_495 = arith.constant dense<0.000000e+00> : vector<1x128xf32>
    %dot_general3A_496 = tpu.matmul %broadcast_in_dim3A_184, %select_n3A_494, %dot_general3A_495 {dimension_numbers = #tpu.dot_dimension_numbers<[1], [0], [0], [1], [0, 0, 1, 1], [], []>, transpose_lhs_hint = false} : vector<1x1024xf32>, vector<1024x128xf32>, vector<1x128xf32> -> vector<1x128xf32>
    %add3A_497 = arith.addf %get3A_491, %dot_general3A_496 : vector<1x128xf32>
    %swap3A_498 = arith.index_cast %arg0 : i32 to index
    %swap3A_499 = arith.constant 0 : index
    %swap3A_500 = arith.constant 7 : index
    %swap3A_501 = arith.constant 0 : index
    %swap3A_502 = arith.constant 0 : index
    %swap3A_503 = vector.load %arg20[%swap3A_498, %swap3A_499, %swap3A_500, %swap3A_501, %swap3A_502] : memref<2x2x16x1x128xf32, #tpu.memory_space<vmem>>, vector<1x1x1x1x128xf32>
    %swap3A_504 = vector.shape_cast %swap3A_503 : vector<1x1x1x1x128xf32> to vector<1x128xf32>
    %swap3A_505 = vector.shape_cast %add3A_497 : vector<1x128xf32> to vector<1x1x1x1x128xf32>
    tpu.vector_store %arg20[%swap3A_498, %swap3A_499, %swap3A_500, %swap3A_501, %swap3A_502], %swap3A_505 {strides = array<i32>} : memref<2x2x16x1x128xf32, #tpu.memory_space<vmem>>, vector<1x1x1x1x128xf32>,
    %get3A_506 = arith.index_cast %arg0 : i32 to index
    %get3A_507 = arith.constant 1 : index
    %get3A_508 = arith.constant 7 : index
    %get3A_509 = arith.constant 0 : index
    %get3A_510 = arith.constant 0 : index
    %get3A_511 = vector.load %arg20[%get3A_506, %get3A_507, %get3A_508, %get3A_509, %get3A_510] : memref<2x2x16x1x128xf32, #tpu.memory_space<vmem>>, vector<1x1x1x1x128xf32>
    %get3A_512 = vector.shape_cast %get3A_511 : vector<1x1x1x1x128xf32> to vector<1x128xf32>
    %dot_general3A_513 = arith.constant dense<0.000000e+00> : vector<1x128xf32>
    %dot_general3A_514 = tpu.matmul %broadcast_in_dim3A_184, %mul3A_481, %dot_general3A_513 {dimension_numbers = #tpu.dot_dimension_numbers<[1], [0], [0], [1], [0, 0, 1, 1], [], []>, transpose_lhs_hint = false} : vector<1x1024xf32>, vector<1024x128xf32>, vector<1x128xf32> -> vector<1x128xf32>
    %add3A_515 = arith.addf %get3A_512, %dot_general3A_514 : vector<1x128xf32>
    %swap3A_516 = arith.index_cast %arg0 : i32 to index
    %swap3A_517 = arith.constant 1 : index
    %swap3A_518 = arith.constant 7 : index
    %swap3A_519 = arith.constant 0 : index
    %swap3A_520 = arith.constant 0 : index
    %swap3A_521 = vector.load %arg20[%swap3A_516, %swap3A_517, %swap3A_518, %swap3A_519, %swap3A_520] : memref<2x2x16x1x128xf32, #tpu.memory_space<vmem>>, vector<1x1x1x1x128xf32>
    %swap3A_522 = vector.shape_cast %swap3A_521 : vector<1x1x1x1x128xf32> to vector<1x128xf32>
    %swap3A_523 = vector.shape_cast %add3A_515 : vector<1x128xf32> to vector<1x1x1x1x128xf32>
    tpu.vector_store %arg20[%swap3A_516, %swap3A_517, %swap3A_518, %swap3A_519, %swap3A_520], %swap3A_523 {strides = array<i32>} : memref<2x2x16x1x128xf32, #tpu.memory_space<vmem>>, vector<1x1x1x1x128xf32>,
    %mul3A_524 = arith.mulf %exp3A_139, %div3A_183 : vector<1024x128xf32>
    %eq3A_525 = arith.constant 8.000000e+00 : f32
    %eq3A_526 = vector.broadcast %eq3A_525 : f32 to vector<1024x128xf32>
    %eq3A_527 = arith.cmpf oeq, %convert_element_type3A_105, %eq3A_526 : vector<1024x128xf32>
    %get3A_528 = arith.index_cast %arg0 : i32 to index
    %get3A_529 = arith.constant 0 : index
    %get3A_530 = arith.constant 8 : index
    %get3A_531 = arith.constant 0 : index
    %get3A_532 = arith.constant 0 : index
    %get3A_533 = vector.load %arg20[%get3A_528, %get3A_529, %get3A_530, %get3A_531, %get3A_532] : memref<2x2x16x1x128xf32, #tpu.memory_space<vmem>>, vector<1x1x1x1x128xf32>
    %get3A_534 = vector.shape_cast %get3A_533 : vector<1x1x1x1x128xf32> to vector<1x128xf32>
    %jit3A_535 = arith.constant 0.000000e+00 : f32
    %broadcast_in_dim3A_536 = vector.broadcast %jit3A_535 : f32 to vector<1024x128xf32>
    %select_n3A_537 = arith.select %eq3A_527, %mul3A_524, %broadcast_in_dim3A_536 : vector<1024x128xi1>, vector<1024x128xf32>
    %dot_general3A_538 = arith.constant dense<0.000000e+00> : vector<1x128xf32>
    %dot_general3A_539 = tpu.matmul %broadcast_in_dim3A_184, %select_n3A_537, %dot_general3A_538 {dimension_numbers = #tpu.dot_dimension_numbers<[1], [0], [0], [1], [0, 0, 1, 1], [], []>, transpose_lhs_hint = false} : vector<1x1024xf32>, vector<1024x128xf32>, vector<1x128xf32> -> vector<1x128xf32>
    %add3A_540 = arith.addf %get3A_534, %dot_general3A_539 : vector<1x128xf32>
    %swap3A_541 = arith.index_cast %arg0 : i32 to index
    %swap3A_542 = arith.constant 0 : index
    %swap3A_543 = arith.constant 8 : index
    %swap3A_544 = arith.constant 0 : index
    %swap3A_545 = arith.constant 0 : index
    %swap3A_546 = vector.load %arg20[%swap3A_541, %swap3A_542, %swap3A_543, %swap3A_544, %swap3A_545] : memref<2x2x16x1x128xf32, #tpu.memory_space<vmem>>, vector<1x1x1x1x128xf32>
    %swap3A_547 = vector.shape_cast %swap3A_546 : vector<1x1x1x1x128xf32> to vector<1x128xf32>
    %swap3A_548 = vector.shape_cast %add3A_540 : vector<1x128xf32> to vector<1x1x1x1x128xf32>
    tpu.vector_store %arg20[%swap3A_541, %swap3A_542, %swap3A_543, %swap3A_544, %swap3A_545], %swap3A_548 {strides = array<i32>} : memref<2x2x16x1x128xf32, #tpu.memory_space<vmem>>, vector<1x1x1x1x128xf32>,
    %get3A_549 = arith.index_cast %arg0 : i32 to index
    %get3A_550 = arith.constant 1 : index
    %get3A_551 = arith.constant 8 : index
    %get3A_552 = arith.constant 0 : index
    %get3A_553 = arith.constant 0 : index
    %get3A_554 = vector.load %arg20[%get3A_549, %get3A_550, %get3A_551, %get3A_552, %get3A_553] : memref<2x2x16x1x128xf32, #tpu.memory_space<vmem>>, vector<1x1x1x1x128xf32>
    %get3A_555 = vector.shape_cast %get3A_554 : vector<1x1x1x1x128xf32> to vector<1x128xf32>
    %dot_general3A_556 = arith.constant dense<0.000000e+00> : vector<1x128xf32>
    %dot_general3A_557 = tpu.matmul %broadcast_in_dim3A_184, %mul3A_524, %dot_general3A_556 {dimension_numbers = #tpu.dot_dimension_numbers<[1], [0], [0], [1], [0, 0, 1, 1], [], []>, transpose_lhs_hint = false} : vector<1x1024xf32>, vector<1024x128xf32>, vector<1x128xf32> -> vector<1x128xf32>
    %add3A_558 = arith.addf %get3A_555, %dot_general3A_557 : vector<1x128xf32>
    %swap3A_559 = arith.index_cast %arg0 : i32 to index
    %swap3A_560 = arith.constant 1 : index
    %swap3A_561 = arith.constant 8 : index
    %swap3A_562 = arith.constant 0 : index
    %swap3A_563 = arith.constant 0 : index
    %swap3A_564 = vector.load %arg20[%swap3A_559, %swap3A_560, %swap3A_561, %swap3A_562, %swap3A_563] : memref<2x2x16x1x128xf32, #tpu.memory_space<vmem>>, vector<1x1x1x1x128xf32>
    %swap3A_565 = vector.shape_cast %swap3A_564 : vector<1x1x1x1x128xf32> to vector<1x128xf32>
    %swap3A_566 = vector.shape_cast %add3A_558 : vector<1x128xf32> to vector<1x1x1x1x128xf32>
    tpu.vector_store %arg20[%swap3A_559, %swap3A_560, %swap3A_561, %swap3A_562, %swap3A_563], %swap3A_566 {strides = array<i32>} : memref<2x2x16x1x128xf32, #tpu.memory_space<vmem>>, vector<1x1x1x1x128xf32>,
    %mul3A_567 = arith.mulf %exp3A_143, %div3A_183 : vector<1024x128xf32>
    %eq3A_568 = arith.constant 9.000000e+00 : f32
    %eq3A_569 = vector.broadcast %eq3A_568 : f32 to vector<1024x128xf32>
    %eq3A_570 = arith.cmpf oeq, %convert_element_type3A_105, %eq3A_569 : vector<1024x128xf32>
    %get3A_571 = arith.index_cast %arg0 : i32 to index
    %get3A_572 = arith.constant 0 : index
    %get3A_573 = arith.constant 9 : index
    %get3A_574 = arith.constant 0 : index
    %get3A_575 = arith.constant 0 : index
    %get3A_576 = vector.load %arg20[%get3A_571, %get3A_572, %get3A_573, %get3A_574, %get3A_575] : memref<2x2x16x1x128xf32, #tpu.memory_space<vmem>>, vector<1x1x1x1x128xf32>
    %get3A_577 = vector.shape_cast %get3A_576 : vector<1x1x1x1x128xf32> to vector<1x128xf32>
    %jit3A_578 = arith.constant 0.000000e+00 : f32
    %broadcast_in_dim3A_579 = vector.broadcast %jit3A_578 : f32 to vector<1024x128xf32>
    %select_n3A_580 = arith.select %eq3A_570, %mul3A_567, %broadcast_in_dim3A_579 : vector<1024x128xi1>, vector<1024x128xf32>
    %dot_general3A_581 = arith.constant dense<0.000000e+00> : vector<1x128xf32>
    %dot_general3A_582 = tpu.matmul %broadcast_in_dim3A_184, %select_n3A_580, %dot_general3A_581 {dimension_numbers = #tpu.dot_dimension_numbers<[1], [0], [0], [1], [0, 0, 1, 1], [], []>, transpose_lhs_hint = false} : vector<1x1024xf32>, vector<1024x128xf32>, vector<1x128xf32> -> vector<1x128xf32>
    %add3A_583 = arith.addf %get3A_577, %dot_general3A_582 : vector<1x128xf32>
    %swap3A_584 = arith.index_cast %arg0 : i32 to index
    %swap3A_585 = arith.constant 0 : index
    %swap3A_586 = arith.constant 9 : index
    %swap3A_587 = arith.constant 0 : index
    %swap3A_588 = arith.constant 0 : index
    %swap3A_589 = vector.load %arg20[%swap3A_584, %swap3A_585, %swap3A_586, %swap3A_587, %swap3A_588] : memref<2x2x16x1x128xf32, #tpu.memory_space<vmem>>, vector<1x1x1x1x128xf32>
    %swap3A_590 = vector.shape_cast %swap3A_589 : vector<1x1x1x1x128xf32> to vector<1x128xf32>
    %swap3A_591 = vector.shape_cast %add3A_583 : vector<1x128xf32> to vector<1x1x1x1x128xf32>
    tpu.vector_store %arg20[%swap3A_584, %swap3A_585, %swap3A_586, %swap3A_587, %swap3A_588], %swap3A_591 {strides = array<i32>} : memref<2x2x16x1x128xf32, #tpu.memory_space<vmem>>, vector<1x1x1x1x128xf32>,
    %get3A_592 = arith.index_cast %arg0 : i32 to index
    %get3A_593 = arith.constant 1 : index
    %get3A_594 = arith.constant 9 : index
    %get3A_595 = arith.constant 0 : index
    %get3A_596 = arith.constant 0 : index
    %get3A_597 = vector.load %arg20[%get3A_592, %get3A_593, %get3A_594, %get3A_595, %get3A_596] : memref<2x2x16x1x128xf32, #tpu.memory_space<vmem>>, vector<1x1x1x1x128xf32>
    %get3A_598 = vector.shape_cast %get3A_597 : vector<1x1x1x1x128xf32> to vector<1x128xf32>
    %dot_general3A_599 = arith.constant dense<0.000000e+00> : vector<1x128xf32>
    %dot_general3A_600 = tpu.matmul %broadcast_in_dim3A_184, %mul3A_567, %dot_general3A_599 {dimension_numbers = #tpu.dot_dimension_numbers<[1], [0], [0], [1], [0, 0, 1, 1], [], []>, transpose_lhs_hint = false} : vector<1x1024xf32>, vector<1024x128xf32>, vector<1x128xf32> -> vector<1x128xf32>
    %add3A_601 = arith.addf %get3A_598, %dot_general3A_600 : vector<1x128xf32>
    %swap3A_602 = arith.index_cast %arg0 : i32 to index
    %swap3A_603 = arith.constant 1 : index
    %swap3A_604 = arith.constant 9 : index
    %swap3A_605 = arith.constant 0 : index
    %swap3A_606 = arith.constant 0 : index
    %swap3A_607 = vector.load %arg20[%swap3A_602, %swap3A_603, %swap3A_604, %swap3A_605, %swap3A_606] : memref<2x2x16x1x128xf32, #tpu.memory_space<vmem>>, vector<1x1x1x1x128xf32>
    %swap3A_608 = vector.shape_cast %swap3A_607 : vector<1x1x1x1x128xf32> to vector<1x128xf32>
    %swap3A_609 = vector.shape_cast %add3A_601 : vector<1x128xf32> to vector<1x1x1x1x128xf32>
    tpu.vector_store %arg20[%swap3A_602, %swap3A_603, %swap3A_604, %swap3A_605, %swap3A_606], %swap3A_609 {strides = array<i32>} : memref<2x2x16x1x128xf32, #tpu.memory_space<vmem>>, vector<1x1x1x1x128xf32>,
    %mul3A_610 = arith.mulf %exp3A_147, %div3A_183 : vector<1024x128xf32>
    %eq3A_611 = arith.constant 1.000000e+01 : f32
    %eq3A_612 = vector.broadcast %eq3A_611 : f32 to vector<1024x128xf32>
    %eq3A_613 = arith.cmpf oeq, %convert_element_type3A_105, %eq3A_612 : vector<1024x128xf32>
    %get3A_614 = arith.index_cast %arg0 : i32 to index
    %get3A_615 = arith.constant 0 : index
    %get3A_616 = arith.constant 10 : index
    %get3A_617 = arith.constant 0 : index
    %get3A_618 = arith.constant 0 : index
    %get3A_619 = vector.load %arg20[%get3A_614, %get3A_615, %get3A_616, %get3A_617, %get3A_618] : memref<2x2x16x1x128xf32, #tpu.memory_space<vmem>>, vector<1x1x1x1x128xf32>
    %get3A_620 = vector.shape_cast %get3A_619 : vector<1x1x1x1x128xf32> to vector<1x128xf32>
    %jit3A_621 = arith.constant 0.000000e+00 : f32
    %broadcast_in_dim3A_622 = vector.broadcast %jit3A_621 : f32 to vector<1024x128xf32>
    %select_n3A_623 = arith.select %eq3A_613, %mul3A_610, %broadcast_in_dim3A_622 : vector<1024x128xi1>, vector<1024x128xf32>
    %dot_general3A_624 = arith.constant dense<0.000000e+00> : vector<1x128xf32>
    %dot_general3A_625 = tpu.matmul %broadcast_in_dim3A_184, %select_n3A_623, %dot_general3A_624 {dimension_numbers = #tpu.dot_dimension_numbers<[1], [0], [0], [1], [0, 0, 1, 1], [], []>, transpose_lhs_hint = false} : vector<1x1024xf32>, vector<1024x128xf32>, vector<1x128xf32> -> vector<1x128xf32>
    %add3A_626 = arith.addf %get3A_620, %dot_general3A_625 : vector<1x128xf32>
    %swap3A_627 = arith.index_cast %arg0 : i32 to index
    %swap3A_628 = arith.constant 0 : index
    %swap3A_629 = arith.constant 10 : index
    %swap3A_630 = arith.constant 0 : index
    %swap3A_631 = arith.constant 0 : index
    %swap3A_632 = vector.load %arg20[%swap3A_627, %swap3A_628, %swap3A_629, %swap3A_630, %swap3A_631] : memref<2x2x16x1x128xf32, #tpu.memory_space<vmem>>, vector<1x1x1x1x128xf32>
    %swap3A_633 = vector.shape_cast %swap3A_632 : vector<1x1x1x1x128xf32> to vector<1x128xf32>
    %swap3A_634 = vector.shape_cast %add3A_626 : vector<1x128xf32> to vector<1x1x1x1x128xf32>
    tpu.vector_store %arg20[%swap3A_627, %swap3A_628, %swap3A_629, %swap3A_630, %swap3A_631], %swap3A_634 {strides = array<i32>} : memref<2x2x16x1x128xf32, #tpu.memory_space<vmem>>, vector<1x1x1x1x128xf32>,
    %get3A_635 = arith.index_cast %arg0 : i32 to index
    %get3A_636 = arith.constant 1 : index
    %get3A_637 = arith.constant 10 : index
    %get3A_638 = arith.constant 0 : index
    %get3A_639 = arith.constant 0 : index
    %get3A_640 = vector.load %arg20[%get3A_635, %get3A_636, %get3A_637, %get3A_638, %get3A_639] : memref<2x2x16x1x128xf32, #tpu.memory_space<vmem>>, vector<1x1x1x1x128xf32>
    %get3A_641 = vector.shape_cast %get3A_640 : vector<1x1x1x1x128xf32> to vector<1x128xf32>
    %dot_general3A_642 = arith.constant dense<0.000000e+00> : vector<1x128xf32>
    %dot_general3A_643 = tpu.matmul %broadcast_in_dim3A_184, %mul3A_610, %dot_general3A_642 {dimension_numbers = #tpu.dot_dimension_numbers<[1], [0], [0], [1], [0, 0, 1, 1], [], []>, transpose_lhs_hint = false} : vector<1x1024xf32>, vector<1024x128xf32>, vector<1x128xf32> -> vector<1x128xf32>
    %add3A_644 = arith.addf %get3A_641, %dot_general3A_643 : vector<1x128xf32>
    %swap3A_645 = arith.index_cast %arg0 : i32 to index
    %swap3A_646 = arith.constant 1 : index
    %swap3A_647 = arith.constant 10 : index
    %swap3A_648 = arith.constant 0 : index
    %swap3A_649 = arith.constant 0 : index
    %swap3A_650 = vector.load %arg20[%swap3A_645, %swap3A_646, %swap3A_647, %swap3A_648, %swap3A_649] : memref<2x2x16x1x128xf32, #tpu.memory_space<vmem>>, vector<1x1x1x1x128xf32>
    %swap3A_651 = vector.shape_cast %swap3A_650 : vector<1x1x1x1x128xf32> to vector<1x128xf32>
    %swap3A_652 = vector.shape_cast %add3A_644 : vector<1x128xf32> to vector<1x1x1x1x128xf32>
    tpu.vector_store %arg20[%swap3A_645, %swap3A_646, %swap3A_647, %swap3A_648, %swap3A_649], %swap3A_652 {strides = array<i32>} : memref<2x2x16x1x128xf32, #tpu.memory_space<vmem>>, vector<1x1x1x1x128xf32>,
    %mul3A_653 = arith.mulf %exp3A_151, %div3A_183 : vector<1024x128xf32>
    %eq3A_654 = arith.constant 1.100000e+01 : f32
    %eq3A_655 = vector.broadcast %eq3A_654 : f32 to vector<1024x128xf32>
    %eq3A_656 = arith.cmpf oeq, %convert_element_type3A_105, %eq3A_655 : vector<1024x128xf32>
    %get3A_657 = arith.index_cast %arg0 : i32 to index
    %get3A_658 = arith.constant 0 : index
    %get3A_659 = arith.constant 11 : index
    %get3A_660 = arith.constant 0 : index
    %get3A_661 = arith.constant 0 : index
    %get3A_662 = vector.load %arg20[%get3A_657, %get3A_658, %get3A_659, %get3A_660, %get3A_661] : memref<2x2x16x1x128xf32, #tpu.memory_space<vmem>>, vector<1x1x1x1x128xf32>
    %get3A_663 = vector.shape_cast %get3A_662 : vector<1x1x1x1x128xf32> to vector<1x128xf32>
    %jit3A_664 = arith.constant 0.000000e+00 : f32
    %broadcast_in_dim3A_665 = vector.broadcast %jit3A_664 : f32 to vector<1024x128xf32>
    %select_n3A_666 = arith.select %eq3A_656, %mul3A_653, %broadcast_in_dim3A_665 : vector<1024x128xi1>, vector<1024x128xf32>
    %dot_general3A_667 = arith.constant dense<0.000000e+00> : vector<1x128xf32>
    %dot_general3A_668 = tpu.matmul %broadcast_in_dim3A_184, %select_n3A_666, %dot_general3A_667 {dimension_numbers = #tpu.dot_dimension_numbers<[1], [0], [0], [1], [0, 0, 1, 1], [], []>, transpose_lhs_hint = false} : vector<1x1024xf32>, vector<1024x128xf32>, vector<1x128xf32> -> vector<1x128xf32>
    %add3A_669 = arith.addf %get3A_663, %dot_general3A_668 : vector<1x128xf32>
    %swap3A_670 = arith.index_cast %arg0 : i32 to index
    %swap3A_671 = arith.constant 0 : index
    %swap3A_672 = arith.constant 11 : index
    %swap3A_673 = arith.constant 0 : index
    %swap3A_674 = arith.constant 0 : index
    %swap3A_675 = vector.load %arg20[%swap3A_670, %swap3A_671, %swap3A_672, %swap3A_673, %swap3A_674] : memref<2x2x16x1x128xf32, #tpu.memory_space<vmem>>, vector<1x1x1x1x128xf32>
    %swap3A_676 = vector.shape_cast %swap3A_675 : vector<1x1x1x1x128xf32> to vector<1x128xf32>
    %swap3A_677 = vector.shape_cast %add3A_669 : vector<1x128xf32> to vector<1x1x1x1x128xf32>
    tpu.vector_store %arg20[%swap3A_670, %swap3A_671, %swap3A_672, %swap3A_673, %swap3A_674], %swap3A_677 {strides = array<i32>} : memref<2x2x16x1x128xf32, #tpu.memory_space<vmem>>, vector<1x1x1x1x128xf32>,
    %get3A_678 = arith.index_cast %arg0 : i32 to index
    %get3A_679 = arith.constant 1 : index
    %get3A_680 = arith.constant 11 : index
    %get3A_681 = arith.constant 0 : index
    %get3A_682 = arith.constant 0 : index
    %get3A_683 = vector.load %arg20[%get3A_678, %get3A_679, %get3A_680, %get3A_681, %get3A_682] : memref<2x2x16x1x128xf32, #tpu.memory_space<vmem>>, vector<1x1x1x1x128xf32>
    %get3A_684 = vector.shape_cast %get3A_683 : vector<1x1x1x1x128xf32> to vector<1x128xf32>
    %dot_general3A_685 = arith.constant dense<0.000000e+00> : vector<1x128xf32>
    %dot_general3A_686 = tpu.matmul %broadcast_in_dim3A_184, %mul3A_653, %dot_general3A_685 {dimension_numbers = #tpu.dot_dimension_numbers<[1], [0], [0], [1], [0, 0, 1, 1], [], []>, transpose_lhs_hint = false} : vector<1x1024xf32>, vector<1024x128xf32>, vector<1x128xf32> -> vector<1x128xf32>
    %add3A_687 = arith.addf %get3A_684, %dot_general3A_686 : vector<1x128xf32>
    %swap3A_688 = arith.index_cast %arg0 : i32 to index
    %swap3A_689 = arith.constant 1 : index
    %swap3A_690 = arith.constant 11 : index
    %swap3A_691 = arith.constant 0 : index
    %swap3A_692 = arith.constant 0 : index
    %swap3A_693 = vector.load %arg20[%swap3A_688, %swap3A_689, %swap3A_690, %swap3A_691, %swap3A_692] : memref<2x2x16x1x128xf32, #tpu.memory_space<vmem>>, vector<1x1x1x1x128xf32>
    %swap3A_694 = vector.shape_cast %swap3A_693 : vector<1x1x1x1x128xf32> to vector<1x128xf32>
    %swap3A_695 = vector.shape_cast %add3A_687 : vector<1x128xf32> to vector<1x1x1x1x128xf32>
    tpu.vector_store %arg20[%swap3A_688, %swap3A_689, %swap3A_690, %swap3A_691, %swap3A_692], %swap3A_695 {strides = array<i32>} : memref<2x2x16x1x128xf32, #tpu.memory_space<vmem>>, vector<1x1x1x1x128xf32>,
    %mul3A_696 = arith.mulf %exp3A_155, %div3A_183 : vector<1024x128xf32>
    %eq3A_697 = arith.constant 1.200000e+01 : f32
    %eq3A_698 = vector.broadcast %eq3A_697 : f32 to vector<1024x128xf32>
    %eq3A_699 = arith.cmpf oeq, %convert_element_type3A_105, %eq3A_698 : vector<1024x128xf32>
    %get3A_700 = arith.index_cast %arg0 : i32 to index
    %get3A_701 = arith.constant 0 : index
    %get3A_702 = arith.constant 12 : index
    %get3A_703 = arith.constant 0 : index
    %get3A_704 = arith.constant 0 : index
    %get3A_705 = vector.load %arg20[%get3A_700, %get3A_701, %get3A_702, %get3A_703, %get3A_704] : memref<2x2x16x1x128xf32, #tpu.memory_space<vmem>>, vector<1x1x1x1x128xf32>
    %get3A_706 = vector.shape_cast %get3A_705 : vector<1x1x1x1x128xf32> to vector<1x128xf32>
    %jit3A_707 = arith.constant 0.000000e+00 : f32
    %broadcast_in_dim3A_708 = vector.broadcast %jit3A_707 : f32 to vector<1024x128xf32>
    %select_n3A_709 = arith.select %eq3A_699, %mul3A_696, %broadcast_in_dim3A_708 : vector<1024x128xi1>, vector<1024x128xf32>
    %dot_general3A_710 = arith.constant dense<0.000000e+00> : vector<1x128xf32>
    %dot_general3A_711 = tpu.matmul %broadcast_in_dim3A_184, %select_n3A_709, %dot_general3A_710 {dimension_numbers = #tpu.dot_dimension_numbers<[1], [0], [0], [1], [0, 0, 1, 1], [], []>, transpose_lhs_hint = false} : vector<1x1024xf32>, vector<1024x128xf32>, vector<1x128xf32> -> vector<1x128xf32>
    %add3A_712 = arith.addf %get3A_706, %dot_general3A_711 : vector<1x128xf32>
    %swap3A_713 = arith.index_cast %arg0 : i32 to index
    %swap3A_714 = arith.constant 0 : index
    %swap3A_715 = arith.constant 12 : index
    %swap3A_716 = arith.constant 0 : index
    %swap3A_717 = arith.constant 0 : index
    %swap3A_718 = vector.load %arg20[%swap3A_713, %swap3A_714, %swap3A_715, %swap3A_716, %swap3A_717] : memref<2x2x16x1x128xf32, #tpu.memory_space<vmem>>, vector<1x1x1x1x128xf32>
    %swap3A_719 = vector.shape_cast %swap3A_718 : vector<1x1x1x1x128xf32> to vector<1x128xf32>
    %swap3A_720 = vector.shape_cast %add3A_712 : vector<1x128xf32> to vector<1x1x1x1x128xf32>
    tpu.vector_store %arg20[%swap3A_713, %swap3A_714, %swap3A_715, %swap3A_716, %swap3A_717], %swap3A_720 {strides = array<i32>} : memref<2x2x16x1x128xf32, #tpu.memory_space<vmem>>, vector<1x1x1x1x128xf32>,
    %get3A_721 = arith.index_cast %arg0 : i32 to index
    %get3A_722 = arith.constant 1 : index
    %get3A_723 = arith.constant 12 : index
    %get3A_724 = arith.constant 0 : index
    %get3A_725 = arith.constant 0 : index
    %get3A_726 = vector.load %arg20[%get3A_721, %get3A_722, %get3A_723, %get3A_724, %get3A_725] : memref<2x2x16x1x128xf32, #tpu.memory_space<vmem>>, vector<1x1x1x1x128xf32>
    %get3A_727 = vector.shape_cast %get3A_726 : vector<1x1x1x1x128xf32> to vector<1x128xf32>
    %dot_general3A_728 = arith.constant dense<0.000000e+00> : vector<1x128xf32>
    %dot_general3A_729 = tpu.matmul %broadcast_in_dim3A_184, %mul3A_696, %dot_general3A_728 {dimension_numbers = #tpu.dot_dimension_numbers<[1], [0], [0], [1], [0, 0, 1, 1], [], []>, transpose_lhs_hint = false} : vector<1x1024xf32>, vector<1024x128xf32>, vector<1x128xf32> -> vector<1x128xf32>
    %add3A_730 = arith.addf %get3A_727, %dot_general3A_729 : vector<1x128xf32>
    %swap3A_731 = arith.index_cast %arg0 : i32 to index
    %swap3A_732 = arith.constant 1 : index
    %swap3A_733 = arith.constant 12 : index
    %swap3A_734 = arith.constant 0 : index
    %swap3A_735 = arith.constant 0 : index
    %swap3A_736 = vector.load %arg20[%swap3A_731, %swap3A_732, %swap3A_733, %swap3A_734, %swap3A_735] : memref<2x2x16x1x128xf32, #tpu.memory_space<vmem>>, vector<1x1x1x1x128xf32>
    %swap3A_737 = vector.shape_cast %swap3A_736 : vector<1x1x1x1x128xf32> to vector<1x128xf32>
    %swap3A_738 = vector.shape_cast %add3A_730 : vector<1x128xf32> to vector<1x1x1x1x128xf32>
    tpu.vector_store %arg20[%swap3A_731, %swap3A_732, %swap3A_733, %swap3A_734, %swap3A_735], %swap3A_738 {strides = array<i32>} : memref<2x2x16x1x128xf32, #tpu.memory_space<vmem>>, vector<1x1x1x1x128xf32>,
    %mul3A_739 = arith.mulf %exp3A_159, %div3A_183 : vector<1024x128xf32>
    %eq3A_740 = arith.constant 1.300000e+01 : f32
    %eq3A_741 = vector.broadcast %eq3A_740 : f32 to vector<1024x128xf32>
    %eq3A_742 = arith.cmpf oeq, %convert_element_type3A_105, %eq3A_741 : vector<1024x128xf32>
    %get3A_743 = arith.index_cast %arg0 : i32 to index
    %get3A_744 = arith.constant 0 : index
    %get3A_745 = arith.constant 13 : index
    %get3A_746 = arith.constant 0 : index
    %get3A_747 = arith.constant 0 : index
    %get3A_748 = vector.load %arg20[%get3A_743, %get3A_744, %get3A_745, %get3A_746, %get3A_747] : memref<2x2x16x1x128xf32, #tpu.memory_space<vmem>>, vector<1x1x1x1x128xf32>
    %get3A_749 = vector.shape_cast %get3A_748 : vector<1x1x1x1x128xf32> to vector<1x128xf32>
    %jit3A_750 = arith.constant 0.000000e+00 : f32
    %broadcast_in_dim3A_751 = vector.broadcast %jit3A_750 : f32 to vector<1024x128xf32>
    %select_n3A_752 = arith.select %eq3A_742, %mul3A_739, %broadcast_in_dim3A_751 : vector<1024x128xi1>, vector<1024x128xf32>
    %dot_general3A_753 = arith.constant dense<0.000000e+00> : vector<1x128xf32>
    %dot_general3A_754 = tpu.matmul %broadcast_in_dim3A_184, %select_n3A_752, %dot_general3A_753 {dimension_numbers = #tpu.dot_dimension_numbers<[1], [0], [0], [1], [0, 0, 1, 1], [], []>, transpose_lhs_hint = false} : vector<1x1024xf32>, vector<1024x128xf32>, vector<1x128xf32> -> vector<1x128xf32>
    %add3A_755 = arith.addf %get3A_749, %dot_general3A_754 : vector<1x128xf32>
    %swap3A_756 = arith.index_cast %arg0 : i32 to index
    %swap3A_757 = arith.constant 0 : index
    %swap3A_758 = arith.constant 13 : index
    %swap3A_759 = arith.constant 0 : index
    %swap3A_760 = arith.constant 0 : index
    %swap3A_761 = vector.load %arg20[%swap3A_756, %swap3A_757, %swap3A_758, %swap3A_759, %swap3A_760] : memref<2x2x16x1x128xf32, #tpu.memory_space<vmem>>, vector<1x1x1x1x128xf32>
    %swap3A_762 = vector.shape_cast %swap3A_761 : vector<1x1x1x1x128xf32> to vector<1x128xf32>
    %swap3A_763 = vector.shape_cast %add3A_755 : vector<1x128xf32> to vector<1x1x1x1x128xf32>
    tpu.vector_store %arg20[%swap3A_756, %swap3A_757, %swap3A_758, %swap3A_759, %swap3A_760], %swap3A_763 {strides = array<i32>} : memref<2x2x16x1x128xf32, #tpu.memory_space<vmem>>, vector<1x1x1x1x128xf32>,
    %get3A_764 = arith.index_cast %arg0 : i32 to index
    %get3A_765 = arith.constant 1 : index
    %get3A_766 = arith.constant 13 : index
    %get3A_767 = arith.constant 0 : index
    %get3A_768 = arith.constant 0 : index
    %get3A_769 = vector.load %arg20[%get3A_764, %get3A_765, %get3A_766, %get3A_767, %get3A_768] : memref<2x2x16x1x128xf32, #tpu.memory_space<vmem>>, vector<1x1x1x1x128xf32>
    %get3A_770 = vector.shape_cast %get3A_769 : vector<1x1x1x1x128xf32> to vector<1x128xf32>
    %dot_general3A_771 = arith.constant dense<0.000000e+00> : vector<1x128xf32>
    %dot_general3A_772 = tpu.matmul %broadcast_in_dim3A_184, %mul3A_739, %dot_general3A_771 {dimension_numbers = #tpu.dot_dimension_numbers<[1], [0], [0], [1], [0, 0, 1, 1], [], []>, transpose_lhs_hint = false} : vector<1x1024xf32>, vector<1024x128xf32>, vector<1x128xf32> -> vector<1x128xf32>
    %add3A_773 = arith.addf %get3A_770, %dot_general3A_772 : vector<1x128xf32>
    %swap3A_774 = arith.index_cast %arg0 : i32 to index
    %swap3A_775 = arith.constant 1 : index
    %swap3A_776 = arith.constant 13 : index
    %swap3A_777 = arith.constant 0 : index
    %swap3A_778 = arith.constant 0 : index
    %swap3A_779 = vector.load %arg20[%swap3A_774, %swap3A_775, %swap3A_776, %swap3A_777, %swap3A_778] : memref<2x2x16x1x128xf32, #tpu.memory_space<vmem>>, vector<1x1x1x1x128xf32>
    %swap3A_780 = vector.shape_cast %swap3A_779 : vector<1x1x1x1x128xf32> to vector<1x128xf32>
    %swap3A_781 = vector.shape_cast %add3A_773 : vector<1x128xf32> to vector<1x1x1x1x128xf32>
    tpu.vector_store %arg20[%swap3A_774, %swap3A_775, %swap3A_776, %swap3A_777, %swap3A_778], %swap3A_781 {strides = array<i32>} : memref<2x2x16x1x128xf32, #tpu.memory_space<vmem>>, vector<1x1x1x1x128xf32>,
    %mul3A_782 = arith.mulf %exp3A_163, %div3A_183 : vector<1024x128xf32>
    %eq3A_783 = arith.constant 1.400000e+01 : f32
    %eq3A_784 = vector.broadcast %eq3A_783 : f32 to vector<1024x128xf32>
    %eq3A_785 = arith.cmpf oeq, %convert_element_type3A_105, %eq3A_784 : vector<1024x128xf32>
    %get3A_786 = arith.index_cast %arg0 : i32 to index
    %get3A_787 = arith.constant 0 : index
    %get3A_788 = arith.constant 14 : index
    %get3A_789 = arith.constant 0 : index
    %get3A_790 = arith.constant 0 : index
    %get3A_791 = vector.load %arg20[%get3A_786, %get3A_787, %get3A_788, %get3A_789, %get3A_790] : memref<2x2x16x1x128xf32, #tpu.memory_space<vmem>>, vector<1x1x1x1x128xf32>
    %get3A_792 = vector.shape_cast %get3A_791 : vector<1x1x1x1x128xf32> to vector<1x128xf32>
    %jit3A_793 = arith.constant 0.000000e+00 : f32
    %broadcast_in_dim3A_794 = vector.broadcast %jit3A_793 : f32 to vector<1024x128xf32>
    %select_n3A_795 = arith.select %eq3A_785, %mul3A_782, %broadcast_in_dim3A_794 : vector<1024x128xi1>, vector<1024x128xf32>
    %dot_general3A_796 = arith.constant dense<0.000000e+00> : vector<1x128xf32>
    %dot_general3A_797 = tpu.matmul %broadcast_in_dim3A_184, %select_n3A_795, %dot_general3A_796 {dimension_numbers = #tpu.dot_dimension_numbers<[1], [0], [0], [1], [0, 0, 1, 1], [], []>, transpose_lhs_hint = false} : vector<1x1024xf32>, vector<1024x128xf32>, vector<1x128xf32> -> vector<1x128xf32>
    %add3A_798 = arith.addf %get3A_792, %dot_general3A_797 : vector<1x128xf32>
    %swap3A_799 = arith.index_cast %arg0 : i32 to index
    %swap3A_800 = arith.constant 0 : index
    %swap3A_801 = arith.constant 14 : index
    %swap3A_802 = arith.constant 0 : index
    %swap3A_803 = arith.constant 0 : index
    %swap3A_804 = vector.load %arg20[%swap3A_799, %swap3A_800, %swap3A_801, %swap3A_802, %swap3A_803] : memref<2x2x16x1x128xf32, #tpu.memory_space<vmem>>, vector<1x1x1x1x128xf32>
    %swap3A_805 = vector.shape_cast %swap3A_804 : vector<1x1x1x1x128xf32> to vector<1x128xf32>
    %swap3A_806 = vector.shape_cast %add3A_798 : vector<1x128xf32> to vector<1x1x1x1x128xf32>
    tpu.vector_store %arg20[%swap3A_799, %swap3A_800, %swap3A_801, %swap3A_802, %swap3A_803], %swap3A_806 {strides = array<i32>} : memref<2x2x16x1x128xf32, #tpu.memory_space<vmem>>, vector<1x1x1x1x128xf32>,
    %get3A_807 = arith.index_cast %arg0 : i32 to index
    %get3A_808 = arith.constant 1 : index
    %get3A_809 = arith.constant 14 : index
    %get3A_810 = arith.constant 0 : index
    %get3A_811 = arith.constant 0 : index
    %get3A_812 = vector.load %arg20[%get3A_807, %get3A_808, %get3A_809, %get3A_810, %get3A_811] : memref<2x2x16x1x128xf32, #tpu.memory_space<vmem>>, vector<1x1x1x1x128xf32>
    %get3A_813 = vector.shape_cast %get3A_812 : vector<1x1x1x1x128xf32> to vector<1x128xf32>
    %dot_general3A_814 = arith.constant dense<0.000000e+00> : vector<1x128xf32>
    %dot_general3A_815 = tpu.matmul %broadcast_in_dim3A_184, %mul3A_782, %dot_general3A_814 {dimension_numbers = #tpu.dot_dimension_numbers<[1], [0], [0], [1], [0, 0, 1, 1], [], []>, transpose_lhs_hint = false} : vector<1x1024xf32>, vector<1024x128xf32>, vector<1x128xf32> -> vector<1x128xf32>
    %add3A_816 = arith.addf %get3A_813, %dot_general3A_815 : vector<1x128xf32>
    %swap3A_817 = arith.index_cast %arg0 : i32 to index
    %swap3A_818 = arith.constant 1 : index
    %swap3A_819 = arith.constant 14 : index
    %swap3A_820 = arith.constant 0 : index
    %swap3A_821 = arith.constant 0 : index
    %swap3A_822 = vector.load %arg20[%swap3A_817, %swap3A_818, %swap3A_819, %swap3A_820, %swap3A_821] : memref<2x2x16x1x128xf32, #tpu.memory_space<vmem>>, vector<1x1x1x1x128xf32>
    %swap3A_823 = vector.shape_cast %swap3A_822 : vector<1x1x1x1x128xf32> to vector<1x128xf32>
    %swap3A_824 = vector.shape_cast %add3A_816 : vector<1x128xf32> to vector<1x1x1x1x128xf32>
    tpu.vector_store %arg20[%swap3A_817, %swap3A_818, %swap3A_819, %swap3A_820, %swap3A_821], %swap3A_824 {strides = array<i32>} : memref<2x2x16x1x128xf32, #tpu.memory_space<vmem>>, vector<1x1x1x1x128xf32>,
    %mul3A_825 = arith.mulf %exp3A_167, %div3A_183 : vector<1024x128xf32>
    %eq3A_826 = arith.constant 1.500000e+01 : f32
    %eq3A_827 = vector.broadcast %eq3A_826 : f32 to vector<1024x128xf32>
    %eq3A_828 = arith.cmpf oeq, %convert_element_type3A_105, %eq3A_827 : vector<1024x128xf32>
    %get3A_829 = arith.index_cast %arg0 : i32 to index
    %get3A_830 = arith.constant 0 : index
    %get3A_831 = arith.constant 15 : index
    %get3A_832 = arith.constant 0 : index
    %get3A_833 = arith.constant 0 : index
    %get3A_834 = vector.load %arg20[%get3A_829, %get3A_830, %get3A_831, %get3A_832, %get3A_833] : memref<2x2x16x1x128xf32, #tpu.memory_space<vmem>>, vector<1x1x1x1x128xf32>
    %get3A_835 = vector.shape_cast %get3A_834 : vector<1x1x1x1x128xf32> to vector<1x128xf32>
    %jit3A_836 = arith.constant 0.000000e+00 : f32
    %broadcast_in_dim3A_837 = vector.broadcast %jit3A_836 : f32 to vector<1024x128xf32>
    %select_n3A_838 = arith.select %eq3A_828, %mul3A_825, %broadcast_in_dim3A_837 : vector<1024x128xi1>, vector<1024x128xf32>
    %dot_general3A_839 = arith.constant dense<0.000000e+00> : vector<1x128xf32>
    %dot_general3A_840 = tpu.matmul %broadcast_in_dim3A_184, %select_n3A_838, %dot_general3A_839 {dimension_numbers = #tpu.dot_dimension_numbers<[1], [0], [0], [1], [0, 0, 1, 1], [], []>, transpose_lhs_hint = false} : vector<1x1024xf32>, vector<1024x128xf32>, vector<1x128xf32> -> vector<1x128xf32>
    %add3A_841 = arith.addf %get3A_835, %dot_general3A_840 : vector<1x128xf32>
    %swap3A_842 = arith.index_cast %arg0 : i32 to index
    %swap3A_843 = arith.constant 0 : index
    %swap3A_844 = arith.constant 15 : index
    %swap3A_845 = arith.constant 0 : index
    %swap3A_846 = arith.constant 0 : index
    %swap3A_847 = vector.load %arg20[%swap3A_842, %swap3A_843, %swap3A_844, %swap3A_845, %swap3A_846] : memref<2x2x16x1x128xf32, #tpu.memory_space<vmem>>, vector<1x1x1x1x128xf32>
    %swap3A_848 = vector.shape_cast %swap3A_847 : vector<1x1x1x1x128xf32> to vector<1x128xf32>
    %swap3A_849 = vector.shape_cast %add3A_841 : vector<1x128xf32> to vector<1x1x1x1x128xf32>
    tpu.vector_store %arg20[%swap3A_842, %swap3A_843, %swap3A_844, %swap3A_845, %swap3A_846], %swap3A_849 {strides = array<i32>} : memref<2x2x16x1x128xf32, #tpu.memory_space<vmem>>, vector<1x1x1x1x128xf32>,
    %get3A_850 = arith.index_cast %arg0 : i32 to index
    %get3A_851 = arith.constant 1 : index
    %get3A_852 = arith.constant 15 : index
    %get3A_853 = arith.constant 0 : index
    %get3A_854 = arith.constant 0 : index
    %get3A_855 = vector.load %arg20[%get3A_850, %get3A_851, %get3A_852, %get3A_853, %get3A_854] : memref<2x2x16x1x128xf32, #tpu.memory_space<vmem>>, vector<1x1x1x1x128xf32>
    %get3A_856 = vector.shape_cast %get3A_855 : vector<1x1x1x1x128xf32> to vector<1x128xf32>
    %dot_general3A_857 = arith.constant dense<0.000000e+00> : vector<1x128xf32>
    %dot_general3A_858 = tpu.matmul %broadcast_in_dim3A_184, %mul3A_825, %dot_general3A_857 {dimension_numbers = #tpu.dot_dimension_numbers<[1], [0], [0], [1], [0, 0, 1, 1], [], []>, transpose_lhs_hint = false} : vector<1x1024xf32>, vector<1024x128xf32>, vector<1x128xf32> -> vector<1x128xf32>
    %add3A_859 = arith.addf %get3A_856, %dot_general3A_858 : vector<1x128xf32>
    %swap3A_860 = arith.index_cast %arg0 : i32 to index
    %swap3A_861 = arith.constant 1 : index
    %swap3A_862 = arith.constant 15 : index
    %swap3A_863 = arith.constant 0 : index
    %swap3A_864 = arith.constant 0 : index
    %swap3A_865 = vector.load %arg20[%swap3A_860, %swap3A_861, %swap3A_862, %swap3A_863, %swap3A_864] : memref<2x2x16x1x128xf32, #tpu.memory_space<vmem>>, vector<1x1x1x1x128xf32>
    %swap3A_866 = vector.shape_cast %swap3A_865 : vector<1x1x1x1x128xf32> to vector<1x128xf32>
    %swap3A_867 = vector.shape_cast %add3A_859 : vector<1x128xf32> to vector<1x1x1x1x128xf32>
    tpu.vector_store %arg20[%swap3A_860, %swap3A_861, %swap3A_862, %swap3A_863, %swap3A_864], %swap3A_867 {strides = array<i32>} : memref<2x2x16x1x128xf32, #tpu.memory_space<vmem>>, vector<1x1x1x1x128xf32>,
    %eq3A_868 = arith.constant 1 : i32
    %eq3A_869 = arith.cmpi eq, %arg0, %eq3A_868 : i32
    %eq3A_870 = arith.constant 7 : i32
    %eq3A_871 = arith.cmpi eq, %arg1, %eq3A_870 : i32
    %and3A_872 = arith.andi %eq3A_869, %eq3A_871 : i1
    %convert_element_type3A_873 = arith.extui %and3A_872 : i1 to i32
    %cond3A_874 = arith.constant 0 : i32
    %cond3A_875 = arith.cmpi ne, %convert_element_type3A_873, %cond3A_874 : i32
    scf.if %cond3A_875 {
      %get3A_876 = arith.constant 0 : index
      %get3A_877 = arith.constant 0 : index
      %get3A_878 = arith.constant 0 : index
      %get3A_879 = arith.constant 0 : index
      %get3A_880 = arith.constant 0 : index
      %get3A_881 = vector.load %arg20[%get3A_876, %get3A_877, %get3A_878, %get3A_879, %get3A_880] : memref<2x2x16x1x128xf32, #tpu.memory_space<vmem>>, vector<2x2x16x1x128xf32>
      %reduce_sum3A = arith.constant dense<0.000000e+00> : vector<2x2x16x128xf32>
      %reduce_sum3A_882 = vector.multi_reduction <add>, %get3A_881, %reduce_sum3A [3] : vector<2x2x16x1x128xf32> to vector<2x2x16x128xf32>
      %swap3A_883 = arith.constant 0 : index
      %swap3A_884 = arith.constant 0 : index
      %swap3A_885 = arith.constant 0 : index
      %swap3A_886 = arith.constant 0 : index
      %swap3A_887 = vector.load %arg19[%swap3A_883, %swap3A_884, %swap3A_885, %swap3A_886] : memref<2x2x16x128xf32, #tpu.memory_space<vmem>>, vector<2x2x16x128xf32>
      tpu.vector_store %arg19[%swap3A_883, %swap3A_884, %swap3A_885, %swap3A_886], %reduce_sum3A_882 {strides = array<i32>} : memref<2x2x16x128xf32, #tpu.memory_space<vmem>>, vector<2x2x16x128xf32>,
    } else {
    }
    return
  }
  func.func @transform_0(%arg0: i32, %arg1: i32) -> (i32, i32, i32, i32) {
    %c0_i32 = arith.constant 0 : i32
    %c0_i32_0 = arith.constant 0 : i32
    %c0_i32_1 = arith.constant 0 : i32
    return %arg0, %c0_i32, %arg1, %c0_i32_0 : i32, i32, i32, i32
  }
  func.func @transform_1(%arg0: i32, %arg1: i32) -> (i32, i32, i32, i32) {
    %c1_i32 = arith.constant 1 : i32
    %c0_i32 = arith.constant 0 : i32
    %c0_i32_0 = arith.constant 0 : i32
    return %arg0, %c1_i32, %arg1, %c0_i32 : i32, i32, i32, i32
  }
  func.func @transform_2(%arg0: i32, %arg1: i32) -> (i32, i32, i32, i32) {
    %c2_i32 = arith.constant 2 : i32
    %c0_i32 = arith.constant 0 : i32
    %c0_i32_0 = arith.constant 0 : i32
    return %arg0, %c2_i32, %arg1, %c0_i32 : i32, i32, i32, i32
  }
  func.func @transform_3(%arg0: i32, %arg1: i32) -> (i32, i32, i32, i32) {
    %c3_i32 = arith.constant 3 : i32
    %c0_i32 = arith.constant 0 : i32
    %c0_i32_0 = arith.constant 0 : i32
    return %arg0, %c3_i32, %arg1, %c0_i32 : i32, i32, i32, i32
  }
  func.func @transform_4(%arg0: i32, %arg1: i32) -> (i32, i32, i32, i32) {
    %c4_i32 = arith.constant 4 : i32
    %c0_i32 = arith.constant 0 : i32
    %c0_i32_0 = arith.constant 0 : i32
    return %arg0, %c4_i32, %arg1, %c0_i32 : i32, i32, i32, i32
  }
  func.func @transform_5(%arg0: i32, %arg1: i32) -> (i32, i32, i32, i32) {
    %c5_i32 = arith.constant 5 : i32
    %c0_i32 = arith.constant 0 : i32
    %c0_i32_0 = arith.constant 0 : i32
    return %arg0, %c5_i32, %arg1, %c0_i32 : i32, i32, i32, i32
  }
  func.func @transform_6(%arg0: i32, %arg1: i32) -> (i32, i32, i32, i32) {
    %c6_i32 = arith.constant 6 : i32
    %c0_i32 = arith.constant 0 : i32
    %c0_i32_0 = arith.constant 0 : i32
    return %arg0, %c6_i32, %arg1, %c0_i32 : i32, i32, i32, i32
  }
  func.func @transform_7(%arg0: i32, %arg1: i32) -> (i32, i32, i32, i32) {
    %c7_i32 = arith.constant 7 : i32
    %c0_i32 = arith.constant 0 : i32
    %c0_i32_0 = arith.constant 0 : i32
    return %arg0, %c7_i32, %arg1, %c0_i32 : i32, i32, i32, i32
  }
  func.func @transform_8(%arg0: i32, %arg1: i32) -> (i32, i32, i32, i32) {
    %c8_i32 = arith.constant 8 : i32
    %c0_i32 = arith.constant 0 : i32
    %c0_i32_0 = arith.constant 0 : i32
    return %arg0, %c8_i32, %arg1, %c0_i32 : i32, i32, i32, i32
  }
  func.func @transform_9(%arg0: i32, %arg1: i32) -> (i32, i32, i32, i32) {
    %c9_i32 = arith.constant 9 : i32
    %c0_i32 = arith.constant 0 : i32
    %c0_i32_0 = arith.constant 0 : i32
    return %arg0, %c9_i32, %arg1, %c0_i32 : i32, i32, i32, i32
  }
  func.func @transform_10(%arg0: i32, %arg1: i32) -> (i32, i32, i32, i32) {
    %c10_i32 = arith.constant 10 : i32
    %c0_i32 = arith.constant 0 : i32
    %c0_i32_0 = arith.constant 0 : i32
    return %arg0, %c10_i32, %arg1, %c0_i32 : i32, i32, i32, i32
  }
  func.func @transform_11(%arg0: i32, %arg1: i32) -> (i32, i32, i32, i32) {
    %c11_i32 = arith.constant 11 : i32
    %c0_i32 = arith.constant 0 : i32
    %c0_i32_0 = arith.constant 0 : i32
    return %arg0, %c11_i32, %arg1, %c0_i32 : i32, i32, i32, i32
  }
  func.func @transform_12(%arg0: i32, %arg1: i32) -> (i32, i32, i32, i32) {
    %c12_i32 = arith.constant 12 : i32
    %c0_i32 = arith.constant 0 : i32
    %c0_i32_0 = arith.constant 0 : i32
    return %arg0, %c12_i32, %arg1, %c0_i32 : i32, i32, i32, i32
  }
  func.func @transform_13(%arg0: i32, %arg1: i32) -> (i32, i32, i32, i32) {
    %c13_i32 = arith.constant 13 : i32
    %c0_i32 = arith.constant 0 : i32
    %c0_i32_0 = arith.constant 0 : i32
    return %arg0, %c13_i32, %arg1, %c0_i32 : i32, i32, i32, i32
  }
  func.func @transform_14(%arg0: i32, %arg1: i32) -> (i32, i32, i32, i32) {
    %c14_i32 = arith.constant 14 : i32
    %c0_i32 = arith.constant 0 : i32
    %c0_i32_0 = arith.constant 0 : i32
    return %arg0, %c14_i32, %arg1, %c0_i32 : i32, i32, i32, i32
  }
  func.func @transform_15(%arg0: i32, %arg1: i32) -> (i32, i32, i32, i32) {
    %c15_i32 = arith.constant 15 : i32
    %c0_i32 = arith.constant 0 : i32
    %c0_i32_0 = arith.constant 0 : i32
    return %arg0, %c15_i32, %arg1, %c0_i32 : i32, i32, i32, i32
  }
  func.func @transform_16(%arg0: i32, %arg1: i32) -> (i32, i32, i32, i32) {
    %c0_i32 = arith.constant 0 : i32
    %c0_i32_0 = arith.constant 0 : i32
    %c0_i32_1 = arith.constant 0 : i32
    return %arg0, %c0_i32, %arg1, %c0_i32_0 : i32, i32, i32, i32
  }
  func.func @transform_17(%arg0: i32, %arg1: i32) -> (i32, i32, i32, i32) {
    %c0_i32 = arith.constant 0 : i32
    %c0_i32_0 = arith.constant 0 : i32
    %c0_i32_1 = arith.constant 0 : i32
    %c0_i32_2 = arith.constant 0 : i32
    %c0_i32_3 = arith.constant 0 : i32
    return %c0_i32, %c0_i32_0, %c0_i32_1, %c0_i32_2 : i32, i32, i32, i32
  }
}

</mosaic_0001>

<sc_bundles>
// kernel: kernel.5.cloned.1.call-start
scs
__scs_entry_jumppad:
0x0: {  	(pc) =	sbr.rel $0x88, $3  }
0x1: {  	(tag) =	ssettag $0x0;
	lr =	simm.s32 $0x1  }
0x2: {  	[smem:$0x3F9F] =	sst lr;
	_ =	strace $0xD0000000  }
0x3: {  	_ = 	snop  }
0x4: {  	_ = 	snop  }
0x5: {  	_ = 	snop  }
0x6: {  	_ = 	snop  }
0x7: {  	_ = 	snop  }
__scs_overlays_trampoline_lowered:
0x8: {  	[smem:$0x3FAE] =	sst s0  }
0x9: {  	[smem:$0x3FAF] =	sst s1  }
0xa: {  	[smem:$0x3FB0] =	sst s2  }
0xb: {  	[smem:$0x3FB1] =	sst s3  }
0xc: {  	[smem:$0x3FB2] =	sst s4  }
0xd: {  	[smem:$0x3FB3] =	sst s5  }
0xe: {  	[smem:$0x3FB4] =	sst s6  }
0xf: {  	[smem:$0x3FB5] =	sst s7  }
0x10: {  	[smem:$0x3FB6] =	sst s8  }
0x11: {  	[smem:$0x3FB7] =	sst s9;
	s0 =	simm.s32 @!p0 $0x0  }
0x12: {  	s1 =	sld [smem:$0x3F9D];
	s0 =	simm.s32 @p0 $0x1  }
0x13: {  	[smem:$0x3FB8] =	sst s0;
	s0 =	simm.s32 @!p1 $0x0  }
0x14: {  	s2 =	sld [smem:$0x3F9C];
	s0 =	simm.s32 @p1 $0x1  }
0x15: {  	[smem:$0x3FB9] =	sst s0;
	s0 =	simm.s32 @!p2 $0x0  }
0x16: {  	s3 =	sld [smem:$0x3FDB];
	s0 =	simm.s32 @p2 $0x1  }
0x17: {  	s4 =	simm.s32 $0x1BF5;
	[smem:$0x3FBB] =	sst s0  }
0x18: {  	s0 =	sld [smem:$0x3F9E];
	_ =	swait.ge [sflag:s4], $0x0  }
0x19: {  	s7 =	sld [smem:$0x3F9F]  }
0x1a: {  	s8 =	sadd.s32 $0xFFFFE003, lr  }
0x1b: {  	s9 =	sadd.s32 $0xFFFFFEF7, lr;
	s5 =	simm.s32 $0xFFFFFFFF;
	p2 =	slt.u32 s8, $0xFFFFF086  }
0x1c: {  	p1 =	slt.u32 s9, $0xF7A;
	s5 =	simm.s32 @!p2 $0x0  }
0x1d: {  	s5 =	simm.s32 @p1 $0x1;
	p0 =	seq.s32 s7, s2  }
0x1e: {  	s7 =	smul.u32 @!p0 $0xF7A, s2;
	p2 =	seq.s32 @!p0 s5, $0x0  }
0x1f: {  	s9 =	smul.u32 $0xF7A, s1;
	s8 =	simm.s32 @!p0 $0x1BF5;
	p2 =	por !p2, p0  }
0x20: {  	[sflag:s8] =	ssyncset.s32 @!p0 $0xFFFFF086;
	s6 =	sadd.s32 @!p0 s3, s7;
	s7 =	simm.s32 @!p0 $0x108  }
0x21: {  	s3 =	sadd.s32 s3, s9;
	s6 =	sadd.s32 @!p0 $0x88, s6;
	s7 =	simm.s32 @p2 $0x1082  }
0x22: {  	[simem:s7], [sflag:s8] =	dma.local @!p0 [hbm:s6], $0xF7A  }
0x23: {  	s9 =	sor.u32 $0xD0000000, s2;
	s6 =	simm.s32 $0x108;
	_ =	swait.ge @!p0 [sflag:s8], $0x0  }
0x24: {  	s3 =	sadd.s32 $0x88, s3;
	s6 =	simm.s32 @!p1 $0x1082;
	[sflag:s4] =	ssyncset.s32 $0xFFFFF086  }
0x25: {  	[simem:s6], [sflag:s4] =	dma.local [hbm:s3], $0xF7A  }
0x26: {  	[smem:$0x3F9F] =	sst s1;
	(tag) =	ssettag s2;
	_ =	strace s9  }
0x27: {  	s1 =	sld [smem:$0x3FAF]  }
0x28: {  	s2 =	sld [smem:$0x3FB0]  }
0x29: {  	s4 =	sld [smem:$0x3FB2]  }
0x2a: {  	p0 =	seq.s32 s5, $0x0;
	s5 =	sld [smem:$0x3FB3]  }
0x2b: {  	s6 =	sld [smem:$0x3FB4]  }
0x2c: {  	s7 =	sld [smem:$0x3FB5]  }
0x2d: {  	s3 =	simm.s32 $0x108;
	s8 =	sld [smem:$0x3FB6]  }
0x2e: {  	s3 =	simm.s32 @!p0 $0x1082;
	s9 =	sld [smem:$0x3FB7]  }
0x2f: {  	lr =	sadd.s32 s0, s3;
	s0 =	sld [smem:$0x3FAE]  }
0x30: {  	s3 =	sld [smem:$0x3FB1]  }
0x31: {  	[smem:$0x3FBA] =	sst s10  }
0x32: {  	s10 =	sld [smem:$0x3FB8];
	_ =	sdelay $0x3  }
0x33: {  	p0 =	seq.s32 s10, $0x1;
	s10 =	sld [smem:$0x3FBA];
	_ =	sdelay $0x3  }
0x34: {  	[smem:$0x3FBA] =	sst s10  }
0x35: {  	s10 =	sld [smem:$0x3FB9];
	_ =	sdelay $0x3  }
0x36: {  	p1 =	seq.s32 s10, $0x1;
	s10 =	sld [smem:$0x3FBA];
	_ =	sdelay $0x3  }
0x37: {  	[smem:$0x3FBA] =	sst s10  }
0x38: {  	s10 =	sld [smem:$0x3FBB]  }
0x39: {  	_ = 	snop;
	(pc) =	sbr.ind lr, $3  }
0x3a: {  	_ = 	snop  }
0x3b: {  	_ = 	snop  }
0x3c: {  	p2 =	seq.s32 s10, $0x1;
	s10 =	sld [smem:$0x3FBA]  }
0x3d: {  	_ =	shalt  }
0x3e: {  	_ =	shalt  }
0x3f: {  	_ =	shalt  }
0x40: {  	_ =	shalt  }
0x41: {  	_ =	shalt  }
0x42: {  	_ =	shalt  }
0x43: {  	_ =	shalt  }
0x44: {  	_ =	shalt  }
0x45: {  	_ =	shalt  }
0x46: {  	_ =	shalt  }
0x47: {  	_ =	shalt  }
0x48: {  	_ =	shalt  }
0x49: {  	_ =	shalt  }
0x4a: {  	_ =	shalt  }
0x4b: {  	_ =	shalt  }
0x4c: {  	_ =	shalt  }
0x4d: {  	_ =	shalt  }
0x4e: {  	_ =	shalt  }
0x4f: {  	_ =	shalt  }
0x50: {  	_ =	shalt  }
0x51: {  	_ =	shalt  }
0x52: {  	_ =	shalt  }
0x53: {  	_ =	shalt  }
0x54: {  	_ =	shalt  }
0x55: {  	_ =	shalt  }
0x56: {  	_ =	shalt  }
0x57: {  	_ =	shalt  }
0x58: {  	_ =	shalt  }
0x59: {  	_ =	shalt  }
0x5a: {  	_ =	shalt  }
0x5b: {  	_ =	shalt  }
0x5c: {  	_ =	shalt  }
0x5d: {  	_ =	shalt  }
0x5e: {  	_ =	shalt  }
0x5f: {  	_ =	shalt  }
0x60: {  	_ =	shalt  }
0x61: {  	_ =	shalt  }
0x62: {  	_ =	shalt  }
0x63: {  	_ =	shalt  }
0x64: {  	_ =	shalt  }
0x65: {  	_ =	shalt  }
0x66: {  	_ =	shalt  }
0x67: {  	_ =	shalt  }
0x68: {  	_ =	shalt  }
0x69: {  	_ =	shalt  }
0x6a: {  	_ =	shalt  }
0x6b: {  	_ =	shalt  }
0x6c: {  	_ =	shalt  }
0x6d: {  	_ =	shalt  }
0x6e: {  	_ =	shalt  }
0x6f: {  	_ =	shalt  }
0x70: {  	_ =	shalt  }
0x71: {  	_ =	shalt  }
0x72: {  	_ =	shalt  }
0x73: {  	_ =	shalt  }
0x74: {  	_ =	shalt  }
0x75: {  	_ =	shalt  }
0x76: {  	_ =	shalt  }
0x77: {  	_ =	shalt  }
0x78: {  	_ =	shalt  }
0x79: {  	_ =	shalt  }
0x7a: {  	_ =	shalt  }
0x7b: {  	_ =	shalt  }
0x7c: {  	_ =	shalt  }
0x7d: {  	_ =	shalt  }
0x7e: {  	_ =	shalt  }
0x7f: {  	_ =	shalt  }
0x80: {  	_ =	shalt  }
0x81: {  	_ =	shalt  }
0x82: {  	_ =	shalt  }
0x83: {  	_ =	shalt  }
0x84: {  	_ =	shalt  }
0x85: {  	_ =	shalt  }
0x86: {  	_ =	shalt  }
0x87: {  	_ =	shalt  }
.Lfunc_end0:
.L_simem_size_0:
called_computation_lowered:
.L_overlay_start_0:
0x88: {  	s2 =	sld [smem:$0x3FD9]  }
0x89: {  	s3 =	sld [smem:$0x3FFE];
	_ =	sdelay $0x1  }
0x8a: {  	s1 =	srdreg.scid  }
0x8b: {  	s0 =	sand.u32 $0x1, s1  }
0x8c: {  	s17 =	sshll.u32 s0, $0xA;
	s2 =	sadd.s32 s3, s2  }
0x8d: {  	s2 =	sadd.s32 s2, s17  }
0x8e: {  	[smem:$0x3FC6] =	sst s2  }
0x8f: {  	_ = 	snop  }
0x90: {  	s2 =	sld [smem:$0x3FC8];
	(tm) =	ssettm $0x1  }
0x91: {  	s18 =	sld [smem:$0x3FFB];
	_ =	sdelay $0x3  }
0x92: {  	_ =	strace s18  }
0x93: {  	s3 =	sld [smem:$0x3FFC];
	_ =	sdelay $0x3  }
0x94: {  	_ =	strace s3  }
0x95: {  	s3 =	sld [smem:$0x3FFD];
	_ =	sdelay $0x3  }
0x96: {  	_ =	strace s3  }
0x97: {  	_ =	strace $0x8FFFFFFF  }
0x98: {  	s19 =	sld [smem:$0x3FDB];
	_ =	sdelay $0x1  }
0x99: {  	s4 =	simm.s32 $_scs_section_size  }
0x9a: {  	s5 =	simm.s32 $_size__tile_overlayer_lowered;
	s6 =	simm.s32 $_tile_overlayer_lowered  }
0x9b: {  	s22 =	simm.s32 $0x1BFF;
	s21 =	sshll.u32 s6, $0x1;
	s3 =	sadd.s32 s4, s19  }
0x9c: {  	s7 =	simm.s32 $0x0;
	s20 =	sshll.u32 s5, $0x1;
	s5 =	sadd.s32 s21, s3  }
0x9d: {  	[timem:s7], [sflag:s22] =	dma.local [hbm:s5], s20  }
0x9e: {  	_ =	swait.ge [sflag:s22], s20  }
0x9f: {  	s4 =	ssub.s32 $0x0, s20;
	[sflag:s22] =	ssyncset.done $0x0  }
0xa0: {  	[sflag:s22] =	ssyncadd.s32 s4;
	_ =	sdelay $0x1  }
0xa1: {  	s23 =	simm.s32 $0x1B8B  }
0xa2: {  	_ =	swait.ge [sflag:s23], $0x1  }
0xa3: {  	[sflag:s23] =	ssyncset.done $0x0  }
0xa4: {  	s25 =	simm.s32 $0x1B8E;
	s24 =	sld [smem:$0x3FFE];
	[sflag:s23] =	ssyncadd.s32 $0xFFFFFFFF  }
0xa5: {  	s26 =	simm.s32 $execute0_lowered;
	[smem:$0x3FD2] =	sst s25  }
0xa6: {  	s5 =	sshll.u32 s26, $0x1;
	_ =	strace $0x80000046;
	[dreg:$0x1] =	wrdreg $0xFFFFFFFF  }
0xa7: {  	s28 =	simm.s32 $_size_execute0_lowered;
	s3 =	sadd.s32 s3, s5;
	[dreg:$0x0] =	wrdreg $0x0  }
0xa8: {  	s5 =	sshll.u32 s28, $0x1;
	[dreg:$0x2] =	wrdreg s3  }
0xa9: {  	[dreg:$0x3] =	wrdreg s5  }
0xaa: {  	[dreg:$0x4] =	wrdreg $0xC0  }
0xab: {  	_ =	task [dreg:s7], $0x5FFFF  }
0xac: {  	[dreg:$0x1] =	wrdreg $0xFFFFFFFF  }
0xad: {  	[dreg:$0x0] =	wrdreg $0x60  }
0xae: {  	[dreg:$0x2] =	wrdreg s2  }
0xaf: {  	[dreg:$0x3] =	wrdreg s24  }
0xb0: {  	[dreg:$0x4] =	wrdreg $0x9  }
0xb1: {  	_ =	task.clear_ibuf [dreg:s7], $0x5FFFF;
	_ =	strace $0x90000046  }
0xb2: {  	s29 =	simm.s32 $0x9;
	_ =	strace $0x80000048  }
0xb3: {  	_ =	swait.ge [sflag:s29], $0x1  }
0xb4: {  	[sflag:s29] =	ssyncadd.s32 $0xFFFFFFFF  }
0xb5: {  	_ =	strace $0x90000048  }
0xb6: {  	_ =	sfence  }
0xb7: {  	s30 =	sld [smem:$0x0];
	_ =	sdelay $0x2  }
0xb8: {  	s31 =	sshll.u32 s1, $0xD;
	s1 =	sshrl.u32 s1, $0x2  }
0xb9: {  	s3 =	sand.u32 $0x4000, s31;
	s1 =	sadd.s32 s1, s30  }
0xba: {  	s0 =	sor.u32 s3, s0;
	s1 =	sshll.u32 s1, $0x11  }
0xbb: {  	s0 =	sor.u32 s1, s0  }
0xbc: {  	s0 =	sadd.s32 $0x8F2B, s0  }
0xbd: {  	[sflag:s0] =	ssyncadd.remote.s32 $0x1  }
0xbe: {  	_ =	sfence.sel $0xFFFF  }
0xbf: {  	[dreg:$0x0] =	wrdreg $0xFFFFFFFF;
	(pc) =	sbr.abs _section_cstart, $3  }
0xc0: {  	[dreg:$0x1] =	wrdreg $0xFFFFFFFF  }
0xc1: {  	_ =	task.clear_ibuf [dreg:s7], $0x2FFFF;
	_ =	strace $0x9FFFFFFF  }
0xc2: {  	(tm) =	ssettm $0x7FFFFFFF  }
0xc3: {  	_ =	shalt  }
tec
execute0_lowered:
.L_overlay_start_1:
0x0: {  	(tag) =	ssettag $0x1  }
0x1: {  	s3 =	rddreg [dreg:$0x0]  }
0x2: {  	s4 =	rddreg [dreg:$0x1]  }
0x3: {  	s1 =	srdreg.scid;
	s0 =	rddreg [dreg:$0x2];
	s2 =	simm.s32 $0x0  }
0x4: {  	s9 =	simm.s32 $0x10000;
	s10 =	simm.s32 $0x0;
	s5 =	sand.u32 $0x1, s1  }
0x5: {  	s1 =	stileid.u32;
	[smem:$0x7FF] =	sst s2;
	s6 =	sshll.u32 s5, $0x4  }
0x6: {  	s7 =	sshll.u32 s1, $0x4;
	_ =	strace $0x80000047;
	s5 =	ssub.s32 $0x2, s5  }
0x7: {  	s6 =	sor.u32 s1, s6;
	s7 =	sand.u32 $0x70, s7;
	s31 =	sshrl.u32 s5, $0x1  }
0x8: {  	s8 =	sshll.u32 s6, $0x5;
	s4 =	sadd.s32 s7, s4;
	s6 =	sshll.u32 s6, $0xD  }
0x9: {  	s5 =	ssub.s32 s5, s31;
	s7 =	simm.s32 $0x80;
	s30 =	sand.u32 $0x300, s8  }
0xa: {  	s3 =	sadd.s32 s3, s6;
	s5 =	smax.u32 s5, $0x1;
	s4 =	sadd.s32 s30, s4  }
0xb: {  	v0 =	vimm.s32 $0x1;
	s6 =	simm.s32 $0x1;
	s8 =	simm.s32 $0x400;
	s4 =	sadd.s32 $0x600, s4  }
.LBB2_1:
0xc: {  	v1 =	vimm.s32 $0x0  }
0xd: {  	v2 =	vimm.s32 $0x0;
	v3 =	vimm.s32 $0x0;
	v4 =	vimm.s32 $0x0  }
0xe: {  	[tilespmem:s2], [sflag:$0x1] =	stream.linear.gather [hbm4b:s3+s2], $0x10000, $0x38;
	v5 =	vimm.s32 $0x0;
	v6 =	vimm.s32 $0x0;
	v7 =	vimm.s32 $0x0;
	[tilespmem:$0x10100] =	vst v63  }
0xf: {  	v8 =	vimm.s32 $0x0;
	v9 =	vimm.s32 $0x0;
	v10 =	vimm.s32 $0x0;
	_ =	swait.ge [sflag:s6], $0x10000  }
0x10: {  	v11 =	vimm.s32 $0x0;
	v12 =	vimm.s32 $0x0;
	v13 =	vimm.s32 $0x0;
	[sflag:s6] =	ssyncset.done $0x0  }
0x11: {  	s11 =	simm.s32 $0x0;
	v14 =	vimm.s32 $0x0;
	v15 =	vimm.s32 $0x0;
	v16 =	vimm.s32 $0x0;
	[sflag:s6] =	ssyncadd.s32 $0xFFFF0000  }
.LBB2_2:
0x12: {  	s12 =	sshra.s32 s11, $0x2  }
0x13: {  	v17 =	vld [tilespmem:s12+$0x0]  }
0x14: {  	v18 =	vld [tilespmem:s12+$0x10]  }
0x15: {  	v23 =	vld [tilespmem:s12+$0x20]  }
0x16: {  	v26 =	vld [tilespmem:s12+$0x30]  }
0x17: {  	v41 =	vld [tilespmem:s12+$0x40]  }
0x18: {  	v46 =	vld [tilespmem:s12+$0x50]  }
0x19: {  	v52 =	vld [tilespmem:s12+$0x60]  }
0x1a: {  	v58 =	vld [tilespmem:s12+$0x70]  }
0x1b: {  	v63 =	vld [tilespmem:s12+$0x80]  }
0x1c: {  	v19 =	vshll.u32 v17, $0x3  }
0x1d: {  	v17 =	vshra.s32 v17, $0x2;
	v22 =	vshll.u32 v18, $0x3;
	v18 =	vshra.s32 v18, $0x2  }
0x1e: {  	v25 =	vshll.u32 v23, $0x3;
	v40 =	vshll.u32 v26, $0x3;
	v45 =	vshll.u32 v41, $0x3  }
0x1f: {  	v51 =	vshll.u32 v46, $0x3;
	v57 =	vshll.u32 v52, $0x3;
	v62 =	vshll.u32 v58, $0x3  }
0x20: {  	v32 =	vshll.u32 v63, $0x3;
	v19 =	vand.u32 $0x18, v19;
	vm0 =	veq.s32 v17, $0x0  }
0x21: {  	vm14 =	veq.s32 v17, $0x1;
	vm15 =	veq.s32 v17, $0x2;
	v22 =	vand.u32 $0x18, v22  }
0x22: {  	vm4 =	veq.s32 v17, $0x3;
	vm1 =	veq.s32 v18, $0x0;
	vm5 =	veq.s32 v18, $0x1  }
0x23: {  	vm6 =	veq.s32 v18, $0x2;
	vm7 =	veq.s32 v18, $0x3;
	v18 =	vshra.s32 v23, $0x2  }
0x24: {  	v37 =	vand.u32 $0x18, v25;
	v25 =	vand.u32 $0x18, v40;
	v53 =	vand.u32 $0x18, v51  }
0x25: {  	v34 =	vand.u32 $0x18, v32;
	v19 =	vshll.u32 v0, v19;
	v17 =	vshll.u32 v0, v22  }
0x26: {  	v23 =	vshll.u32 v0, v37;
	vm8 =	veq.s32 v18, $0x0;
	vm9 =	veq.s32 v18, $0x1  }
0x27: {  	vm10 =	veq.s32 v18, $0x2;
	vm11 =	veq.s32 v18, $0x3;
	v18 =	vshra.s32 v26, $0x2  }
0x28: {  	v25 =	vshll.u32 v0, v25;
	v20 =	vnsel vm0, $0x0, v19;
	v21 =	vnsel vm14, $0x0, v19  }
0x29: {  	v24 =	vnsel vm15, $0x0, v19;
	v19 =	vnsel vm4, $0x0, v19;
	v22 =	vnsel vm1, $0x0, v17  }
0x2a: {  	v35 =	vnsel vm5, $0x0, v17;
	v36 =	vnsel vm6, $0x0, v17;
	v17 =	vnsel vm7, $0x0, v17  }
0x2b: {  	v38 =	vnsel vm8, $0x0, v23;
	v39 =	vnsel vm10, $0x0, v23;
	vm12 =	veq.s32 v18, $0x0  }
0x2c: {  	vm13 =	veq.s32 v18, $0x1;
	vm14 =	veq.s32 v18, $0x2;
	vm15 =	veq.s32 v18, $0x3  }
0x2d: {  	v18 =	vshra.s32 v41, $0x2;
	v20 =	vadd.s32 v20, v22;
	v21 =	vadd.s32 v21, v35  }
0x2e: {  	v22 =	vadd.s32 v24, v36;
	v17 =	vadd.s32 v19, v17;
	v19 =	vnsel vm9, $0x0, v23  }
0x2f: {  	v23 =	vnsel vm11, $0x0, v23;
	v42 =	vnsel vm12, $0x0, v25;
	v43 =	vnsel vm13, $0x0, v25  }
0x30: {  	v44 =	vnsel vm14, $0x0, v25;
	v47 =	vnsel vm15, $0x0, v25;
	vm4 =	veq.s32 v18, $0x0  }
0x31: {  	v33 =	vld [tilespmem:s12+$0x90];
	vm5 =	veq.s32 v18, $0x1;
	vm6 =	veq.s32 v18, $0x2;
	vm7 =	veq.s32 v18, $0x3  }
0x32: {  	v18 =	vshra.s32 v46, $0x2;
	v25 =	vand.u32 $0x18, v57;
	v20 =	vadd.s32 v38, v20  }
0x33: {  	v19 =	vadd.s32 v19, v21;
	v22 =	vadd.s32 v39, v22;
	v17 =	vadd.s32 v23, v17  }
0x34: {  	v23 =	vshll.u32 v0, v53;
	vm8 =	veq.s32 v18, $0x0;
	vm9 =	veq.s32 v18, $0x1  }
0x35: {  	vm10 =	veq.s32 v18, $0x2;
	vm11 =	veq.s32 v18, $0x3;
	v18 =	vshra.s32 v52, $0x2  }
0x36: {  	v25 =	vshll.u32 v0, v25;
	v38 =	vshll.u32 v33, $0x3;
	v20 =	vadd.s32 v42, v20  }
0x37: {  	v19 =	vadd.s32 v43, v19;
	v21 =	vadd.s32 v44, v22;
	v22 =	vand.u32 $0x18, v45  }
0x38: {  	v17 =	vadd.s32 v47, v17;
	v54 =	vnsel vm8, $0x0, v23;
	v55 =	vnsel vm9, $0x0, v23  }
0x39: {  	v56 =	vnsel vm10, $0x0, v23;
	v23 =	vnsel vm11, $0x0, v23;
	vm12 =	veq.s32 v18, $0x0  }
0x3a: {  	vm13 =	veq.s32 v18, $0x1;
	vm14 =	veq.s32 v18, $0x2;
	vm15 =	veq.s32 v18, $0x3  }
0x3b: {  	v18 =	vshra.s32 v58, $0x2;
	v22 =	vshll.u32 v0, v22;
	v59 =	vnsel vm12, $0x0, v25  }
0x3c: {  	v60 =	vnsel vm13, $0x0, v25;
	v61 =	vnsel vm14, $0x0, v25;
	v28 =	vnsel vm15, $0x0, v25  }
0x3d: {  	v25 =	vand.u32 $0x18, v38;
	v48 =	vnsel vm4, $0x0, v22;
	v49 =	vnsel vm5, $0x0, v22  }
0x3e: {  	v50 =	vnsel vm6, $0x0, v22;
	v22 =	vnsel vm7, $0x0, v22;
	vm4 =	veq.s32 v18, $0x0  }
0x3f: {  	vm5 =	veq.s32 v18, $0x1;
	vm6 =	veq.s32 v18, $0x2;
	vm7 =	veq.s32 v18, $0x3  }
0x40: {  	v18 =	vshra.s32 v63, $0x2;
	v25 =	vshll.u32 v0, v25;
	v20 =	vadd.s32 v48, v20  }
0x41: {  	v19 =	vadd.s32 v49, v19;
	v21 =	vadd.s32 v50, v21;
	v17 =	vadd.s32 v22, v17  }
0x42: {  	v39 =	vld [tilespmem:s12+$0xA0];
	v22 =	vand.u32 $0x18, v62;
	vm8 =	veq.s32 v18, $0x0;
	vm9 =	veq.s32 v18, $0x1  }
0x43: {  	vm10 =	veq.s32 v18, $0x2;
	vm11 =	veq.s32 v18, $0x3;
	v18 =	vshra.s32 v33, $0x2  }
0x44: {  	v20 =	vadd.s32 v54, v20;
	v19 =	vadd.s32 v55, v19;
	v21 =	vadd.s32 v56, v21  }
0x45: {  	v17 =	vadd.s32 v23, v17;
	v22 =	vshll.u32 v0, v22;
	v23 =	vshll.u32 v0, v34  }
0x46: {  	vm12 =	veq.s32 v18, $0x0;
	vm13 =	veq.s32 v18, $0x1;
	vm14 =	veq.s32 v18, $0x2  }
0x47: {  	v43 =	vshll.u32 v39, $0x3;
	vm15 =	veq.s32 v18, $0x3;
	v18 =	vshra.s32 v39, $0x2  }
0x48: {  	v20 =	vadd.s32 v59, v20;
	v19 =	vadd.s32 v60, v19;
	v21 =	vadd.s32 v61, v21  }
0x49: {  	v44 =	vld [tilespmem:s12+$0xB0];
	v17 =	vadd.s32 v28, v17;
	v29 =	vnsel vm4, $0x0, v22;
	v30 =	vnsel vm5, $0x0, v22  }
0x4a: {  	v31 =	vnsel vm6, $0x0, v22;
	v22 =	vnsel vm7, $0x0, v22;
	v35 =	vnsel vm8, $0x0, v23  }
0x4b: {  	v36 =	vnsel vm9, $0x0, v23;
	v37 =	vnsel vm10, $0x0, v23;
	v23 =	vnsel vm11, $0x0, v23  }
0x4c: {  	v40 =	vnsel vm12, $0x0, v25;
	v41 =	vnsel vm13, $0x0, v25;
	v42 =	vnsel vm14, $0x0, v25  }
0x4d: {  	v45 =	vnsel vm15, $0x0, v25;
	vm4 =	veq.s32 v18, $0x0;
	vm5 =	veq.s32 v18, $0x1  }
0x4e: {  	vm6 =	veq.s32 v18, $0x2;
	v49 =	vshll.u32 v44, $0x3;
	vm7 =	veq.s32 v18, $0x3  }
0x4f: {  	v18 =	vshra.s32 v44, $0x2;
	v20 =	vadd.s32 v29, v20;
	v19 =	vadd.s32 v30, v19  }
0x50: {  	v21 =	vadd.s32 v31, v21;
	v17 =	vadd.s32 v22, v17;
	v22 =	vand.u32 $0x18, v43  }
0x51: {  	v51 =	vand.u32 $0x18, v49;
	vm8 =	veq.s32 v18, $0x0;
	vm9 =	veq.s32 v18, $0x1  }
0x52: {  	vm10 =	veq.s32 v18, $0x2;
	vm11 =	veq.s32 v18, $0x3;
	v20 =	vadd.s32 v35, v20  }
0x53: {  	v50 =	vld [tilespmem:s12+$0xC0];
	v19 =	vadd.s32 v36, v19;
	v21 =	vadd.s32 v37, v21;
	v17 =	vadd.s32 v23, v17  }
0x54: {  	v22 =	vshll.u32 v0, v22;
	v23 =	vshll.u32 v0, v51;
	v20 =	vadd.s32 v40, v20  }
0x55: {  	v19 =	vadd.s32 v41, v19;
	v21 =	vadd.s32 v42, v21;
	v17 =	vadd.s32 v45, v17  }
0x56: {  	v46 =	vnsel vm4, $0x0, v22;
	v47 =	vnsel vm5, $0x0, v22;
	v48 =	vnsel vm6, $0x0, v22  }
0x57: {  	v56 =	vld [tilespmem:s12+$0xD0];
	v22 =	vnsel vm7, $0x0, v22;
	v52 =	vnsel vm8, $0x0, v23;
	v53 =	vnsel vm9, $0x0, v23  }
0x58: {  	v54 =	vnsel vm10, $0x0, v23;
	v55 =	vshll.u32 v50, $0x3;
	v18 =	vshra.s32 v50, $0x2  }
0x59: {  	v23 =	vnsel vm11, $0x0, v23;
	v20 =	vadd.s32 v46, v20;
	v19 =	vadd.s32 v47, v19  }
0x5a: {  	v21 =	vadd.s32 v48, v21;
	v17 =	vadd.s32 v22, v17;
	v25 =	vand.u32 $0x18, v55  }
0x5b: {  	v61 =	vld [tilespmem:s12+$0xE0];
	vm12 =	veq.s32 v18, $0x0;
	vm13 =	veq.s32 v18, $0x1;
	vm14 =	veq.s32 v18, $0x2  }
0x5c: {  	v60 =	vshll.u32 v56, $0x3;
	vm15 =	veq.s32 v18, $0x3;
	v18 =	vshra.s32 v56, $0x2  }
0x5d: {  	v20 =	vadd.s32 v52, v20;
	v25 =	vshll.u32 v0, v25;
	v19 =	vadd.s32 v53, v19  }
0x5e: {  	v21 =	vadd.s32 v54, v21;
	v17 =	vadd.s32 v23, v17;
	v22 =	vand.u32 $0x18, v60  }
0x5f: {  	v31 =	vld [tilespmem:s12+$0xF0];
	vm4 =	veq.s32 v18, $0x0;
	vm5 =	veq.s32 v18, $0x1;
	vm6 =	veq.s32 v18, $0x2  }
0x60: {  	v30 =	vshll.u32 v61, $0x3;
	vm7 =	veq.s32 v18, $0x3;
	v18 =	vshra.s32 v61, $0x2  }
0x61: {  	v57 =	vnsel vm12, $0x0, v25;
	v58 =	vnsel vm13, $0x0, v25;
	v59 =	vnsel vm14, $0x0, v25  }
0x62: {  	v62 =	vnsel vm15, $0x0, v25;
	v22 =	vshll.u32 v0, v22;
	v32 =	vand.u32 $0x18, v30  }
0x63: {  	vm8 =	veq.s32 v18, $0x0;
	vm9 =	veq.s32 v18, $0x1;
	vm10 =	veq.s32 v18, $0x2  }
0x64: {  	v37 =	vld [tilespmem:s12+$0x100];
	v36 =	vshll.u32 v31, $0x3;
	vm11 =	veq.s32 v18, $0x3;
	v18 =	vshra.s32 v31, $0x2  }
0x65: {  	v20 =	vadd.s32 v57, v20;
	v19 =	vadd.s32 v58, v19;
	v21 =	vadd.s32 v59, v21  }
0x66: {  	v17 =	vadd.s32 v62, v17;
	v63 =	vnsel vm4, $0x0, v22;
	v28 =	vnsel vm5, $0x0, v22  }
0x67: {  	v29 =	vnsel vm6, $0x0, v22;
	v22 =	vnsel vm7, $0x0, v22;
	v23 =	vshll.u32 v0, v32  }
0x68: {  	v25 =	vand.u32 $0x18, v36;
	vm12 =	veq.s32 v18, $0x0;
	vm13 =	veq.s32 v18, $0x1  }
0x69: {  	v42 =	vld [tilespmem:s12+$0x110];
	vm14 =	veq.s32 v18, $0x2;
	v41 =	vshll.u32 v37, $0x3;
	vm15 =	veq.s32 v18, $0x3  }
0x6a: {  	v18 =	vshra.s32 v37, $0x2;
	v20 =	vadd.s32 v63, v20;
	v19 =	vadd.s32 v28, v19  }
0x6b: {  	v21 =	vadd.s32 v29, v21;
	v33 =	vnsel vm8, $0x0, v23;
	v17 =	vadd.s32 v22, v17  }
0x6c: {  	v34 =	vnsel vm9, $0x0, v23;
	v35 =	vnsel vm10, $0x0, v23;
	v23 =	vnsel vm11, $0x0, v23  }
0x6d: {  	v25 =	vshll.u32 v0, v25;
	v22 =	vand.u32 $0x18, v41;
	vm4 =	veq.s32 v18, $0x0  }
0x6e: {  	vm5 =	veq.s32 v18, $0x1;
	vm6 =	veq.s32 v18, $0x2;
	v47 =	vshll.u32 v42, $0x3  }
0x6f: {  	v48 =	vld [tilespmem:s12+$0x120];
	vm7 =	veq.s32 v18, $0x3;
	v18 =	vshra.s32 v42, $0x2;
	v20 =	vadd.s32 v33, v20  }
0x70: {  	v19 =	vadd.s32 v34, v19;
	v38 =	vnsel vm12, $0x0, v25;
	v21 =	vadd.s32 v35, v21  }
0x71: {  	v39 =	vnsel vm13, $0x0, v25;
	v17 =	vadd.s32 v23, v17;
	v40 =	vnsel vm14, $0x0, v25  }
0x72: {  	v43 =	vnsel vm15, $0x0, v25;
	v22 =	vshll.u32 v0, v22;
	v49 =	vand.u32 $0x18, v47  }
0x73: {  	vm8 =	veq.s32 v18, $0x0;
	vm9 =	veq.s32 v18, $0x1;
	vm10 =	veq.s32 v18, $0x2  }
0x74: {  	v54 =	vld [tilespmem:s12+$0x130];
	v53 =	vshll.u32 v48, $0x3;
	vm11 =	veq.s32 v18, $0x3;
	v18 =	vshra.s32 v48, $0x2  }
0x75: {  	v20 =	vadd.s32 v38, v20;
	v19 =	vadd.s32 v39, v19;
	v21 =	vadd.s32 v40, v21  }
0x76: {  	v17 =	vadd.s32 v43, v17;
	v44 =	vnsel vm4, $0x0, v22;
	v45 =	vnsel vm5, $0x0, v22  }
0x77: {  	v46 =	vnsel vm6, $0x0, v22;
	v22 =	vnsel vm7, $0x0, v22;
	v23 =	vshll.u32 v0, v49  }
0x78: {  	v25 =	vand.u32 $0x18, v53;
	vm12 =	veq.s32 v18, $0x0;
	vm13 =	veq.s32 v18, $0x1  }
0x79: {  	vm14 =	veq.s32 v18, $0x2;
	v58 =	vshll.u32 v54, $0x3;
	vm15 =	veq.s32 v18, $0x3  }
0x7a: {  	v18 =	vshra.s32 v54, $0x2;
	v20 =	vadd.s32 v44, v20;
	v19 =	vadd.s32 v45, v19  }
0x7b: {  	v21 =	vadd.s32 v46, v21;
	v50 =	vnsel vm8, $0x0, v23;
	v17 =	vadd.s32 v22, v17  }
0x7c: {  	v51 =	vnsel vm9, $0x0, v23;
	v52 =	vnsel vm10, $0x0, v23;
	v23 =	vnsel vm11, $0x0, v23  }
0x7d: {  	v59 =	vld [tilespmem:s12+$0x140];
	v25 =	vshll.u32 v0, v25;
	v22 =	vand.u32 $0x18, v58;
	vm4 =	veq.s32 v18, $0x0  }
0x7e: {  	vm5 =	veq.s32 v18, $0x1;
	vm6 =	veq.s32 v18, $0x2;
	vm7 =	veq.s32 v18, $0x3  }
0x7f: {  	v20 =	vadd.s32 v50, v20;
	v19 =	vadd.s32 v51, v19;
	v55 =	vnsel vm12, $0x0, v25  }
0x80: {  	v21 =	vadd.s32 v52, v21;
	v56 =	vnsel vm13, $0x0, v25;
	v17 =	vadd.s32 v23, v17  }
0x81: {  	v29 =	vld [tilespmem:s12+$0x150];
	v57 =	vnsel vm14, $0x0, v25;
	v60 =	vnsel vm15, $0x0, v25;
	v22 =	vshll.u32 v0, v22  }
0x82: {  	v28 =	vshll.u32 v59, $0x3;
	v18 =	vshra.s32 v59, $0x2;
	v20 =	vadd.s32 v55, v20  }
0x83: {  	v19 =	vadd.s32 v56, v19;
	v21 =	vadd.s32 v57, v21;
	v17 =	vadd.s32 v60, v17  }
0x84: {  	v61 =	vnsel vm4, $0x0, v22;
	v62 =	vnsel vm5, $0x0, v22;
	v63 =	vnsel vm6, $0x0, v22  }
0x85: {  	v35 =	vld [tilespmem:s12+$0x160];
	v30 =	vand.u32 $0x18, v28;
	v22 =	vnsel vm7, $0x0, v22;
	vm8 =	veq.s32 v18, $0x0  }
0x86: {  	vm9 =	veq.s32 v18, $0x1;
	vm10 =	veq.s32 v18, $0x2;
	v34 =	vshll.u32 v29, $0x3  }
0x87: {  	vm11 =	veq.s32 v18, $0x3;
	v18 =	vshra.s32 v29, $0x2;
	v20 =	vadd.s32 v61, v20  }
0x88: {  	v19 =	vadd.s32 v62, v19;
	v23 =	vshll.u32 v0, v30;
	v21 =	vadd.s32 v63, v21  }
0x89: {  	v40 =	vld [tilespmem:s12+$0x170];
	v17 =	vadd.s32 v22, v17;
	v25 =	vand.u32 $0x18, v34;
	vm12 =	veq.s32 v18, $0x0  }
0x8a: {  	vm13 =	veq.s32 v18, $0x1;
	vm14 =	veq.s32 v18, $0x2;
	v39 =	vshll.u32 v35, $0x3  }
0x8b: {  	vm15 =	veq.s32 v18, $0x3;
	v18 =	vshra.s32 v35, $0x2;
	v31 =	vnsel vm8, $0x0, v23  }
0x8c: {  	v32 =	vnsel vm9, $0x0, v23;
	v33 =	vnsel vm10, $0x0, v23;
	v23 =	vnsel vm11, $0x0, v23  }
0x8d: {  	v25 =	vshll.u32 v0, v25;
	v22 =	vand.u32 $0x18, v39;
	vm4 =	veq.s32 v18, $0x0  }
0x8e: {  	vm5 =	veq.s32 v18, $0x1;
	vm6 =	veq.s32 v18, $0x2;
	v45 =	vshll.u32 v40, $0x3  }
0x8f: {  	v46 =	vld [tilespmem:s12+$0x180];
	vm7 =	veq.s32 v18, $0x3;
	v18 =	vshra.s32 v40, $0x2;
	v20 =	vadd.s32 v31, v20  }
0x90: {  	v19 =	vadd.s32 v32, v19;
	v36 =	vnsel vm12, $0x0, v25;
	v21 =	vadd.s32 v33, v21  }
0x91: {  	v37 =	vnsel vm13, $0x0, v25;
	v17 =	vadd.s32 v23, v17;
	v38 =	vnsel vm14, $0x0, v25  }
0x92: {  	v41 =	vnsel vm15, $0x0, v25;
	v22 =	vshll.u32 v0, v22;
	v47 =	vand.u32 $0x18, v45  }
0x93: {  	vm8 =	veq.s32 v18, $0x0;
	vm9 =	veq.s32 v18, $0x1;
	vm10 =	veq.s32 v18, $0x2  }
0x94: {  	v52 =	vld [tilespmem:s12+$0x190];
	v51 =	vshll.u32 v46, $0x3;
	vm11 =	veq.s32 v18, $0x3;
	v18 =	vshra.s32 v46, $0x2  }
0x95: {  	v20 =	vadd.s32 v36, v20;
	v19 =	vadd.s32 v37, v19;
	v21 =	vadd.s32 v38, v21  }
0x96: {  	v17 =	vadd.s32 v41, v17;
	v42 =	vnsel vm4, $0x0, v22;
	v43 =	vnsel vm5, $0x0, v22  }
0x97: {  	v44 =	vnsel vm6, $0x0, v22;
	v22 =	vnsel vm7, $0x0, v22;
	v23 =	vshll.u32 v0, v47  }
0x98: {  	v25 =	vand.u32 $0x18, v51;
	vm12 =	veq.s32 v18, $0x0;
	vm13 =	veq.s32 v18, $0x1  }
0x99: {  	v57 =	vld [tilespmem:s12+$0x1A0];
	vm14 =	veq.s32 v18, $0x2;
	v56 =	vshll.u32 v52, $0x3;
	vm15 =	veq.s32 v18, $0x3  }
0x9a: {  	v18 =	vshra.s32 v52, $0x2;
	v20 =	vadd.s32 v42, v20;
	v19 =	vadd.s32 v43, v19  }
0x9b: {  	v21 =	vadd.s32 v44, v21;
	v48 =	vnsel vm8, $0x0, v23;
	v17 =	vadd.s32 v22, v17  }
0x9c: {  	v49 =	vnsel vm9, $0x0, v23;
	v50 =	vnsel vm10, $0x0, v23;
	v23 =	vnsel vm11, $0x0, v23  }
0x9d: {  	v25 =	vshll.u32 v0, v25;
	v22 =	vand.u32 $0x18, v56;
	vm4 =	veq.s32 v18, $0x0  }
0x9e: {  	vm5 =	veq.s32 v18, $0x1;
	vm6 =	veq.s32 v18, $0x2;
	v62 =	vshll.u32 v57, $0x3  }
0x9f: {  	v63 =	vld [tilespmem:s12+$0x1B0];
	vm7 =	veq.s32 v18, $0x3;
	v18 =	vshra.s32 v57, $0x2;
	v20 =	vadd.s32 v48, v20  }
0xa0: {  	v19 =	vadd.s32 v49, v19;
	v53 =	vnsel vm12, $0x0, v25;
	v21 =	vadd.s32 v50, v21  }
0xa1: {  	v54 =	vnsel vm13, $0x0, v25;
	v17 =	vadd.s32 v23, v17;
	v55 =	vnsel vm14, $0x0, v25  }
0xa2: {  	v58 =	vnsel vm15, $0x0, v25;
	v22 =	vshll.u32 v0, v22;
	v27 =	vand.u32 $0x18, v62  }
0xa3: {  	vm8 =	veq.s32 v18, $0x0;
	vm9 =	veq.s32 v18, $0x1;
	vm10 =	veq.s32 v18, $0x2  }
0xa4: {  	v31 =	vshll.u32 v63, $0x3;
	vm11 =	veq.s32 v18, $0x3;
	v18 =	vshra.s32 v63, $0x2  }
0xa5: {  	v20 =	vadd.s32 v53, v20;
	v19 =	vadd.s32 v54, v19;
	v21 =	vadd.s32 v55, v21  }
0xa6: {  	v17 =	vadd.s32 v58, v17;
	v59 =	vnsel vm4, $0x0, v22;
	v60 =	vnsel vm5, $0x0, v22  }
0xa7: {  	v32 =	vld [tilespmem:s12+$0x1C0];
	v61 =	vnsel vm6, $0x0, v22;
	v22 =	vnsel vm7, $0x0, v22;
	v23 =	vshll.u32 v0, v27  }
0xa8: {  	v25 =	vand.u32 $0x18, v31;
	vm12 =	veq.s32 v18, $0x0;
	vm13 =	veq.s32 v18, $0x1  }
0xa9: {  	vm14 =	veq.s32 v18, $0x2;
	vm15 =	veq.s32 v18, $0x3;
	v20 =	vadd.s32 v59, v20  }
0xaa: {  	v19 =	vadd.s32 v60, v19;
	v21 =	vadd.s32 v61, v21;
	v28 =	vnsel vm8, $0x0, v23  }
0xab: {  	v17 =	vadd.s32 v22, v17;
	v29 =	vnsel vm9, $0x0, v23;
	v30 =	vnsel vm10, $0x0, v23  }
0xac: {  	v37 =	vld [tilespmem:s12+$0x1D0];
	v23 =	vnsel vm11, $0x0, v23;
	v25 =	vshll.u32 v0, v25;
	v36 =	vshll.u32 v32, $0x3  }
0xad: {  	v18 =	vshra.s32 v32, $0x2;
	v20 =	vadd.s32 v28, v20;
	v19 =	vadd.s32 v29, v19  }
0xae: {  	v33 =	vnsel vm12, $0x0, v25;
	v21 =	vadd.s32 v30, v21;
	v34 =	vnsel vm13, $0x0, v25  }
0xaf: {  	v17 =	vadd.s32 v23, v17;
	v35 =	vnsel vm14, $0x0, v25;
	v22 =	vand.u32 $0x18, v36  }
0xb0: {  	v43 =	vld [tilespmem:s12+$0x1E0];
	v38 =	vnsel vm15, $0x0, v25;
	vm4 =	veq.s32 v18, $0x0;
	vm5 =	veq.s32 v18, $0x1  }
0xb1: {  	vm6 =	veq.s32 v18, $0x2;
	v42 =	vshll.u32 v37, $0x3;
	vm7 =	veq.s32 v18, $0x3  }
0xb2: {  	v18 =	vshra.s32 v37, $0x2;
	v20 =	vadd.s32 v33, v20;
	v19 =	vadd.s32 v34, v19  }
0xb3: {  	v21 =	vadd.s32 v35, v21;
	v22 =	vshll.u32 v0, v22;
	v17 =	vadd.s32 v38, v17  }
0xb4: {  	v49 =	vld [tilespmem:s12+$0x1F0];
	v44 =	vand.u32 $0x18, v42;
	vm8 =	veq.s32 v18, $0x0;
	vm9 =	veq.s32 v18, $0x1  }
0xb5: {  	vm10 =	veq.s32 v18, $0x2;
	v48 =	vshll.u32 v43, $0x3;
	vm11 =	veq.s32 v18, $0x3  }
0xb6: {  	v18 =	vshra.s32 v43, $0x2;
	v39 =	vnsel vm4, $0x0, v22;
	v40 =	vnsel vm5, $0x0, v22  }
0xb7: {  	v41 =	vnsel vm6, $0x0, v22;
	v22 =	vnsel vm7, $0x0, v22;
	v23 =	vshll.u32 v0, v44  }
0xb8: {  	v25 =	vand.u32 $0x18, v48;
	vm12 =	veq.s32 v18, $0x0;
	vm13 =	veq.s32 v18, $0x1  }
0xb9: {  	v54 =	vld [tilespmem:s12+$0x200];
	vm14 =	veq.s32 v18, $0x2;
	v53 =	vshll.u32 v49, $0x3;
	vm15 =	veq.s32 v18, $0x3  }
0xba: {  	v18 =	vshra.s32 v49, $0x2;
	v20 =	vadd.s32 v39, v20;
	v19 =	vadd.s32 v40, v19  }
0xbb: {  	v21 =	vadd.s32 v41, v21;
	v45 =	vnsel vm8, $0x0, v23;
	v17 =	vadd.s32 v22, v17  }
0xbc: {  	v46 =	vnsel vm9, $0x0, v23;
	v47 =	vnsel vm10, $0x0, v23;
	v23 =	vnsel vm11, $0x0, v23  }
0xbd: {  	v25 =	vshll.u32 v0, v25;
	v22 =	vand.u32 $0x18, v53;
	vm4 =	veq.s32 v18, $0x0  }
0xbe: {  	vm5 =	veq.s32 v18, $0x1;
	vm6 =	veq.s32 v18, $0x2;
	v59 =	vshll.u32 v54, $0x3  }
0xbf: {  	v60 =	vld [tilespmem:s12+$0x210];
	vm7 =	veq.s32 v18, $0x3;
	v18 =	vshra.s32 v54, $0x2;
	v20 =	vadd.s32 v45, v20  }
0xc0: {  	v19 =	vadd.s32 v46, v19;
	v50 =	vnsel vm12, $0x0, v25;
	v21 =	vadd.s32 v47, v21  }
0xc1: {  	v51 =	vnsel vm13, $0x0, v25;
	v17 =	vadd.s32 v23, v17;
	v52 =	vnsel vm14, $0x0, v25  }
0xc2: {  	v55 =	vnsel vm15, $0x0, v25;
	v22 =	vshll.u32 v0, v22;
	v61 =	vand.u32 $0x18, v59  }
0xc3: {  	vm8 =	veq.s32 v18, $0x0;
	vm9 =	veq.s32 v18, $0x1;
	vm10 =	veq.s32 v18, $0x2  }
0xc4: {  	v30 =	vld [tilespmem:s12+$0x220];
	v29 =	vshll.u32 v60, $0x3;
	vm11 =	veq.s32 v18, $0x3;
	v18 =	vshra.s32 v60, $0x2  }
0xc5: {  	v20 =	vadd.s32 v50, v20;
	v19 =	vadd.s32 v51, v19;
	v21 =	vadd.s32 v52, v21  }
0xc6: {  	v17 =	vadd.s32 v55, v17;
	v56 =	vnsel vm4, $0x0, v22;
	v57 =	vnsel vm5, $0x0, v22  }
0xc7: {  	v58 =	vnsel vm6, $0x0, v22;
	v22 =	vnsel vm7, $0x0, v22;
	v23 =	vshll.u32 v0, v61  }
0xc8: {  	v25 =	vand.u32 $0x18, v29;
	vm12 =	veq.s32 v18, $0x0;
	vm13 =	veq.s32 v18, $0x1  }
0xc9: {  	v35 =	vld [tilespmem:s12+$0x230];
	vm14 =	veq.s32 v18, $0x2;
	v34 =	vshll.u32 v30, $0x3;
	vm15 =	veq.s32 v18, $0x3  }
0xca: {  	v18 =	vshra.s32 v30, $0x2;
	v20 =	vadd.s32 v56, v20;
	v19 =	vadd.s32 v57, v19  }
0xcb: {  	v21 =	vadd.s32 v58, v21;
	v62 =	vnsel vm8, $0x0, v23;
	v17 =	vadd.s32 v22, v17  }
0xcc: {  	v63 =	vnsel vm9, $0x0, v23;
	v28 =	vnsel vm10, $0x0, v23;
	v23 =	vnsel vm11, $0x0, v23  }
0xcd: {  	v25 =	vshll.u32 v0, v25;
	v22 =	vand.u32 $0x18, v34;
	vm4 =	veq.s32 v18, $0x0  }
0xce: {  	vm5 =	veq.s32 v18, $0x1;
	vm6 =	veq.s32 v18, $0x2;
	v40 =	vshll.u32 v35, $0x3  }
0xcf: {  	vm7 =	veq.s32 v18, $0x3;
	v18 =	vshra.s32 v35, $0x2;
	v20 =	vadd.s32 v62, v20  }
0xd0: {  	v19 =	vadd.s32 v63, v19;
	v31 =	vnsel vm12, $0x0, v25;
	v21 =	vadd.s32 v28, v21  }
0xd1: {  	v32 =	vnsel vm13, $0x0, v25;
	v17 =	vadd.s32 v23, v17;
	v33 =	vnsel vm14, $0x0, v25  }
0xd2: {  	v41 =	vld [tilespmem:s12+$0x240];
	v36 =	vnsel vm15, $0x0, v25;
	v22 =	vshll.u32 v0, v22;
	v42 =	vand.u32 $0x18, v40  }
0xd3: {  	vm8 =	veq.s32 v18, $0x0;
	vm9 =	veq.s32 v18, $0x1;
	vm10 =	veq.s32 v18, $0x2  }
0xd4: {  	vm11 =	veq.s32 v18, $0x3;
	v20 =	vadd.s32 v31, v20;
	v19 =	vadd.s32 v32, v19  }
0xd5: {  	v21 =	vadd.s32 v33, v21;
	v17 =	vadd.s32 v36, v17;
	v37 =	vnsel vm4, $0x0, v22  }
0xd6: {  	v38 =	vnsel vm5, $0x0, v22;
	v39 =	vnsel vm6, $0x0, v22;
	v22 =	vnsel vm7, $0x0, v22  }
0xd7: {  	v47 =	vld [tilespmem:s12+$0x250];
	v23 =	vshll.u32 v0, v42;
	v46 =	vshll.u32 v41, $0x3;
	v18 =	vshra.s32 v41, $0x2  }
0xd8: {  	v20 =	vadd.s32 v37, v20;
	v19 =	vadd.s32 v38, v19;
	v21 =	vadd.s32 v39, v21  }
0xd9: {  	v43 =	vnsel vm8, $0x0, v23;
	v17 =	vadd.s32 v22, v17;
	v44 =	vnsel vm9, $0x0, v23  }
0xda: {  	v45 =	vnsel vm10, $0x0, v23;
	v25 =	vand.u32 $0x18, v46;
	v23 =	vnsel vm11, $0x0, v23  }
0xdb: {  	v52 =	vld [tilespmem:s12+$0x260];
	vm12 =	veq.s32 v18, $0x0;
	vm13 =	veq.s32 v18, $0x1;
	vm14 =	veq.s32 v18, $0x2  }
0xdc: {  	v51 =	vshll.u32 v47, $0x3;
	vm15 =	veq.s32 v18, $0x3;
	v18 =	vshra.s32 v47, $0x2  }
0xdd: {  	v20 =	vadd.s32 v43, v20;
	v25 =	vshll.u32 v0, v25;
	v19 =	vadd.s32 v44, v19  }
0xde: {  	v21 =	vadd.s32 v45, v21;
	v17 =	vadd.s32 v23, v17;
	v22 =	vand.u32 $0x18, v51  }
0xdf: {  	v58 =	vld [tilespmem:s12+$0x270];
	vm4 =	veq.s32 v18, $0x0;
	vm5 =	veq.s32 v18, $0x1;
	vm6 =	veq.s32 v18, $0x2  }
0xe0: {  	v57 =	vshll.u32 v52, $0x3;
	vm7 =	veq.s32 v18, $0x3;
	v18 =	vshra.s32 v52, $0x2  }
0xe1: {  	v48 =	vnsel vm12, $0x0, v25;
	v49 =	vnsel vm13, $0x0, v25;
	v50 =	vnsel vm14, $0x0, v25  }
0xe2: {  	v53 =	vnsel vm15, $0x0, v25;
	v22 =	vshll.u32 v0, v22;
	v59 =	vand.u32 $0x18, v57  }
0xe3: {  	vm8 =	veq.s32 v18, $0x0;
	vm9 =	veq.s32 v18, $0x1;
	vm10 =	veq.s32 v18, $0x2  }
0xe4: {  	v28 =	vld [tilespmem:s12+$0x280];
	v63 =	vshll.u32 v58, $0x3;
	vm11 =	veq.s32 v18, $0x3;
	v18 =	vshra.s32 v58, $0x2  }
0xe5: {  	v20 =	vadd.s32 v48, v20;
	v19 =	vadd.s32 v49, v19;
	v21 =	vadd.s32 v50, v21  }
0xe6: {  	v17 =	vadd.s32 v53, v17;
	v54 =	vnsel vm4, $0x0, v22;
	v55 =	vnsel vm5, $0x0, v22  }
0xe7: {  	v56 =	vnsel vm6, $0x0, v22;
	v22 =	vnsel vm7, $0x0, v22;
	v23 =	vshll.u32 v0, v59  }
0xe8: {  	v25 =	vand.u32 $0x18, v63;
	vm12 =	veq.s32 v18, $0x0;
	vm13 =	veq.s32 v18, $0x1  }
0xe9: {  	v33 =	vld [tilespmem:s12+$0x290];
	vm14 =	veq.s32 v18, $0x2;
	v32 =	vshll.u32 v28, $0x3;
	vm15 =	veq.s32 v18, $0x3  }
0xea: {  	v18 =	vshra.s32 v28, $0x2;
	v20 =	vadd.s32 v54, v20;
	v19 =	vadd.s32 v55, v19  }
0xeb: {  	v21 =	vadd.s32 v56, v21;
	v60 =	vnsel vm8, $0x0, v23;
	v17 =	vadd.s32 v22, v17  }
0xec: {  	v61 =	vnsel vm9, $0x0, v23;
	v62 =	vnsel vm10, $0x0, v23;
	v23 =	vnsel vm11, $0x0, v23  }
0xed: {  	v25 =	vshll.u32 v0, v25;
	v22 =	vand.u32 $0x18, v32;
	vm4 =	veq.s32 v18, $0x0  }
0xee: {  	vm5 =	veq.s32 v18, $0x1;
	vm6 =	veq.s32 v18, $0x2;
	v38 =	vshll.u32 v33, $0x3  }
0xef: {  	v39 =	vld [tilespmem:s12+$0x2A0];
	vm7 =	veq.s32 v18, $0x3;
	v18 =	vshra.s32 v33, $0x2;
	v20 =	vadd.s32 v60, v20  }
0xf0: {  	v19 =	vadd.s32 v61, v19;
	v29 =	vnsel vm12, $0x0, v25;
	v21 =	vadd.s32 v62, v21  }
0xf1: {  	v30 =	vnsel vm13, $0x0, v25;
	v17 =	vadd.s32 v23, v17;
	v31 =	vnsel vm14, $0x0, v25  }
0xf2: {  	v34 =	vnsel vm15, $0x0, v25;
	v22 =	vshll.u32 v0, v22;
	v40 =	vand.u32 $0x18, v38  }
0xf3: {  	vm8 =	veq.s32 v18, $0x0;
	vm9 =	veq.s32 v18, $0x1;
	vm10 =	veq.s32 v18, $0x2  }
0xf4: {  	v45 =	vld [tilespmem:s12+$0x2B0];
	v44 =	vshll.u32 v39, $0x3;
	vm11 =	veq.s32 v18, $0x3;
	v18 =	vshra.s32 v39, $0x2  }
0xf5: {  	v20 =	vadd.s32 v29, v20;
	v19 =	vadd.s32 v30, v19;
	v21 =	vadd.s32 v31, v21  }
0xf6: {  	v17 =	vadd.s32 v34, v17;
	v35 =	vnsel vm4, $0x0, v22;
	v36 =	vnsel vm5, $0x0, v22  }
0xf7: {  	v37 =	vnsel vm6, $0x0, v22;
	v22 =	vnsel vm7, $0x0, v22;
	v23 =	vshll.u32 v0, v40  }
0xf8: {  	v25 =	vand.u32 $0x18, v44;
	vm12 =	veq.s32 v18, $0x0;
	vm13 =	veq.s32 v18, $0x1  }
0xf9: {  	vm14 =	veq.s32 v18, $0x2;
	v49 =	vshll.u32 v45, $0x3;
	vm15 =	veq.s32 v18, $0x3  }
0xfa: {  	v18 =	vshra.s32 v45, $0x2;
	v20 =	vadd.s32 v35, v20;
	v19 =	vadd.s32 v36, v19  }
0xfb: {  	v21 =	vadd.s32 v37, v21;
	v41 =	vnsel vm8, $0x0, v23;
	v17 =	vadd.s32 v22, v17  }
0xfc: {  	v42 =	vnsel vm9, $0x0, v23;
	v43 =	vnsel vm10, $0x0, v23;
	v23 =	vnsel vm11, $0x0, v23  }
0xfd: {  	v50 =	vld [tilespmem:s12+$0x2C0];
	v25 =	vshll.u32 v0, v25;
	v22 =	vand.u32 $0x18, v49;
	vm4 =	veq.s32 v18, $0x0  }
0xfe: {  	vm5 =	veq.s32 v18, $0x1;
	vm6 =	veq.s32 v18, $0x2;
	vm7 =	veq.s32 v18, $0x3  }
0xff: {  	v20 =	vadd.s32 v41, v20;
	v19 =	vadd.s32 v42, v19;
	v46 =	vnsel vm12, $0x0, v25  }
0x100: {  	v21 =	vadd.s32 v43, v21;
	v47 =	vnsel vm13, $0x0, v25;
	v17 =	vadd.s32 v23, v17  }
0x101: {  	v56 =	vld [tilespmem:s12+$0x2D0];
	v48 =	vnsel vm14, $0x0, v25;
	v51 =	vnsel vm15, $0x0, v25;
	v22 =	vshll.u32 v0, v22  }
0x102: {  	v55 =	vshll.u32 v50, $0x3;
	v18 =	vshra.s32 v50, $0x2;
	v20 =	vadd.s32 v46, v20  }
0x103: {  	v19 =	vadd.s32 v47, v19;
	v21 =	vadd.s32 v48, v21;
	v17 =	vadd.s32 v51, v17  }
0x104: {  	v52 =	vnsel vm4, $0x0, v22;
	v53 =	vnsel vm5, $0x0, v22;
	v54 =	vnsel vm6, $0x0, v22  }
0x105: {  	v62 =	vld [tilespmem:s12+$0x2E0];
	v57 =	vand.u32 $0x18, v55;
	v22 =	vnsel vm7, $0x0, v22;
	vm8 =	veq.s32 v18, $0x0  }
0x106: {  	vm9 =	veq.s32 v18, $0x1;
	vm10 =	veq.s32 v18, $0x2;
	v61 =	vshll.u32 v56, $0x3  }
0x107: {  	vm11 =	veq.s32 v18, $0x3;
	v18 =	vshra.s32 v56, $0x2;
	v20 =	vadd.s32 v52, v20  }
0x108: {  	v19 =	vadd.s32 v53, v19;
	v23 =	vshll.u32 v0, v57;
	v21 =	vadd.s32 v54, v21  }
0x109: {  	v31 =	vld [tilespmem:s12+$0x2F0];
	v17 =	vadd.s32 v22, v17;
	v25 =	vand.u32 $0x18, v61;
	vm12 =	veq.s32 v18, $0x0  }
0x10a: {  	vm13 =	veq.s32 v18, $0x1;
	vm14 =	veq.s32 v18, $0x2;
	v30 =	vshll.u32 v62, $0x3  }
0x10b: {  	vm15 =	veq.s32 v18, $0x3;
	v18 =	vshra.s32 v62, $0x2;
	v58 =	vnsel vm8, $0x0, v23  }
0x10c: {  	v59 =	vnsel vm9, $0x0, v23;
	v60 =	vnsel vm10, $0x0, v23;
	v23 =	vnsel vm11, $0x0, v23  }
0x10d: {  	v25 =	vshll.u32 v0, v25;
	v22 =	vand.u32 $0x18, v30;
	vm4 =	veq.s32 v18, $0x0  }
0x10e: {  	vm5 =	veq.s32 v18, $0x1;
	vm6 =	veq.s32 v18, $0x2;
	v36 =	vshll.u32 v31, $0x3  }
0x10f: {  	v37 =	vld [tilespmem:s12+$0x300];
	vm7 =	veq.s32 v18, $0x3;
	v18 =	vshra.s32 v31, $0x2;
	v20 =	vadd.s32 v58, v20  }
0x110: {  	v19 =	vadd.s32 v59, v19;
	v63 =	vnsel vm12, $0x0, v25;
	v21 =	vadd.s32 v60, v21  }
0x111: {  	v28 =	vnsel vm13, $0x0, v25;
	v17 =	vadd.s32 v23, v17;
	v29 =	vnsel vm14, $0x0, v25  }
0x112: {  	v32 =	vnsel vm15, $0x0, v25;
	v22 =	vshll.u32 v0, v22;
	v38 =	vand.u32 $0x18, v36  }
0x113: {  	vm8 =	veq.s32 v18, $0x0;
	vm9 =	veq.s32 v18, $0x1;
	vm10 =	veq.s32 v18, $0x2  }
0x114: {  	v43 =	vld [tilespmem:s12+$0x310];
	v42 =	vshll.u32 v37, $0x3;
	vm11 =	veq.s32 v18, $0x3;
	v18 =	vshra.s32 v37, $0x2  }
0x115: {  	v20 =	vadd.s32 v63, v20;
	v19 =	vadd.s32 v28, v19;
	v21 =	vadd.s32 v29, v21  }
0x116: {  	v17 =	vadd.s32 v32, v17;
	v33 =	vnsel vm4, $0x0, v22;
	v34 =	vnsel vm5, $0x0, v22  }
0x117: {  	v35 =	vnsel vm6, $0x0, v22;
	v22 =	vnsel vm7, $0x0, v22;
	v23 =	vshll.u32 v0, v38  }
0x118: {  	v25 =	vand.u32 $0x18, v42;
	vm12 =	veq.s32 v18, $0x0;
	vm13 =	veq.s32 v18, $0x1  }
0x119: {  	v48 =	vld [tilespmem:s12+$0x320];
	vm14 =	veq.s32 v18, $0x2;
	v47 =	vshll.u32 v43, $0x3;
	vm15 =	veq.s32 v18, $0x3  }
0x11a: {  	v18 =	vshra.s32 v43, $0x2;
	v20 =	vadd.s32 v33, v20;
	v19 =	vadd.s32 v34, v19  }
0x11b: {  	v21 =	vadd.s32 v35, v21;
	v39 =	vnsel vm8, $0x0, v23;
	v17 =	vadd.s32 v22, v17  }
0x11c: {  	v40 =	vnsel vm9, $0x0, v23;
	v41 =	vnsel vm10, $0x0, v23;
	v23 =	vnsel vm11, $0x0, v23  }
0x11d: {  	v25 =	vshll.u32 v0, v25;
	v22 =	vand.u32 $0x18, v47;
	vm4 =	veq.s32 v18, $0x0  }
0x11e: {  	vm5 =	veq.s32 v18, $0x1;
	vm6 =	veq.s32 v18, $0x2;
	v53 =	vshll.u32 v48, $0x3  }
0x11f: {  	v54 =	vld [tilespmem:s12+$0x330];
	vm7 =	veq.s32 v18, $0x3;
	v18 =	vshra.s32 v48, $0x2;
	v20 =	vadd.s32 v39, v20  }
0x120: {  	v19 =	vadd.s32 v40, v19;
	v44 =	vnsel vm12, $0x0, v25;
	v21 =	vadd.s32 v41, v21  }
0x121: {  	v45 =	vnsel vm13, $0x0, v25;
	v17 =	vadd.s32 v23, v17;
	v46 =	vnsel vm14, $0x0, v25  }
0x122: {  	v49 =	vnsel vm15, $0x0, v25;
	v22 =	vshll.u32 v0, v22;
	v55 =	vand.u32 $0x18, v53  }
0x123: {  	vm8 =	veq.s32 v18, $0x0;
	vm9 =	veq.s32 v18, $0x1;
	vm10 =	veq.s32 v18, $0x2  }
0x124: {  	v59 =	vshll.u32 v54, $0x3;
	vm11 =	veq.s32 v18, $0x3;
	v18 =	vshra.s32 v54, $0x2  }
0x125: {  	v20 =	vadd.s32 v44, v20;
	v19 =	vadd.s32 v45, v19;
	v21 =	vadd.s32 v46, v21  }
0x126: {  	v17 =	vadd.s32 v49, v17;
	v50 =	vnsel vm4, $0x0, v22;
	v51 =	vnsel vm5, $0x0, v22  }
0x127: {  	v60 =	vld [tilespmem:s12+$0x340];
	v52 =	vnsel vm6, $0x0, v22;
	v22 =	vnsel vm7, $0x0, v22;
	v23 =	vshll.u32 v0, v55  }
0x128: {  	v25 =	vand.u32 $0x18, v59;
	vm12 =	veq.s32 v18, $0x0;
	vm13 =	veq.s32 v18, $0x1  }
0x129: {  	vm14 =	veq.s32 v18, $0x2;
	vm15 =	veq.s32 v18, $0x3;
	v20 =	vadd.s32 v50, v20  }
0x12a: {  	v19 =	vadd.s32 v51, v19;
	v21 =	vadd.s32 v52, v21;
	v56 =	vnsel vm8, $0x0, v23  }
0x12b: {  	v17 =	vadd.s32 v22, v17;
	v57 =	vnsel vm9, $0x0, v23;
	v58 =	vnsel vm10, $0x0, v23  }
0x12c: {  	v28 =	vld [tilespmem:s12+$0x350];
	v23 =	vnsel vm11, $0x0, v23;
	v25 =	vshll.u32 v0, v25;
	v27 =	vshll.u32 v60, $0x3  }
0x12d: {  	v18 =	vshra.s32 v60, $0x2;
	v20 =	vadd.s32 v56, v20;
	v19 =	vadd.s32 v57, v19  }
0x12e: {  	v61 =	vnsel vm12, $0x0, v25;
	v21 =	vadd.s32 v58, v21;
	v62 =	vnsel vm13, $0x0, v25  }
0x12f: {  	v17 =	vadd.s32 v23, v17;
	v63 =	vnsel vm14, $0x0, v25;
	v22 =	vand.u32 $0x18, v27  }
0x130: {  	v34 =	vld [tilespmem:s12+$0x360];
	v29 =	vnsel vm15, $0x0, v25;
	vm4 =	veq.s32 v18, $0x0;
	vm5 =	veq.s32 v18, $0x1  }
0x131: {  	vm6 =	veq.s32 v18, $0x2;
	v33 =	vshll.u32 v28, $0x3;
	vm7 =	veq.s32 v18, $0x3  }
0x132: {  	v18 =	vshra.s32 v28, $0x2;
	v20 =	vadd.s32 v61, v20;
	v19 =	vadd.s32 v62, v19  }
0x133: {  	v21 =	vadd.s32 v63, v21;
	v22 =	vshll.u32 v0, v22;
	v17 =	vadd.s32 v29, v17  }
0x134: {  	v40 =	vld [tilespmem:s12+$0x370];
	v35 =	vand.u32 $0x18, v33;
	vm8 =	veq.s32 v18, $0x0;
	vm9 =	veq.s32 v18, $0x1  }
0x135: {  	vm10 =	veq.s32 v18, $0x2;
	v39 =	vshll.u32 v34, $0x3;
	vm11 =	veq.s32 v18, $0x3  }
0x136: {  	v18 =	vshra.s32 v34, $0x2;
	v30 =	vnsel vm4, $0x0, v22;
	v31 =	vnsel vm5, $0x0, v22  }
0x137: {  	v32 =	vnsel vm6, $0x0, v22;
	v22 =	vnsel vm7, $0x0, v22;
	v23 =	vshll.u32 v0, v35  }
0x138: {  	v25 =	vand.u32 $0x18, v39;
	vm12 =	veq.s32 v18, $0x0;
	vm13 =	veq.s32 v18, $0x1  }
0x139: {  	v45 =	vld [tilespmem:s12+$0x380];
	vm14 =	veq.s32 v18, $0x2;
	v44 =	vshll.u32 v40, $0x3;
	vm15 =	veq.s32 v18, $0x3  }
0x13a: {  	v18 =	vshra.s32 v40, $0x2;
	v20 =	vadd.s32 v30, v20;
	v19 =	vadd.s32 v31, v19  }
0x13b: {  	v21 =	vadd.s32 v32, v21;
	v36 =	vnsel vm8, $0x0, v23;
	v17 =	vadd.s32 v22, v17  }
0x13c: {  	v37 =	vnsel vm9, $0x0, v23;
	v38 =	vnsel vm10, $0x0, v23;
	v23 =	vnsel vm11, $0x0, v23  }
0x13d: {  	v25 =	vshll.u32 v0, v25;
	v22 =	vand.u32 $0x18, v44;
	vm4 =	veq.s32 v18, $0x0  }
0x13e: {  	vm5 =	veq.s32 v18, $0x1;
	vm6 =	veq.s32 v18, $0x2;
	v50 =	vshll.u32 v45, $0x3  }
0x13f: {  	v51 =	vld [tilespmem:s12+$0x390];
	vm7 =	veq.s32 v18, $0x3;
	v18 =	vshra.s32 v45, $0x2;
	v20 =	vadd.s32 v36, v20  }
0x140: {  	v19 =	vadd.s32 v37, v19;
	v41 =	vnsel vm12, $0x0, v25;
	v21 =	vadd.s32 v38, v21  }
0x141: {  	v42 =	vnsel vm13, $0x0, v25;
	v17 =	vadd.s32 v23, v17;
	v43 =	vnsel vm14, $0x0, v25  }
0x142: {  	v46 =	vnsel vm15, $0x0, v25;
	v22 =	vshll.u32 v0, v22;
	v52 =	vand.u32 $0x18, v50  }
0x143: {  	vm8 =	veq.s32 v18, $0x0;
	vm9 =	veq.s32 v18, $0x1;
	vm10 =	veq.s32 v18, $0x2  }
0x144: {  	v57 =	vld [tilespmem:s12+$0x3A0];
	v56 =	vshll.u32 v51, $0x3;
	vm11 =	veq.s32 v18, $0x3;
	v18 =	vshra.s32 v51, $0x2  }
0x145: {  	v20 =	vadd.s32 v41, v20;
	v19 =	vadd.s32 v42, v19;
	v21 =	vadd.s32 v43, v21  }
0x146: {  	v17 =	vadd.s32 v46, v17;
	v47 =	vnsel vm4, $0x0, v22;
	v48 =	vnsel vm5, $0x0, v22  }
0x147: {  	v49 =	vnsel vm6, $0x0, v22;
	v22 =	vnsel vm7, $0x0, v22;
	v23 =	vshll.u32 v0, v52  }
0x148: {  	v25 =	vand.u32 $0x18, v56;
	vm12 =	veq.s32 v18, $0x0;
	vm13 =	veq.s32 v18, $0x1  }
0x149: {  	v62 =	vld [tilespmem:s12+$0x3B0];
	vm14 =	veq.s32 v18, $0x2;
	v61 =	vshll.u32 v57, $0x3;
	vm15 =	veq.s32 v18, $0x3  }
0x14a: {  	v18 =	vshra.s32 v57, $0x2;
	v20 =	vadd.s32 v47, v20;
	v19 =	vadd.s32 v48, v19  }
0x14b: {  	v21 =	vadd.s32 v49, v21;
	v53 =	vnsel vm8, $0x0, v23;
	v17 =	vadd.s32 v22, v17  }
0x14c: {  	v54 =	vnsel vm9, $0x0, v23;
	v55 =	vnsel vm10, $0x0, v23;
	v23 =	vnsel vm11, $0x0, v23  }
0x14d: {  	v25 =	vshll.u32 v0, v25;
	v22 =	vand.u32 $0x18, v61;
	vm4 =	veq.s32 v18, $0x0  }
0x14e: {  	vm5 =	veq.s32 v18, $0x1;
	vm6 =	veq.s32 v18, $0x2;
	v31 =	vshll.u32 v62, $0x3  }
0x14f: {  	vm7 =	veq.s32 v18, $0x3;
	v18 =	vshra.s32 v62, $0x2;
	v20 =	vadd.s32 v53, v20  }
0x150: {  	v19 =	vadd.s32 v54, v19;
	v58 =	vnsel vm12, $0x0, v25;
	v21 =	vadd.s32 v55, v21  }
0x151: {  	v59 =	vnsel vm13, $0x0, v25;
	v17 =	vadd.s32 v23, v17;
	v60 =	vnsel vm14, $0x0, v25  }
0x152: {  	v32 =	vld [tilespmem:s12+$0x3C0];
	v63 =	vnsel vm15, $0x0, v25;
	v22 =	vshll.u32 v0, v22;
	v33 =	vand.u32 $0x18, v31  }
0x153: {  	vm8 =	veq.s32 v18, $0x0;
	vm9 =	veq.s32 v18, $0x1;
	vm10 =	veq.s32 v18, $0x2  }
0x154: {  	vm11 =	veq.s32 v18, $0x3;
	v20 =	vadd.s32 v58, v20;
	v19 =	vadd.s32 v59, v19  }
0x155: {  	v21 =	vadd.s32 v60, v21;
	v17 =	vadd.s32 v63, v17;
	v28 =	vnsel vm4, $0x0, v22  }
0x156: {  	v29 =	vnsel vm5, $0x0, v22;
	v30 =	vnsel vm6, $0x0, v22;
	v22 =	vnsel vm7, $0x0, v22  }
0x157: {  	v38 =	vld [tilespmem:s12+$0x3D0];
	v23 =	vshll.u32 v0, v33;
	v37 =	vshll.u32 v32, $0x3;
	v18 =	vshra.s32 v32, $0x2  }
0x158: {  	v20 =	vadd.s32 v28, v20;
	v19 =	vadd.s32 v29, v19;
	v21 =	vadd.s32 v30, v21  }
0x159: {  	v34 =	vnsel vm8, $0x0, v23;
	v17 =	vadd.s32 v22, v17;
	v35 =	vnsel vm9, $0x0, v23  }
0x15a: {  	v36 =	vnsel vm10, $0x0, v23;
	v25 =	vand.u32 $0x18, v37;
	v23 =	vnsel vm11, $0x0, v23  }
0x15b: {  	v43 =	vld [tilespmem:s12+$0x3E0];
	vm12 =	veq.s32 v18, $0x0;
	vm13 =	veq.s32 v18, $0x1;
	vm14 =	veq.s32 v18, $0x2  }
0x15c: {  	v42 =	vshll.u32 v38, $0x3;
	vm15 =	veq.s32 v18, $0x3;
	v18 =	vshra.s32 v38, $0x2  }
0x15d: {  	v20 =	vadd.s32 v34, v20;
	v25 =	vshll.u32 v0, v25;
	v19 =	vadd.s32 v35, v19  }
0x15e: {  	v21 =	vadd.s32 v36, v21;
	v17 =	vadd.s32 v23, v17;
	v22 =	vand.u32 $0x18, v42  }
0x15f: {  	v49 =	vld [tilespmem:s12+$0x3F0];
	vm4 =	veq.s32 v18, $0x0;
	vm5 =	veq.s32 v18, $0x1;
	vm6 =	veq.s32 v18, $0x2  }
0x160: {  	v48 =	vshll.u32 v43, $0x3;
	vm7 =	veq.s32 v18, $0x3;
	v18 =	vshra.s32 v43, $0x2  }
0x161: {  	v39 =	vnsel vm12, $0x0, v25;
	v40 =	vnsel vm13, $0x0, v25;
	v41 =	vnsel vm14, $0x0, v25  }
0x162: {  	v44 =	vnsel vm15, $0x0, v25;
	v22 =	vshll.u32 v0, v22;
	v50 =	vand.u32 $0x18, v48  }
0x163: {  	vm8 =	veq.s32 v18, $0x0;
	vm9 =	veq.s32 v18, $0x1;
	vm10 =	veq.s32 v18, $0x2  }
0x164: {  	v54 =	vshll.u32 v49, $0x3;
	vm11 =	veq.s32 v18, $0x3;
	v18 =	vshra.s32 v49, $0x2  }
0x165: {  	v20 =	vadd.s32 v39, v20;
	v19 =	vadd.s32 v40, v19;
	v21 =	vadd.s32 v41, v21  }
0x166: {  	v17 =	vadd.s32 v44, v17;
	v45 =	vnsel vm4, $0x0, v22;
	v46 =	vnsel vm5, $0x0, v22  }
0x167: {  	v47 =	vnsel vm6, $0x0, v22;
	v22 =	vnsel vm7, $0x0, v22;
	v23 =	vshll.u32 v0, v50  }
0x168: {  	v25 =	vand.u32 $0x18, v54;
	vm12 =	veq.s32 v18, $0x0;
	vm13 =	veq.s32 v18, $0x1  }
0x169: {  	vm14 =	veq.s32 v18, $0x2;
	vm15 =	veq.s32 v18, $0x3;
	v20 =	vadd.s32 v45, v20  }
0x16a: {  	v19 =	vadd.s32 v46, v19;
	v21 =	vadd.s32 v47, v21;
	v51 =	vnsel vm8, $0x0, v23  }
0x16b: {  	v17 =	vadd.s32 v22, v17;
	v52 =	vnsel vm9, $0x0, v23;
	v53 =	vnsel vm10, $0x0, v23  }
0x16c: {  	v23 =	vnsel vm11, $0x0, v23;
	v25 =	vshll.u32 v0, v25;
	v20 =	vadd.s32 v51, v20  }
0x16d: {  	v19 =	vadd.s32 v52, v19;
	v55 =	vnsel vm12, $0x0, v25;
	v21 =	vadd.s32 v53, v21  }
0x16e: {  	v56 =	vnsel vm13, $0x0, v25;
	v17 =	vadd.s32 v23, v17;
	v57 =	vnsel vm14, $0x0, v25  }
0x16f: {  	v58 =	vnsel vm15, $0x0, v25;
	v18 =	vadd.s32 v55, v20;
	v19 =	vadd.s32 v56, v19  }
0x170: {  	v21 =	vadd.s32 v57, v21;
	v17 =	vadd.s32 v58, v17;
	v59 =	vand.u32 $0xFF, v18  }
0x171: {  	v60 =	vshrl.u32 v18, $0x8;
	v22 =	vshrl.u32 v18, $0x10;
	v18 =	vshrl.u32 v18, $0x18  }
0x172: {  	v61 =	vshrl.u32 v19, $0x8;
	v62 =	vshrl.u32 v19, $0x10;
	v16 =	vadd.s32 v16, v59  }
0x173: {  	v20 =	vand.u32 $0xFF, v60;
	v22 =	vand.u32 $0xFF, v22;
	v13 =	vadd.s32 v13, v18  }
0x174: {  	v18 =	vand.u32 $0xFF, v19;
	v63 =	vand.u32 $0xFF, v62;
	v15 =	vadd.s32 v15, v20  }
0x175: {  	v14 =	vadd.s32 v14, v22;
	v12 =	vadd.s32 v12, v18;
	v18 =	vand.u32 $0xFF, v61  }
0x176: {  	v10 =	vadd.s32 v10, v63;
	v11 =	vadd.s32 v11, v18;
	v18 =	vshrl.u32 v19, $0x18  }
0x177: {  	v19 =	vshrl.u32 v21, $0x8;
	v9 =	vadd.s32 v9, v18;
	v18 =	vand.u32 $0xFF, v21  }
0x178: {  	p0 =	sne.s32 s11, $0x3F000;
	v8 =	vadd.s32 v8, v18;
	v18 =	vand.u32 $0xFF, v19;
	v19 =	vshrl.u32 v21, $0x10  }
.Ltmp0:
0x179: {  	v7 =	vadd.s32 v7, v18;
	v18 =	vand.u32 $0xFF, v19;
	v19 =	vshrl.u32 v21, $0x18;
	(pc) =	sbr.rel @p0 .LBB2_2-.Ltmp0, $4  }
0x17a: {  	v6 =	vadd.s32 v6, v18;
	v5 =	vadd.s32 v5, v19;
	v18 =	vand.u32 $0xFF, v17  }
0x17b: {  	v19 =	vshrl.u32 v17, $0x10;
	v4 =	vadd.s32 v4, v18;
	v18 =	vshrl.u32 v17, $0x8  }
0x17c: {  	v19 =	vand.u32 $0xFF, v19;
	v17 =	vshrl.u32 v17, $0x18;
	v18 =	vand.u32 $0xFF, v18  }
0x17d: {  	s11 =	sadd.s32 $0x1000, s11;
	v2 =	vadd.s32 v2, v19;
	v1 =	vadd.s32 v1, v17;
	v3 =	vadd.s32 v3, v18  }
0x17e: {  	v16 =	vcvt.s32.f32 v16  }
0x17f: {  	v15 =	vcvt.s32.f32 v15  }
0x180: {  	v14 =	vcvt.s32.f32 v14;
	[tilespmem:$0x10000] =	vst v16  }
0x181: {  	v13 =	vcvt.s32.f32 v13;
	[tilespmem:$0x10010] =	vst v15  }
0x182: {  	v12 =	vcvt.s32.f32 v12;
	[tilespmem:$0x10020] =	vst v14  }
0x183: {  	v11 =	vcvt.s32.f32 v11;
	[tilespmem:$0x10030] =	vst v13  }
0x184: {  	v10 =	vcvt.s32.f32 v10;
	[tilespmem:$0x10040] =	vst v12  }
0x185: {  	v9 =	vcvt.s32.f32 v9;
	[tilespmem:$0x10050] =	vst v11  }
0x186: {  	v8 =	vcvt.s32.f32 v8;
	[tilespmem:$0x10060] =	vst v10  }
0x187: {  	v7 =	vcvt.s32.f32 v7;
	[tilespmem:$0x10070] =	vst v9  }
0x188: {  	v6 =	vcvt.s32.f32 v6;
	[tilespmem:$0x10080] =	vst v8  }
0x189: {  	v5 =	vcvt.s32.f32 v5;
	[tilespmem:$0x10090] =	vst v7  }
0x18a: {  	v4 =	vcvt.s32.f32 v4;
	[tilespmem:$0x100A0] =	vst v6  }
0x18b: {  	v3 =	vcvt.s32.f32 v3;
	[tilespmem:$0x100B0] =	vst v5  }
0x18c: {  	v2 =	vcvt.s32.f32 v2;
	[tilespmem:$0x100C0] =	vst v4  }
0x18d: {  	v1 =	vcvt.s32.f32 v1;
	s10 =	sadd.s32 $0x1, s10;
	[tilespmem:$0x100D0] =	vst v3  }
0x18e: {  	p0 =	sne.s32 s10, s5;
	[tilespmem:$0x100E0] =	vst v2  }
.Ltmp1:
0x18f: {  	[tilespmem:$0x100F0] =	vst v1;
	(pc) =	sbr.rel @p0 .LBB2_1-.Ltmp1, $4  }
0x190: {  	[hbm4b:s4+s7] =	stream.strided.scatter [tilespmem:s9], [sflag:$0x1], $0x100, s8, s7, $0x38;
	[tilespmem:$0x10100] =	vst v63  }
0x191: {  	_ =	swait.ge [sflag:s6], $0x100  }
0x192: {  	[sflag:s6] =	ssyncset.done $0x0  }
0x193: {  	[sflag:s6] =	ssyncadd.s32 $0xFFFFFF00  }
0x194: {  	_ =	sfence.sel $0x180000  }
0x195: {  	[bflag:$0x0] =	sbarrier.arrive $0xFFFF  }
0x196: {  	p0 =	sne.s32 s1, $0x0;
	_ =	strace $0x90000047  }
0x197: {  	s0 =	sadd.s32 @!p0 $0x100000, s0;
	[bflag:$0x2] =	sbarrier.arrive $0xFFFF  }
0x198: {  	[sflag:s0] =	ssyncadd.tile.s32 @!p0 $0x1;
	_ =	shalt  }
.Lfunc_end2:
_tile_overlayer_lowered:
.L_overlay_start_2:
0x199: {  	(tag) =	ssettag $0x2  }
0x19a: {  	s0 =	rddreg [dreg:$0x0];
	s2 =	stileid.u32  }
0x19b: {  	s1 =	rddreg [dreg:$0x1];
	p0 =	sne.s32 s2, $0x0  }
0x19c: {  	s3 =	rddreg [dreg:$0x2];
	[bflag:$0x3] =	sbarrier.arrive $0xFFFF;
	s2 =	simm.s32 @!p0 $0x1C01  }
0x19d: {  	[timem:s3], [sflag:s2] =	dma.local @!p0 [hbm:s0], s1  }
0x19e: {  	s0 =	simm.s32 @!p0 $0x1  }
0x19f: {  	_ =	swait.ge @!p0 [sflag:s0], s1  }
0x1a0: {  	s1 =	ssub.s32 @!p0 $0x0, s1;
	[sflag:s0] =	ssyncset.done @!p0 $0x0  }
0x1a1: {  	[sflag:s0] =	ssyncadd.s32 @!p0 s1  }
0x1a2: {  	[bflag:$0x3] =	sbarrier.arrive $0xFFFF  }
0x1a3: {  	_ =	shalt  }

</sc_bundles>
